<compile_context>
chip_gen: v7x
topology: tpu7x:2x2x1
jax: 0.10.2.dev20260603
libtpu: 0.0.44.dev20260713+nightly
codegen_flags: <defaults>
</compile_context>

<pallas_src>
import jax
import jax.numpy as jnp
from jax import lax
from jax.experimental import pallas as pl
from jax.experimental.pallas import tpu as pltpu
from jax.experimental.pallas import tpu_sc as plsc

N_NODES = 100000
NUM_SPECIES = 128
EMBED_DIM = 128
SUB = 128
SUBS = 1
CHUNK = SUB * SUBS
NUM_CORES = 2
NUM_SUBCORES = 16
NUM_WORKERS = NUM_CORES * NUM_SUBCORES
NUM_CHUNKS = -(-N_NODES // CHUNK)
TRIPS = -(-NUM_CHUNKS // NUM_WORKERS)
LAST_START = N_NODES - CHUNK
NBUF = 3


def _gather_body(idx_hbm, w_hbm, out_hbm,
                 idx_v, rows_v, w_sh, sem_i, sem_g, sem_s):
    c = lax.axis_index("c")
    s = lax.axis_index("s")
    wid = s * NUM_CORES + c
    @pl.when(s == 0)
    def _stage():
        pltpu.sync_copy(w_hbm, w_sh)
    plsc.subcore_barrier()

    def start_of(j):
        return jnp.minimum((wid + j * NUM_WORKERS) * CHUNK, LAST_START)

    def load_idx(j):
        b = j % NBUF
        return [pltpu.async_copy(
            idx_hbm.at[pl.ds(start_of(j) + h * SUB, SUB)],
            idx_v.at[b, h], sem_i.at[b]) for h in range(SUBS)]

    def gather(j, h):
        b = j % NBUF
        return pltpu.async_copy(
            w_sh.at[idx_v.at[b, h]],
            rows_v.at[b, pl.ds(h * SUB, SUB)],
            sem_g.at[b])

    def store(j):
        b = j % NBUF
        return pltpu.async_copy(
            rows_v.at[b], out_hbm.at[pl.ds(start_of(j), CHUNK)], sem_s.at[b])

    h_idx = [None] * TRIPS
    h_s = [None] * TRIPS

    for j in range(min(NBUF, TRIPS)):
        h_idx[j] = load_idx(j)
    for j in range(TRIPS):
        for h in h_idx[j]:
            h.wait()
        if j >= NBUF:
            h_s[j - NBUF].wait()
        hg = [gather(j, h) for h in range(SUBS)]
        for g in hg:
            g.wait()
        if j + NBUF < TRIPS:
            h_idx[j + NBUF] = load_idx(j + NBUF)
        h_s[j] = store(j)
    for j in range(max(0, TRIPS - NBUF), TRIPS):
        h_s[j].wait()


@jax.jit
def _embed(node_specie, w):
    mesh = plsc.VectorSubcoreMesh(
        core_axis_name="c", subcore_axis_name="s",
        num_cores=NUM_CORES, num_subcores=NUM_SUBCORES)
    return pl.kernel(
        _gather_body,
        out_type=jax.ShapeDtypeStruct((N_NODES, EMBED_DIM), jnp.float32),
        mesh=mesh,
        scratch_types=[
            pltpu.VMEM((NBUF, SUBS, SUB), jnp.int32),
            pltpu.VMEM((NBUF, CHUNK, EMBED_DIM), jnp.float32),
            pltpu.VMEM_SHARED((NUM_SPECIES, EMBED_DIM), jnp.float32),
            pltpu.SemaphoreType.DMA((NBUF,)),
            pltpu.SemaphoreType.DMA((NBUF,)),
            pltpu.SemaphoreType.DMA((NBUF,)),
        ],
    )(node_specie, w)


def kernel(node_specie, w):
    return _embed(node_specie.astype(jnp.int32), w)

# --- scband reference (transcript-rebuilt; emitter-appended) ---
"""Pipeline reference for scband-linear-node-embedding-block-34445637714610 (READ-ONLY COPY).

The authoritative reference and input builder live on the scoring server;
editing this copy changes nothing except your own understanding.
"""

import jax, jax.numpy as jnp
import numpy as np

NUM_SPECIES = 128
EMBED_DIM = 128  # '128x0e' filtered to scalars -> dim 128
N_NODES = 100000


def setup_inputs(seed: int = 0) -> dict:
    key = jax.random.key(seed)
    k1, k2 = jax.random.split(key)
    node_specie = jax.random.randint(k1, (N_NODES,), 0, NUM_SPECIES, dtype=jnp.int64 if jax.config.read('jax_enable_x64') else jnp.int32)
    w = jax.random.normal(k2, (NUM_SPECIES, EMBED_DIM), dtype=jnp.float32)
    return {"node_specie": node_specie, "w": w}


def reference(node_specie, w):
    # LinearNodeEmbeddingBlock.__call__: embedding table lookup w[node_specie].
    # irreps_out.filter('0e').regroup() keeps only scalar (0e) irreps; with
    # irreps_out='128x0e' the output dim is 128. The e3nn.IrrepsArray wrapper
    # is a metadata container; the underlying array is exactly the gather.
    return jnp.take(w, node_specie, axis=0)

if __name__ == "__main__":
    import jax
    _d = setup_inputs()
    print(jax.jit(kernel)(*tuple(_d.values())))

</pallas_src>

<mosaic_0001>
#map = affine_map<(d0, d1) -> (0)>
#map1 = affine_map<(d0, d1) -> (0, 0)>
module attributes {stable_mosaic.version = 14 : i64} {
  func.func @_gather_body(%arg0: i32, %arg1: i32, %arg2: memref<100000xi32, #tpu.memory_space<hbm>>, %arg3: memref<128x128xf32, #tpu.memory_space<hbm>>, %arg4: memref<100000x128xf32, #tpu.memory_space<hbm>>, %arg5: memref<3x1x128xi32, #tpu.memory_space<vmem>>, %arg6: memref<3x128x128xf32, #tpu.memory_space<vmem>>, %arg7: memref<128x128xf32, #tpu.memory_space<vmem_shared>>, %arg8: memref<3x!tpu.dma_semaphore, #tpu.memory_space<semaphore_mem>>, %arg9: memref<3x!tpu.dma_semaphore, #tpu.memory_space<semaphore_mem>>, %arg10: memref<3x!tpu.dma_semaphore, #tpu.memory_space<semaphore_mem>>) attributes {dimension_semantics = [#tpu.dimension_semantics<core_parallel>, #tpu.dimension_semantics<subcore_parallel>], iteration_bounds = array<i64: 2, 16>, scalar_prefetch = 0 : i64, scratch_operands = 6 : i64, tpu.core_type = #tpu.core_type<sc_vector_subcore>, window_params = [{transform_indices = #map}, {transform_indices = #map1}, {transform_indices = #map1}]} {
    %mul3A = arith.constant 2 : i32
    %mul3A_0 = arith.muli %arg1, %mul3A : i32
    %add3A = arith.addi %mul3A_0, %arg0 : i32
    %eq3A = arith.constant 0 : i32
    %eq3A_1 = arith.cmpi eq, %arg1, %eq3A : i32
    %convert_element_type3A = arith.extui %eq3A_1 : i1 to i32
    %cond3A = arith.constant 0 : i32
    %cond3A_2 = arith.cmpi ne, %convert_element_type3A, %cond3A : i32
    scf.if %cond3A_2 {
      "tpu.region"() ({
        %run_scoped3A = tpu.sem_alloc : memref<!tpu.dma_semaphore, #tpu.memory_space<semaphore_mem>>
        tpu.enqueue_dma source(%arg3 : memref<128x128xf32, #tpu.memory_space<hbm>>) target(%arg7 : memref<128x128xf32, #tpu.memory_space<vmem_shared>>) target_semaphore(%run_scoped3A : memref<!tpu.dma_semaphore, #tpu.memory_space<semaphore_mem>>)
        tpu.wait_dma2 semaphore(%run_scoped3A : memref<!tpu.dma_semaphore, #tpu.memory_space<semaphore_mem>>) src(%arg3 : memref<128x128xf32, #tpu.memory_space<hbm>>) dst(%arg7 : memref<128x128xf32, #tpu.memory_space<vmem_shared>>)
        tpu.yield
      }) : () -> ()
    } else {
    }
    %barrier3A = arith.constant 0 : index
    tpu.barrier barrier_id(%barrier3A)
    %add3A_3 = arith.constant 0 : i32
    %add3A_4 = arith.addi %add3A, %add3A_3 : i32
    %mul3A_5 = arith.constant 128 : i32
    %mul3A_6 = arith.muli %add3A_4, %mul3A_5 : i32
    %min3A = arith.constant 99872 : i32
    %min3A_7 = arith.minsi %mul3A_6, %min3A : i32
    %add3A_8 = arith.constant 0 : i32
    %add3A_9 = arith.addi %min3A_7, %add3A_8 : i32
    %dma_start3A = arith.constant 0 : i32
    %dma_start3A_10 = arith.constant 0 : i32
    %dma_start3A_11 = arith.constant 0 : i32
    %dma_start3A_12 = arith.constant 0 : i32
    %dma_start3A_13 = tpu.memref_slice %arg5[%dma_start3A, %dma_start3A_10, %dma_start3A_12] : memref<3x1x128xi32, #tpu.memory_space<vmem>> -> memref<1x1x128xi32, #tpu.memory_space<vmem>>
    %dma_start3A_14 = tpu.memref_squeeze %dma_start3A_13 : memref<1x1x128xi32, #tpu.memory_space<vmem>> -> memref<128xi32, #tpu.memory_space<vmem>>
    %dma_start3A_15 = tpu.memref_slice %arg2[%add3A_9] : memref<100000xi32, #tpu.memory_space<hbm>> -> memref<128xi32, #tpu.memory_space<hbm>>
    %dma_start3A_16 = tpu.memref_slice %arg8[%dma_start3A_11] : memref<3x!tpu.dma_semaphore, #tpu.memory_space<semaphore_mem>> -> memref<1x!tpu.dma_semaphore, #tpu.memory_space<semaphore_mem>>
    %dma_start3A_17 = tpu.memref_squeeze %dma_start3A_16 : memref<1x!tpu.dma_semaphore, #tpu.memory_space<semaphore_mem>> -> memref<!tpu.dma_semaphore, #tpu.memory_space<semaphore_mem>>
    %dma_start3A_18 = arith.constant 0 : i32
    %dma_start3A_19 = tpu.memref_slice %arg5[%dma_start3A, %dma_start3A_10, %dma_start3A_18] : memref<3x1x128xi32, #tpu.memory_space<vmem>> -> memref<1x1x128xi32, #tpu.memory_space<vmem>>
    %dma_start3A_20 = tpu.memref_squeeze %dma_start3A_19 : memref<1x1x128xi32, #tpu.memory_space<vmem>> -> memref<128xi32, #tpu.memory_space<vmem>>
    %dma_start3A_21 = tpu.memref_slice %arg2[%add3A_9] : memref<100000xi32, #tpu.memory_space<hbm>> -> memref<128xi32, #tpu.memory_space<hbm>>
    tpu.enqueue_dma source(%dma_start3A_21 : memref<128xi32, #tpu.memory_space<hbm>>) target(%dma_start3A_20 : memref<128xi32, #tpu.memory_space<vmem>>) target_semaphore(%dma_start3A_17 : memref<!tpu.dma_semaphore, #tpu.memory_space<semaphore_mem>>)
    %add3A_22 = arith.constant 32 : i32
    %add3A_23 = arith.addi %add3A, %add3A_22 : i32
    %mul3A_24 = arith.constant 128 : i32
    %mul3A_25 = arith.muli %add3A_23, %mul3A_24 : i32
    %min3A_26 = arith.constant 99872 : i32
    %min3A_27 = arith.minsi %mul3A_25, %min3A_26 : i32
    %add3A_28 = arith.constant 0 : i32
    %add3A_29 = arith.addi %min3A_27, %add3A_28 : i32
    %dma_start3A_30 = arith.constant 1 : i32
    %dma_start3A_31 = arith.constant 0 : i32
    %dma_start3A_32 = arith.constant 1 : i32
    %dma_start3A_33 = arith.constant 0 : i32
    %dma_start3A_34 = tpu.memref_slice %arg5[%dma_start3A_30, %dma_start3A_31, %dma_start3A_33] : memref<3x1x128xi32, #tpu.memory_space<vmem>> -> memref<1x1x128xi32, #tpu.memory_space<vmem>>
    %dma_start3A_35 = tpu.memref_squeeze %dma_start3A_34 : memref<1x1x128xi32, #tpu.memory_space<vmem>> -> memref<128xi32, #tpu.memory_space<vmem>>
    %dma_start3A_36 = tpu.memref_slice %arg2[%add3A_29] : memref<100000xi32, #tpu.memory_space<hbm>> -> memref<128xi32, #tpu.memory_space<hbm>>
    %dma_start3A_37 = tpu.memref_slice %arg8[%dma_start3A_32] : memref<3x!tpu.dma_semaphore, #tpu.memory_space<semaphore_mem>> -> memref<1x!tpu.dma_semaphore, #tpu.memory_space<semaphore_mem>>
    %dma_start3A_38 = tpu.memref_squeeze %dma_start3A_37 : memref<1x!tpu.dma_semaphore, #tpu.memory_space<semaphore_mem>> -> memref<!tpu.dma_semaphore, #tpu.memory_space<semaphore_mem>>
    %dma_start3A_39 = arith.constant 0 : i32
    %dma_start3A_40 = tpu.memref_slice %arg5[%dma_start3A_30, %dma_start3A_31, %dma_start3A_39] : memref<3x1x128xi32, #tpu.memory_space<vmem>> -> memref<1x1x128xi32, #tpu.memory_space<vmem>>
    %dma_start3A_41 = tpu.memref_squeeze %dma_start3A_40 : memref<1x1x128xi32, #tpu.memory_space<vmem>> -> memref<128xi32, #tpu.memory_space<vmem>>
    %dma_start3A_42 = tpu.memref_slice %arg2[%add3A_29] : memref<100000xi32, #tpu.memory_space<hbm>> -> memref<128xi32, #tpu.memory_space<hbm>>
    tpu.enqueue_dma source(%dma_start3A_42 : memref<128xi32, #tpu.memory_space<hbm>>) target(%dma_start3A_41 : memref<128xi32, #tpu.memory_space<vmem>>) target_semaphore(%dma_start3A_38 : memref<!tpu.dma_semaphore, #tpu.memory_space<semaphore_mem>>)
    %add3A_43 = arith.constant 64 : i32
    %add3A_44 = arith.addi %add3A, %add3A_43 : i32
    %mul3A_45 = arith.constant 128 : i32
    %mul3A_46 = arith.muli %add3A_44, %mul3A_45 : i32
    %min3A_47 = arith.constant 99872 : i32
    %min3A_48 = arith.minsi %mul3A_46, %min3A_47 : i32
    %add3A_49 = arith.constant 0 : i32
    %add3A_50 = arith.addi %min3A_48, %add3A_49 : i32
    %dma_start3A_51 = arith.constant 2 : i32
    %dma_start3A_52 = arith.constant 0 : i32
    %dma_start3A_53 = arith.constant 2 : i32
    %dma_start3A_54 = arith.constant 0 : i32
    %dma_start3A_55 = tpu.memref_slice %arg5[%dma_start3A_51, %dma_start3A_52, %dma_start3A_54] : memref<3x1x128xi32, #tpu.memory_space<vmem>> -> memref<1x1x128xi32, #tpu.memory_space<vmem>>
    %dma_start3A_56 = tpu.memref_squeeze %dma_start3A_55 : memref<1x1x128xi32, #tpu.memory_space<vmem>> -> memref<128xi32, #tpu.memory_space<vmem>>
    %dma_start3A_57 = tpu.memref_slice %arg2[%add3A_50] : memref<100000xi32, #tpu.memory_space<hbm>> -> memref<128xi32, #tpu.memory_space<hbm>>
    %dma_start3A_58 = tpu.memref_slice %arg8[%dma_start3A_53] : memref<3x!tpu.dma_semaphore, #tpu.memory_space<semaphore_mem>> -> memref<1x!tpu.dma_semaphore, #tpu.memory_space<semaphore_mem>>
    %dma_start3A_59 = tpu.memref_squeeze %dma_start3A_58 : memref<1x!tpu.dma_semaphore, #tpu.memory_space<semaphore_mem>> -> memref<!tpu.dma_semaphore, #tpu.memory_space<semaphore_mem>>
    %dma_start3A_60 = arith.constant 0 : i32
    %dma_start3A_61 = tpu.memref_slice %arg5[%dma_start3A_51, %dma_start3A_52, %dma_start3A_60] : memref<3x1x128xi32, #tpu.memory_space<vmem>> -> memref<1x1x128xi32, #tpu.memory_space<vmem>>
    %dma_start3A_62 = tpu.memref_squeeze %dma_start3A_61 : memref<1x1x128xi32, #tpu.memory_space<vmem>> -> memref<128xi32, #tpu.memory_space<vmem>>
    %dma_start3A_63 = tpu.memref_slice %arg2[%add3A_50] : memref<100000xi32, #tpu.memory_space<hbm>> -> memref<128xi32, #tpu.memory_space<hbm>>
    tpu.enqueue_dma source(%dma_start3A_63 : memref<128xi32, #tpu.memory_space<hbm>>) target(%dma_start3A_62 : memref<128xi32, #tpu.memory_space<vmem>>) target_semaphore(%dma_start3A_59 : memref<!tpu.dma_semaphore, #tpu.memory_space<semaphore_mem>>)
    %dma_wait3A = arith.constant 0 : i32
    %dma_wait3A_64 = arith.constant 0 : i32
    %dma_wait3A_65 = arith.constant 0 : i32
    %dma_wait3A_66 = arith.constant 0 : i32
    %dma_wait3A_67 = tpu.memref_slice %arg5[%dma_wait3A, %dma_wait3A_64, %dma_wait3A_66] : memref<3x1x128xi32, #tpu.memory_space<vmem>> -> memref<1x1x128xi32, #tpu.memory_space<vmem>>
    %dma_wait3A_68 = tpu.memref_squeeze %dma_wait3A_67 : memref<1x1x128xi32, #tpu.memory_space<vmem>> -> memref<128xi32, #tpu.memory_space<vmem>>
    %dma_wait3A_69 = tpu.memref_slice %arg2[%add3A_9] : memref<100000xi32, #tpu.memory_space<hbm>> -> memref<128xi32, #tpu.memory_space<hbm>>
    %dma_wait3A_70 = tpu.memref_slice %arg8[%dma_wait3A_65] : memref<3x!tpu.dma_semaphore, #tpu.memory_space<semaphore_mem>> -> memref<1x!tpu.dma_semaphore, #tpu.memory_space<semaphore_mem>>
    %dma_wait3A_71 = tpu.memref_squeeze %dma_wait3A_70 : memref<1x!tpu.dma_semaphore, #tpu.memory_space<semaphore_mem>> -> memref<!tpu.dma_semaphore, #tpu.memory_space<semaphore_mem>>
    %dma_wait3A_72 = arith.constant 0 : i32
    %dma_wait3A_73 = tpu.memref_slice %arg5[%dma_wait3A, %dma_wait3A_64, %dma_wait3A_72] : memref<3x1x128xi32, #tpu.memory_space<vmem>> -> memref<1x1x128xi32, #tpu.memory_space<vmem>>
    %dma_wait3A_74 = tpu.memref_squeeze %dma_wait3A_73 : memref<1x1x128xi32, #tpu.memory_space<vmem>> -> memref<128xi32, #tpu.memory_space<vmem>>
    %dma_wait3A_75 = tpu.memref_slice %arg2[%add3A_9] : memref<100000xi32, #tpu.memory_space<hbm>> -> memref<128xi32, #tpu.memory_space<hbm>>
    tpu.wait_dma2 semaphore(%dma_wait3A_71 : memref<!tpu.dma_semaphore, #tpu.memory_space<semaphore_mem>>) src(%dma_wait3A_75 : memref<128xi32, #tpu.memory_space<hbm>>) dst(%dma_wait3A_74 : memref<128xi32, #tpu.memory_space<vmem>>)
    %dma_start3A_76 = arith.constant 0 : i32
    %dma_start3A_77 = arith.constant 0 : i32
    %dma_start3A_78 = arith.constant 0 : i32
    %dma_start3A_79 = arith.constant 0 : i32
    %dma_start3A_80 = arith.constant 0 : i32
    %dma_start3A_81 = arith.constant 0 : i32
    %dma_start3A_82 = tpu.memref_slice %arg6[%dma_start3A_78, %dma_start3A_80, %dma_start3A_81] : memref<3x128x128xf32, #tpu.memory_space<vmem>> -> memref<1x128x128xf32, #tpu.memory_space<vmem>>
    %dma_start3A_83 = tpu.memref_squeeze %dma_start3A_82 : memref<1x128x128xf32, #tpu.memory_space<vmem>> -> memref<128x128xf32, #tpu.memory_space<vmem>>
    %dma_start3A_84 = arith.constant 0 : i32
    %dma_start3A_85 = tpu.memref_slice %arg5[%dma_start3A_76, %dma_start3A_77, %dma_start3A_84] : memref<3x1x128xi32, #tpu.memory_space<vmem>> -> memref<1x1x128xi32, #tpu.memory_space<vmem>>
    %dma_start3A_86 = tpu.memref_squeeze %dma_start3A_85 : memref<1x1x128xi32, #tpu.memory_space<vmem>> -> memref<128xi32, #tpu.memory_space<vmem>>
    %dma_start3A_87 = arith.constant 0 : i32
    %dma_start3A_88 = arith.constant 0 : i32
    %dma_start3A_89 = tpu.memref_slice %arg7[%dma_start3A_87, %dma_start3A_88] : memref<128x128xf32, #tpu.memory_space<vmem_shared>> -> memref<128x128xf32, #tpu.memory_space<vmem_shared>>
    %dma_start3A_90 = tpu.memref_slice %arg9[%dma_start3A_79] : memref<3x!tpu.dma_semaphore, #tpu.memory_space<semaphore_mem>> -> memref<1x!tpu.dma_semaphore, #tpu.memory_space<semaphore_mem>>
    %dma_start3A_91 = tpu.memref_squeeze %dma_start3A_90 : memref<1x!tpu.dma_semaphore, #tpu.memory_space<semaphore_mem>> -> memref<!tpu.dma_semaphore, #tpu.memory_space<semaphore_mem>>
    tpu.enqueue_indirect_dma source(%dma_start3A_89 : memref<128x128xf32, #tpu.memory_space<vmem_shared>>) target(%dma_start3A_83 : memref<128x128xf32, #tpu.memory_space<vmem>>) offsets(%dma_start3A_86 : memref<128xi32, #tpu.memory_space<vmem>>) semaphore(%dma_start3A_91 : memref<!tpu.dma_semaphore, #tpu.memory_space<semaphore_mem>>)
    %dma_wait3A_92 = arith.constant 0 : i32
    %dma_wait3A_93 = arith.constant 0 : i32
    %dma_wait3A_94 = arith.constant 0 : i32
    %dma_wait3A_95 = arith.constant 0 : i32
    %dma_wait3A_96 = arith.constant 0 : i32
    %dma_wait3A_97 = arith.constant 0 : i32
    %dma_wait3A_98 = tpu.memref_slice %arg6[%dma_wait3A_94, %dma_wait3A_96, %dma_wait3A_97] : memref<3x128x128xf32, #tpu.memory_space<vmem>> -> memref<1x128x128xf32, #tpu.memory_space<vmem>>
    %dma_wait3A_99 = tpu.memref_squeeze %dma_wait3A_98 : memref<1x128x128xf32, #tpu.memory_space<vmem>> -> memref<128x128xf32, #tpu.memory_space<vmem>>
    %dma_wait3A_100 = arith.constant 0 : i32
    %dma_wait3A_101 = tpu.memref_slice %arg5[%dma_wait3A_92, %dma_wait3A_93, %dma_wait3A_100] : memref<3x1x128xi32, #tpu.memory_space<vmem>> -> memref<1x1x128xi32, #tpu.memory_space<vmem>>
    %dma_wait3A_102 = tpu.memref_squeeze %dma_wait3A_101 : memref<1x1x128xi32, #tpu.memory_space<vmem>> -> memref<128xi32, #tpu.memory_space<vmem>>
    %dma_wait3A_103 = arith.constant 0 : i32
    %dma_wait3A_104 = arith.constant 0 : i32
    %dma_wait3A_105 = tpu.memref_slice %arg7[%dma_wait3A_103, %dma_wait3A_104] : memref<128x128xf32, #tpu.memory_space<vmem_shared>> -> memref<128x128xf32, #tpu.memory_space<vmem_shared>>
    %dma_wait3A_106 = tpu.memref_slice %arg9[%dma_wait3A_95] : memref<3x!tpu.dma_semaphore, #tpu.memory_space<semaphore_mem>> -> memref<1x!tpu.dma_semaphore, #tpu.memory_space<semaphore_mem>>
    %dma_wait3A_107 = tpu.memref_squeeze %dma_wait3A_106 : memref<1x!tpu.dma_semaphore, #tpu.memory_space<semaphore_mem>> -> memref<!tpu.dma_semaphore, #tpu.memory_space<semaphore_mem>>
    tpu.wait_indirect_dma semaphore(%dma_wait3A_107 : memref<!tpu.dma_semaphore, #tpu.memory_space<semaphore_mem>>) src(%dma_wait3A_105 : memref<128x128xf32, #tpu.memory_space<vmem_shared>>) dst(%dma_wait3A_99 : memref<128x128xf32, #tpu.memory_space<vmem>>)
    %add3A_108 = arith.constant 96 : i32
    %add3A_109 = arith.addi %add3A, %add3A_108 : i32
    %mul3A_110 = arith.constant 128 : i32
    %mul3A_111 = arith.muli %add3A_109, %mul3A_110 : i32
    %min3A_112 = arith.constant 99872 : i32
    %min3A_113 = arith.minsi %mul3A_111, %min3A_112 : i32
    %add3A_114 = arith.constant 0 : i32
    %add3A_115 = arith.addi %min3A_113, %add3A_114 : i32
    %dma_start3A_116 = arith.constant 0 : i32
    %dma_start3A_117 = arith.constant 0 : i32
    %dma_start3A_118 = arith.constant 0 : i32
    %dma_start3A_119 = arith.constant 0 : i32
    %dma_start3A_120 = tpu.memref_slice %arg5[%dma_start3A_116, %dma_start3A_117, %dma_start3A_119] : memref<3x1x128xi32, #tpu.memory_space<vmem>> -> memref<1x1x128xi32, #tpu.memory_space<vmem>>
    %dma_start3A_121 = tpu.memref_squeeze %dma_start3A_120 : memref<1x1x128xi32, #tpu.memory_space<vmem>> -> memref<128xi32, #tpu.memory_space<vmem>>
    %dma_start3A_122 = tpu.memref_slice %arg2[%add3A_115] : memref<100000xi32, #tpu.memory_space<hbm>> -> memref<128xi32, #tpu.memory_space<hbm>>
    %dma_start3A_123 = tpu.memref_slice %arg8[%dma_start3A_118] : memref<3x!tpu.dma_semaphore, #tpu.memory_space<semaphore_mem>> -> memref<1x!tpu.dma_semaphore, #tpu.memory_space<semaphore_mem>>
    %dma_start3A_124 = tpu.memref_squeeze %dma_start3A_123 : memref<1x!tpu.dma_semaphore, #tpu.memory_space<semaphore_mem>> -> memref<!tpu.dma_semaphore, #tpu.memory_space<semaphore_mem>>
    %dma_start3A_125 = arith.constant 0 : i32
    %dma_start3A_126 = tpu.memref_slice %arg5[%dma_start3A_116, %dma_start3A_117, %dma_start3A_125] : memref<3x1x128xi32, #tpu.memory_space<vmem>> -> memref<1x1x128xi32, #tpu.memory_space<vmem>>
    %dma_start3A_127 = tpu.memref_squeeze %dma_start3A_126 : memref<1x1x128xi32, #tpu.memory_space<vmem>> -> memref<128xi32, #tpu.memory_space<vmem>>
    %dma_start3A_128 = tpu.memref_slice %arg2[%add3A_115] : memref<100000xi32, #tpu.memory_space<hbm>> -> memref<128xi32, #tpu.memory_space<hbm>>
    tpu.enqueue_dma source(%dma_start3A_128 : memref<128xi32, #tpu.memory_space<hbm>>) target(%dma_start3A_127 : memref<128xi32, #tpu.memory_space<vmem>>) target_semaphore(%dma_start3A_124 : memref<!tpu.dma_semaphore, #tpu.memory_space<semaphore_mem>>)
    %add3A_129 = arith.constant 0 : i32
    %add3A_130 = arith.addi %add3A, %add3A_129 : i32
    %mul3A_131 = arith.constant 128 : i32
    %mul3A_132 = arith.muli %add3A_130, %mul3A_131 : i32
    %min3A_133 = arith.constant 99872 : i32
    %min3A_134 = arith.minsi %mul3A_132, %min3A_133 : i32
    %dma_start3A_135 = arith.constant 0 : i32
    %dma_start3A_136 = arith.constant 0 : i32
    %dma_start3A_137 = arith.constant 0 : i32
    %dma_start3A_138 = arith.constant 0 : i32
    %dma_start3A_139 = tpu.memref_slice %arg6[%dma_start3A_135, %dma_start3A_137, %dma_start3A_138] : memref<3x128x128xf32, #tpu.memory_space<vmem>> -> memref<1x128x128xf32, #tpu.memory_space<vmem>>
    %dma_start3A_140 = tpu.memref_squeeze %dma_start3A_139 : memref<1x128x128xf32, #tpu.memory_space<vmem>> -> memref<128x128xf32, #tpu.memory_space<vmem>>
    %dma_start3A_141 = arith.constant 0 : i32
    %dma_start3A_142 = tpu.memref_slice %arg4[%min3A_134, %dma_start3A_141] : memref<100000x128xf32, #tpu.memory_space<hbm>> -> memref<128x128xf32, #tpu.memory_space<hbm>>
    %dma_start3A_143 = tpu.memref_slice %arg10[%dma_start3A_136] : memref<3x!tpu.dma_semaphore, #tpu.memory_space<semaphore_mem>> -> memref<1x!tpu.dma_semaphore, #tpu.memory_space<semaphore_mem>>
    %dma_start3A_144 = tpu.memref_squeeze %dma_start3A_143 : memref<1x!tpu.dma_semaphore, #tpu.memory_space<semaphore_mem>> -> memref<!tpu.dma_semaphore, #tpu.memory_space<semaphore_mem>>
    %dma_start3A_145 = arith.constant 0 : i32
    %dma_start3A_146 = tpu.memref_slice %arg4[%min3A_134, %dma_start3A_145] : memref<100000x128xf32, #tpu.memory_space<hbm>> -> memref<128x128xf32, #tpu.memory_space<hbm>>
    %dma_start3A_147 = arith.constant 0 : i32
    %dma_start3A_148 = arith.constant 0 : i32
    %dma_start3A_149 = tpu.memref_slice %arg6[%dma_start3A_135, %dma_start3A_147, %dma_start3A_148] : memref<3x128x128xf32, #tpu.memory_space<vmem>> -> memref<1x128x128xf32, #tpu.memory_space<vmem>>
    %dma_start3A_150 = tpu.memref_squeeze %dma_start3A_149 : memref<1x128x128xf32, #tpu.memory_space<vmem>> -> memref<128x128xf32, #tpu.memory_space<vmem>>
    tpu.enqueue_dma source(%dma_start3A_150 : memref<128x128xf32, #tpu.memory_space<vmem>>) target(%dma_start3A_146 : memref<128x128xf32, #tpu.memory_space<hbm>>) target_semaphore(%dma_start3A_144 : memref<!tpu.dma_semaphore, #tpu.memory_space<semaphore_mem>>)
    %dma_wait3A_151 = arith.constant 1 : i32
    %dma_wait3A_152 = arith.constant 0 : i32
    %dma_wait3A_153 = arith.constant 1 : i32
    %dma_wait3A_154 = arith.constant 0 : i32
    %dma_wait3A_155 = tpu.memref_slice %arg5[%dma_wait3A_151, %dma_wait3A_152, %dma_wait3A_154] : memref<3x1x128xi32, #tpu.memory_space<vmem>> -> memref<1x1x128xi32, #tpu.memory_space<vmem>>
    %dma_wait3A_156 = tpu.memref_squeeze %dma_wait3A_155 : memref<1x1x128xi32, #tpu.memory_space<vmem>> -> memref<128xi32, #tpu.memory_space<vmem>>
    %dma_wait3A_157 = tpu.memref_slice %arg2[%add3A_29] : memref<100000xi32, #tpu.memory_space<hbm>> -> memref<128xi32, #tpu.memory_space<hbm>>
    %dma_wait3A_158 = tpu.memref_slice %arg8[%dma_wait3A_153] : memref<3x!tpu.dma_semaphore, #tpu.memory_space<semaphore_mem>> -> memref<1x!tpu.dma_semaphore, #tpu.memory_space<semaphore_mem>>
    %dma_wait3A_159 = tpu.memref_squeeze %dma_wait3A_158 : memref<1x!tpu.dma_semaphore, #tpu.memory_space<semaphore_mem>> -> memref<!tpu.dma_semaphore, #tpu.memory_space<semaphore_mem>>
    %dma_wait3A_160 = arith.constant 0 : i32
    %dma_wait3A_161 = tpu.memref_slice %arg5[%dma_wait3A_151, %dma_wait3A_152, %dma_wait3A_160] : memref<3x1x128xi32, #tpu.memory_space<vmem>> -> memref<1x1x128xi32, #tpu.memory_space<vmem>>
    %dma_wait3A_162 = tpu.memref_squeeze %dma_wait3A_161 : memref<1x1x128xi32, #tpu.memory_space<vmem>> -> memref<128xi32, #tpu.memory_space<vmem>>
    %dma_wait3A_163 = tpu.memref_slice %arg2[%add3A_29] : memref<100000xi32, #tpu.memory_space<hbm>> -> memref<128xi32, #tpu.memory_space<hbm>>
    tpu.wait_dma2 semaphore(%dma_wait3A_159 : memref<!tpu.dma_semaphore, #tpu.memory_space<semaphore_mem>>) src(%dma_wait3A_163 : memref<128xi32, #tpu.memory_space<hbm>>) dst(%dma_wait3A_162 : memref<128xi32, #tpu.memory_space<vmem>>)
    %dma_start3A_164 = arith.constant 1 : i32
    %dma_start3A_165 = arith.constant 0 : i32
    %dma_start3A_166 = arith.constant 1 : i32
    %dma_start3A_167 = arith.constant 1 : i32
    %dma_start3A_168 = arith.constant 0 : i32
    %dma_start3A_169 = arith.constant 0 : i32
    %dma_start3A_170 = tpu.memref_slice %arg6[%dma_start3A_166, %dma_start3A_168, %dma_start3A_169] : memref<3x128x128xf32, #tpu.memory_space<vmem>> -> memref<1x128x128xf32, #tpu.memory_space<vmem>>
    %dma_start3A_171 = tpu.memref_squeeze %dma_start3A_170 : memref<1x128x128xf32, #tpu.memory_space<vmem>> -> memref<128x128xf32, #tpu.memory_space<vmem>>
    %dma_start3A_172 = arith.constant 0 : i32
    %dma_start3A_173 = tpu.memref_slice %arg5[%dma_start3A_164, %dma_start3A_165, %dma_start3A_172] : memref<3x1x128xi32, #tpu.memory_space<vmem>> -> memref<1x1x128xi32, #tpu.memory_space<vmem>>
    %dma_start3A_174 = tpu.memref_squeeze %dma_start3A_173 : memref<1x1x128xi32, #tpu.memory_space<vmem>> -> memref<128xi32, #tpu.memory_space<vmem>>
    %dma_start3A_175 = arith.constant 0 : i32
    %dma_start3A_176 = arith.constant 0 : i32
    %dma_start3A_177 = tpu.memref_slice %arg7[%dma_start3A_175, %dma_start3A_176] : memref<128x128xf32, #tpu.memory_space<vmem_shared>> -> memref<128x128xf32, #tpu.memory_space<vmem_shared>>
    %dma_start3A_178 = tpu.memref_slice %arg9[%dma_start3A_167] : memref<3x!tpu.dma_semaphore, #tpu.memory_space<semaphore_mem>> -> memref<1x!tpu.dma_semaphore, #tpu.memory_space<semaphore_mem>>
    %dma_start3A_179 = tpu.memref_squeeze %dma_start3A_178 : memref<1x!tpu.dma_semaphore, #tpu.memory_space<semaphore_mem>> -> memref<!tpu.dma_semaphore, #tpu.memory_space<semaphore_mem>>
    tpu.enqueue_indirect_dma source(%dma_start3A_177 : memref<128x128xf32, #tpu.memory_space<vmem_shared>>) target(%dma_start3A_171 : memref<128x128xf32, #tpu.memory_space<vmem>>) offsets(%dma_start3A_174 : memref<128xi32, #tpu.memory_space<vmem>>) semaphore(%dma_start3A_179 : memref<!tpu.dma_semaphore, #tpu.memory_space<semaphore_mem>>)
    %dma_wait3A_180 = arith.constant 1 : i32
    %dma_wait3A_181 = arith.constant 0 : i32
    %dma_wait3A_182 = arith.constant 1 : i32
    %dma_wait3A_183 = arith.constant 1 : i32
    %dma_wait3A_184 = arith.constant 0 : i32
    %dma_wait3A_185 = arith.constant 0 : i32
    %dma_wait3A_186 = tpu.memref_slice %arg6[%dma_wait3A_182, %dma_wait3A_184, %dma_wait3A_185] : memref<3x128x128xf32, #tpu.memory_space<vmem>> -> memref<1x128x128xf32, #tpu.memory_space<vmem>>
    %dma_wait3A_187 = tpu.memref_squeeze %dma_wait3A_186 : memref<1x128x128xf32, #tpu.memory_space<vmem>> -> memref<128x128xf32, #tpu.memory_space<vmem>>
    %dma_wait3A_188 = arith.constant 0 : i32
    %dma_wait3A_189 = tpu.memref_slice %arg5[%dma_wait3A_180, %dma_wait3A_181, %dma_wait3A_188] : memref<3x1x128xi32, #tpu.memory_space<vmem>> -> memref<1x1x128xi32, #tpu.memory_space<vmem>>
    %dma_wait3A_190 = tpu.memref_squeeze %dma_wait3A_189 : memref<1x1x128xi32, #tpu.memory_space<vmem>> -> memref<128xi32, #tpu.memory_space<vmem>>
    %dma_wait3A_191 = arith.constant 0 : i32
    %dma_wait3A_192 = arith.constant 0 : i32
    %dma_wait3A_193 = tpu.memref_slice %arg7[%dma_wait3A_191, %dma_wait3A_192] : memref<128x128xf32, #tpu.memory_space<vmem_shared>> -> memref<128x128xf32, #tpu.memory_space<vmem_shared>>
    %dma_wait3A_194 = tpu.memref_slice %arg9[%dma_wait3A_183] : memref<3x!tpu.dma_semaphore, #tpu.memory_space<semaphore_mem>> -> memref<1x!tpu.dma_semaphore, #tpu.memory_space<semaphore_mem>>
    %dma_wait3A_195 = tpu.memref_squeeze %dma_wait3A_194 : memref<1x!tpu.dma_semaphore, #tpu.memory_space<semaphore_mem>> -> memref<!tpu.dma_semaphore, #tpu.memory_space<semaphore_mem>>
    tpu.wait_indirect_dma semaphore(%dma_wait3A_195 : memref<!tpu.dma_semaphore, #tpu.memory_space<semaphore_mem>>) src(%dma_wait3A_193 : memref<128x128xf32, #tpu.memory_space<vmem_shared>>) dst(%dma_wait3A_187 : memref<128x128xf32, #tpu.memory_space<vmem>>)
    %add3A_196 = arith.constant 128 : i32
    %add3A_197 = arith.addi %add3A, %add3A_196 : i32
    %mul3A_198 = arith.constant 128 : i32
    %mul3A_199 = arith.muli %add3A_197, %mul3A_198 : i32
    %min3A_200 = arith.constant 99872 : i32
    %min3A_201 = arith.minsi %mul3A_199, %min3A_200 : i32
    %add3A_202 = arith.constant 0 : i32
    %add3A_203 = arith.addi %min3A_201, %add3A_202 : i32
    %dma_start3A_204 = arith.constant 1 : i32
    %dma_start3A_205 = arith.constant 0 : i32
    %dma_start3A_206 = arith.constant 1 : i32
    %dma_start3A_207 = arith.constant 0 : i32
    %dma_start3A_208 = tpu.memref_slice %arg5[%dma_start3A_204, %dma_start3A_205, %dma_start3A_207] : memref<3x1x128xi32, #tpu.memory_space<vmem>> -> memref<1x1x128xi32, #tpu.memory_space<vmem>>
    %dma_start3A_209 = tpu.memref_squeeze %dma_start3A_208 : memref<1x1x128xi32, #tpu.memory_space<vmem>> -> memref<128xi32, #tpu.memory_space<vmem>>
    %dma_start3A_210 = tpu.memref_slice %arg2[%add3A_203] : memref<100000xi32, #tpu.memory_space<hbm>> -> memref<128xi32, #tpu.memory_space<hbm>>
    %dma_start3A_211 = tpu.memref_slice %arg8[%dma_start3A_206] : memref<3x!tpu.dma_semaphore, #tpu.memory_space<semaphore_mem>> -> memref<1x!tpu.dma_semaphore, #tpu.memory_space<semaphore_mem>>
    %dma_start3A_212 = tpu.memref_squeeze %dma_start3A_211 : memref<1x!tpu.dma_semaphore, #tpu.memory_space<semaphore_mem>> -> memref<!tpu.dma_semaphore, #tpu.memory_space<semaphore_mem>>
    %dma_start3A_213 = arith.constant 0 : i32
    %dma_start3A_214 = tpu.memref_slice %arg5[%dma_start3A_204, %dma_start3A_205, %dma_start3A_213] : memref<3x1x128xi32, #tpu.memory_space<vmem>> -> memref<1x1x128xi32, #tpu.memory_space<vmem>>
    %dma_start3A_215 = tpu.memref_squeeze %dma_start3A_214 : memref<1x1x128xi32, #tpu.memory_space<vmem>> -> memref<128xi32, #tpu.memory_space<vmem>>
    %dma_start3A_216 = tpu.memref_slice %arg2[%add3A_203] : memref<100000xi32, #tpu.memory_space<hbm>> -> memref<128xi32, #tpu.memory_space<hbm>>
    tpu.enqueue_dma source(%dma_start3A_216 : memref<128xi32, #tpu.memory_space<hbm>>) target(%dma_start3A_215 : memref<128xi32, #tpu.memory_space<vmem>>) target_semaphore(%dma_start3A_212 : memref<!tpu.dma_semaphore, #tpu.memory_space<semaphore_mem>>)
    %add3A_217 = arith.constant 32 : i32
    %add3A_218 = arith.addi %add3A, %add3A_217 : i32
    %mul3A_219 = arith.constant 128 : i32
    %mul3A_220 = arith.muli %add3A_218, %mul3A_219 : i32
    %min3A_221 = arith.constant 99872 : i32
    %min3A_222 = arith.minsi %mul3A_220, %min3A_221 : i32
    %dma_start3A_223 = arith.constant 1 : i32
    %dma_start3A_224 = arith.constant 1 : i32
    %dma_start3A_225 = arith.constant 0 : i32
    %dma_start3A_226 = arith.constant 0 : i32
    %dma_start3A_227 = tpu.memref_slice %arg6[%dma_start3A_223, %dma_start3A_225, %dma_start3A_226] : memref<3x128x128xf32, #tpu.memory_space<vmem>> -> memref<1x128x128xf32, #tpu.memory_space<vmem>>
    %dma_start3A_228 = tpu.memref_squeeze %dma_start3A_227 : memref<1x128x128xf32, #tpu.memory_space<vmem>> -> memref<128x128xf32, #tpu.memory_space<vmem>>
    %dma_start3A_229 = arith.constant 0 : i32
    %dma_start3A_230 = tpu.memref_slice %arg4[%min3A_222, %dma_start3A_229] : memref<100000x128xf32, #tpu.memory_space<hbm>> -> memref<128x128xf32, #tpu.memory_space<hbm>>
    %dma_start3A_231 = tpu.memref_slice %arg10[%dma_start3A_224] : memref<3x!tpu.dma_semaphore, #tpu.memory_space<semaphore_mem>> -> memref<1x!tpu.dma_semaphore, #tpu.memory_space<semaphore_mem>>
    %dma_start3A_232 = tpu.memref_squeeze %dma_start3A_231 : memref<1x!tpu.dma_semaphore, #tpu.memory_space<semaphore_mem>> -> memref<!tpu.dma_semaphore, #tpu.memory_space<semaphore_mem>>
    %dma_start3A_233 = arith.constant 0 : i32
    %dma_start3A_234 = tpu.memref_slice %arg4[%min3A_222, %dma_start3A_233] : memref<100000x128xf32, #tpu.memory_space<hbm>> -> memref<128x128xf32, #tpu.memory_space<hbm>>
    %dma_start3A_235 = arith.constant 0 : i32
    %dma_start3A_236 = arith.constant 0 : i32
    %dma_start3A_237 = tpu.memref_slice %arg6[%dma_start3A_223, %dma_start3A_235, %dma_start3A_236] : memref<3x128x128xf32, #tpu.memory_space<vmem>> -> memref<1x128x128xf32, #tpu.memory_space<vmem>>
    %dma_start3A_238 = tpu.memref_squeeze %dma_start3A_237 : memref<1x128x128xf32, #tpu.memory_space<vmem>> -> memref<128x128xf32, #tpu.memory_space<vmem>>
    tpu.enqueue_dma source(%dma_start3A_238 : memref<128x128xf32, #tpu.memory_space<vmem>>) target(%dma_start3A_234 : memref<128x128xf32, #tpu.memory_space<hbm>>) target_semaphore(%dma_start3A_232 : memref<!tpu.dma_semaphore, #tpu.memory_space<semaphore_mem>>)
    %dma_wait3A_239 = arith.constant 2 : i32
    %dma_wait3A_240 = arith.constant 0 : i32
    %dma_wait3A_241 = arith.constant 2 : i32
    %dma_wait3A_242 = arith.constant 0 : i32
    %dma_wait3A_243 = tpu.memref_slice %arg5[%dma_wait3A_239, %dma_wait3A_240, %dma_wait3A_242] : memref<3x1x128xi32, #tpu.memory_space<vmem>> -> memref<1x1x128xi32, #tpu.memory_space<vmem>>
    %dma_wait3A_244 = tpu.memref_squeeze %dma_wait3A_243 : memref<1x1x128xi32, #tpu.memory_space<vmem>> -> memref<128xi32, #tpu.memory_space<vmem>>
    %dma_wait3A_245 = tpu.memref_slice %arg2[%add3A_50] : memref<100000xi32, #tpu.memory_space<hbm>> -> memref<128xi32, #tpu.memory_space<hbm>>
    %dma_wait3A_246 = tpu.memref_slice %arg8[%dma_wait3A_241] : memref<3x!tpu.dma_semaphore, #tpu.memory_space<semaphore_mem>> -> memref<1x!tpu.dma_semaphore, #tpu.memory_space<semaphore_mem>>
    %dma_wait3A_247 = tpu.memref_squeeze %dma_wait3A_246 : memref<1x!tpu.dma_semaphore, #tpu.memory_space<semaphore_mem>> -> memref<!tpu.dma_semaphore, #tpu.memory_space<semaphore_mem>>
    %dma_wait3A_248 = arith.constant 0 : i32
    %dma_wait3A_249 = tpu.memref_slice %arg5[%dma_wait3A_239, %dma_wait3A_240, %dma_wait3A_248] : memref<3x1x128xi32, #tpu.memory_space<vmem>> -> memref<1x1x128xi32, #tpu.memory_space<vmem>>
    %dma_wait3A_250 = tpu.memref_squeeze %dma_wait3A_249 : memref<1x1x128xi32, #tpu.memory_space<vmem>> -> memref<128xi32, #tpu.memory_space<vmem>>
    %dma_wait3A_251 = tpu.memref_slice %arg2[%add3A_50] : memref<100000xi32, #tpu.memory_space<hbm>> -> memref<128xi32, #tpu.memory_space<hbm>>
    tpu.wait_dma2 semaphore(%dma_wait3A_247 : memref<!tpu.dma_semaphore, #tpu.memory_space<semaphore_mem>>) src(%dma_wait3A_251 : memref<128xi32, #tpu.memory_space<hbm>>) dst(%dma_wait3A_250 : memref<128xi32, #tpu.memory_space<vmem>>)
    %dma_start3A_252 = arith.constant 2 : i32
    %dma_start3A_253 = arith.constant 0 : i32
    %dma_start3A_254 = arith.constant 2 : i32
    %dma_start3A_255 = arith.constant 2 : i32
    %dma_start3A_256 = arith.constant 0 : i32
    %dma_start3A_257 = arith.constant 0 : i32
    %dma_start3A_258 = tpu.memref_slice %arg6[%dma_start3A_254, %dma_start3A_256, %dma_start3A_257] : memref<3x128x128xf32, #tpu.memory_space<vmem>> -> memref<1x128x128xf32, #tpu.memory_space<vmem>>
    %dma_start3A_259 = tpu.memref_squeeze %dma_start3A_258 : memref<1x128x128xf32, #tpu.memory_space<vmem>> -> memref<128x128xf32, #tpu.memory_space<vmem>>
    %dma_start3A_260 = arith.constant 0 : i32
    %dma_start3A_261 = tpu.memref_slice %arg5[%dma_start3A_252, %dma_start3A_253, %dma_start3A_260] : memref<3x1x128xi32, #tpu.memory_space<vmem>> -> memref<1x1x128xi32, #tpu.memory_space<vmem>>
    %dma_start3A_262 = tpu.memref_squeeze %dma_start3A_261 : memref<1x1x128xi32, #tpu.memory_space<vmem>> -> memref<128xi32, #tpu.memory_space<vmem>>
    %dma_start3A_263 = arith.constant 0 : i32
    %dma_start3A_264 = arith.constant 0 : i32
    %dma_start3A_265 = tpu.memref_slice %arg7[%dma_start3A_263, %dma_start3A_264] : memref<128x128xf32, #tpu.memory_space<vmem_shared>> -> memref<128x128xf32, #tpu.memory_space<vmem_shared>>
    %dma_start3A_266 = tpu.memref_slice %arg9[%dma_start3A_255] : memref<3x!tpu.dma_semaphore, #tpu.memory_space<semaphore_mem>> -> memref<1x!tpu.dma_semaphore, #tpu.memory_space<semaphore_mem>>
    %dma_start3A_267 = tpu.memref_squeeze %dma_start3A_266 : memref<1x!tpu.dma_semaphore, #tpu.memory_space<semaphore_mem>> -> memref<!tpu.dma_semaphore, #tpu.memory_space<semaphore_mem>>
    tpu.enqueue_indirect_dma source(%dma_start3A_265 : memref<128x128xf32, #tpu.memory_space<vmem_shared>>) target(%dma_start3A_259 : memref<128x128xf32, #tpu.memory_space<vmem>>) offsets(%dma_start3A_262 : memref<128xi32, #tpu.memory_space<vmem>>) semaphore(%dma_start3A_267 : memref<!tpu.dma_semaphore, #tpu.memory_space<semaphore_mem>>)
    %dma_wait3A_268 = arith.constant 2 : i32
    %dma_wait3A_269 = arith.constant 0 : i32
    %dma_wait3A_270 = arith.constant 2 : i32
    %dma_wait3A_271 = arith.constant 2 : i32
    %dma_wait3A_272 = arith.constant 0 : i32
    %dma_wait3A_273 = arith.constant 0 : i32
    %dma_wait3A_274 = tpu.memref_slice %arg6[%dma_wait3A_270, %dma_wait3A_272, %dma_wait3A_273] : memref<3x128x128xf32, #tpu.memory_space<vmem>> -> memref<1x128x128xf32, #tpu.memory_space<vmem>>
    %dma_wait3A_275 = tpu.memref_squeeze %dma_wait3A_274 : memref<1x128x128xf32, #tpu.memory_space<vmem>> -> memref<128x128xf32, #tpu.memory_space<vmem>>
    %dma_wait3A_276 = arith.constant 0 : i32
    %dma_wait3A_277 = tpu.memref_slice %arg5[%dma_wait3A_268, %dma_wait3A_269, %dma_wait3A_276] : memref<3x1x128xi32, #tpu.memory_space<vmem>> -> memref<1x1x128xi32, #tpu.memory_space<vmem>>
    %dma_wait3A_278 = tpu.memref_squeeze %dma_wait3A_277 : memref<1x1x128xi32, #tpu.memory_space<vmem>> -> memref<128xi32, #tpu.memory_space<vmem>>
    %dma_wait3A_279 = arith.constant 0 : i32
    %dma_wait3A_280 = arith.constant 0 : i32
    %dma_wait3A_281 = tpu.memref_slice %arg7[%dma_wait3A_279, %dma_wait3A_280] : memref<128x128xf32, #tpu.memory_space<vmem_shared>> -> memref<128x128xf32, #tpu.memory_space<vmem_shared>>
    %dma_wait3A_282 = tpu.memref_slice %arg9[%dma_wait3A_271] : memref<3x!tpu.dma_semaphore, #tpu.memory_space<semaphore_mem>> -> memref<1x!tpu.dma_semaphore, #tpu.memory_space<semaphore_mem>>
    %dma_wait3A_283 = tpu.memref_squeeze %dma_wait3A_282 : memref<1x!tpu.dma_semaphore, #tpu.memory_space<semaphore_mem>> -> memref<!tpu.dma_semaphore, #tpu.memory_space<semaphore_mem>>
    tpu.wait_indirect_dma semaphore(%dma_wait3A_283 : memref<!tpu.dma_semaphore, #tpu.memory_space<semaphore_mem>>) src(%dma_wait3A_281 : memref<128x128xf32, #tpu.memory_space<vmem_shared>>) dst(%dma_wait3A_275 : memref<128x128xf32, #tpu.memory_space<vmem>>)
    %add3A_284 = arith.constant 160 : i32
    %add3A_285 = arith.addi %add3A, %add3A_284 : i32
    %mul3A_286 = arith.constant 128 : i32
    %mul3A_287 = arith.muli %add3A_285, %mul3A_286 : i32
    %min3A_288 = arith.constant 99872 : i32
    %min3A_289 = arith.minsi %mul3A_287, %min3A_288 : i32
    %add3A_290 = arith.constant 0 : i32
    %add3A_291 = arith.addi %min3A_289, %add3A_290 : i32
    %dma_start3A_292 = arith.constant 2 : i32
    %dma_start3A_293 = arith.constant 0 : i32
    %dma_start3A_294 = arith.constant 2 : i32
    %dma_start3A_295 = arith.constant 0 : i32
    %dma_start3A_296 = tpu.memref_slice %arg5[%dma_start3A_292, %dma_start3A_293, %dma_start3A_295] : memref<3x1x128xi32, #tpu.memory_space<vmem>> -> memref<1x1x128xi32, #tpu.memory_space<vmem>>
    %dma_start3A_297 = tpu.memref_squeeze %dma_start3A_296 : memref<1x1x128xi32, #tpu.memory_space<vmem>> -> memref<128xi32, #tpu.memory_space<vmem>>
    %dma_start3A_298 = tpu.memref_slice %arg2[%add3A_291] : memref<100000xi32, #tpu.memory_space<hbm>> -> memref<128xi32, #tpu.memory_space<hbm>>
    %dma_start3A_299 = tpu.memref_slice %arg8[%dma_start3A_294] : memref<3x!tpu.dma_semaphore, #tpu.memory_space<semaphore_mem>> -> memref<1x!tpu.dma_semaphore, #tpu.memory_space<semaphore_mem>>
    %dma_start3A_300 = tpu.memref_squeeze %dma_start3A_299 : memref<1x!tpu.dma_semaphore, #tpu.memory_space<semaphore_mem>> -> memref<!tpu.dma_semaphore, #tpu.memory_space<semaphore_mem>>
    %dma_start3A_301 = arith.constant 0 : i32
    %dma_start3A_302 = tpu.memref_slice %arg5[%dma_start3A_292, %dma_start3A_293, %dma_start3A_301] : memref<3x1x128xi32, #tpu.memory_space<vmem>> -> memref<1x1x128xi32, #tpu.memory_space<vmem>>
    %dma_start3A_303 = tpu.memref_squeeze %dma_start3A_302 : memref<1x1x128xi32, #tpu.memory_space<vmem>> -> memref<128xi32, #tpu.memory_space<vmem>>
    %dma_start3A_304 = tpu.memref_slice %arg2[%add3A_291] : memref<100000xi32, #tpu.memory_space<hbm>> -> memref<128xi32, #tpu.memory_space<hbm>>
    tpu.enqueue_dma source(%dma_start3A_304 : memref<128xi32, #tpu.memory_space<hbm>>) target(%dma_start3A_303 : memref<128xi32, #tpu.memory_space<vmem>>) target_semaphore(%dma_start3A_300 : memref<!tpu.dma_semaphore, #tpu.memory_space<semaphore_mem>>)
    %add3A_305 = arith.constant 64 : i32
    %add3A_306 = arith.addi %add3A, %add3A_305 : i32
    %mul3A_307 = arith.constant 128 : i32
    %mul3A_308 = arith.muli %add3A_306, %mul3A_307 : i32
    %min3A_309 = arith.constant 99872 : i32
    %min3A_310 = arith.minsi %mul3A_308, %min3A_309 : i32
    %dma_start3A_311 = arith.constant 2 : i32
    %dma_start3A_312 = arith.constant 2 : i32
    %dma_start3A_313 = arith.constant 0 : i32
    %dma_start3A_314 = arith.constant 0 : i32
    %dma_start3A_315 = tpu.memref_slice %arg6[%dma_start3A_311, %dma_start3A_313, %dma_start3A_314] : memref<3x128x128xf32, #tpu.memory_space<vmem>> -> memref<1x128x128xf32, #tpu.memory_space<vmem>>
    %dma_start3A_316 = tpu.memref_squeeze %dma_start3A_315 : memref<1x128x128xf32, #tpu.memory_space<vmem>> -> memref<128x128xf32, #tpu.memory_space<vmem>>
    %dma_start3A_317 = arith.constant 0 : i32
    %dma_start3A_318 = tpu.memref_slice %arg4[%min3A_310, %dma_start3A_317] : memref<100000x128xf32, #tpu.memory_space<hbm>> -> memref<128x128xf32, #tpu.memory_space<hbm>>
    %dma_start3A_319 = tpu.memref_slice %arg10[%dma_start3A_312] : memref<3x!tpu.dma_semaphore, #tpu.memory_space<semaphore_mem>> -> memref<1x!tpu.dma_semaphore, #tpu.memory_space<semaphore_mem>>
    %dma_start3A_320 = tpu.memref_squeeze %dma_start3A_319 : memref<1x!tpu.dma_semaphore, #tpu.memory_space<semaphore_mem>> -> memref<!tpu.dma_semaphore, #tpu.memory_space<semaphore_mem>>
    %dma_start3A_321 = arith.constant 0 : i32
    %dma_start3A_322 = tpu.memref_slice %arg4[%min3A_310, %dma_start3A_321] : memref<100000x128xf32, #tpu.memory_space<hbm>> -> memref<128x128xf32, #tpu.memory_space<hbm>>
    %dma_start3A_323 = arith.constant 0 : i32
    %dma_start3A_324 = arith.constant 0 : i32
    %dma_start3A_325 = tpu.memref_slice %arg6[%dma_start3A_311, %dma_start3A_323, %dma_start3A_324] : memref<3x128x128xf32, #tpu.memory_space<vmem>> -> memref<1x128x128xf32, #tpu.memory_space<vmem>>
    %dma_start3A_326 = tpu.memref_squeeze %dma_start3A_325 : memref<1x128x128xf32, #tpu.memory_space<vmem>> -> memref<128x128xf32, #tpu.memory_space<vmem>>
    tpu.enqueue_dma source(%dma_start3A_326 : memref<128x128xf32, #tpu.memory_space<vmem>>) target(%dma_start3A_322 : memref<128x128xf32, #tpu.memory_space<hbm>>) target_semaphore(%dma_start3A_320 : memref<!tpu.dma_semaphore, #tpu.memory_space<semaphore_mem>>)
    %dma_wait3A_327 = arith.constant 0 : i32
    %dma_wait3A_328 = arith.constant 0 : i32
    %dma_wait3A_329 = arith.constant 0 : i32
    %dma_wait3A_330 = arith.constant 0 : i32
    %dma_wait3A_331 = tpu.memref_slice %arg5[%dma_wait3A_327, %dma_wait3A_328, %dma_wait3A_330] : memref<3x1x128xi32, #tpu.memory_space<vmem>> -> memref<1x1x128xi32, #tpu.memory_space<vmem>>
    %dma_wait3A_332 = tpu.memref_squeeze %dma_wait3A_331 : memref<1x1x128xi32, #tpu.memory_space<vmem>> -> memref<128xi32, #tpu.memory_space<vmem>>
    %dma_wait3A_333 = tpu.memref_slice %arg2[%add3A_115] : memref<100000xi32, #tpu.memory_space<hbm>> -> memref<128xi32, #tpu.memory_space<hbm>>
    %dma_wait3A_334 = tpu.memref_slice %arg8[%dma_wait3A_329] : memref<3x!tpu.dma_semaphore, #tpu.memory_space<semaphore_mem>> -> memref<1x!tpu.dma_semaphore, #tpu.memory_space<semaphore_mem>>
    %dma_wait3A_335 = tpu.memref_squeeze %dma_wait3A_334 : memref<1x!tpu.dma_semaphore, #tpu.memory_space<semaphore_mem>> -> memref<!tpu.dma_semaphore, #tpu.memory_space<semaphore_mem>>
    %dma_wait3A_336 = arith.constant 0 : i32
    %dma_wait3A_337 = tpu.memref_slice %arg5[%dma_wait3A_327, %dma_wait3A_328, %dma_wait3A_336] : memref<3x1x128xi32, #tpu.memory_space<vmem>> -> memref<1x1x128xi32, #tpu.memory_space<vmem>>
    %dma_wait3A_338 = tpu.memref_squeeze %dma_wait3A_337 : memref<1x1x128xi32, #tpu.memory_space<vmem>> -> memref<128xi32, #tpu.memory_space<vmem>>
    %dma_wait3A_339 = tpu.memref_slice %arg2[%add3A_115] : memref<100000xi32, #tpu.memory_space<hbm>> -> memref<128xi32, #tpu.memory_space<hbm>>
    tpu.wait_dma2 semaphore(%dma_wait3A_335 : memref<!tpu.dma_semaphore, #tpu.memory_space<semaphore_mem>>) src(%dma_wait3A_339 : memref<128xi32, #tpu.memory_space<hbm>>) dst(%dma_wait3A_338 : memref<128xi32, #tpu.memory_space<vmem>>)
    %dma_wait3A_340 = arith.constant 0 : i32
    %dma_wait3A_341 = arith.constant 0 : i32
    %dma_wait3A_342 = arith.constant 0 : i32
    %dma_wait3A_343 = arith.constant 0 : i32
    %dma_wait3A_344 = tpu.memref_slice %arg6[%dma_wait3A_340, %dma_wait3A_342, %dma_wait3A_343] : memref<3x128x128xf32, #tpu.memory_space<vmem>> -> memref<1x128x128xf32, #tpu.memory_space<vmem>>
    %dma_wait3A_345 = tpu.memref_squeeze %dma_wait3A_344 : memref<1x128x128xf32, #tpu.memory_space<vmem>> -> memref<128x128xf32, #tpu.memory_space<vmem>>
    %dma_wait3A_346 = arith.constant 0 : i32
    %dma_wait3A_347 = tpu.memref_slice %arg4[%min3A_134, %dma_wait3A_346] : memref<100000x128xf32, #tpu.memory_space<hbm>> -> memref<128x128xf32, #tpu.memory_space<hbm>>
    %dma_wait3A_348 = tpu.memref_slice %arg10[%dma_wait3A_341] : memref<3x!tpu.dma_semaphore, #tpu.memory_space<semaphore_mem>> -> memref<1x!tpu.dma_semaphore, #tpu.memory_space<semaphore_mem>>
    %dma_wait3A_349 = tpu.memref_squeeze %dma_wait3A_348 : memref<1x!tpu.dma_semaphore, #tpu.memory_space<semaphore_mem>> -> memref<!tpu.dma_semaphore, #tpu.memory_space<semaphore_mem>>
    %dma_wait3A_350 = arith.constant 0 : i32
    %dma_wait3A_351 = tpu.memref_slice %arg4[%min3A_134, %dma_wait3A_350] : memref<100000x128xf32, #tpu.memory_space<hbm>> -> memref<128x128xf32, #tpu.memory_space<hbm>>
    %dma_wait3A_352 = arith.constant 0 : i32
    %dma_wait3A_353 = arith.constant 0 : i32
    %dma_wait3A_354 = tpu.memref_slice %arg6[%dma_wait3A_340, %dma_wait3A_352, %dma_wait3A_353] : memref<3x128x128xf32, #tpu.memory_space<vmem>> -> memref<1x128x128xf32, #tpu.memory_space<vmem>>
    %dma_wait3A_355 = tpu.memref_squeeze %dma_wait3A_354 : memref<1x128x128xf32, #tpu.memory_space<vmem>> -> memref<128x128xf32, #tpu.memory_space<vmem>>
    tpu.wait_dma2 semaphore(%dma_wait3A_349 : memref<!tpu.dma_semaphore, #tpu.memory_space<semaphore_mem>>) src(%dma_wait3A_355 : memref<128x128xf32, #tpu.memory_space<vmem>>) dst(%dma_wait3A_351 : memref<128x128xf32, #tpu.memory_space<hbm>>)
    %dma_start3A_356 = arith.constant 0 : i32
    %dma_start3A_357 = arith.constant 0 : i32
    %dma_start3A_358 = arith.constant 0 : i32
    %dma_start3A_359 = arith.constant 0 : i32
    %dma_start3A_360 = arith.constant 0 : i32
    %dma_start3A_361 = arith.constant 0 : i32
    %dma_start3A_362 = tpu.memref_slice %arg6[%dma_start3A_358, %dma_start3A_360, %dma_start3A_361] : memref<3x128x128xf32, #tpu.memory_space<vmem>> -> memref<1x128x128xf32, #tpu.memory_space<vmem>>
    %dma_start3A_363 = tpu.memref_squeeze %dma_start3A_362 : memref<1x128x128xf32, #tpu.memory_space<vmem>> -> memref<128x128xf32, #tpu.memory_space<vmem>>
    %dma_start3A_364 = arith.constant 0 : i32
    %dma_start3A_365 = tpu.memref_slice %arg5[%dma_start3A_356, %dma_start3A_357, %dma_start3A_364] : memref<3x1x128xi32, #tpu.memory_space<vmem>> -> memref<1x1x128xi32, #tpu.memory_space<vmem>>
    %dma_start3A_366 = tpu.memref_squeeze %dma_start3A_365 : memref<1x1x128xi32, #tpu.memory_space<vmem>> -> memref<128xi32, #tpu.memory_space<vmem>>
    %dma_start3A_367 = arith.constant 0 : i32
    %dma_start3A_368 = arith.constant 0 : i32
    %dma_start3A_369 = tpu.memref_slice %arg7[%dma_start3A_367, %dma_start3A_368] : memref<128x128xf32, #tpu.memory_space<vmem_shared>> -> memref<128x128xf32, #tpu.memory_space<vmem_shared>>
    %dma_start3A_370 = tpu.memref_slice %arg9[%dma_start3A_359] : memref<3x!tpu.dma_semaphore, #tpu.memory_space<semaphore_mem>> -> memref<1x!tpu.dma_semaphore, #tpu.memory_space<semaphore_mem>>
    %dma_start3A_371 = tpu.memref_squeeze %dma_start3A_370 : memref<1x!tpu.dma_semaphore, #tpu.memory_space<semaphore_mem>> -> memref<!tpu.dma_semaphore, #tpu.memory_space<semaphore_mem>>
    tpu.enqueue_indirect_dma source(%dma_start3A_369 : memref<128x128xf32, #tpu.memory_space<vmem_shared>>) target(%dma_start3A_363 : memref<128x128xf32, #tpu.memory_space<vmem>>) offsets(%dma_start3A_366 : memref<128xi32, #tpu.memory_space<vmem>>) semaphore(%dma_start3A_371 : memref<!tpu.dma_semaphore, #tpu.memory_space<semaphore_mem>>)
    %dma_wait3A_372 = arith.constant 0 : i32
    %dma_wait3A_373 = arith.constant 0 : i32
    %dma_wait3A_374 = arith.constant 0 : i32
    %dma_wait3A_375 = arith.constant 0 : i32
    %dma_wait3A_376 = arith.constant 0 : i32
    %dma_wait3A_377 = arith.constant 0 : i32
    %dma_wait3A_378 = tpu.memref_slice %arg6[%dma_wait3A_374, %dma_wait3A_376, %dma_wait3A_377] : memref<3x128x128xf32, #tpu.memory_space<vmem>> -> memref<1x128x128xf32, #tpu.memory_space<vmem>>
    %dma_wait3A_379 = tpu.memref_squeeze %dma_wait3A_378 : memref<1x128x128xf32, #tpu.memory_space<vmem>> -> memref<128x128xf32, #tpu.memory_space<vmem>>
    %dma_wait3A_380 = arith.constant 0 : i32
    %dma_wait3A_381 = tpu.memref_slice %arg5[%dma_wait3A_372, %dma_wait3A_373, %dma_wait3A_380] : memref<3x1x128xi32, #tpu.memory_space<vmem>> -> memref<1x1x128xi32, #tpu.memory_space<vmem>>
    %dma_wait3A_382 = tpu.memref_squeeze %dma_wait3A_381 : memref<1x1x128xi32, #tpu.memory_space<vmem>> -> memref<128xi32, #tpu.memory_space<vmem>>
    %dma_wait3A_383 = arith.constant 0 : i32
    %dma_wait3A_384 = arith.constant 0 : i32
    %dma_wait3A_385 = tpu.memref_slice %arg7[%dma_wait3A_383, %dma_wait3A_384] : memref<128x128xf32, #tpu.memory_space<vmem_shared>> -> memref<128x128xf32, #tpu.memory_space<vmem_shared>>
    %dma_wait3A_386 = tpu.memref_slice %arg9[%dma_wait3A_375] : memref<3x!tpu.dma_semaphore, #tpu.memory_space<semaphore_mem>> -> memref<1x!tpu.dma_semaphore, #tpu.memory_space<semaphore_mem>>
    %dma_wait3A_387 = tpu.memref_squeeze %dma_wait3A_386 : memref<1x!tpu.dma_semaphore, #tpu.memory_space<semaphore_mem>> -> memref<!tpu.dma_semaphore, #tpu.memory_space<semaphore_mem>>
    tpu.wait_indirect_dma semaphore(%dma_wait3A_387 : memref<!tpu.dma_semaphore, #tpu.memory_space<semaphore_mem>>) src(%dma_wait3A_385 : memref<128x128xf32, #tpu.memory_space<vmem_shared>>) dst(%dma_wait3A_379 : memref<128x128xf32, #tpu.memory_space<vmem>>)
    %add3A_388 = arith.constant 192 : i32
    %add3A_389 = arith.addi %add3A, %add3A_388 : i32
    %mul3A_390 = arith.constant 128 : i32
    %mul3A_391 = arith.muli %add3A_389, %mul3A_390 : i32
    %min3A_392 = arith.constant 99872 : i32
    %min3A_393 = arith.minsi %mul3A_391, %min3A_392 : i32
    %add3A_394 = arith.constant 0 : i32
    %add3A_395 = arith.addi %min3A_393, %add3A_394 : i32
    %dma_start3A_396 = arith.constant 0 : i32
    %dma_start3A_397 = arith.constant 0 : i32
    %dma_start3A_398 = arith.constant 0 : i32
    %dma_start3A_399 = arith.constant 0 : i32
    %dma_start3A_400 = tpu.memref_slice %arg5[%dma_start3A_396, %dma_start3A_397, %dma_start3A_399] : memref<3x1x128xi32, #tpu.memory_space<vmem>> -> memref<1x1x128xi32, #tpu.memory_space<vmem>>
    %dma_start3A_401 = tpu.memref_squeeze %dma_start3A_400 : memref<1x1x128xi32, #tpu.memory_space<vmem>> -> memref<128xi32, #tpu.memory_space<vmem>>
    %dma_start3A_402 = tpu.memref_slice %arg2[%add3A_395] : memref<100000xi32, #tpu.memory_space<hbm>> -> memref<128xi32, #tpu.memory_space<hbm>>
    %dma_start3A_403 = tpu.memref_slice %arg8[%dma_start3A_398] : memref<3x!tpu.dma_semaphore, #tpu.memory_space<semaphore_mem>> -> memref<1x!tpu.dma_semaphore, #tpu.memory_space<semaphore_mem>>
    %dma_start3A_404 = tpu.memref_squeeze %dma_start3A_403 : memref<1x!tpu.dma_semaphore, #tpu.memory_space<semaphore_mem>> -> memref<!tpu.dma_semaphore, #tpu.memory_space<semaphore_mem>>
    %dma_start3A_405 = arith.constant 0 : i32
    %dma_start3A_406 = tpu.memref_slice %arg5[%dma_start3A_396, %dma_start3A_397, %dma_start3A_405] : memref<3x1x128xi32, #tpu.memory_space<vmem>> -> memref<1x1x128xi32, #tpu.memory_space<vmem>>
    %dma_start3A_407 = tpu.memref_squeeze %dma_start3A_406 : memref<1x1x128xi32, #tpu.memory_space<vmem>> -> memref<128xi32, #tpu.memory_space<vmem>>
    %dma_start3A_408 = tpu.memref_slice %arg2[%add3A_395] : memref<100000xi32, #tpu.memory_space<hbm>> -> memref<128xi32, #tpu.memory_space<hbm>>
    tpu.enqueue_dma source(%dma_start3A_408 : memref<128xi32, #tpu.memory_space<hbm>>) target(%dma_start3A_407 : memref<128xi32, #tpu.memory_space<vmem>>) target_semaphore(%dma_start3A_404 : memref<!tpu.dma_semaphore, #tpu.memory_space<semaphore_mem>>)
    %add3A_409 = arith.constant 96 : i32
    %add3A_410 = arith.addi %add3A, %add3A_409 : i32
    %mul3A_411 = arith.constant 128 : i32
    %mul3A_412 = arith.muli %add3A_410, %mul3A_411 : i32
    %min3A_413 = arith.constant 99872 : i32
    %min3A_414 = arith.minsi %mul3A_412, %min3A_413 : i32
    %dma_start3A_415 = arith.constant 0 : i32
    %dma_start3A_416 = arith.constant 0 : i32
    %dma_start3A_417 = arith.constant 0 : i32
    %dma_start3A_418 = arith.constant 0 : i32
    %dma_start3A_419 = tpu.memref_slice %arg6[%dma_start3A_415, %dma_start3A_417, %dma_start3A_418] : memref<3x128x128xf32, #tpu.memory_space<vmem>> -> memref<1x128x128xf32, #tpu.memory_space<vmem>>
    %dma_start3A_420 = tpu.memref_squeeze %dma_start3A_419 : memref<1x128x128xf32, #tpu.memory_space<vmem>> -> memref<128x128xf32, #tpu.memory_space<vmem>>
    %dma_start3A_421 = arith.constant 0 : i32
    %dma_start3A_422 = tpu.memref_slice %arg4[%min3A_414, %dma_start3A_421] : memref<100000x128xf32, #tpu.memory_space<hbm>> -> memref<128x128xf32, #tpu.memory_space<hbm>>
    %dma_start3A_423 = tpu.memref_slice %arg10[%dma_start3A_416] : memref<3x!tpu.dma_semaphore, #tpu.memory_space<semaphore_mem>> -> memref<1x!tpu.dma_semaphore, #tpu.memory_space<semaphore_mem>>
    %dma_start3A_424 = tpu.memref_squeeze %dma_start3A_423 : memref<1x!tpu.dma_semaphore, #tpu.memory_space<semaphore_mem>> -> memref<!tpu.dma_semaphore, #tpu.memory_space<semaphore_mem>>
    %dma_start3A_425 = arith.constant 0 : i32
    %dma_start3A_426 = tpu.memref_slice %arg4[%min3A_414, %dma_start3A_425] : memref<100000x128xf32, #tpu.memory_space<hbm>> -> memref<128x128xf32, #tpu.memory_space<hbm>>
    %dma_start3A_427 = arith.constant 0 : i32
    %dma_start3A_428 = arith.constant 0 : i32
    %dma_start3A_429 = tpu.memref_slice %arg6[%dma_start3A_415, %dma_start3A_427, %dma_start3A_428] : memref<3x128x128xf32, #tpu.memory_space<vmem>> -> memref<1x128x128xf32, #tpu.memory_space<vmem>>
    %dma_start3A_430 = tpu.memref_squeeze %dma_start3A_429 : memref<1x128x128xf32, #tpu.memory_space<vmem>> -> memref<128x128xf32, #tpu.memory_space<vmem>>
    tpu.enqueue_dma source(%dma_start3A_430 : memref<128x128xf32, #tpu.memory_space<vmem>>) target(%dma_start3A_426 : memref<128x128xf32, #tpu.memory_space<hbm>>) target_semaphore(%dma_start3A_424 : memref<!tpu.dma_semaphore, #tpu.memory_space<semaphore_mem>>)
    %dma_wait3A_431 = arith.constant 1 : i32
    %dma_wait3A_432 = arith.constant 0 : i32
    %dma_wait3A_433 = arith.constant 1 : i32
    %dma_wait3A_434 = arith.constant 0 : i32
    %dma_wait3A_435 = tpu.memref_slice %arg5[%dma_wait3A_431, %dma_wait3A_432, %dma_wait3A_434] : memref<3x1x128xi32, #tpu.memory_space<vmem>> -> memref<1x1x128xi32, #tpu.memory_space<vmem>>
    %dma_wait3A_436 = tpu.memref_squeeze %dma_wait3A_435 : memref<1x1x128xi32, #tpu.memory_space<vmem>> -> memref<128xi32, #tpu.memory_space<vmem>>
    %dma_wait3A_437 = tpu.memref_slice %arg2[%add3A_203] : memref<100000xi32, #tpu.memory_space<hbm>> -> memref<128xi32, #tpu.memory_space<hbm>>
    %dma_wait3A_438 = tpu.memref_slice %arg8[%dma_wait3A_433] : memref<3x!tpu.dma_semaphore, #tpu.memory_space<semaphore_mem>> -> memref<1x!tpu.dma_semaphore, #tpu.memory_space<semaphore_mem>>
    %dma_wait3A_439 = tpu.memref_squeeze %dma_wait3A_438 : memref<1x!tpu.dma_semaphore, #tpu.memory_space<semaphore_mem>> -> memref<!tpu.dma_semaphore, #tpu.memory_space<semaphore_mem>>
    %dma_wait3A_440 = arith.constant 0 : i32
    %dma_wait3A_441 = tpu.memref_slice %arg5[%dma_wait3A_431, %dma_wait3A_432, %dma_wait3A_440] : memref<3x1x128xi32, #tpu.memory_space<vmem>> -> memref<1x1x128xi32, #tpu.memory_space<vmem>>
    %dma_wait3A_442 = tpu.memref_squeeze %dma_wait3A_441 : memref<1x1x128xi32, #tpu.memory_space<vmem>> -> memref<128xi32, #tpu.memory_space<vmem>>
    %dma_wait3A_443 = tpu.memref_slice %arg2[%add3A_203] : memref<100000xi32, #tpu.memory_space<hbm>> -> memref<128xi32, #tpu.memory_space<hbm>>
    tpu.wait_dma2 semaphore(%dma_wait3A_439 : memref<!tpu.dma_semaphore, #tpu.memory_space<semaphore_mem>>) src(%dma_wait3A_443 : memref<128xi32, #tpu.memory_space<hbm>>) dst(%dma_wait3A_442 : memref<128xi32, #tpu.memory_space<vmem>>)
    %dma_wait3A_444 = arith.constant 1 : i32
    %dma_wait3A_445 = arith.constant 1 : i32
    %dma_wait3A_446 = arith.constant 0 : i32
    %dma_wait3A_447 = arith.constant 0 : i32
    %dma_wait3A_448 = tpu.memref_slice %arg6[%dma_wait3A_444, %dma_wait3A_446, %dma_wait3A_447] : memref<3x128x128xf32, #tpu.memory_space<vmem>> -> memref<1x128x128xf32, #tpu.memory_space<vmem>>
    %dma_wait3A_449 = tpu.memref_squeeze %dma_wait3A_448 : memref<1x128x128xf32, #tpu.memory_space<vmem>> -> memref<128x128xf32, #tpu.memory_space<vmem>>
    %dma_wait3A_450 = arith.constant 0 : i32
    %dma_wait3A_451 = tpu.memref_slice %arg4[%min3A_222, %dma_wait3A_450] : memref<100000x128xf32, #tpu.memory_space<hbm>> -> memref<128x128xf32, #tpu.memory_space<hbm>>
    %dma_wait3A_452 = tpu.memref_slice %arg10[%dma_wait3A_445] : memref<3x!tpu.dma_semaphore, #tpu.memory_space<semaphore_mem>> -> memref<1x!tpu.dma_semaphore, #tpu.memory_space<semaphore_mem>>
    %dma_wait3A_453 = tpu.memref_squeeze %dma_wait3A_452 : memref<1x!tpu.dma_semaphore, #tpu.memory_space<semaphore_mem>> -> memref<!tpu.dma_semaphore, #tpu.memory_space<semaphore_mem>>
    %dma_wait3A_454 = arith.constant 0 : i32
    %dma_wait3A_455 = tpu.memref_slice %arg4[%min3A_222, %dma_wait3A_454] : memref<100000x128xf32, #tpu.memory_space<hbm>> -> memref<128x128xf32, #tpu.memory_space<hbm>>
    %dma_wait3A_456 = arith.constant 0 : i32
    %dma_wait3A_457 = arith.constant 0 : i32
    %dma_wait3A_458 = tpu.memref_slice %arg6[%dma_wait3A_444, %dma_wait3A_456, %dma_wait3A_457] : memref<3x128x128xf32, #tpu.memory_space<vmem>> -> memref<1x128x128xf32, #tpu.memory_space<vmem>>
    %dma_wait3A_459 = tpu.memref_squeeze %dma_wait3A_458 : memref<1x128x128xf32, #tpu.memory_space<vmem>> -> memref<128x128xf32, #tpu.memory_space<vmem>>
    tpu.wait_dma2 semaphore(%dma_wait3A_453 : memref<!tpu.dma_semaphore, #tpu.memory_space<semaphore_mem>>) src(%dma_wait3A_459 : memref<128x128xf32, #tpu.memory_space<vmem>>) dst(%dma_wait3A_455 : memref<128x128xf32, #tpu.memory_space<hbm>>)
    %dma_start3A_460 = arith.constant 1 : i32
    %dma_start3A_461 = arith.constant 0 : i32
    %dma_start3A_462 = arith.constant 1 : i32
    %dma_start3A_463 = arith.constant 1 : i32
    %dma_start3A_464 = arith.constant 0 : i32
    %dma_start3A_465 = arith.constant 0 : i32
    %dma_start3A_466 = tpu.memref_slice %arg6[%dma_start3A_462, %dma_start3A_464, %dma_start3A_465] : memref<3x128x128xf32, #tpu.memory_space<vmem>> -> memref<1x128x128xf32, #tpu.memory_space<vmem>>
    %dma_start3A_467 = tpu.memref_squeeze %dma_start3A_466 : memref<1x128x128xf32, #tpu.memory_space<vmem>> -> memref<128x128xf32, #tpu.memory_space<vmem>>
    %dma_start3A_468 = arith.constant 0 : i32
    %dma_start3A_469 = tpu.memref_slice %arg5[%dma_start3A_460, %dma_start3A_461, %dma_start3A_468] : memref<3x1x128xi32, #tpu.memory_space<vmem>> -> memref<1x1x128xi32, #tpu.memory_space<vmem>>
    %dma_start3A_470 = tpu.memref_squeeze %dma_start3A_469 : memref<1x1x128xi32, #tpu.memory_space<vmem>> -> memref<128xi32, #tpu.memory_space<vmem>>
    %dma_start3A_471 = arith.constant 0 : i32
    %dma_start3A_472 = arith.constant 0 : i32
    %dma_start3A_473 = tpu.memref_slice %arg7[%dma_start3A_471, %dma_start3A_472] : memref<128x128xf32, #tpu.memory_space<vmem_shared>> -> memref<128x128xf32, #tpu.memory_space<vmem_shared>>
    %dma_start3A_474 = tpu.memref_slice %arg9[%dma_start3A_463] : memref<3x!tpu.dma_semaphore, #tpu.memory_space<semaphore_mem>> -> memref<1x!tpu.dma_semaphore, #tpu.memory_space<semaphore_mem>>
    %dma_start3A_475 = tpu.memref_squeeze %dma_start3A_474 : memref<1x!tpu.dma_semaphore, #tpu.memory_space<semaphore_mem>> -> memref<!tpu.dma_semaphore, #tpu.memory_space<semaphore_mem>>
    tpu.enqueue_indirect_dma source(%dma_start3A_473 : memref<128x128xf32, #tpu.memory_space<vmem_shared>>) target(%dma_start3A_467 : memref<128x128xf32, #tpu.memory_space<vmem>>) offsets(%dma_start3A_470 : memref<128xi32, #tpu.memory_space<vmem>>) semaphore(%dma_start3A_475 : memref<!tpu.dma_semaphore, #tpu.memory_space<semaphore_mem>>)
    %dma_wait3A_476 = arith.constant 1 : i32
    %dma_wait3A_477 = arith.constant 0 : i32
    %dma_wait3A_478 = arith.constant 1 : i32
    %dma_wait3A_479 = arith.constant 1 : i32
    %dma_wait3A_480 = arith.constant 0 : i32
    %dma_wait3A_481 = arith.constant 0 : i32
    %dma_wait3A_482 = tpu.memref_slice %arg6[%dma_wait3A_478, %dma_wait3A_480, %dma_wait3A_481] : memref<3x128x128xf32, #tpu.memory_space<vmem>> -> memref<1x128x128xf32, #tpu.memory_space<vmem>>
    %dma_wait3A_483 = tpu.memref_squeeze %dma_wait3A_482 : memref<1x128x128xf32, #tpu.memory_space<vmem>> -> memref<128x128xf32, #tpu.memory_space<vmem>>
    %dma_wait3A_484 = arith.constant 0 : i32
    %dma_wait3A_485 = tpu.memref_slice %arg5[%dma_wait3A_476, %dma_wait3A_477, %dma_wait3A_484] : memref<3x1x128xi32, #tpu.memory_space<vmem>> -> memref<1x1x128xi32, #tpu.memory_space<vmem>>
    %dma_wait3A_486 = tpu.memref_squeeze %dma_wait3A_485 : memref<1x1x128xi32, #tpu.memory_space<vmem>> -> memref<128xi32, #tpu.memory_space<vmem>>
    %dma_wait3A_487 = arith.constant 0 : i32
    %dma_wait3A_488 = arith.constant 0 : i32
    %dma_wait3A_489 = tpu.memref_slice %arg7[%dma_wait3A_487, %dma_wait3A_488] : memref<128x128xf32, #tpu.memory_space<vmem_shared>> -> memref<128x128xf32, #tpu.memory_space<vmem_shared>>
    %dma_wait3A_490 = tpu.memref_slice %arg9[%dma_wait3A_479] : memref<3x!tpu.dma_semaphore, #tpu.memory_space<semaphore_mem>> -> memref<1x!tpu.dma_semaphore, #tpu.memory_space<semaphore_mem>>
    %dma_wait3A_491 = tpu.memref_squeeze %dma_wait3A_490 : memref<1x!tpu.dma_semaphore, #tpu.memory_space<semaphore_mem>> -> memref<!tpu.dma_semaphore, #tpu.memory_space<semaphore_mem>>
    tpu.wait_indirect_dma semaphore(%dma_wait3A_491 : memref<!tpu.dma_semaphore, #tpu.memory_space<semaphore_mem>>) src(%dma_wait3A_489 : memref<128x128xf32, #tpu.memory_space<vmem_shared>>) dst(%dma_wait3A_483 : memref<128x128xf32, #tpu.memory_space<vmem>>)
    %add3A_492 = arith.constant 224 : i32
    %add3A_493 = arith.addi %add3A, %add3A_492 : i32
    %mul3A_494 = arith.constant 128 : i32
    %mul3A_495 = arith.muli %add3A_493, %mul3A_494 : i32
    %min3A_496 = arith.constant 99872 : i32
    %min3A_497 = arith.minsi %mul3A_495, %min3A_496 : i32
    %add3A_498 = arith.constant 0 : i32
    %add3A_499 = arith.addi %min3A_497, %add3A_498 : i32
    %dma_start3A_500 = arith.constant 1 : i32
    %dma_start3A_501 = arith.constant 0 : i32
    %dma_start3A_502 = arith.constant 1 : i32
    %dma_start3A_503 = arith.constant 0 : i32
    %dma_start3A_504 = tpu.memref_slice %arg5[%dma_start3A_500, %dma_start3A_501, %dma_start3A_503] : memref<3x1x128xi32, #tpu.memory_space<vmem>> -> memref<1x1x128xi32, #tpu.memory_space<vmem>>
    %dma_start3A_505 = tpu.memref_squeeze %dma_start3A_504 : memref<1x1x128xi32, #tpu.memory_space<vmem>> -> memref<128xi32, #tpu.memory_space<vmem>>
    %dma_start3A_506 = tpu.memref_slice %arg2[%add3A_499] : memref<100000xi32, #tpu.memory_space<hbm>> -> memref<128xi32, #tpu.memory_space<hbm>>
    %dma_start3A_507 = tpu.memref_slice %arg8[%dma_start3A_502] : memref<3x!tpu.dma_semaphore, #tpu.memory_space<semaphore_mem>> -> memref<1x!tpu.dma_semaphore, #tpu.memory_space<semaphore_mem>>
    %dma_start3A_508 = tpu.memref_squeeze %dma_start3A_507 : memref<1x!tpu.dma_semaphore, #tpu.memory_space<semaphore_mem>> -> memref<!tpu.dma_semaphore, #tpu.memory_space<semaphore_mem>>
    %dma_start3A_509 = arith.constant 0 : i32
    %dma_start3A_510 = tpu.memref_slice %arg5[%dma_start3A_500, %dma_start3A_501, %dma_start3A_509] : memref<3x1x128xi32, #tpu.memory_space<vmem>> -> memref<1x1x128xi32, #tpu.memory_space<vmem>>
    %dma_start3A_511 = tpu.memref_squeeze %dma_start3A_510 : memref<1x1x128xi32, #tpu.memory_space<vmem>> -> memref<128xi32, #tpu.memory_space<vmem>>
    %dma_start3A_512 = tpu.memref_slice %arg2[%add3A_499] : memref<100000xi32, #tpu.memory_space<hbm>> -> memref<128xi32, #tpu.memory_space<hbm>>
    tpu.enqueue_dma source(%dma_start3A_512 : memref<128xi32, #tpu.memory_space<hbm>>) target(%dma_start3A_511 : memref<128xi32, #tpu.memory_space<vmem>>) target_semaphore(%dma_start3A_508 : memref<!tpu.dma_semaphore, #tpu.memory_space<semaphore_mem>>)
    %add3A_513 = arith.constant 128 : i32
    %add3A_514 = arith.addi %add3A, %add3A_513 : i32
    %mul3A_515 = arith.constant 128 : i32
    %mul3A_516 = arith.muli %add3A_514, %mul3A_515 : i32
    %min3A_517 = arith.constant 99872 : i32
    %min3A_518 = arith.minsi %mul3A_516, %min3A_517 : i32
    %dma_start3A_519 = arith.constant 1 : i32
    %dma_start3A_520 = arith.constant 1 : i32
    %dma_start3A_521 = arith.constant 0 : i32
    %dma_start3A_522 = arith.constant 0 : i32
    %dma_start3A_523 = tpu.memref_slice %arg6[%dma_start3A_519, %dma_start3A_521, %dma_start3A_522] : memref<3x128x128xf32, #tpu.memory_space<vmem>> -> memref<1x128x128xf32, #tpu.memory_space<vmem>>
    %dma_start3A_524 = tpu.memref_squeeze %dma_start3A_523 : memref<1x128x128xf32, #tpu.memory_space<vmem>> -> memref<128x128xf32, #tpu.memory_space<vmem>>
    %dma_start3A_525 = arith.constant 0 : i32
    %dma_start3A_526 = tpu.memref_slice %arg4[%min3A_518, %dma_start3A_525] : memref<100000x128xf32, #tpu.memory_space<hbm>> -> memref<128x128xf32, #tpu.memory_space<hbm>>
    %dma_start3A_527 = tpu.memref_slice %arg10[%dma_start3A_520] : memref<3x!tpu.dma_semaphore, #tpu.memory_space<semaphore_mem>> -> memref<1x!tpu.dma_semaphore, #tpu.memory_space<semaphore_mem>>
    %dma_start3A_528 = tpu.memref_squeeze %dma_start3A_527 : memref<1x!tpu.dma_semaphore, #tpu.memory_space<semaphore_mem>> -> memref<!tpu.dma_semaphore, #tpu.memory_space<semaphore_mem>>
    %dma_start3A_529 = arith.constant 0 : i32
    %dma_start3A_530 = tpu.memref_slice %arg4[%min3A_518, %dma_start3A_529] : memref<100000x128xf32, #tpu.memory_space<hbm>> -> memref<128x128xf32, #tpu.memory_space<hbm>>
    %dma_start3A_531 = arith.constant 0 : i32
    %dma_start3A_532 = arith.constant 0 : i32
    %dma_start3A_533 = tpu.memref_slice %arg6[%dma_start3A_519, %dma_start3A_531, %dma_start3A_532] : memref<3x128x128xf32, #tpu.memory_space<vmem>> -> memref<1x128x128xf32, #tpu.memory_space<vmem>>
    %dma_start3A_534 = tpu.memref_squeeze %dma_start3A_533 : memref<1x128x128xf32, #tpu.memory_space<vmem>> -> memref<128x128xf32, #tpu.memory_space<vmem>>
    tpu.enqueue_dma source(%dma_start3A_534 : memref<128x128xf32, #tpu.memory_space<vmem>>) target(%dma_start3A_530 : memref<128x128xf32, #tpu.memory_space<hbm>>) target_semaphore(%dma_start3A_528 : memref<!tpu.dma_semaphore, #tpu.memory_space<semaphore_mem>>)
    %dma_wait3A_535 = arith.constant 2 : i32
    %dma_wait3A_536 = arith.constant 0 : i32
    %dma_wait3A_537 = arith.constant 2 : i32
    %dma_wait3A_538 = arith.constant 0 : i32
    %dma_wait3A_539 = tpu.memref_slice %arg5[%dma_wait3A_535, %dma_wait3A_536, %dma_wait3A_538] : memref<3x1x128xi32, #tpu.memory_space<vmem>> -> memref<1x1x128xi32, #tpu.memory_space<vmem>>
    %dma_wait3A_540 = tpu.memref_squeeze %dma_wait3A_539 : memref<1x1x128xi32, #tpu.memory_space<vmem>> -> memref<128xi32, #tpu.memory_space<vmem>>
    %dma_wait3A_541 = tpu.memref_slice %arg2[%add3A_291] : memref<100000xi32, #tpu.memory_space<hbm>> -> memref<128xi32, #tpu.memory_space<hbm>>
    %dma_wait3A_542 = tpu.memref_slice %arg8[%dma_wait3A_537] : memref<3x!tpu.dma_semaphore, #tpu.memory_space<semaphore_mem>> -> memref<1x!tpu.dma_semaphore, #tpu.memory_space<semaphore_mem>>
    %dma_wait3A_543 = tpu.memref_squeeze %dma_wait3A_542 : memref<1x!tpu.dma_semaphore, #tpu.memory_space<semaphore_mem>> -> memref<!tpu.dma_semaphore, #tpu.memory_space<semaphore_mem>>
    %dma_wait3A_544 = arith.constant 0 : i32
    %dma_wait3A_545 = tpu.memref_slice %arg5[%dma_wait3A_535, %dma_wait3A_536, %dma_wait3A_544] : memref<3x1x128xi32, #tpu.memory_space<vmem>> -> memref<1x1x128xi32, #tpu.memory_space<vmem>>
    %dma_wait3A_546 = tpu.memref_squeeze %dma_wait3A_545 : memref<1x1x128xi32, #tpu.memory_space<vmem>> -> memref<128xi32, #tpu.memory_space<vmem>>
    %dma_wait3A_547 = tpu.memref_slice %arg2[%add3A_291] : memref<100000xi32, #tpu.memory_space<hbm>> -> memref<128xi32, #tpu.memory_space<hbm>>
    tpu.wait_dma2 semaphore(%dma_wait3A_543 : memref<!tpu.dma_semaphore, #tpu.memory_space<semaphore_mem>>) src(%dma_wait3A_547 : memref<128xi32, #tpu.memory_space<hbm>>) dst(%dma_wait3A_546 : memref<128xi32, #tpu.memory_space<vmem>>)
    %dma_wait3A_548 = arith.constant 2 : i32
    %dma_wait3A_549 = arith.constant 2 : i32
    %dma_wait3A_550 = arith.constant 0 : i32
    %dma_wait3A_551 = arith.constant 0 : i32
    %dma_wait3A_552 = tpu.memref_slice %arg6[%dma_wait3A_548, %dma_wait3A_550, %dma_wait3A_551] : memref<3x128x128xf32, #tpu.memory_space<vmem>> -> memref<1x128x128xf32, #tpu.memory_space<vmem>>
    %dma_wait3A_553 = tpu.memref_squeeze %dma_wait3A_552 : memref<1x128x128xf32, #tpu.memory_space<vmem>> -> memref<128x128xf32, #tpu.memory_space<vmem>>
    %dma_wait3A_554 = arith.constant 0 : i32
    %dma_wait3A_555 = tpu.memref_slice %arg4[%min3A_310, %dma_wait3A_554] : memref<100000x128xf32, #tpu.memory_space<hbm>> -> memref<128x128xf32, #tpu.memory_space<hbm>>
    %dma_wait3A_556 = tpu.memref_slice %arg10[%dma_wait3A_549] : memref<3x!tpu.dma_semaphore, #tpu.memory_space<semaphore_mem>> -> memref<1x!tpu.dma_semaphore, #tpu.memory_space<semaphore_mem>>
    %dma_wait3A_557 = tpu.memref_squeeze %dma_wait3A_556 : memref<1x!tpu.dma_semaphore, #tpu.memory_space<semaphore_mem>> -> memref<!tpu.dma_semaphore, #tpu.memory_space<semaphore_mem>>
    %dma_wait3A_558 = arith.constant 0 : i32
    %dma_wait3A_559 = tpu.memref_slice %arg4[%min3A_310, %dma_wait3A_558] : memref<100000x128xf32, #tpu.memory_space<hbm>> -> memref<128x128xf32, #tpu.memory_space<hbm>>
    %dma_wait3A_560 = arith.constant 0 : i32
    %dma_wait3A_561 = arith.constant 0 : i32
    %dma_wait3A_562 = tpu.memref_slice %arg6[%dma_wait3A_548, %dma_wait3A_560, %dma_wait3A_561] : memref<3x128x128xf32, #tpu.memory_space<vmem>> -> memref<1x128x128xf32, #tpu.memory_space<vmem>>
    %dma_wait3A_563 = tpu.memref_squeeze %dma_wait3A_562 : memref<1x128x128xf32, #tpu.memory_space<vmem>> -> memref<128x128xf32, #tpu.memory_space<vmem>>
    tpu.wait_dma2 semaphore(%dma_wait3A_557 : memref<!tpu.dma_semaphore, #tpu.memory_space<semaphore_mem>>) src(%dma_wait3A_563 : memref<128x128xf32, #tpu.memory_space<vmem>>) dst(%dma_wait3A_559 : memref<128x128xf32, #tpu.memory_space<hbm>>)
    %dma_start3A_564 = arith.constant 2 : i32
    %dma_start3A_565 = arith.constant 0 : i32
    %dma_start3A_566 = arith.constant 2 : i32
    %dma_start3A_567 = arith.constant 2 : i32
    %dma_start3A_568 = arith.constant 0 : i32
    %dma_start3A_569 = arith.constant 0 : i32
    %dma_start3A_570 = tpu.memref_slice %arg6[%dma_start3A_566, %dma_start3A_568, %dma_start3A_569] : memref<3x128x128xf32, #tpu.memory_space<vmem>> -> memref<1x128x128xf32, #tpu.memory_space<vmem>>
    %dma_start3A_571 = tpu.memref_squeeze %dma_start3A_570 : memref<1x128x128xf32, #tpu.memory_space<vmem>> -> memref<128x128xf32, #tpu.memory_space<vmem>>
    %dma_start3A_572 = arith.constant 0 : i32
    %dma_start3A_573 = tpu.memref_slice %arg5[%dma_start3A_564, %dma_start3A_565, %dma_start3A_572] : memref<3x1x128xi32, #tpu.memory_space<vmem>> -> memref<1x1x128xi32, #tpu.memory_space<vmem>>
    %dma_start3A_574 = tpu.memref_squeeze %dma_start3A_573 : memref<1x1x128xi32, #tpu.memory_space<vmem>> -> memref<128xi32, #tpu.memory_space<vmem>>
    %dma_start3A_575 = arith.constant 0 : i32
    %dma_start3A_576 = arith.constant 0 : i32
    %dma_start3A_577 = tpu.memref_slice %arg7[%dma_start3A_575, %dma_start3A_576] : memref<128x128xf32, #tpu.memory_space<vmem_shared>> -> memref<128x128xf32, #tpu.memory_space<vmem_shared>>
    %dma_start3A_578 = tpu.memref_slice %arg9[%dma_start3A_567] : memref<3x!tpu.dma_semaphore, #tpu.memory_space<semaphore_mem>> -> memref<1x!tpu.dma_semaphore, #tpu.memory_space<semaphore_mem>>
    %dma_start3A_579 = tpu.memref_squeeze %dma_start3A_578 : memref<1x!tpu.dma_semaphore, #tpu.memory_space<semaphore_mem>> -> memref<!tpu.dma_semaphore, #tpu.memory_space<semaphore_mem>>
    tpu.enqueue_indirect_dma source(%dma_start3A_577 : memref<128x128xf32, #tpu.memory_space<vmem_shared>>) target(%dma_start3A_571 : memref<128x128xf32, #tpu.memory_space<vmem>>) offsets(%dma_start3A_574 : memref<128xi32, #tpu.memory_space<vmem>>) semaphore(%dma_start3A_579 : memref<!tpu.dma_semaphore, #tpu.memory_space<semaphore_mem>>)
    %dma_wait3A_580 = arith.constant 2 : i32
    %dma_wait3A_581 = arith.constant 0 : i32
    %dma_wait3A_582 = arith.constant 2 : i32
    %dma_wait3A_583 = arith.constant 2 : i32
    %dma_wait3A_584 = arith.constant 0 : i32
    %dma_wait3A_585 = arith.constant 0 : i32
    %dma_wait3A_586 = tpu.memref_slice %arg6[%dma_wait3A_582, %dma_wait3A_584, %dma_wait3A_585] : memref<3x128x128xf32, #tpu.memory_space<vmem>> -> memref<1x128x128xf32, #tpu.memory_space<vmem>>
    %dma_wait3A_587 = tpu.memref_squeeze %dma_wait3A_586 : memref<1x128x128xf32, #tpu.memory_space<vmem>> -> memref<128x128xf32, #tpu.memory_space<vmem>>
    %dma_wait3A_588 = arith.constant 0 : i32
    %dma_wait3A_589 = tpu.memref_slice %arg5[%dma_wait3A_580, %dma_wait3A_581, %dma_wait3A_588] : memref<3x1x128xi32, #tpu.memory_space<vmem>> -> memref<1x1x128xi32, #tpu.memory_space<vmem>>
    %dma_wait3A_590 = tpu.memref_squeeze %dma_wait3A_589 : memref<1x1x128xi32, #tpu.memory_space<vmem>> -> memref<128xi32, #tpu.memory_space<vmem>>
    %dma_wait3A_591 = arith.constant 0 : i32
    %dma_wait3A_592 = arith.constant 0 : i32
    %dma_wait3A_593 = tpu.memref_slice %arg7[%dma_wait3A_591, %dma_wait3A_592] : memref<128x128xf32, #tpu.memory_space<vmem_shared>> -> memref<128x128xf32, #tpu.memory_space<vmem_shared>>
    %dma_wait3A_594 = tpu.memref_slice %arg9[%dma_wait3A_583] : memref<3x!tpu.dma_semaphore, #tpu.memory_space<semaphore_mem>> -> memref<1x!tpu.dma_semaphore, #tpu.memory_space<semaphore_mem>>
    %dma_wait3A_595 = tpu.memref_squeeze %dma_wait3A_594 : memref<1x!tpu.dma_semaphore, #tpu.memory_space<semaphore_mem>> -> memref<!tpu.dma_semaphore, #tpu.memory_space<semaphore_mem>>
    tpu.wait_indirect_dma semaphore(%dma_wait3A_595 : memref<!tpu.dma_semaphore, #tpu.memory_space<semaphore_mem>>) src(%dma_wait3A_593 : memref<128x128xf32, #tpu.memory_space<vmem_shared>>) dst(%dma_wait3A_587 : memref<128x128xf32, #tpu.memory_space<vmem>>)
    %add3A_596 = arith.constant 256 : i32
    %add3A_597 = arith.addi %add3A, %add3A_596 : i32
    %mul3A_598 = arith.constant 128 : i32
    %mul3A_599 = arith.muli %add3A_597, %mul3A_598 : i32
    %min3A_600 = arith.constant 99872 : i32
    %min3A_601 = arith.minsi %mul3A_599, %min3A_600 : i32
    %add3A_602 = arith.constant 0 : i32
    %add3A_603 = arith.addi %min3A_601, %add3A_602 : i32
    %dma_start3A_604 = arith.constant 2 : i32
    %dma_start3A_605 = arith.constant 0 : i32
    %dma_start3A_606 = arith.constant 2 : i32
    %dma_start3A_607 = arith.constant 0 : i32
    %dma_start3A_608 = tpu.memref_slice %arg5[%dma_start3A_604, %dma_start3A_605, %dma_start3A_607] : memref<3x1x128xi32, #tpu.memory_space<vmem>> -> memref<1x1x128xi32, #tpu.memory_space<vmem>>
    %dma_start3A_609 = tpu.memref_squeeze %dma_start3A_608 : memref<1x1x128xi32, #tpu.memory_space<vmem>> -> memref<128xi32, #tpu.memory_space<vmem>>
    %dma_start3A_610 = tpu.memref_slice %arg2[%add3A_603] : memref<100000xi32, #tpu.memory_space<hbm>> -> memref<128xi32, #tpu.memory_space<hbm>>
    %dma_start3A_611 = tpu.memref_slice %arg8[%dma_start3A_606] : memref<3x!tpu.dma_semaphore, #tpu.memory_space<semaphore_mem>> -> memref<1x!tpu.dma_semaphore, #tpu.memory_space<semaphore_mem>>
    %dma_start3A_612 = tpu.memref_squeeze %dma_start3A_611 : memref<1x!tpu.dma_semaphore, #tpu.memory_space<semaphore_mem>> -> memref<!tpu.dma_semaphore, #tpu.memory_space<semaphore_mem>>
    %dma_start3A_613 = arith.constant 0 : i32
    %dma_start3A_614 = tpu.memref_slice %arg5[%dma_start3A_604, %dma_start3A_605, %dma_start3A_613] : memref<3x1x128xi32, #tpu.memory_space<vmem>> -> memref<1x1x128xi32, #tpu.memory_space<vmem>>
    %dma_start3A_615 = tpu.memref_squeeze %dma_start3A_614 : memref<1x1x128xi32, #tpu.memory_space<vmem>> -> memref<128xi32, #tpu.memory_space<vmem>>
    %dma_start3A_616 = tpu.memref_slice %arg2[%add3A_603] : memref<100000xi32, #tpu.memory_space<hbm>> -> memref<128xi32, #tpu.memory_space<hbm>>
    tpu.enqueue_dma source(%dma_start3A_616 : memref<128xi32, #tpu.memory_space<hbm>>) target(%dma_start3A_615 : memref<128xi32, #tpu.memory_space<vmem>>) target_semaphore(%dma_start3A_612 : memref<!tpu.dma_semaphore, #tpu.memory_space<semaphore_mem>>)
    %add3A_617 = arith.constant 160 : i32
    %add3A_618 = arith.addi %add3A, %add3A_617 : i32
    %mul3A_619 = arith.constant 128 : i32
    %mul3A_620 = arith.muli %add3A_618, %mul3A_619 : i32
    %min3A_621 = arith.constant 99872 : i32
    %min3A_622 = arith.minsi %mul3A_620, %min3A_621 : i32
    %dma_start3A_623 = arith.constant 2 : i32
    %dma_start3A_624 = arith.constant 2 : i32
    %dma_start3A_625 = arith.constant 0 : i32
    %dma_start3A_626 = arith.constant 0 : i32
    %dma_start3A_627 = tpu.memref_slice %arg6[%dma_start3A_623, %dma_start3A_625, %dma_start3A_626] : memref<3x128x128xf32, #tpu.memory_space<vmem>> -> memref<1x128x128xf32, #tpu.memory_space<vmem>>
    %dma_start3A_628 = tpu.memref_squeeze %dma_start3A_627 : memref<1x128x128xf32, #tpu.memory_space<vmem>> -> memref<128x128xf32, #tpu.memory_space<vmem>>
    %dma_start3A_629 = arith.constant 0 : i32
    %dma_start3A_630 = tpu.memref_slice %arg4[%min3A_622, %dma_start3A_629] : memref<100000x128xf32, #tpu.memory_space<hbm>> -> memref<128x128xf32, #tpu.memory_space<hbm>>
    %dma_start3A_631 = tpu.memref_slice %arg10[%dma_start3A_624] : memref<3x!tpu.dma_semaphore, #tpu.memory_space<semaphore_mem>> -> memref<1x!tpu.dma_semaphore, #tpu.memory_space<semaphore_mem>>
    %dma_start3A_632 = tpu.memref_squeeze %dma_start3A_631 : memref<1x!tpu.dma_semaphore, #tpu.memory_space<semaphore_mem>> -> memref<!tpu.dma_semaphore, #tpu.memory_space<semaphore_mem>>
    %dma_start3A_633 = arith.constant 0 : i32
    %dma_start3A_634 = tpu.memref_slice %arg4[%min3A_622, %dma_start3A_633] : memref<100000x128xf32, #tpu.memory_space<hbm>> -> memref<128x128xf32, #tpu.memory_space<hbm>>
    %dma_start3A_635 = arith.constant 0 : i32
    %dma_start3A_636 = arith.constant 0 : i32
    %dma_start3A_637 = tpu.memref_slice %arg6[%dma_start3A_623, %dma_start3A_635, %dma_start3A_636] : memref<3x128x128xf32, #tpu.memory_space<vmem>> -> memref<1x128x128xf32, #tpu.memory_space<vmem>>
    %dma_start3A_638 = tpu.memref_squeeze %dma_start3A_637 : memref<1x128x128xf32, #tpu.memory_space<vmem>> -> memref<128x128xf32, #tpu.memory_space<vmem>>
    tpu.enqueue_dma source(%dma_start3A_638 : memref<128x128xf32, #tpu.memory_space<vmem>>) target(%dma_start3A_634 : memref<128x128xf32, #tpu.memory_space<hbm>>) target_semaphore(%dma_start3A_632 : memref<!tpu.dma_semaphore, #tpu.memory_space<semaphore_mem>>)
    %dma_wait3A_639 = arith.constant 0 : i32
    %dma_wait3A_640 = arith.constant 0 : i32
    %dma_wait3A_641 = arith.constant 0 : i32
    %dma_wait3A_642 = arith.constant 0 : i32
    %dma_wait3A_643 = tpu.memref_slice %arg5[%dma_wait3A_639, %dma_wait3A_640, %dma_wait3A_642] : memref<3x1x128xi32, #tpu.memory_space<vmem>> -> memref<1x1x128xi32, #tpu.memory_space<vmem>>
    %dma_wait3A_644 = tpu.memref_squeeze %dma_wait3A_643 : memref<1x1x128xi32, #tpu.memory_space<vmem>> -> memref<128xi32, #tpu.memory_space<vmem>>
    %dma_wait3A_645 = tpu.memref_slice %arg2[%add3A_395] : memref<100000xi32, #tpu.memory_space<hbm>> -> memref<128xi32, #tpu.memory_space<hbm>>
    %dma_wait3A_646 = tpu.memref_slice %arg8[%dma_wait3A_641] : memref<3x!tpu.dma_semaphore, #tpu.memory_space<semaphore_mem>> -> memref<1x!tpu.dma_semaphore, #tpu.memory_space<semaphore_mem>>
    %dma_wait3A_647 = tpu.memref_squeeze %dma_wait3A_646 : memref<1x!tpu.dma_semaphore, #tpu.memory_space<semaphore_mem>> -> memref<!tpu.dma_semaphore, #tpu.memory_space<semaphore_mem>>
    %dma_wait3A_648 = arith.constant 0 : i32
    %dma_wait3A_649 = tpu.memref_slice %arg5[%dma_wait3A_639, %dma_wait3A_640, %dma_wait3A_648] : memref<3x1x128xi32, #tpu.memory_space<vmem>> -> memref<1x1x128xi32, #tpu.memory_space<vmem>>
    %dma_wait3A_650 = tpu.memref_squeeze %dma_wait3A_649 : memref<1x1x128xi32, #tpu.memory_space<vmem>> -> memref<128xi32, #tpu.memory_space<vmem>>
    %dma_wait3A_651 = tpu.memref_slice %arg2[%add3A_395] : memref<100000xi32, #tpu.memory_space<hbm>> -> memref<128xi32, #tpu.memory_space<hbm>>
    tpu.wait_dma2 semaphore(%dma_wait3A_647 : memref<!tpu.dma_semaphore, #tpu.memory_space<semaphore_mem>>) src(%dma_wait3A_651 : memref<128xi32, #tpu.memory_space<hbm>>) dst(%dma_wait3A_650 : memref<128xi32, #tpu.memory_space<vmem>>)
    %dma_wait3A_652 = arith.constant 0 : i32
    %dma_wait3A_653 = arith.constant 0 : i32
    %dma_wait3A_654 = arith.constant 0 : i32
    %dma_wait3A_655 = arith.constant 0 : i32
    %dma_wait3A_656 = tpu.memref_slice %arg6[%dma_wait3A_652, %dma_wait3A_654, %dma_wait3A_655] : memref<3x128x128xf32, #tpu.memory_space<vmem>> -> memref<1x128x128xf32, #tpu.memory_space<vmem>>
    %dma_wait3A_657 = tpu.memref_squeeze %dma_wait3A_656 : memref<1x128x128xf32, #tpu.memory_space<vmem>> -> memref<128x128xf32, #tpu.memory_space<vmem>>
    %dma_wait3A_658 = arith.constant 0 : i32
    %dma_wait3A_659 = tpu.memref_slice %arg4[%min3A_414, %dma_wait3A_658] : memref<100000x128xf32, #tpu.memory_space<hbm>> -> memref<128x128xf32, #tpu.memory_space<hbm>>
    %dma_wait3A_660 = tpu.memref_slice %arg10[%dma_wait3A_653] : memref<3x!tpu.dma_semaphore, #tpu.memory_space<semaphore_mem>> -> memref<1x!tpu.dma_semaphore, #tpu.memory_space<semaphore_mem>>
    %dma_wait3A_661 = tpu.memref_squeeze %dma_wait3A_660 : memref<1x!tpu.dma_semaphore, #tpu.memory_space<semaphore_mem>> -> memref<!tpu.dma_semaphore, #tpu.memory_space<semaphore_mem>>
    %dma_wait3A_662 = arith.constant 0 : i32
    %dma_wait3A_663 = tpu.memref_slice %arg4[%min3A_414, %dma_wait3A_662] : memref<100000x128xf32, #tpu.memory_space<hbm>> -> memref<128x128xf32, #tpu.memory_space<hbm>>
    %dma_wait3A_664 = arith.constant 0 : i32
    %dma_wait3A_665 = arith.constant 0 : i32
    %dma_wait3A_666 = tpu.memref_slice %arg6[%dma_wait3A_652, %dma_wait3A_664, %dma_wait3A_665] : memref<3x128x128xf32, #tpu.memory_space<vmem>> -> memref<1x128x128xf32, #tpu.memory_space<vmem>>
    %dma_wait3A_667 = tpu.memref_squeeze %dma_wait3A_666 : memref<1x128x128xf32, #tpu.memory_space<vmem>> -> memref<128x128xf32, #tpu.memory_space<vmem>>
    tpu.wait_dma2 semaphore(%dma_wait3A_661 : memref<!tpu.dma_semaphore, #tpu.memory_space<semaphore_mem>>) src(%dma_wait3A_667 : memref<128x128xf32, #tpu.memory_space<vmem>>) dst(%dma_wait3A_663 : memref<128x128xf32, #tpu.memory_space<hbm>>)
    %dma_start3A_668 = arith.constant 0 : i32
    %dma_start3A_669 = arith.constant 0 : i32
    %dma_start3A_670 = arith.constant 0 : i32
    %dma_start3A_671 = arith.constant 0 : i32
    %dma_start3A_672 = arith.constant 0 : i32
    %dma_start3A_673 = arith.constant 0 : i32
    %dma_start3A_674 = tpu.memref_slice %arg6[%dma_start3A_670, %dma_start3A_672, %dma_start3A_673] : memref<3x128x128xf32, #tpu.memory_space<vmem>> -> memref<1x128x128xf32, #tpu.memory_space<vmem>>
    %dma_start3A_675 = tpu.memref_squeeze %dma_start3A_674 : memref<1x128x128xf32, #tpu.memory_space<vmem>> -> memref<128x128xf32, #tpu.memory_space<vmem>>
    %dma_start3A_676 = arith.constant 0 : i32
    %dma_start3A_677 = tpu.memref_slice %arg5[%dma_start3A_668, %dma_start3A_669, %dma_start3A_676] : memref<3x1x128xi32, #tpu.memory_space<vmem>> -> memref<1x1x128xi32, #tpu.memory_space<vmem>>
    %dma_start3A_678 = tpu.memref_squeeze %dma_start3A_677 : memref<1x1x128xi32, #tpu.memory_space<vmem>> -> memref<128xi32, #tpu.memory_space<vmem>>
    %dma_start3A_679 = arith.constant 0 : i32
    %dma_start3A_680 = arith.constant 0 : i32
    %dma_start3A_681 = tpu.memref_slice %arg7[%dma_start3A_679, %dma_start3A_680] : memref<128x128xf32, #tpu.memory_space<vmem_shared>> -> memref<128x128xf32, #tpu.memory_space<vmem_shared>>
    %dma_start3A_682 = tpu.memref_slice %arg9[%dma_start3A_671] : memref<3x!tpu.dma_semaphore, #tpu.memory_space<semaphore_mem>> -> memref<1x!tpu.dma_semaphore, #tpu.memory_space<semaphore_mem>>
    %dma_start3A_683 = tpu.memref_squeeze %dma_start3A_682 : memref<1x!tpu.dma_semaphore, #tpu.memory_space<semaphore_mem>> -> memref<!tpu.dma_semaphore, #tpu.memory_space<semaphore_mem>>
    tpu.enqueue_indirect_dma source(%dma_start3A_681 : memref<128x128xf32, #tpu.memory_space<vmem_shared>>) target(%dma_start3A_675 : memref<128x128xf32, #tpu.memory_space<vmem>>) offsets(%dma_start3A_678 : memref<128xi32, #tpu.memory_space<vmem>>) semaphore(%dma_start3A_683 : memref<!tpu.dma_semaphore, #tpu.memory_space<semaphore_mem>>)
    %dma_wait3A_684 = arith.constant 0 : i32
    %dma_wait3A_685 = arith.constant 0 : i32
    %dma_wait3A_686 = arith.constant 0 : i32
    %dma_wait3A_687 = arith.constant 0 : i32
    %dma_wait3A_688 = arith.constant 0 : i32
    %dma_wait3A_689 = arith.constant 0 : i32
    %dma_wait3A_690 = tpu.memref_slice %arg6[%dma_wait3A_686, %dma_wait3A_688, %dma_wait3A_689] : memref<3x128x128xf32, #tpu.memory_space<vmem>> -> memref<1x128x128xf32, #tpu.memory_space<vmem>>
    %dma_wait3A_691 = tpu.memref_squeeze %dma_wait3A_690 : memref<1x128x128xf32, #tpu.memory_space<vmem>> -> memref<128x128xf32, #tpu.memory_space<vmem>>
    %dma_wait3A_692 = arith.constant 0 : i32
    %dma_wait3A_693 = tpu.memref_slice %arg5[%dma_wait3A_684, %dma_wait3A_685, %dma_wait3A_692] : memref<3x1x128xi32, #tpu.memory_space<vmem>> -> memref<1x1x128xi32, #tpu.memory_space<vmem>>
    %dma_wait3A_694 = tpu.memref_squeeze %dma_wait3A_693 : memref<1x1x128xi32, #tpu.memory_space<vmem>> -> memref<128xi32, #tpu.memory_space<vmem>>
    %dma_wait3A_695 = arith.constant 0 : i32
    %dma_wait3A_696 = arith.constant 0 : i32
    %dma_wait3A_697 = tpu.memref_slice %arg7[%dma_wait3A_695, %dma_wait3A_696] : memref<128x128xf32, #tpu.memory_space<vmem_shared>> -> memref<128x128xf32, #tpu.memory_space<vmem_shared>>
    %dma_wait3A_698 = tpu.memref_slice %arg9[%dma_wait3A_687] : memref<3x!tpu.dma_semaphore, #tpu.memory_space<semaphore_mem>> -> memref<1x!tpu.dma_semaphore, #tpu.memory_space<semaphore_mem>>
    %dma_wait3A_699 = tpu.memref_squeeze %dma_wait3A_698 : memref<1x!tpu.dma_semaphore, #tpu.memory_space<semaphore_mem>> -> memref<!tpu.dma_semaphore, #tpu.memory_space<semaphore_mem>>
    tpu.wait_indirect_dma semaphore(%dma_wait3A_699 : memref<!tpu.dma_semaphore, #tpu.memory_space<semaphore_mem>>) src(%dma_wait3A_697 : memref<128x128xf32, #tpu.memory_space<vmem_shared>>) dst(%dma_wait3A_691 : memref<128x128xf32, #tpu.memory_space<vmem>>)
    %add3A_700 = arith.constant 288 : i32
    %add3A_701 = arith.addi %add3A, %add3A_700 : i32
    %mul3A_702 = arith.constant 128 : i32
    %mul3A_703 = arith.muli %add3A_701, %mul3A_702 : i32
    %min3A_704 = arith.constant 99872 : i32
    %min3A_705 = arith.minsi %mul3A_703, %min3A_704 : i32
    %add3A_706 = arith.constant 0 : i32
    %add3A_707 = arith.addi %min3A_705, %add3A_706 : i32
    %dma_start3A_708 = arith.constant 0 : i32
    %dma_start3A_709 = arith.constant 0 : i32
    %dma_start3A_710 = arith.constant 0 : i32
    %dma_start3A_711 = arith.constant 0 : i32
    %dma_start3A_712 = tpu.memref_slice %arg5[%dma_start3A_708, %dma_start3A_709, %dma_start3A_711] : memref<3x1x128xi32, #tpu.memory_space<vmem>> -> memref<1x1x128xi32, #tpu.memory_space<vmem>>
    %dma_start3A_713 = tpu.memref_squeeze %dma_start3A_712 : memref<1x1x128xi32, #tpu.memory_space<vmem>> -> memref<128xi32, #tpu.memory_space<vmem>>
    %dma_start3A_714 = tpu.memref_slice %arg2[%add3A_707] : memref<100000xi32, #tpu.memory_space<hbm>> -> memref<128xi32, #tpu.memory_space<hbm>>
    %dma_start3A_715 = tpu.memref_slice %arg8[%dma_start3A_710] : memref<3x!tpu.dma_semaphore, #tpu.memory_space<semaphore_mem>> -> memref<1x!tpu.dma_semaphore, #tpu.memory_space<semaphore_mem>>
    %dma_start3A_716 = tpu.memref_squeeze %dma_start3A_715 : memref<1x!tpu.dma_semaphore, #tpu.memory_space<semaphore_mem>> -> memref<!tpu.dma_semaphore, #tpu.memory_space<semaphore_mem>>
    %dma_start3A_717 = arith.constant 0 : i32
    %dma_start3A_718 = tpu.memref_slice %arg5[%dma_start3A_708, %dma_start3A_709, %dma_start3A_717] : memref<3x1x128xi32, #tpu.memory_space<vmem>> -> memref<1x1x128xi32, #tpu.memory_space<vmem>>
    %dma_start3A_719 = tpu.memref_squeeze %dma_start3A_718 : memref<1x1x128xi32, #tpu.memory_space<vmem>> -> memref<128xi32, #tpu.memory_space<vmem>>
    %dma_start3A_720 = tpu.memref_slice %arg2[%add3A_707] : memref<100000xi32, #tpu.memory_space<hbm>> -> memref<128xi32, #tpu.memory_space<hbm>>
    tpu.enqueue_dma source(%dma_start3A_720 : memref<128xi32, #tpu.memory_space<hbm>>) target(%dma_start3A_719 : memref<128xi32, #tpu.memory_space<vmem>>) target_semaphore(%dma_start3A_716 : memref<!tpu.dma_semaphore, #tpu.memory_space<semaphore_mem>>)
    %add3A_721 = arith.constant 192 : i32
    %add3A_722 = arith.addi %add3A, %add3A_721 : i32
    %mul3A_723 = arith.constant 128 : i32
    %mul3A_724 = arith.muli %add3A_722, %mul3A_723 : i32
    %min3A_725 = arith.constant 99872 : i32
    %min3A_726 = arith.minsi %mul3A_724, %min3A_725 : i32
    %dma_start3A_727 = arith.constant 0 : i32
    %dma_start3A_728 = arith.constant 0 : i32
    %dma_start3A_729 = arith.constant 0 : i32
    %dma_start3A_730 = arith.constant 0 : i32
    %dma_start3A_731 = tpu.memref_slice %arg6[%dma_start3A_727, %dma_start3A_729, %dma_start3A_730] : memref<3x128x128xf32, #tpu.memory_space<vmem>> -> memref<1x128x128xf32, #tpu.memory_space<vmem>>
    %dma_start3A_732 = tpu.memref_squeeze %dma_start3A_731 : memref<1x128x128xf32, #tpu.memory_space<vmem>> -> memref<128x128xf32, #tpu.memory_space<vmem>>
    %dma_start3A_733 = arith.constant 0 : i32
    %dma_start3A_734 = tpu.memref_slice %arg4[%min3A_726, %dma_start3A_733] : memref<100000x128xf32, #tpu.memory_space<hbm>> -> memref<128x128xf32, #tpu.memory_space<hbm>>
    %dma_start3A_735 = tpu.memref_slice %arg10[%dma_start3A_728] : memref<3x!tpu.dma_semaphore, #tpu.memory_space<semaphore_mem>> -> memref<1x!tpu.dma_semaphore, #tpu.memory_space<semaphore_mem>>
    %dma_start3A_736 = tpu.memref_squeeze %dma_start3A_735 : memref<1x!tpu.dma_semaphore, #tpu.memory_space<semaphore_mem>> -> memref<!tpu.dma_semaphore, #tpu.memory_space<semaphore_mem>>
    %dma_start3A_737 = arith.constant 0 : i32
    %dma_start3A_738 = tpu.memref_slice %arg4[%min3A_726, %dma_start3A_737] : memref<100000x128xf32, #tpu.memory_space<hbm>> -> memref<128x128xf32, #tpu.memory_space<hbm>>
    %dma_start3A_739 = arith.constant 0 : i32
    %dma_start3A_740 = arith.constant 0 : i32
    %dma_start3A_741 = tpu.memref_slice %arg6[%dma_start3A_727, %dma_start3A_739, %dma_start3A_740] : memref<3x128x128xf32, #tpu.memory_space<vmem>> -> memref<1x128x128xf32, #tpu.memory_space<vmem>>
    %dma_start3A_742 = tpu.memref_squeeze %dma_start3A_741 : memref<1x128x128xf32, #tpu.memory_space<vmem>> -> memref<128x128xf32, #tpu.memory_space<vmem>>
    tpu.enqueue_dma source(%dma_start3A_742 : memref<128x128xf32, #tpu.memory_space<vmem>>) target(%dma_start3A_738 : memref<128x128xf32, #tpu.memory_space<hbm>>) target_semaphore(%dma_start3A_736 : memref<!tpu.dma_semaphore, #tpu.memory_space<semaphore_mem>>)
    %dma_wait3A_743 = arith.constant 1 : i32
    %dma_wait3A_744 = arith.constant 0 : i32
    %dma_wait3A_745 = arith.constant 1 : i32
    %dma_wait3A_746 = arith.constant 0 : i32
    %dma_wait3A_747 = tpu.memref_slice %arg5[%dma_wait3A_743, %dma_wait3A_744, %dma_wait3A_746] : memref<3x1x128xi32, #tpu.memory_space<vmem>> -> memref<1x1x128xi32, #tpu.memory_space<vmem>>
    %dma_wait3A_748 = tpu.memref_squeeze %dma_wait3A_747 : memref<1x1x128xi32, #tpu.memory_space<vmem>> -> memref<128xi32, #tpu.memory_space<vmem>>
    %dma_wait3A_749 = tpu.memref_slice %arg2[%add3A_499] : memref<100000xi32, #tpu.memory_space<hbm>> -> memref<128xi32, #tpu.memory_space<hbm>>
    %dma_wait3A_750 = tpu.memref_slice %arg8[%dma_wait3A_745] : memref<3x!tpu.dma_semaphore, #tpu.memory_space<semaphore_mem>> -> memref<1x!tpu.dma_semaphore, #tpu.memory_space<semaphore_mem>>
    %dma_wait3A_751 = tpu.memref_squeeze %dma_wait3A_750 : memref<1x!tpu.dma_semaphore, #tpu.memory_space<semaphore_mem>> -> memref<!tpu.dma_semaphore, #tpu.memory_space<semaphore_mem>>
    %dma_wait3A_752 = arith.constant 0 : i32
    %dma_wait3A_753 = tpu.memref_slice %arg5[%dma_wait3A_743, %dma_wait3A_744, %dma_wait3A_752] : memref<3x1x128xi32, #tpu.memory_space<vmem>> -> memref<1x1x128xi32, #tpu.memory_space<vmem>>
    %dma_wait3A_754 = tpu.memref_squeeze %dma_wait3A_753 : memref<1x1x128xi32, #tpu.memory_space<vmem>> -> memref<128xi32, #tpu.memory_space<vmem>>
    %dma_wait3A_755 = tpu.memref_slice %arg2[%add3A_499] : memref<100000xi32, #tpu.memory_space<hbm>> -> memref<128xi32, #tpu.memory_space<hbm>>
    tpu.wait_dma2 semaphore(%dma_wait3A_751 : memref<!tpu.dma_semaphore, #tpu.memory_space<semaphore_mem>>) src(%dma_wait3A_755 : memref<128xi32, #tpu.memory_space<hbm>>) dst(%dma_wait3A_754 : memref<128xi32, #tpu.memory_space<vmem>>)
    %dma_wait3A_756 = arith.constant 1 : i32
    %dma_wait3A_757 = arith.constant 1 : i32
    %dma_wait3A_758 = arith.constant 0 : i32
    %dma_wait3A_759 = arith.constant 0 : i32
    %dma_wait3A_760 = tpu.memref_slice %arg6[%dma_wait3A_756, %dma_wait3A_758, %dma_wait3A_759] : memref<3x128x128xf32, #tpu.memory_space<vmem>> -> memref<1x128x128xf32, #tpu.memory_space<vmem>>
    %dma_wait3A_761 = tpu.memref_squeeze %dma_wait3A_760 : memref<1x128x128xf32, #tpu.memory_space<vmem>> -> memref<128x128xf32, #tpu.memory_space<vmem>>
    %dma_wait3A_762 = arith.constant 0 : i32
    %dma_wait3A_763 = tpu.memref_slice %arg4[%min3A_518, %dma_wait3A_762] : memref<100000x128xf32, #tpu.memory_space<hbm>> -> memref<128x128xf32, #tpu.memory_space<hbm>>
    %dma_wait3A_764 = tpu.memref_slice %arg10[%dma_wait3A_757] : memref<3x!tpu.dma_semaphore, #tpu.memory_space<semaphore_mem>> -> memref<1x!tpu.dma_semaphore, #tpu.memory_space<semaphore_mem>>
    %dma_wait3A_765 = tpu.memref_squeeze %dma_wait3A_764 : memref<1x!tpu.dma_semaphore, #tpu.memory_space<semaphore_mem>> -> memref<!tpu.dma_semaphore, #tpu.memory_space<semaphore_mem>>
    %dma_wait3A_766 = arith.constant 0 : i32
    %dma_wait3A_767 = tpu.memref_slice %arg4[%min3A_518, %dma_wait3A_766] : memref<100000x128xf32, #tpu.memory_space<hbm>> -> memref<128x128xf32, #tpu.memory_space<hbm>>
    %dma_wait3A_768 = arith.constant 0 : i32
    %dma_wait3A_769 = arith.constant 0 : i32
    %dma_wait3A_770 = tpu.memref_slice %arg6[%dma_wait3A_756, %dma_wait3A_768, %dma_wait3A_769] : memref<3x128x128xf32, #tpu.memory_space<vmem>> -> memref<1x128x128xf32, #tpu.memory_space<vmem>>
    %dma_wait3A_771 = tpu.memref_squeeze %dma_wait3A_770 : memref<1x128x128xf32, #tpu.memory_space<vmem>> -> memref<128x128xf32, #tpu.memory_space<vmem>>
    tpu.wait_dma2 semaphore(%dma_wait3A_765 : memref<!tpu.dma_semaphore, #tpu.memory_space<semaphore_mem>>) src(%dma_wait3A_771 : memref<128x128xf32, #tpu.memory_space<vmem>>) dst(%dma_wait3A_767 : memref<128x128xf32, #tpu.memory_space<hbm>>)
    %dma_start3A_772 = arith.constant 1 : i32
    %dma_start3A_773 = arith.constant 0 : i32
    %dma_start3A_774 = arith.constant 1 : i32
    %dma_start3A_775 = arith.constant 1 : i32
    %dma_start3A_776 = arith.constant 0 : i32
    %dma_start3A_777 = arith.constant 0 : i32
    %dma_start3A_778 = tpu.memref_slice %arg6[%dma_start3A_774, %dma_start3A_776, %dma_start3A_777] : memref<3x128x128xf32, #tpu.memory_space<vmem>> -> memref<1x128x128xf32, #tpu.memory_space<vmem>>
    %dma_start3A_779 = tpu.memref_squeeze %dma_start3A_778 : memref<1x128x128xf32, #tpu.memory_space<vmem>> -> memref<128x128xf32, #tpu.memory_space<vmem>>
    %dma_start3A_780 = arith.constant 0 : i32
    %dma_start3A_781 = tpu.memref_slice %arg5[%dma_start3A_772, %dma_start3A_773, %dma_start3A_780] : memref<3x1x128xi32, #tpu.memory_space<vmem>> -> memref<1x1x128xi32, #tpu.memory_space<vmem>>
    %dma_start3A_782 = tpu.memref_squeeze %dma_start3A_781 : memref<1x1x128xi32, #tpu.memory_space<vmem>> -> memref<128xi32, #tpu.memory_space<vmem>>
    %dma_start3A_783 = arith.constant 0 : i32
    %dma_start3A_784 = arith.constant 0 : i32
    %dma_start3A_785 = tpu.memref_slice %arg7[%dma_start3A_783, %dma_start3A_784] : memref<128x128xf32, #tpu.memory_space<vmem_shared>> -> memref<128x128xf32, #tpu.memory_space<vmem_shared>>
    %dma_start3A_786 = tpu.memref_slice %arg9[%dma_start3A_775] : memref<3x!tpu.dma_semaphore, #tpu.memory_space<semaphore_mem>> -> memref<1x!tpu.dma_semaphore, #tpu.memory_space<semaphore_mem>>
    %dma_start3A_787 = tpu.memref_squeeze %dma_start3A_786 : memref<1x!tpu.dma_semaphore, #tpu.memory_space<semaphore_mem>> -> memref<!tpu.dma_semaphore, #tpu.memory_space<semaphore_mem>>
    tpu.enqueue_indirect_dma source(%dma_start3A_785 : memref<128x128xf32, #tpu.memory_space<vmem_shared>>) target(%dma_start3A_779 : memref<128x128xf32, #tpu.memory_space<vmem>>) offsets(%dma_start3A_782 : memref<128xi32, #tpu.memory_space<vmem>>) semaphore(%dma_start3A_787 : memref<!tpu.dma_semaphore, #tpu.memory_space<semaphore_mem>>)
    %dma_wait3A_788 = arith.constant 1 : i32
    %dma_wait3A_789 = arith.constant 0 : i32
    %dma_wait3A_790 = arith.constant 1 : i32
    %dma_wait3A_791 = arith.constant 1 : i32
    %dma_wait3A_792 = arith.constant 0 : i32
    %dma_wait3A_793 = arith.constant 0 : i32
    %dma_wait3A_794 = tpu.memref_slice %arg6[%dma_wait3A_790, %dma_wait3A_792, %dma_wait3A_793] : memref<3x128x128xf32, #tpu.memory_space<vmem>> -> memref<1x128x128xf32, #tpu.memory_space<vmem>>
    %dma_wait3A_795 = tpu.memref_squeeze %dma_wait3A_794 : memref<1x128x128xf32, #tpu.memory_space<vmem>> -> memref<128x128xf32, #tpu.memory_space<vmem>>
    %dma_wait3A_796 = arith.constant 0 : i32
    %dma_wait3A_797 = tpu.memref_slice %arg5[%dma_wait3A_788, %dma_wait3A_789, %dma_wait3A_796] : memref<3x1x128xi32, #tpu.memory_space<vmem>> -> memref<1x1x128xi32, #tpu.memory_space<vmem>>
    %dma_wait3A_798 = tpu.memref_squeeze %dma_wait3A_797 : memref<1x1x128xi32, #tpu.memory_space<vmem>> -> memref<128xi32, #tpu.memory_space<vmem>>
    %dma_wait3A_799 = arith.constant 0 : i32
    %dma_wait3A_800 = arith.constant 0 : i32
    %dma_wait3A_801 = tpu.memref_slice %arg7[%dma_wait3A_799, %dma_wait3A_800] : memref<128x128xf32, #tpu.memory_space<vmem_shared>> -> memref<128x128xf32, #tpu.memory_space<vmem_shared>>
    %dma_wait3A_802 = tpu.memref_slice %arg9[%dma_wait3A_791] : memref<3x!tpu.dma_semaphore, #tpu.memory_space<semaphore_mem>> -> memref<1x!tpu.dma_semaphore, #tpu.memory_space<semaphore_mem>>
    %dma_wait3A_803 = tpu.memref_squeeze %dma_wait3A_802 : memref<1x!tpu.dma_semaphore, #tpu.memory_space<semaphore_mem>> -> memref<!tpu.dma_semaphore, #tpu.memory_space<semaphore_mem>>
    tpu.wait_indirect_dma semaphore(%dma_wait3A_803 : memref<!tpu.dma_semaphore, #tpu.memory_space<semaphore_mem>>) src(%dma_wait3A_801 : memref<128x128xf32, #tpu.memory_space<vmem_shared>>) dst(%dma_wait3A_795 : memref<128x128xf32, #tpu.memory_space<vmem>>)
    %add3A_804 = arith.constant 320 : i32
    %add3A_805 = arith.addi %add3A, %add3A_804 : i32
    %mul3A_806 = arith.constant 128 : i32
    %mul3A_807 = arith.muli %add3A_805, %mul3A_806 : i32
    %min3A_808 = arith.constant 99872 : i32
    %min3A_809 = arith.minsi %mul3A_807, %min3A_808 : i32
    %add3A_810 = arith.constant 0 : i32
    %add3A_811 = arith.addi %min3A_809, %add3A_810 : i32
    %dma_start3A_812 = arith.constant 1 : i32
    %dma_start3A_813 = arith.constant 0 : i32
    %dma_start3A_814 = arith.constant 1 : i32
    %dma_start3A_815 = arith.constant 0 : i32
    %dma_start3A_816 = tpu.memref_slice %arg5[%dma_start3A_812, %dma_start3A_813, %dma_start3A_815] : memref<3x1x128xi32, #tpu.memory_space<vmem>> -> memref<1x1x128xi32, #tpu.memory_space<vmem>>
    %dma_start3A_817 = tpu.memref_squeeze %dma_start3A_816 : memref<1x1x128xi32, #tpu.memory_space<vmem>> -> memref<128xi32, #tpu.memory_space<vmem>>
    %dma_start3A_818 = tpu.memref_slice %arg2[%add3A_811] : memref<100000xi32, #tpu.memory_space<hbm>> -> memref<128xi32, #tpu.memory_space<hbm>>
    %dma_start3A_819 = tpu.memref_slice %arg8[%dma_start3A_814] : memref<3x!tpu.dma_semaphore, #tpu.memory_space<semaphore_mem>> -> memref<1x!tpu.dma_semaphore, #tpu.memory_space<semaphore_mem>>
    %dma_start3A_820 = tpu.memref_squeeze %dma_start3A_819 : memref<1x!tpu.dma_semaphore, #tpu.memory_space<semaphore_mem>> -> memref<!tpu.dma_semaphore, #tpu.memory_space<semaphore_mem>>
    %dma_start3A_821 = arith.constant 0 : i32
    %dma_start3A_822 = tpu.memref_slice %arg5[%dma_start3A_812, %dma_start3A_813, %dma_start3A_821] : memref<3x1x128xi32, #tpu.memory_space<vmem>> -> memref<1x1x128xi32, #tpu.memory_space<vmem>>
    %dma_start3A_823 = tpu.memref_squeeze %dma_start3A_822 : memref<1x1x128xi32, #tpu.memory_space<vmem>> -> memref<128xi32, #tpu.memory_space<vmem>>
    %dma_start3A_824 = tpu.memref_slice %arg2[%add3A_811] : memref<100000xi32, #tpu.memory_space<hbm>> -> memref<128xi32, #tpu.memory_space<hbm>>
    tpu.enqueue_dma source(%dma_start3A_824 : memref<128xi32, #tpu.memory_space<hbm>>) target(%dma_start3A_823 : memref<128xi32, #tpu.memory_space<vmem>>) target_semaphore(%dma_start3A_820 : memref<!tpu.dma_semaphore, #tpu.memory_space<semaphore_mem>>)
    %add3A_825 = arith.constant 224 : i32
    %add3A_826 = arith.addi %add3A, %add3A_825 : i32
    %mul3A_827 = arith.constant 128 : i32
    %mul3A_828 = arith.muli %add3A_826, %mul3A_827 : i32
    %min3A_829 = arith.constant 99872 : i32
    %min3A_830 = arith.minsi %mul3A_828, %min3A_829 : i32
    %dma_start3A_831 = arith.constant 1 : i32
    %dma_start3A_832 = arith.constant 1 : i32
    %dma_start3A_833 = arith.constant 0 : i32
    %dma_start3A_834 = arith.constant 0 : i32
    %dma_start3A_835 = tpu.memref_slice %arg6[%dma_start3A_831, %dma_start3A_833, %dma_start3A_834] : memref<3x128x128xf32, #tpu.memory_space<vmem>> -> memref<1x128x128xf32, #tpu.memory_space<vmem>>
    %dma_start3A_836 = tpu.memref_squeeze %dma_start3A_835 : memref<1x128x128xf32, #tpu.memory_space<vmem>> -> memref<128x128xf32, #tpu.memory_space<vmem>>
    %dma_start3A_837 = arith.constant 0 : i32
    %dma_start3A_838 = tpu.memref_slice %arg4[%min3A_830, %dma_start3A_837] : memref<100000x128xf32, #tpu.memory_space<hbm>> -> memref<128x128xf32, #tpu.memory_space<hbm>>
    %dma_start3A_839 = tpu.memref_slice %arg10[%dma_start3A_832] : memref<3x!tpu.dma_semaphore, #tpu.memory_space<semaphore_mem>> -> memref<1x!tpu.dma_semaphore, #tpu.memory_space<semaphore_mem>>
    %dma_start3A_840 = tpu.memref_squeeze %dma_start3A_839 : memref<1x!tpu.dma_semaphore, #tpu.memory_space<semaphore_mem>> -> memref<!tpu.dma_semaphore, #tpu.memory_space<semaphore_mem>>
    %dma_start3A_841 = arith.constant 0 : i32
    %dma_start3A_842 = tpu.memref_slice %arg4[%min3A_830, %dma_start3A_841] : memref<100000x128xf32, #tpu.memory_space<hbm>> -> memref<128x128xf32, #tpu.memory_space<hbm>>
    %dma_start3A_843 = arith.constant 0 : i32
    %dma_start3A_844 = arith.constant 0 : i32
    %dma_start3A_845 = tpu.memref_slice %arg6[%dma_start3A_831, %dma_start3A_843, %dma_start3A_844] : memref<3x128x128xf32, #tpu.memory_space<vmem>> -> memref<1x128x128xf32, #tpu.memory_space<vmem>>
    %dma_start3A_846 = tpu.memref_squeeze %dma_start3A_845 : memref<1x128x128xf32, #tpu.memory_space<vmem>> -> memref<128x128xf32, #tpu.memory_space<vmem>>
    tpu.enqueue_dma source(%dma_start3A_846 : memref<128x128xf32, #tpu.memory_space<vmem>>) target(%dma_start3A_842 : memref<128x128xf32, #tpu.memory_space<hbm>>) target_semaphore(%dma_start3A_840 : memref<!tpu.dma_semaphore, #tpu.memory_space<semaphore_mem>>)
    %dma_wait3A_847 = arith.constant 2 : i32
    %dma_wait3A_848 = arith.constant 0 : i32
    %dma_wait3A_849 = arith.constant 2 : i32
    %dma_wait3A_850 = arith.constant 0 : i32
    %dma_wait3A_851 = tpu.memref_slice %arg5[%dma_wait3A_847, %dma_wait3A_848, %dma_wait3A_850] : memref<3x1x128xi32, #tpu.memory_space<vmem>> -> memref<1x1x128xi32, #tpu.memory_space<vmem>>
    %dma_wait3A_852 = tpu.memref_squeeze %dma_wait3A_851 : memref<1x1x128xi32, #tpu.memory_space<vmem>> -> memref<128xi32, #tpu.memory_space<vmem>>
    %dma_wait3A_853 = tpu.memref_slice %arg2[%add3A_603] : memref<100000xi32, #tpu.memory_space<hbm>> -> memref<128xi32, #tpu.memory_space<hbm>>
    %dma_wait3A_854 = tpu.memref_slice %arg8[%dma_wait3A_849] : memref<3x!tpu.dma_semaphore, #tpu.memory_space<semaphore_mem>> -> memref<1x!tpu.dma_semaphore, #tpu.memory_space<semaphore_mem>>
    %dma_wait3A_855 = tpu.memref_squeeze %dma_wait3A_854 : memref<1x!tpu.dma_semaphore, #tpu.memory_space<semaphore_mem>> -> memref<!tpu.dma_semaphore, #tpu.memory_space<semaphore_mem>>
    %dma_wait3A_856 = arith.constant 0 : i32
    %dma_wait3A_857 = tpu.memref_slice %arg5[%dma_wait3A_847, %dma_wait3A_848, %dma_wait3A_856] : memref<3x1x128xi32, #tpu.memory_space<vmem>> -> memref<1x1x128xi32, #tpu.memory_space<vmem>>
    %dma_wait3A_858 = tpu.memref_squeeze %dma_wait3A_857 : memref<1x1x128xi32, #tpu.memory_space<vmem>> -> memref<128xi32, #tpu.memory_space<vmem>>
    %dma_wait3A_859 = tpu.memref_slice %arg2[%add3A_603] : memref<100000xi32, #tpu.memory_space<hbm>> -> memref<128xi32, #tpu.memory_space<hbm>>
    tpu.wait_dma2 semaphore(%dma_wait3A_855 : memref<!tpu.dma_semaphore, #tpu.memory_space<semaphore_mem>>) src(%dma_wait3A_859 : memref<128xi32, #tpu.memory_space<hbm>>) dst(%dma_wait3A_858 : memref<128xi32, #tpu.memory_space<vmem>>)
    %dma_wait3A_860 = arith.constant 2 : i32
    %dma_wait3A_861 = arith.constant 2 : i32
    %dma_wait3A_862 = arith.constant 0 : i32
    %dma_wait3A_863 = arith.constant 0 : i32
    %dma_wait3A_864 = tpu.memref_slice %arg6[%dma_wait3A_860, %dma_wait3A_862, %dma_wait3A_863] : memref<3x128x128xf32, #tpu.memory_space<vmem>> -> memref<1x128x128xf32, #tpu.memory_space<vmem>>
    %dma_wait3A_865 = tpu.memref_squeeze %dma_wait3A_864 : memref<1x128x128xf32, #tpu.memory_space<vmem>> -> memref<128x128xf32, #tpu.memory_space<vmem>>
    %dma_wait3A_866 = arith.constant 0 : i32
    %dma_wait3A_867 = tpu.memref_slice %arg4[%min3A_622, %dma_wait3A_866] : memref<100000x128xf32, #tpu.memory_space<hbm>> -> memref<128x128xf32, #tpu.memory_space<hbm>>
    %dma_wait3A_868 = tpu.memref_slice %arg10[%dma_wait3A_861] : memref<3x!tpu.dma_semaphore, #tpu.memory_space<semaphore_mem>> -> memref<1x!tpu.dma_semaphore, #tpu.memory_space<semaphore_mem>>
    %dma_wait3A_869 = tpu.memref_squeeze %dma_wait3A_868 : memref<1x!tpu.dma_semaphore, #tpu.memory_space<semaphore_mem>> -> memref<!tpu.dma_semaphore, #tpu.memory_space<semaphore_mem>>
    %dma_wait3A_870 = arith.constant 0 : i32
    %dma_wait3A_871 = tpu.memref_slice %arg4[%min3A_622, %dma_wait3A_870] : memref<100000x128xf32, #tpu.memory_space<hbm>> -> memref<128x128xf32, #tpu.memory_space<hbm>>
    %dma_wait3A_872 = arith.constant 0 : i32
    %dma_wait3A_873 = arith.constant 0 : i32
    %dma_wait3A_874 = tpu.memref_slice %arg6[%dma_wait3A_860, %dma_wait3A_872, %dma_wait3A_873] : memref<3x128x128xf32, #tpu.memory_space<vmem>> -> memref<1x128x128xf32, #tpu.memory_space<vmem>>
    %dma_wait3A_875 = tpu.memref_squeeze %dma_wait3A_874 : memref<1x128x128xf32, #tpu.memory_space<vmem>> -> memref<128x128xf32, #tpu.memory_space<vmem>>
    tpu.wait_dma2 semaphore(%dma_wait3A_869 : memref<!tpu.dma_semaphore, #tpu.memory_space<semaphore_mem>>) src(%dma_wait3A_875 : memref<128x128xf32, #tpu.memory_space<vmem>>) dst(%dma_wait3A_871 : memref<128x128xf32, #tpu.memory_space<hbm>>)
    %dma_start3A_876 = arith.constant 2 : i32
    %dma_start3A_877 = arith.constant 0 : i32
    %dma_start3A_878 = arith.constant 2 : i32
    %dma_start3A_879 = arith.constant 2 : i32
    %dma_start3A_880 = arith.constant 0 : i32
    %dma_start3A_881 = arith.constant 0 : i32
    %dma_start3A_882 = tpu.memref_slice %arg6[%dma_start3A_878, %dma_start3A_880, %dma_start3A_881] : memref<3x128x128xf32, #tpu.memory_space<vmem>> -> memref<1x128x128xf32, #tpu.memory_space<vmem>>
    %dma_start3A_883 = tpu.memref_squeeze %dma_start3A_882 : memref<1x128x128xf32, #tpu.memory_space<vmem>> -> memref<128x128xf32, #tpu.memory_space<vmem>>
    %dma_start3A_884 = arith.constant 0 : i32
    %dma_start3A_885 = tpu.memref_slice %arg5[%dma_start3A_876, %dma_start3A_877, %dma_start3A_884] : memref<3x1x128xi32, #tpu.memory_space<vmem>> -> memref<1x1x128xi32, #tpu.memory_space<vmem>>
    %dma_start3A_886 = tpu.memref_squeeze %dma_start3A_885 : memref<1x1x128xi32, #tpu.memory_space<vmem>> -> memref<128xi32, #tpu.memory_space<vmem>>
    %dma_start3A_887 = arith.constant 0 : i32
    %dma_start3A_888 = arith.constant 0 : i32
    %dma_start3A_889 = tpu.memref_slice %arg7[%dma_start3A_887, %dma_start3A_888] : memref<128x128xf32, #tpu.memory_space<vmem_shared>> -> memref<128x128xf32, #tpu.memory_space<vmem_shared>>
    %dma_start3A_890 = tpu.memref_slice %arg9[%dma_start3A_879] : memref<3x!tpu.dma_semaphore, #tpu.memory_space<semaphore_mem>> -> memref<1x!tpu.dma_semaphore, #tpu.memory_space<semaphore_mem>>
    %dma_start3A_891 = tpu.memref_squeeze %dma_start3A_890 : memref<1x!tpu.dma_semaphore, #tpu.memory_space<semaphore_mem>> -> memref<!tpu.dma_semaphore, #tpu.memory_space<semaphore_mem>>
    tpu.enqueue_indirect_dma source(%dma_start3A_889 : memref<128x128xf32, #tpu.memory_space<vmem_shared>>) target(%dma_start3A_883 : memref<128x128xf32, #tpu.memory_space<vmem>>) offsets(%dma_start3A_886 : memref<128xi32, #tpu.memory_space<vmem>>) semaphore(%dma_start3A_891 : memref<!tpu.dma_semaphore, #tpu.memory_space<semaphore_mem>>)
    %dma_wait3A_892 = arith.constant 2 : i32
    %dma_wait3A_893 = arith.constant 0 : i32
    %dma_wait3A_894 = arith.constant 2 : i32
    %dma_wait3A_895 = arith.constant 2 : i32
    %dma_wait3A_896 = arith.constant 0 : i32
    %dma_wait3A_897 = arith.constant 0 : i32
    %dma_wait3A_898 = tpu.memref_slice %arg6[%dma_wait3A_894, %dma_wait3A_896, %dma_wait3A_897] : memref<3x128x128xf32, #tpu.memory_space<vmem>> -> memref<1x128x128xf32, #tpu.memory_space<vmem>>
    %dma_wait3A_899 = tpu.memref_squeeze %dma_wait3A_898 : memref<1x128x128xf32, #tpu.memory_space<vmem>> -> memref<128x128xf32, #tpu.memory_space<vmem>>
    %dma_wait3A_900 = arith.constant 0 : i32
    %dma_wait3A_901 = tpu.memref_slice %arg5[%dma_wait3A_892, %dma_wait3A_893, %dma_wait3A_900] : memref<3x1x128xi32, #tpu.memory_space<vmem>> -> memref<1x1x128xi32, #tpu.memory_space<vmem>>
    %dma_wait3A_902 = tpu.memref_squeeze %dma_wait3A_901 : memref<1x1x128xi32, #tpu.memory_space<vmem>> -> memref<128xi32, #tpu.memory_space<vmem>>
    %dma_wait3A_903 = arith.constant 0 : i32
    %dma_wait3A_904 = arith.constant 0 : i32
    %dma_wait3A_905 = tpu.memref_slice %arg7[%dma_wait3A_903, %dma_wait3A_904] : memref<128x128xf32, #tpu.memory_space<vmem_shared>> -> memref<128x128xf32, #tpu.memory_space<vmem_shared>>
    %dma_wait3A_906 = tpu.memref_slice %arg9[%dma_wait3A_895] : memref<3x!tpu.dma_semaphore, #tpu.memory_space<semaphore_mem>> -> memref<1x!tpu.dma_semaphore, #tpu.memory_space<semaphore_mem>>
    %dma_wait3A_907 = tpu.memref_squeeze %dma_wait3A_906 : memref<1x!tpu.dma_semaphore, #tpu.memory_space<semaphore_mem>> -> memref<!tpu.dma_semaphore, #tpu.memory_space<semaphore_mem>>
    tpu.wait_indirect_dma semaphore(%dma_wait3A_907 : memref<!tpu.dma_semaphore, #tpu.memory_space<semaphore_mem>>) src(%dma_wait3A_905 : memref<128x128xf32, #tpu.memory_space<vmem_shared>>) dst(%dma_wait3A_899 : memref<128x128xf32, #tpu.memory_space<vmem>>)
    %add3A_908 = arith.constant 352 : i32
    %add3A_909 = arith.addi %add3A, %add3A_908 : i32
    %mul3A_910 = arith.constant 128 : i32
    %mul3A_911 = arith.muli %add3A_909, %mul3A_910 : i32
    %min3A_912 = arith.constant 99872 : i32
    %min3A_913 = arith.minsi %mul3A_911, %min3A_912 : i32
    %add3A_914 = arith.constant 0 : i32
    %add3A_915 = arith.addi %min3A_913, %add3A_914 : i32
    %dma_start3A_916 = arith.constant 2 : i32
    %dma_start3A_917 = arith.constant 0 : i32
    %dma_start3A_918 = arith.constant 2 : i32
    %dma_start3A_919 = arith.constant 0 : i32
    %dma_start3A_920 = tpu.memref_slice %arg5[%dma_start3A_916, %dma_start3A_917, %dma_start3A_919] : memref<3x1x128xi32, #tpu.memory_space<vmem>> -> memref<1x1x128xi32, #tpu.memory_space<vmem>>
    %dma_start3A_921 = tpu.memref_squeeze %dma_start3A_920 : memref<1x1x128xi32, #tpu.memory_space<vmem>> -> memref<128xi32, #tpu.memory_space<vmem>>
    %dma_start3A_922 = tpu.memref_slice %arg2[%add3A_915] : memref<100000xi32, #tpu.memory_space<hbm>> -> memref<128xi32, #tpu.memory_space<hbm>>
    %dma_start3A_923 = tpu.memref_slice %arg8[%dma_start3A_918] : memref<3x!tpu.dma_semaphore, #tpu.memory_space<semaphore_mem>> -> memref<1x!tpu.dma_semaphore, #tpu.memory_space<semaphore_mem>>
    %dma_start3A_924 = tpu.memref_squeeze %dma_start3A_923 : memref<1x!tpu.dma_semaphore, #tpu.memory_space<semaphore_mem>> -> memref<!tpu.dma_semaphore, #tpu.memory_space<semaphore_mem>>
    %dma_start3A_925 = arith.constant 0 : i32
    %dma_start3A_926 = tpu.memref_slice %arg5[%dma_start3A_916, %dma_start3A_917, %dma_start3A_925] : memref<3x1x128xi32, #tpu.memory_space<vmem>> -> memref<1x1x128xi32, #tpu.memory_space<vmem>>
    %dma_start3A_927 = tpu.memref_squeeze %dma_start3A_926 : memref<1x1x128xi32, #tpu.memory_space<vmem>> -> memref<128xi32, #tpu.memory_space<vmem>>
    %dma_start3A_928 = tpu.memref_slice %arg2[%add3A_915] : memref<100000xi32, #tpu.memory_space<hbm>> -> memref<128xi32, #tpu.memory_space<hbm>>
    tpu.enqueue_dma source(%dma_start3A_928 : memref<128xi32, #tpu.memory_space<hbm>>) target(%dma_start3A_927 : memref<128xi32, #tpu.memory_space<vmem>>) target_semaphore(%dma_start3A_924 : memref<!tpu.dma_semaphore, #tpu.memory_space<semaphore_mem>>)
    %add3A_929 = arith.constant 256 : i32
    %add3A_930 = arith.addi %add3A, %add3A_929 : i32
    %mul3A_931 = arith.constant 128 : i32
    %mul3A_932 = arith.muli %add3A_930, %mul3A_931 : i32
    %min3A_933 = arith.constant 99872 : i32
    %min3A_934 = arith.minsi %mul3A_932, %min3A_933 : i32
    %dma_start3A_935 = arith.constant 2 : i32
    %dma_start3A_936 = arith.constant 2 : i32
    %dma_start3A_937 = arith.constant 0 : i32
    %dma_start3A_938 = arith.constant 0 : i32
    %dma_start3A_939 = tpu.memref_slice %arg6[%dma_start3A_935, %dma_start3A_937, %dma_start3A_938] : memref<3x128x128xf32, #tpu.memory_space<vmem>> -> memref<1x128x128xf32, #tpu.memory_space<vmem>>
    %dma_start3A_940 = tpu.memref_squeeze %dma_start3A_939 : memref<1x128x128xf32, #tpu.memory_space<vmem>> -> memref<128x128xf32, #tpu.memory_space<vmem>>
    %dma_start3A_941 = arith.constant 0 : i32
    %dma_start3A_942 = tpu.memref_slice %arg4[%min3A_934, %dma_start3A_941] : memref<100000x128xf32, #tpu.memory_space<hbm>> -> memref<128x128xf32, #tpu.memory_space<hbm>>
    %dma_start3A_943 = tpu.memref_slice %arg10[%dma_start3A_936] : memref<3x!tpu.dma_semaphore, #tpu.memory_space<semaphore_mem>> -> memref<1x!tpu.dma_semaphore, #tpu.memory_space<semaphore_mem>>
    %dma_start3A_944 = tpu.memref_squeeze %dma_start3A_943 : memref<1x!tpu.dma_semaphore, #tpu.memory_space<semaphore_mem>> -> memref<!tpu.dma_semaphore, #tpu.memory_space<semaphore_mem>>
    %dma_start3A_945 = arith.constant 0 : i32
    %dma_start3A_946 = tpu.memref_slice %arg4[%min3A_934, %dma_start3A_945] : memref<100000x128xf32, #tpu.memory_space<hbm>> -> memref<128x128xf32, #tpu.memory_space<hbm>>
    %dma_start3A_947 = arith.constant 0 : i32
    %dma_start3A_948 = arith.constant 0 : i32
    %dma_start3A_949 = tpu.memref_slice %arg6[%dma_start3A_935, %dma_start3A_947, %dma_start3A_948] : memref<3x128x128xf32, #tpu.memory_space<vmem>> -> memref<1x128x128xf32, #tpu.memory_space<vmem>>
    %dma_start3A_950 = tpu.memref_squeeze %dma_start3A_949 : memref<1x128x128xf32, #tpu.memory_space<vmem>> -> memref<128x128xf32, #tpu.memory_space<vmem>>
    tpu.enqueue_dma source(%dma_start3A_950 : memref<128x128xf32, #tpu.memory_space<vmem>>) target(%dma_start3A_946 : memref<128x128xf32, #tpu.memory_space<hbm>>) target_semaphore(%dma_start3A_944 : memref<!tpu.dma_semaphore, #tpu.memory_space<semaphore_mem>>)
    %dma_wait3A_951 = arith.constant 0 : i32
    %dma_wait3A_952 = arith.constant 0 : i32
    %dma_wait3A_953 = arith.constant 0 : i32
    %dma_wait3A_954 = arith.constant 0 : i32
    %dma_wait3A_955 = tpu.memref_slice %arg5[%dma_wait3A_951, %dma_wait3A_952, %dma_wait3A_954] : memref<3x1x128xi32, #tpu.memory_space<vmem>> -> memref<1x1x128xi32, #tpu.memory_space<vmem>>
    %dma_wait3A_956 = tpu.memref_squeeze %dma_wait3A_955 : memref<1x1x128xi32, #tpu.memory_space<vmem>> -> memref<128xi32, #tpu.memory_space<vmem>>
    %dma_wait3A_957 = tpu.memref_slice %arg2[%add3A_707] : memref<100000xi32, #tpu.memory_space<hbm>> -> memref<128xi32, #tpu.memory_space<hbm>>
    %dma_wait3A_958 = tpu.memref_slice %arg8[%dma_wait3A_953] : memref<3x!tpu.dma_semaphore, #tpu.memory_space<semaphore_mem>> -> memref<1x!tpu.dma_semaphore, #tpu.memory_space<semaphore_mem>>
    %dma_wait3A_959 = tpu.memref_squeeze %dma_wait3A_958 : memref<1x!tpu.dma_semaphore, #tpu.memory_space<semaphore_mem>> -> memref<!tpu.dma_semaphore, #tpu.memory_space<semaphore_mem>>
    %dma_wait3A_960 = arith.constant 0 : i32
    %dma_wait3A_961 = tpu.memref_slice %arg5[%dma_wait3A_951, %dma_wait3A_952, %dma_wait3A_960] : memref<3x1x128xi32, #tpu.memory_space<vmem>> -> memref<1x1x128xi32, #tpu.memory_space<vmem>>
    %dma_wait3A_962 = tpu.memref_squeeze %dma_wait3A_961 : memref<1x1x128xi32, #tpu.memory_space<vmem>> -> memref<128xi32, #tpu.memory_space<vmem>>
    %dma_wait3A_963 = tpu.memref_slice %arg2[%add3A_707] : memref<100000xi32, #tpu.memory_space<hbm>> -> memref<128xi32, #tpu.memory_space<hbm>>
    tpu.wait_dma2 semaphore(%dma_wait3A_959 : memref<!tpu.dma_semaphore, #tpu.memory_space<semaphore_mem>>) src(%dma_wait3A_963 : memref<128xi32, #tpu.memory_space<hbm>>) dst(%dma_wait3A_962 : memref<128xi32, #tpu.memory_space<vmem>>)
    %dma_wait3A_964 = arith.constant 0 : i32
    %dma_wait3A_965 = arith.constant 0 : i32
    %dma_wait3A_966 = arith.constant 0 : i32
    %dma_wait3A_967 = arith.constant 0 : i32
    %dma_wait3A_968 = tpu.memref_slice %arg6[%dma_wait3A_964, %dma_wait3A_966, %dma_wait3A_967] : memref<3x128x128xf32, #tpu.memory_space<vmem>> -> memref<1x128x128xf32, #tpu.memory_space<vmem>>
    %dma_wait3A_969 = tpu.memref_squeeze %dma_wait3A_968 : memref<1x128x128xf32, #tpu.memory_space<vmem>> -> memref<128x128xf32, #tpu.memory_space<vmem>>
    %dma_wait3A_970 = arith.constant 0 : i32
    %dma_wait3A_971 = tpu.memref_slice %arg4[%min3A_726, %dma_wait3A_970] : memref<100000x128xf32, #tpu.memory_space<hbm>> -> memref<128x128xf32, #tpu.memory_space<hbm>>
    %dma_wait3A_972 = tpu.memref_slice %arg10[%dma_wait3A_965] : memref<3x!tpu.dma_semaphore, #tpu.memory_space<semaphore_mem>> -> memref<1x!tpu.dma_semaphore, #tpu.memory_space<semaphore_mem>>
    %dma_wait3A_973 = tpu.memref_squeeze %dma_wait3A_972 : memref<1x!tpu.dma_semaphore, #tpu.memory_space<semaphore_mem>> -> memref<!tpu.dma_semaphore, #tpu.memory_space<semaphore_mem>>
    %dma_wait3A_974 = arith.constant 0 : i32
    %dma_wait3A_975 = tpu.memref_slice %arg4[%min3A_726, %dma_wait3A_974] : memref<100000x128xf32, #tpu.memory_space<hbm>> -> memref<128x128xf32, #tpu.memory_space<hbm>>
    %dma_wait3A_976 = arith.constant 0 : i32
    %dma_wait3A_977 = arith.constant 0 : i32
    %dma_wait3A_978 = tpu.memref_slice %arg6[%dma_wait3A_964, %dma_wait3A_976, %dma_wait3A_977] : memref<3x128x128xf32, #tpu.memory_space<vmem>> -> memref<1x128x128xf32, #tpu.memory_space<vmem>>
    %dma_wait3A_979 = tpu.memref_squeeze %dma_wait3A_978 : memref<1x128x128xf32, #tpu.memory_space<vmem>> -> memref<128x128xf32, #tpu.memory_space<vmem>>
    tpu.wait_dma2 semaphore(%dma_wait3A_973 : memref<!tpu.dma_semaphore, #tpu.memory_space<semaphore_mem>>) src(%dma_wait3A_979 : memref<128x128xf32, #tpu.memory_space<vmem>>) dst(%dma_wait3A_975 : memref<128x128xf32, #tpu.memory_space<hbm>>)
    %dma_start3A_980 = arith.constant 0 : i32
    %dma_start3A_981 = arith.constant 0 : i32
    %dma_start3A_982 = arith.constant 0 : i32
    %dma_start3A_983 = arith.constant 0 : i32
    %dma_start3A_984 = arith.constant 0 : i32
    %dma_start3A_985 = arith.constant 0 : i32
    %dma_start3A_986 = tpu.memref_slice %arg6[%dma_start3A_982, %dma_start3A_984, %dma_start3A_985] : memref<3x128x128xf32, #tpu.memory_space<vmem>> -> memref<1x128x128xf32, #tpu.memory_space<vmem>>
    %dma_start3A_987 = tpu.memref_squeeze %dma_start3A_986 : memref<1x128x128xf32, #tpu.memory_space<vmem>> -> memref<128x128xf32, #tpu.memory_space<vmem>>
    %dma_start3A_988 = arith.constant 0 : i32
    %dma_start3A_989 = tpu.memref_slice %arg5[%dma_start3A_980, %dma_start3A_981, %dma_start3A_988] : memref<3x1x128xi32, #tpu.memory_space<vmem>> -> memref<1x1x128xi32, #tpu.memory_space<vmem>>
    %dma_start3A_990 = tpu.memref_squeeze %dma_start3A_989 : memref<1x1x128xi32, #tpu.memory_space<vmem>> -> memref<128xi32, #tpu.memory_space<vmem>>
    %dma_start3A_991 = arith.constant 0 : i32
    %dma_start3A_992 = arith.constant 0 : i32
    %dma_start3A_993 = tpu.memref_slice %arg7[%dma_start3A_991, %dma_start3A_992] : memref<128x128xf32, #tpu.memory_space<vmem_shared>> -> memref<128x128xf32, #tpu.memory_space<vmem_shared>>
    %dma_start3A_994 = tpu.memref_slice %arg9[%dma_start3A_983] : memref<3x!tpu.dma_semaphore, #tpu.memory_space<semaphore_mem>> -> memref<1x!tpu.dma_semaphore, #tpu.memory_space<semaphore_mem>>
    %dma_start3A_995 = tpu.memref_squeeze %dma_start3A_994 : memref<1x!tpu.dma_semaphore, #tpu.memory_space<semaphore_mem>> -> memref<!tpu.dma_semaphore, #tpu.memory_space<semaphore_mem>>
    tpu.enqueue_indirect_dma source(%dma_start3A_993 : memref<128x128xf32, #tpu.memory_space<vmem_shared>>) target(%dma_start3A_987 : memref<128x128xf32, #tpu.memory_space<vmem>>) offsets(%dma_start3A_990 : memref<128xi32, #tpu.memory_space<vmem>>) semaphore(%dma_start3A_995 : memref<!tpu.dma_semaphore, #tpu.memory_space<semaphore_mem>>)
    %dma_wait3A_996 = arith.constant 0 : i32
    %dma_wait3A_997 = arith.constant 0 : i32
    %dma_wait3A_998 = arith.constant 0 : i32
    %dma_wait3A_999 = arith.constant 0 : i32
    %dma_wait3A_1000 = arith.constant 0 : i32
    %dma_wait3A_1001 = arith.constant 0 : i32
    %dma_wait3A_1002 = tpu.memref_slice %arg6[%dma_wait3A_998, %dma_wait3A_1000, %dma_wait3A_1001] : memref<3x128x128xf32, #tpu.memory_space<vmem>> -> memref<1x128x128xf32, #tpu.memory_space<vmem>>
    %dma_wait3A_1003 = tpu.memref_squeeze %dma_wait3A_1002 : memref<1x128x128xf32, #tpu.memory_space<vmem>> -> memref<128x128xf32, #tpu.memory_space<vmem>>
    %dma_wait3A_1004 = arith.constant 0 : i32
    %dma_wait3A_1005 = tpu.memref_slice %arg5[%dma_wait3A_996, %dma_wait3A_997, %dma_wait3A_1004] : memref<3x1x128xi32, #tpu.memory_space<vmem>> -> memref<1x1x128xi32, #tpu.memory_space<vmem>>
    %dma_wait3A_1006 = tpu.memref_squeeze %dma_wait3A_1005 : memref<1x1x128xi32, #tpu.memory_space<vmem>> -> memref<128xi32, #tpu.memory_space<vmem>>
    %dma_wait3A_1007 = arith.constant 0 : i32
    %dma_wait3A_1008 = arith.constant 0 : i32
    %dma_wait3A_1009 = tpu.memref_slice %arg7[%dma_wait3A_1007, %dma_wait3A_1008] : memref<128x128xf32, #tpu.memory_space<vmem_shared>> -> memref<128x128xf32, #tpu.memory_space<vmem_shared>>
    %dma_wait3A_1010 = tpu.memref_slice %arg9[%dma_wait3A_999] : memref<3x!tpu.dma_semaphore, #tpu.memory_space<semaphore_mem>> -> memref<1x!tpu.dma_semaphore, #tpu.memory_space<semaphore_mem>>
    %dma_wait3A_1011 = tpu.memref_squeeze %dma_wait3A_1010 : memref<1x!tpu.dma_semaphore, #tpu.memory_space<semaphore_mem>> -> memref<!tpu.dma_semaphore, #tpu.memory_space<semaphore_mem>>
    tpu.wait_indirect_dma semaphore(%dma_wait3A_1011 : memref<!tpu.dma_semaphore, #tpu.memory_space<semaphore_mem>>) src(%dma_wait3A_1009 : memref<128x128xf32, #tpu.memory_space<vmem_shared>>) dst(%dma_wait3A_1003 : memref<128x128xf32, #tpu.memory_space<vmem>>)
    %add3A_1012 = arith.constant 384 : i32
    %add3A_1013 = arith.addi %add3A, %add3A_1012 : i32
    %mul3A_1014 = arith.constant 128 : i32
    %mul3A_1015 = arith.muli %add3A_1013, %mul3A_1014 : i32
    %min3A_1016 = arith.constant 99872 : i32
    %min3A_1017 = arith.minsi %mul3A_1015, %min3A_1016 : i32
    %add3A_1018 = arith.constant 0 : i32
    %add3A_1019 = arith.addi %min3A_1017, %add3A_1018 : i32
    %dma_start3A_1020 = arith.constant 0 : i32
    %dma_start3A_1021 = arith.constant 0 : i32
    %dma_start3A_1022 = arith.constant 0 : i32
    %dma_start3A_1023 = arith.constant 0 : i32
    %dma_start3A_1024 = tpu.memref_slice %arg5[%dma_start3A_1020, %dma_start3A_1021, %dma_start3A_1023] : memref<3x1x128xi32, #tpu.memory_space<vmem>> -> memref<1x1x128xi32, #tpu.memory_space<vmem>>
    %dma_start3A_1025 = tpu.memref_squeeze %dma_start3A_1024 : memref<1x1x128xi32, #tpu.memory_space<vmem>> -> memref<128xi32, #tpu.memory_space<vmem>>
    %dma_start3A_1026 = tpu.memref_slice %arg2[%add3A_1019] : memref<100000xi32, #tpu.memory_space<hbm>> -> memref<128xi32, #tpu.memory_space<hbm>>
    %dma_start3A_1027 = tpu.memref_slice %arg8[%dma_start3A_1022] : memref<3x!tpu.dma_semaphore, #tpu.memory_space<semaphore_mem>> -> memref<1x!tpu.dma_semaphore, #tpu.memory_space<semaphore_mem>>
    %dma_start3A_1028 = tpu.memref_squeeze %dma_start3A_1027 : memref<1x!tpu.dma_semaphore, #tpu.memory_space<semaphore_mem>> -> memref<!tpu.dma_semaphore, #tpu.memory_space<semaphore_mem>>
    %dma_start3A_1029 = arith.constant 0 : i32
    %dma_start3A_1030 = tpu.memref_slice %arg5[%dma_start3A_1020, %dma_start3A_1021, %dma_start3A_1029] : memref<3x1x128xi32, #tpu.memory_space<vmem>> -> memref<1x1x128xi32, #tpu.memory_space<vmem>>
    %dma_start3A_1031 = tpu.memref_squeeze %dma_start3A_1030 : memref<1x1x128xi32, #tpu.memory_space<vmem>> -> memref<128xi32, #tpu.memory_space<vmem>>
    %dma_start3A_1032 = tpu.memref_slice %arg2[%add3A_1019] : memref<100000xi32, #tpu.memory_space<hbm>> -> memref<128xi32, #tpu.memory_space<hbm>>
    tpu.enqueue_dma source(%dma_start3A_1032 : memref<128xi32, #tpu.memory_space<hbm>>) target(%dma_start3A_1031 : memref<128xi32, #tpu.memory_space<vmem>>) target_semaphore(%dma_start3A_1028 : memref<!tpu.dma_semaphore, #tpu.memory_space<semaphore_mem>>)
    %add3A_1033 = arith.constant 288 : i32
    %add3A_1034 = arith.addi %add3A, %add3A_1033 : i32
    %mul3A_1035 = arith.constant 128 : i32
    %mul3A_1036 = arith.muli %add3A_1034, %mul3A_1035 : i32
    %min3A_1037 = arith.constant 99872 : i32
    %min3A_1038 = arith.minsi %mul3A_1036, %min3A_1037 : i32
    %dma_start3A_1039 = arith.constant 0 : i32
    %dma_start3A_1040 = arith.constant 0 : i32
    %dma_start3A_1041 = arith.constant 0 : i32
    %dma_start3A_1042 = arith.constant 0 : i32
    %dma_start3A_1043 = tpu.memref_slice %arg6[%dma_start3A_1039, %dma_start3A_1041, %dma_start3A_1042] : memref<3x128x128xf32, #tpu.memory_space<vmem>> -> memref<1x128x128xf32, #tpu.memory_space<vmem>>
    %dma_start3A_1044 = tpu.memref_squeeze %dma_start3A_1043 : memref<1x128x128xf32, #tpu.memory_space<vmem>> -> memref<128x128xf32, #tpu.memory_space<vmem>>
    %dma_start3A_1045 = arith.constant 0 : i32
    %dma_start3A_1046 = tpu.memref_slice %arg4[%min3A_1038, %dma_start3A_1045] : memref<100000x128xf32, #tpu.memory_space<hbm>> -> memref<128x128xf32, #tpu.memory_space<hbm>>
    %dma_start3A_1047 = tpu.memref_slice %arg10[%dma_start3A_1040] : memref<3x!tpu.dma_semaphore, #tpu.memory_space<semaphore_mem>> -> memref<1x!tpu.dma_semaphore, #tpu.memory_space<semaphore_mem>>
    %dma_start3A_1048 = tpu.memref_squeeze %dma_start3A_1047 : memref<1x!tpu.dma_semaphore, #tpu.memory_space<semaphore_mem>> -> memref<!tpu.dma_semaphore, #tpu.memory_space<semaphore_mem>>
    %dma_start3A_1049 = arith.constant 0 : i32
    %dma_start3A_1050 = tpu.memref_slice %arg4[%min3A_1038, %dma_start3A_1049] : memref<100000x128xf32, #tpu.memory_space<hbm>> -> memref<128x128xf32, #tpu.memory_space<hbm>>
    %dma_start3A_1051 = arith.constant 0 : i32
    %dma_start3A_1052 = arith.constant 0 : i32
    %dma_start3A_1053 = tpu.memref_slice %arg6[%dma_start3A_1039, %dma_start3A_1051, %dma_start3A_1052] : memref<3x128x128xf32, #tpu.memory_space<vmem>> -> memref<1x128x128xf32, #tpu.memory_space<vmem>>
    %dma_start3A_1054 = tpu.memref_squeeze %dma_start3A_1053 : memref<1x128x128xf32, #tpu.memory_space<vmem>> -> memref<128x128xf32, #tpu.memory_space<vmem>>
    tpu.enqueue_dma source(%dma_start3A_1054 : memref<128x128xf32, #tpu.memory_space<vmem>>) target(%dma_start3A_1050 : memref<128x128xf32, #tpu.memory_space<hbm>>) target_semaphore(%dma_start3A_1048 : memref<!tpu.dma_semaphore, #tpu.memory_space<semaphore_mem>>)
    %dma_wait3A_1055 = arith.constant 1 : i32
    %dma_wait3A_1056 = arith.constant 0 : i32
    %dma_wait3A_1057 = arith.constant 1 : i32
    %dma_wait3A_1058 = arith.constant 0 : i32
    %dma_wait3A_1059 = tpu.memref_slice %arg5[%dma_wait3A_1055, %dma_wait3A_1056, %dma_wait3A_1058] : memref<3x1x128xi32, #tpu.memory_space<vmem>> -> memref<1x1x128xi32, #tpu.memory_space<vmem>>
    %dma_wait3A_1060 = tpu.memref_squeeze %dma_wait3A_1059 : memref<1x1x128xi32, #tpu.memory_space<vmem>> -> memref<128xi32, #tpu.memory_space<vmem>>
    %dma_wait3A_1061 = tpu.memref_slice %arg2[%add3A_811] : memref<100000xi32, #tpu.memory_space<hbm>> -> memref<128xi32, #tpu.memory_space<hbm>>
    %dma_wait3A_1062 = tpu.memref_slice %arg8[%dma_wait3A_1057] : memref<3x!tpu.dma_semaphore, #tpu.memory_space<semaphore_mem>> -> memref<1x!tpu.dma_semaphore, #tpu.memory_space<semaphore_mem>>
    %dma_wait3A_1063 = tpu.memref_squeeze %dma_wait3A_1062 : memref<1x!tpu.dma_semaphore, #tpu.memory_space<semaphore_mem>> -> memref<!tpu.dma_semaphore, #tpu.memory_space<semaphore_mem>>
    %dma_wait3A_1064 = arith.constant 0 : i32
    %dma_wait3A_1065 = tpu.memref_slice %arg5[%dma_wait3A_1055, %dma_wait3A_1056, %dma_wait3A_1064] : memref<3x1x128xi32, #tpu.memory_space<vmem>> -> memref<1x1x128xi32, #tpu.memory_space<vmem>>
    %dma_wait3A_1066 = tpu.memref_squeeze %dma_wait3A_1065 : memref<1x1x128xi32, #tpu.memory_space<vmem>> -> memref<128xi32, #tpu.memory_space<vmem>>
    %dma_wait3A_1067 = tpu.memref_slice %arg2[%add3A_811] : memref<100000xi32, #tpu.memory_space<hbm>> -> memref<128xi32, #tpu.memory_space<hbm>>
    tpu.wait_dma2 semaphore(%dma_wait3A_1063 : memref<!tpu.dma_semaphore, #tpu.memory_space<semaphore_mem>>) src(%dma_wait3A_1067 : memref<128xi32, #tpu.memory_space<hbm>>) dst(%dma_wait3A_1066 : memref<128xi32, #tpu.memory_space<vmem>>)
    %dma_wait3A_1068 = arith.constant 1 : i32
    %dma_wait3A_1069 = arith.constant 1 : i32
    %dma_wait3A_1070 = arith.constant 0 : i32
    %dma_wait3A_1071 = arith.constant 0 : i32
    %dma_wait3A_1072 = tpu.memref_slice %arg6[%dma_wait3A_1068, %dma_wait3A_1070, %dma_wait3A_1071] : memref<3x128x128xf32, #tpu.memory_space<vmem>> -> memref<1x128x128xf32, #tpu.memory_space<vmem>>
    %dma_wait3A_1073 = tpu.memref_squeeze %dma_wait3A_1072 : memref<1x128x128xf32, #tpu.memory_space<vmem>> -> memref<128x128xf32, #tpu.memory_space<vmem>>
    %dma_wait3A_1074 = arith.constant 0 : i32
    %dma_wait3A_1075 = tpu.memref_slice %arg4[%min3A_830, %dma_wait3A_1074] : memref<100000x128xf32, #tpu.memory_space<hbm>> -> memref<128x128xf32, #tpu.memory_space<hbm>>
    %dma_wait3A_1076 = tpu.memref_slice %arg10[%dma_wait3A_1069] : memref<3x!tpu.dma_semaphore, #tpu.memory_space<semaphore_mem>> -> memref<1x!tpu.dma_semaphore, #tpu.memory_space<semaphore_mem>>
    %dma_wait3A_1077 = tpu.memref_squeeze %dma_wait3A_1076 : memref<1x!tpu.dma_semaphore, #tpu.memory_space<semaphore_mem>> -> memref<!tpu.dma_semaphore, #tpu.memory_space<semaphore_mem>>
    %dma_wait3A_1078 = arith.constant 0 : i32
    %dma_wait3A_1079 = tpu.memref_slice %arg4[%min3A_830, %dma_wait3A_1078] : memref<100000x128xf32, #tpu.memory_space<hbm>> -> memref<128x128xf32, #tpu.memory_space<hbm>>
    %dma_wait3A_1080 = arith.constant 0 : i32
    %dma_wait3A_1081 = arith.constant 0 : i32
    %dma_wait3A_1082 = tpu.memref_slice %arg6[%dma_wait3A_1068, %dma_wait3A_1080, %dma_wait3A_1081] : memref<3x128x128xf32, #tpu.memory_space<vmem>> -> memref<1x128x128xf32, #tpu.memory_space<vmem>>
    %dma_wait3A_1083 = tpu.memref_squeeze %dma_wait3A_1082 : memref<1x128x128xf32, #tpu.memory_space<vmem>> -> memref<128x128xf32, #tpu.memory_space<vmem>>
    tpu.wait_dma2 semaphore(%dma_wait3A_1077 : memref<!tpu.dma_semaphore, #tpu.memory_space<semaphore_mem>>) src(%dma_wait3A_1083 : memref<128x128xf32, #tpu.memory_space<vmem>>) dst(%dma_wait3A_1079 : memref<128x128xf32, #tpu.memory_space<hbm>>)
    %dma_start3A_1084 = arith.constant 1 : i32
    %dma_start3A_1085 = arith.constant 0 : i32
    %dma_start3A_1086 = arith.constant 1 : i32
    %dma_start3A_1087 = arith.constant 1 : i32
    %dma_start3A_1088 = arith.constant 0 : i32
    %dma_start3A_1089 = arith.constant 0 : i32
    %dma_start3A_1090 = tpu.memref_slice %arg6[%dma_start3A_1086, %dma_start3A_1088, %dma_start3A_1089] : memref<3x128x128xf32, #tpu.memory_space<vmem>> -> memref<1x128x128xf32, #tpu.memory_space<vmem>>
    %dma_start3A_1091 = tpu.memref_squeeze %dma_start3A_1090 : memref<1x128x128xf32, #tpu.memory_space<vmem>> -> memref<128x128xf32, #tpu.memory_space<vmem>>
    %dma_start3A_1092 = arith.constant 0 : i32
    %dma_start3A_1093 = tpu.memref_slice %arg5[%dma_start3A_1084, %dma_start3A_1085, %dma_start3A_1092] : memref<3x1x128xi32, #tpu.memory_space<vmem>> -> memref<1x1x128xi32, #tpu.memory_space<vmem>>
    %dma_start3A_1094 = tpu.memref_squeeze %dma_start3A_1093 : memref<1x1x128xi32, #tpu.memory_space<vmem>> -> memref<128xi32, #tpu.memory_space<vmem>>
    %dma_start3A_1095 = arith.constant 0 : i32
    %dma_start3A_1096 = arith.constant 0 : i32
    %dma_start3A_1097 = tpu.memref_slice %arg7[%dma_start3A_1095, %dma_start3A_1096] : memref<128x128xf32, #tpu.memory_space<vmem_shared>> -> memref<128x128xf32, #tpu.memory_space<vmem_shared>>
    %dma_start3A_1098 = tpu.memref_slice %arg9[%dma_start3A_1087] : memref<3x!tpu.dma_semaphore, #tpu.memory_space<semaphore_mem>> -> memref<1x!tpu.dma_semaphore, #tpu.memory_space<semaphore_mem>>
    %dma_start3A_1099 = tpu.memref_squeeze %dma_start3A_1098 : memref<1x!tpu.dma_semaphore, #tpu.memory_space<semaphore_mem>> -> memref<!tpu.dma_semaphore, #tpu.memory_space<semaphore_mem>>
    tpu.enqueue_indirect_dma source(%dma_start3A_1097 : memref<128x128xf32, #tpu.memory_space<vmem_shared>>) target(%dma_start3A_1091 : memref<128x128xf32, #tpu.memory_space<vmem>>) offsets(%dma_start3A_1094 : memref<128xi32, #tpu.memory_space<vmem>>) semaphore(%dma_start3A_1099 : memref<!tpu.dma_semaphore, #tpu.memory_space<semaphore_mem>>)
    %dma_wait3A_1100 = arith.constant 1 : i32
    %dma_wait3A_1101 = arith.constant 0 : i32
    %dma_wait3A_1102 = arith.constant 1 : i32
    %dma_wait3A_1103 = arith.constant 1 : i32
    %dma_wait3A_1104 = arith.constant 0 : i32
    %dma_wait3A_1105 = arith.constant 0 : i32
    %dma_wait3A_1106 = tpu.memref_slice %arg6[%dma_wait3A_1102, %dma_wait3A_1104, %dma_wait3A_1105] : memref<3x128x128xf32, #tpu.memory_space<vmem>> -> memref<1x128x128xf32, #tpu.memory_space<vmem>>
    %dma_wait3A_1107 = tpu.memref_squeeze %dma_wait3A_1106 : memref<1x128x128xf32, #tpu.memory_space<vmem>> -> memref<128x128xf32, #tpu.memory_space<vmem>>
    %dma_wait3A_1108 = arith.constant 0 : i32
    %dma_wait3A_1109 = tpu.memref_slice %arg5[%dma_wait3A_1100, %dma_wait3A_1101, %dma_wait3A_1108] : memref<3x1x128xi32, #tpu.memory_space<vmem>> -> memref<1x1x128xi32, #tpu.memory_space<vmem>>
    %dma_wait3A_1110 = tpu.memref_squeeze %dma_wait3A_1109 : memref<1x1x128xi32, #tpu.memory_space<vmem>> -> memref<128xi32, #tpu.memory_space<vmem>>
    %dma_wait3A_1111 = arith.constant 0 : i32
    %dma_wait3A_1112 = arith.constant 0 : i32
    %dma_wait3A_1113 = tpu.memref_slice %arg7[%dma_wait3A_1111, %dma_wait3A_1112] : memref<128x128xf32, #tpu.memory_space<vmem_shared>> -> memref<128x128xf32, #tpu.memory_space<vmem_shared>>
    %dma_wait3A_1114 = tpu.memref_slice %arg9[%dma_wait3A_1103] : memref<3x!tpu.dma_semaphore, #tpu.memory_space<semaphore_mem>> -> memref<1x!tpu.dma_semaphore, #tpu.memory_space<semaphore_mem>>
    %dma_wait3A_1115 = tpu.memref_squeeze %dma_wait3A_1114 : memref<1x!tpu.dma_semaphore, #tpu.memory_space<semaphore_mem>> -> memref<!tpu.dma_semaphore, #tpu.memory_space<semaphore_mem>>
    tpu.wait_indirect_dma semaphore(%dma_wait3A_1115 : memref<!tpu.dma_semaphore, #tpu.memory_space<semaphore_mem>>) src(%dma_wait3A_1113 : memref<128x128xf32, #tpu.memory_space<vmem_shared>>) dst(%dma_wait3A_1107 : memref<128x128xf32, #tpu.memory_space<vmem>>)
    %add3A_1116 = arith.constant 416 : i32
    %add3A_1117 = arith.addi %add3A, %add3A_1116 : i32
    %mul3A_1118 = arith.constant 128 : i32
    %mul3A_1119 = arith.muli %add3A_1117, %mul3A_1118 : i32
    %min3A_1120 = arith.constant 99872 : i32
    %min3A_1121 = arith.minsi %mul3A_1119, %min3A_1120 : i32
    %add3A_1122 = arith.constant 0 : i32
    %add3A_1123 = arith.addi %min3A_1121, %add3A_1122 : i32
    %dma_start3A_1124 = arith.constant 1 : i32
    %dma_start3A_1125 = arith.constant 0 : i32
    %dma_start3A_1126 = arith.constant 1 : i32
    %dma_start3A_1127 = arith.constant 0 : i32
    %dma_start3A_1128 = tpu.memref_slice %arg5[%dma_start3A_1124, %dma_start3A_1125, %dma_start3A_1127] : memref<3x1x128xi32, #tpu.memory_space<vmem>> -> memref<1x1x128xi32, #tpu.memory_space<vmem>>
    %dma_start3A_1129 = tpu.memref_squeeze %dma_start3A_1128 : memref<1x1x128xi32, #tpu.memory_space<vmem>> -> memref<128xi32, #tpu.memory_space<vmem>>
    %dma_start3A_1130 = tpu.memref_slice %arg2[%add3A_1123] : memref<100000xi32, #tpu.memory_space<hbm>> -> memref<128xi32, #tpu.memory_space<hbm>>
    %dma_start3A_1131 = tpu.memref_slice %arg8[%dma_start3A_1126] : memref<3x!tpu.dma_semaphore, #tpu.memory_space<semaphore_mem>> -> memref<1x!tpu.dma_semaphore, #tpu.memory_space<semaphore_mem>>
    %dma_start3A_1132 = tpu.memref_squeeze %dma_start3A_1131 : memref<1x!tpu.dma_semaphore, #tpu.memory_space<semaphore_mem>> -> memref<!tpu.dma_semaphore, #tpu.memory_space<semaphore_mem>>
    %dma_start3A_1133 = arith.constant 0 : i32
    %dma_start3A_1134 = tpu.memref_slice %arg5[%dma_start3A_1124, %dma_start3A_1125, %dma_start3A_1133] : memref<3x1x128xi32, #tpu.memory_space<vmem>> -> memref<1x1x128xi32, #tpu.memory_space<vmem>>
    %dma_start3A_1135 = tpu.memref_squeeze %dma_start3A_1134 : memref<1x1x128xi32, #tpu.memory_space<vmem>> -> memref<128xi32, #tpu.memory_space<vmem>>
    %dma_start3A_1136 = tpu.memref_slice %arg2[%add3A_1123] : memref<100000xi32, #tpu.memory_space<hbm>> -> memref<128xi32, #tpu.memory_space<hbm>>
    tpu.enqueue_dma source(%dma_start3A_1136 : memref<128xi32, #tpu.memory_space<hbm>>) target(%dma_start3A_1135 : memref<128xi32, #tpu.memory_space<vmem>>) target_semaphore(%dma_start3A_1132 : memref<!tpu.dma_semaphore, #tpu.memory_space<semaphore_mem>>)
    %add3A_1137 = arith.constant 320 : i32
    %add3A_1138 = arith.addi %add3A, %add3A_1137 : i32
    %mul3A_1139 = arith.constant 128 : i32
    %mul3A_1140 = arith.muli %add3A_1138, %mul3A_1139 : i32
    %min3A_1141 = arith.constant 99872 : i32
    %min3A_1142 = arith.minsi %mul3A_1140, %min3A_1141 : i32
    %dma_start3A_1143 = arith.constant 1 : i32
    %dma_start3A_1144 = arith.constant 1 : i32
    %dma_start3A_1145 = arith.constant 0 : i32
    %dma_start3A_1146 = arith.constant 0 : i32
    %dma_start3A_1147 = tpu.memref_slice %arg6[%dma_start3A_1143, %dma_start3A_1145, %dma_start3A_1146] : memref<3x128x128xf32, #tpu.memory_space<vmem>> -> memref<1x128x128xf32, #tpu.memory_space<vmem>>
    %dma_start3A_1148 = tpu.memref_squeeze %dma_start3A_1147 : memref<1x128x128xf32, #tpu.memory_space<vmem>> -> memref<128x128xf32, #tpu.memory_space<vmem>>
    %dma_start3A_1149 = arith.constant 0 : i32
    %dma_start3A_1150 = tpu.memref_slice %arg4[%min3A_1142, %dma_start3A_1149] : memref<100000x128xf32, #tpu.memory_space<hbm>> -> memref<128x128xf32, #tpu.memory_space<hbm>>
    %dma_start3A_1151 = tpu.memref_slice %arg10[%dma_start3A_1144] : memref<3x!tpu.dma_semaphore, #tpu.memory_space<semaphore_mem>> -> memref<1x!tpu.dma_semaphore, #tpu.memory_space<semaphore_mem>>
    %dma_start3A_1152 = tpu.memref_squeeze %dma_start3A_1151 : memref<1x!tpu.dma_semaphore, #tpu.memory_space<semaphore_mem>> -> memref<!tpu.dma_semaphore, #tpu.memory_space<semaphore_mem>>
    %dma_start3A_1153 = arith.constant 0 : i32
    %dma_start3A_1154 = tpu.memref_slice %arg4[%min3A_1142, %dma_start3A_1153] : memref<100000x128xf32, #tpu.memory_space<hbm>> -> memref<128x128xf32, #tpu.memory_space<hbm>>
    %dma_start3A_1155 = arith.constant 0 : i32
    %dma_start3A_1156 = arith.constant 0 : i32
    %dma_start3A_1157 = tpu.memref_slice %arg6[%dma_start3A_1143, %dma_start3A_1155, %dma_start3A_1156] : memref<3x128x128xf32, #tpu.memory_space<vmem>> -> memref<1x128x128xf32, #tpu.memory_space<vmem>>
    %dma_start3A_1158 = tpu.memref_squeeze %dma_start3A_1157 : memref<1x128x128xf32, #tpu.memory_space<vmem>> -> memref<128x128xf32, #tpu.memory_space<vmem>>
    tpu.enqueue_dma source(%dma_start3A_1158 : memref<128x128xf32, #tpu.memory_space<vmem>>) target(%dma_start3A_1154 : memref<128x128xf32, #tpu.memory_space<hbm>>) target_semaphore(%dma_start3A_1152 : memref<!tpu.dma_semaphore, #tpu.memory_space<semaphore_mem>>)
    %dma_wait3A_1159 = arith.constant 2 : i32
    %dma_wait3A_1160 = arith.constant 0 : i32
    %dma_wait3A_1161 = arith.constant 2 : i32
    %dma_wait3A_1162 = arith.constant 0 : i32
    %dma_wait3A_1163 = tpu.memref_slice %arg5[%dma_wait3A_1159, %dma_wait3A_1160, %dma_wait3A_1162] : memref<3x1x128xi32, #tpu.memory_space<vmem>> -> memref<1x1x128xi32, #tpu.memory_space<vmem>>
    %dma_wait3A_1164 = tpu.memref_squeeze %dma_wait3A_1163 : memref<1x1x128xi32, #tpu.memory_space<vmem>> -> memref<128xi32, #tpu.memory_space<vmem>>
    %dma_wait3A_1165 = tpu.memref_slice %arg2[%add3A_915] : memref<100000xi32, #tpu.memory_space<hbm>> -> memref<128xi32, #tpu.memory_space<hbm>>
    %dma_wait3A_1166 = tpu.memref_slice %arg8[%dma_wait3A_1161] : memref<3x!tpu.dma_semaphore, #tpu.memory_space<semaphore_mem>> -> memref<1x!tpu.dma_semaphore, #tpu.memory_space<semaphore_mem>>
    %dma_wait3A_1167 = tpu.memref_squeeze %dma_wait3A_1166 : memref<1x!tpu.dma_semaphore, #tpu.memory_space<semaphore_mem>> -> memref<!tpu.dma_semaphore, #tpu.memory_space<semaphore_mem>>
    %dma_wait3A_1168 = arith.constant 0 : i32
    %dma_wait3A_1169 = tpu.memref_slice %arg5[%dma_wait3A_1159, %dma_wait3A_1160, %dma_wait3A_1168] : memref<3x1x128xi32, #tpu.memory_space<vmem>> -> memref<1x1x128xi32, #tpu.memory_space<vmem>>
    %dma_wait3A_1170 = tpu.memref_squeeze %dma_wait3A_1169 : memref<1x1x128xi32, #tpu.memory_space<vmem>> -> memref<128xi32, #tpu.memory_space<vmem>>
    %dma_wait3A_1171 = tpu.memref_slice %arg2[%add3A_915] : memref<100000xi32, #tpu.memory_space<hbm>> -> memref<128xi32, #tpu.memory_space<hbm>>
    tpu.wait_dma2 semaphore(%dma_wait3A_1167 : memref<!tpu.dma_semaphore, #tpu.memory_space<semaphore_mem>>) src(%dma_wait3A_1171 : memref<128xi32, #tpu.memory_space<hbm>>) dst(%dma_wait3A_1170 : memref<128xi32, #tpu.memory_space<vmem>>)
    %dma_wait3A_1172 = arith.constant 2 : i32
    %dma_wait3A_1173 = arith.constant 2 : i32
    %dma_wait3A_1174 = arith.constant 0 : i32
    %dma_wait3A_1175 = arith.constant 0 : i32
    %dma_wait3A_1176 = tpu.memref_slice %arg6[%dma_wait3A_1172, %dma_wait3A_1174, %dma_wait3A_1175] : memref<3x128x128xf32, #tpu.memory_space<vmem>> -> memref<1x128x128xf32, #tpu.memory_space<vmem>>
    %dma_wait3A_1177 = tpu.memref_squeeze %dma_wait3A_1176 : memref<1x128x128xf32, #tpu.memory_space<vmem>> -> memref<128x128xf32, #tpu.memory_space<vmem>>
    %dma_wait3A_1178 = arith.constant 0 : i32
    %dma_wait3A_1179 = tpu.memref_slice %arg4[%min3A_934, %dma_wait3A_1178] : memref<100000x128xf32, #tpu.memory_space<hbm>> -> memref<128x128xf32, #tpu.memory_space<hbm>>
    %dma_wait3A_1180 = tpu.memref_slice %arg10[%dma_wait3A_1173] : memref<3x!tpu.dma_semaphore, #tpu.memory_space<semaphore_mem>> -> memref<1x!tpu.dma_semaphore, #tpu.memory_space<semaphore_mem>>
    %dma_wait3A_1181 = tpu.memref_squeeze %dma_wait3A_1180 : memref<1x!tpu.dma_semaphore, #tpu.memory_space<semaphore_mem>> -> memref<!tpu.dma_semaphore, #tpu.memory_space<semaphore_mem>>
    %dma_wait3A_1182 = arith.constant 0 : i32
    %dma_wait3A_1183 = tpu.memref_slice %arg4[%min3A_934, %dma_wait3A_1182] : memref<100000x128xf32, #tpu.memory_space<hbm>> -> memref<128x128xf32, #tpu.memory_space<hbm>>
    %dma_wait3A_1184 = arith.constant 0 : i32
    %dma_wait3A_1185 = arith.constant 0 : i32
    %dma_wait3A_1186 = tpu.memref_slice %arg6[%dma_wait3A_1172, %dma_wait3A_1184, %dma_wait3A_1185] : memref<3x128x128xf32, #tpu.memory_space<vmem>> -> memref<1x128x128xf32, #tpu.memory_space<vmem>>
    %dma_wait3A_1187 = tpu.memref_squeeze %dma_wait3A_1186 : memref<1x128x128xf32, #tpu.memory_space<vmem>> -> memref<128x128xf32, #tpu.memory_space<vmem>>
    tpu.wait_dma2 semaphore(%dma_wait3A_1181 : memref<!tpu.dma_semaphore, #tpu.memory_space<semaphore_mem>>) src(%dma_wait3A_1187 : memref<128x128xf32, #tpu.memory_space<vmem>>) dst(%dma_wait3A_1183 : memref<128x128xf32, #tpu.memory_space<hbm>>)
    %dma_start3A_1188 = arith.constant 2 : i32
    %dma_start3A_1189 = arith.constant 0 : i32
    %dma_start3A_1190 = arith.constant 2 : i32
    %dma_start3A_1191 = arith.constant 2 : i32
    %dma_start3A_1192 = arith.constant 0 : i32
    %dma_start3A_1193 = arith.constant 0 : i32
    %dma_start3A_1194 = tpu.memref_slice %arg6[%dma_start3A_1190, %dma_start3A_1192, %dma_start3A_1193] : memref<3x128x128xf32, #tpu.memory_space<vmem>> -> memref<1x128x128xf32, #tpu.memory_space<vmem>>
    %dma_start3A_1195 = tpu.memref_squeeze %dma_start3A_1194 : memref<1x128x128xf32, #tpu.memory_space<vmem>> -> memref<128x128xf32, #tpu.memory_space<vmem>>
    %dma_start3A_1196 = arith.constant 0 : i32
    %dma_start3A_1197 = tpu.memref_slice %arg5[%dma_start3A_1188, %dma_start3A_1189, %dma_start3A_1196] : memref<3x1x128xi32, #tpu.memory_space<vmem>> -> memref<1x1x128xi32, #tpu.memory_space<vmem>>
    %dma_start3A_1198 = tpu.memref_squeeze %dma_start3A_1197 : memref<1x1x128xi32, #tpu.memory_space<vmem>> -> memref<128xi32, #tpu.memory_space<vmem>>
    %dma_start3A_1199 = arith.constant 0 : i32
    %dma_start3A_1200 = arith.constant 0 : i32
    %dma_start3A_1201 = tpu.memref_slice %arg7[%dma_start3A_1199, %dma_start3A_1200] : memref<128x128xf32, #tpu.memory_space<vmem_shared>> -> memref<128x128xf32, #tpu.memory_space<vmem_shared>>
    %dma_start3A_1202 = tpu.memref_slice %arg9[%dma_start3A_1191] : memref<3x!tpu.dma_semaphore, #tpu.memory_space<semaphore_mem>> -> memref<1x!tpu.dma_semaphore, #tpu.memory_space<semaphore_mem>>
    %dma_start3A_1203 = tpu.memref_squeeze %dma_start3A_1202 : memref<1x!tpu.dma_semaphore, #tpu.memory_space<semaphore_mem>> -> memref<!tpu.dma_semaphore, #tpu.memory_space<semaphore_mem>>
    tpu.enqueue_indirect_dma source(%dma_start3A_1201 : memref<128x128xf32, #tpu.memory_space<vmem_shared>>) target(%dma_start3A_1195 : memref<128x128xf32, #tpu.memory_space<vmem>>) offsets(%dma_start3A_1198 : memref<128xi32, #tpu.memory_space<vmem>>) semaphore(%dma_start3A_1203 : memref<!tpu.dma_semaphore, #tpu.memory_space<semaphore_mem>>)
    %dma_wait3A_1204 = arith.constant 2 : i32
    %dma_wait3A_1205 = arith.constant 0 : i32
    %dma_wait3A_1206 = arith.constant 2 : i32
    %dma_wait3A_1207 = arith.constant 2 : i32
    %dma_wait3A_1208 = arith.constant 0 : i32
    %dma_wait3A_1209 = arith.constant 0 : i32
    %dma_wait3A_1210 = tpu.memref_slice %arg6[%dma_wait3A_1206, %dma_wait3A_1208, %dma_wait3A_1209] : memref<3x128x128xf32, #tpu.memory_space<vmem>> -> memref<1x128x128xf32, #tpu.memory_space<vmem>>
    %dma_wait3A_1211 = tpu.memref_squeeze %dma_wait3A_1210 : memref<1x128x128xf32, #tpu.memory_space<vmem>> -> memref<128x128xf32, #tpu.memory_space<vmem>>
    %dma_wait3A_1212 = arith.constant 0 : i32
    %dma_wait3A_1213 = tpu.memref_slice %arg5[%dma_wait3A_1204, %dma_wait3A_1205, %dma_wait3A_1212] : memref<3x1x128xi32, #tpu.memory_space<vmem>> -> memref<1x1x128xi32, #tpu.memory_space<vmem>>
    %dma_wait3A_1214 = tpu.memref_squeeze %dma_wait3A_1213 : memref<1x1x128xi32, #tpu.memory_space<vmem>> -> memref<128xi32, #tpu.memory_space<vmem>>
    %dma_wait3A_1215 = arith.constant 0 : i32
    %dma_wait3A_1216 = arith.constant 0 : i32
    %dma_wait3A_1217 = tpu.memref_slice %arg7[%dma_wait3A_1215, %dma_wait3A_1216] : memref<128x128xf32, #tpu.memory_space<vmem_shared>> -> memref<128x128xf32, #tpu.memory_space<vmem_shared>>
    %dma_wait3A_1218 = tpu.memref_slice %arg9[%dma_wait3A_1207] : memref<3x!tpu.dma_semaphore, #tpu.memory_space<semaphore_mem>> -> memref<1x!tpu.dma_semaphore, #tpu.memory_space<semaphore_mem>>
    %dma_wait3A_1219 = tpu.memref_squeeze %dma_wait3A_1218 : memref<1x!tpu.dma_semaphore, #tpu.memory_space<semaphore_mem>> -> memref<!tpu.dma_semaphore, #tpu.memory_space<semaphore_mem>>
    tpu.wait_indirect_dma semaphore(%dma_wait3A_1219 : memref<!tpu.dma_semaphore, #tpu.memory_space<semaphore_mem>>) src(%dma_wait3A_1217 : memref<128x128xf32, #tpu.memory_space<vmem_shared>>) dst(%dma_wait3A_1211 : memref<128x128xf32, #tpu.memory_space<vmem>>)
    %add3A_1220 = arith.constant 448 : i32
    %add3A_1221 = arith.addi %add3A, %add3A_1220 : i32
    %mul3A_1222 = arith.constant 128 : i32
    %mul3A_1223 = arith.muli %add3A_1221, %mul3A_1222 : i32
    %min3A_1224 = arith.constant 99872 : i32
    %min3A_1225 = arith.minsi %mul3A_1223, %min3A_1224 : i32
    %add3A_1226 = arith.constant 0 : i32
    %add3A_1227 = arith.addi %min3A_1225, %add3A_1226 : i32
    %dma_start3A_1228 = arith.constant 2 : i32
    %dma_start3A_1229 = arith.constant 0 : i32
    %dma_start3A_1230 = arith.constant 2 : i32
    %dma_start3A_1231 = arith.constant 0 : i32
    %dma_start3A_1232 = tpu.memref_slice %arg5[%dma_start3A_1228, %dma_start3A_1229, %dma_start3A_1231] : memref<3x1x128xi32, #tpu.memory_space<vmem>> -> memref<1x1x128xi32, #tpu.memory_space<vmem>>
    %dma_start3A_1233 = tpu.memref_squeeze %dma_start3A_1232 : memref<1x1x128xi32, #tpu.memory_space<vmem>> -> memref<128xi32, #tpu.memory_space<vmem>>
    %dma_start3A_1234 = tpu.memref_slice %arg2[%add3A_1227] : memref<100000xi32, #tpu.memory_space<hbm>> -> memref<128xi32, #tpu.memory_space<hbm>>
    %dma_start3A_1235 = tpu.memref_slice %arg8[%dma_start3A_1230] : memref<3x!tpu.dma_semaphore, #tpu.memory_space<semaphore_mem>> -> memref<1x!tpu.dma_semaphore, #tpu.memory_space<semaphore_mem>>
    %dma_start3A_1236 = tpu.memref_squeeze %dma_start3A_1235 : memref<1x!tpu.dma_semaphore, #tpu.memory_space<semaphore_mem>> -> memref<!tpu.dma_semaphore, #tpu.memory_space<semaphore_mem>>
    %dma_start3A_1237 = arith.constant 0 : i32
    %dma_start3A_1238 = tpu.memref_slice %arg5[%dma_start3A_1228, %dma_start3A_1229, %dma_start3A_1237] : memref<3x1x128xi32, #tpu.memory_space<vmem>> -> memref<1x1x128xi32, #tpu.memory_space<vmem>>
    %dma_start3A_1239 = tpu.memref_squeeze %dma_start3A_1238 : memref<1x1x128xi32, #tpu.memory_space<vmem>> -> memref<128xi32, #tpu.memory_space<vmem>>
    %dma_start3A_1240 = tpu.memref_slice %arg2[%add3A_1227] : memref<100000xi32, #tpu.memory_space<hbm>> -> memref<128xi32, #tpu.memory_space<hbm>>
    tpu.enqueue_dma source(%dma_start3A_1240 : memref<128xi32, #tpu.memory_space<hbm>>) target(%dma_start3A_1239 : memref<128xi32, #tpu.memory_space<vmem>>) target_semaphore(%dma_start3A_1236 : memref<!tpu.dma_semaphore, #tpu.memory_space<semaphore_mem>>)
    %add3A_1241 = arith.constant 352 : i32
    %add3A_1242 = arith.addi %add3A, %add3A_1241 : i32
    %mul3A_1243 = arith.constant 128 : i32
    %mul3A_1244 = arith.muli %add3A_1242, %mul3A_1243 : i32
    %min3A_1245 = arith.constant 99872 : i32
    %min3A_1246 = arith.minsi %mul3A_1244, %min3A_1245 : i32
    %dma_start3A_1247 = arith.constant 2 : i32
    %dma_start3A_1248 = arith.constant 2 : i32
    %dma_start3A_1249 = arith.constant 0 : i32
    %dma_start3A_1250 = arith.constant 0 : i32
    %dma_start3A_1251 = tpu.memref_slice %arg6[%dma_start3A_1247, %dma_start3A_1249, %dma_start3A_1250] : memref<3x128x128xf32, #tpu.memory_space<vmem>> -> memref<1x128x128xf32, #tpu.memory_space<vmem>>
    %dma_start3A_1252 = tpu.memref_squeeze %dma_start3A_1251 : memref<1x128x128xf32, #tpu.memory_space<vmem>> -> memref<128x128xf32, #tpu.memory_space<vmem>>
    %dma_start3A_1253 = arith.constant 0 : i32
    %dma_start3A_1254 = tpu.memref_slice %arg4[%min3A_1246, %dma_start3A_1253] : memref<100000x128xf32, #tpu.memory_space<hbm>> -> memref<128x128xf32, #tpu.memory_space<hbm>>
    %dma_start3A_1255 = tpu.memref_slice %arg10[%dma_start3A_1248] : memref<3x!tpu.dma_semaphore, #tpu.memory_space<semaphore_mem>> -> memref<1x!tpu.dma_semaphore, #tpu.memory_space<semaphore_mem>>
    %dma_start3A_1256 = tpu.memref_squeeze %dma_start3A_1255 : memref<1x!tpu.dma_semaphore, #tpu.memory_space<semaphore_mem>> -> memref<!tpu.dma_semaphore, #tpu.memory_space<semaphore_mem>>
    %dma_start3A_1257 = arith.constant 0 : i32
    %dma_start3A_1258 = tpu.memref_slice %arg4[%min3A_1246, %dma_start3A_1257] : memref<100000x128xf32, #tpu.memory_space<hbm>> -> memref<128x128xf32, #tpu.memory_space<hbm>>
    %dma_start3A_1259 = arith.constant 0 : i32
    %dma_start3A_1260 = arith.constant 0 : i32
    %dma_start3A_1261 = tpu.memref_slice %arg6[%dma_start3A_1247, %dma_start3A_1259, %dma_start3A_1260] : memref<3x128x128xf32, #tpu.memory_space<vmem>> -> memref<1x128x128xf32, #tpu.memory_space<vmem>>
    %dma_start3A_1262 = tpu.memref_squeeze %dma_start3A_1261 : memref<1x128x128xf32, #tpu.memory_space<vmem>> -> memref<128x128xf32, #tpu.memory_space<vmem>>
    tpu.enqueue_dma source(%dma_start3A_1262 : memref<128x128xf32, #tpu.memory_space<vmem>>) target(%dma_start3A_1258 : memref<128x128xf32, #tpu.memory_space<hbm>>) target_semaphore(%dma_start3A_1256 : memref<!tpu.dma_semaphore, #tpu.memory_space<semaphore_mem>>)
    %dma_wait3A_1263 = arith.constant 0 : i32
    %dma_wait3A_1264 = arith.constant 0 : i32
    %dma_wait3A_1265 = arith.constant 0 : i32
    %dma_wait3A_1266 = arith.constant 0 : i32
    %dma_wait3A_1267 = tpu.memref_slice %arg5[%dma_wait3A_1263, %dma_wait3A_1264, %dma_wait3A_1266] : memref<3x1x128xi32, #tpu.memory_space<vmem>> -> memref<1x1x128xi32, #tpu.memory_space<vmem>>
    %dma_wait3A_1268 = tpu.memref_squeeze %dma_wait3A_1267 : memref<1x1x128xi32, #tpu.memory_space<vmem>> -> memref<128xi32, #tpu.memory_space<vmem>>
    %dma_wait3A_1269 = tpu.memref_slice %arg2[%add3A_1019] : memref<100000xi32, #tpu.memory_space<hbm>> -> memref<128xi32, #tpu.memory_space<hbm>>
    %dma_wait3A_1270 = tpu.memref_slice %arg8[%dma_wait3A_1265] : memref<3x!tpu.dma_semaphore, #tpu.memory_space<semaphore_mem>> -> memref<1x!tpu.dma_semaphore, #tpu.memory_space<semaphore_mem>>
    %dma_wait3A_1271 = tpu.memref_squeeze %dma_wait3A_1270 : memref<1x!tpu.dma_semaphore, #tpu.memory_space<semaphore_mem>> -> memref<!tpu.dma_semaphore, #tpu.memory_space<semaphore_mem>>
    %dma_wait3A_1272 = arith.constant 0 : i32
    %dma_wait3A_1273 = tpu.memref_slice %arg5[%dma_wait3A_1263, %dma_wait3A_1264, %dma_wait3A_1272] : memref<3x1x128xi32, #tpu.memory_space<vmem>> -> memref<1x1x128xi32, #tpu.memory_space<vmem>>
    %dma_wait3A_1274 = tpu.memref_squeeze %dma_wait3A_1273 : memref<1x1x128xi32, #tpu.memory_space<vmem>> -> memref<128xi32, #tpu.memory_space<vmem>>
    %dma_wait3A_1275 = tpu.memref_slice %arg2[%add3A_1019] : memref<100000xi32, #tpu.memory_space<hbm>> -> memref<128xi32, #tpu.memory_space<hbm>>
    tpu.wait_dma2 semaphore(%dma_wait3A_1271 : memref<!tpu.dma_semaphore, #tpu.memory_space<semaphore_mem>>) src(%dma_wait3A_1275 : memref<128xi32, #tpu.memory_space<hbm>>) dst(%dma_wait3A_1274 : memref<128xi32, #tpu.memory_space<vmem>>)
    %dma_wait3A_1276 = arith.constant 0 : i32
    %dma_wait3A_1277 = arith.constant 0 : i32
    %dma_wait3A_1278 = arith.constant 0 : i32
    %dma_wait3A_1279 = arith.constant 0 : i32
    %dma_wait3A_1280 = tpu.memref_slice %arg6[%dma_wait3A_1276, %dma_wait3A_1278, %dma_wait3A_1279] : memref<3x128x128xf32, #tpu.memory_space<vmem>> -> memref<1x128x128xf32, #tpu.memory_space<vmem>>
    %dma_wait3A_1281 = tpu.memref_squeeze %dma_wait3A_1280 : memref<1x128x128xf32, #tpu.memory_space<vmem>> -> memref<128x128xf32, #tpu.memory_space<vmem>>
    %dma_wait3A_1282 = arith.constant 0 : i32
    %dma_wait3A_1283 = tpu.memref_slice %arg4[%min3A_1038, %dma_wait3A_1282] : memref<100000x128xf32, #tpu.memory_space<hbm>> -> memref<128x128xf32, #tpu.memory_space<hbm>>
    %dma_wait3A_1284 = tpu.memref_slice %arg10[%dma_wait3A_1277] : memref<3x!tpu.dma_semaphore, #tpu.memory_space<semaphore_mem>> -> memref<1x!tpu.dma_semaphore, #tpu.memory_space<semaphore_mem>>
    %dma_wait3A_1285 = tpu.memref_squeeze %dma_wait3A_1284 : memref<1x!tpu.dma_semaphore, #tpu.memory_space<semaphore_mem>> -> memref<!tpu.dma_semaphore, #tpu.memory_space<semaphore_mem>>
    %dma_wait3A_1286 = arith.constant 0 : i32
    %dma_wait3A_1287 = tpu.memref_slice %arg4[%min3A_1038, %dma_wait3A_1286] : memref<100000x128xf32, #tpu.memory_space<hbm>> -> memref<128x128xf32, #tpu.memory_space<hbm>>
    %dma_wait3A_1288 = arith.constant 0 : i32
    %dma_wait3A_1289 = arith.constant 0 : i32
    %dma_wait3A_1290 = tpu.memref_slice %arg6[%dma_wait3A_1276, %dma_wait3A_1288, %dma_wait3A_1289] : memref<3x128x128xf32, #tpu.memory_space<vmem>> -> memref<1x128x128xf32, #tpu.memory_space<vmem>>
    %dma_wait3A_1291 = tpu.memref_squeeze %dma_wait3A_1290 : memref<1x128x128xf32, #tpu.memory_space<vmem>> -> memref<128x128xf32, #tpu.memory_space<vmem>>
    tpu.wait_dma2 semaphore(%dma_wait3A_1285 : memref<!tpu.dma_semaphore, #tpu.memory_space<semaphore_mem>>) src(%dma_wait3A_1291 : memref<128x128xf32, #tpu.memory_space<vmem>>) dst(%dma_wait3A_1287 : memref<128x128xf32, #tpu.memory_space<hbm>>)
    %dma_start3A_1292 = arith.constant 0 : i32
    %dma_start3A_1293 = arith.constant 0 : i32
    %dma_start3A_1294 = arith.constant 0 : i32
    %dma_start3A_1295 = arith.constant 0 : i32
    %dma_start3A_1296 = arith.constant 0 : i32
    %dma_start3A_1297 = arith.constant 0 : i32
    %dma_start3A_1298 = tpu.memref_slice %arg6[%dma_start3A_1294, %dma_start3A_1296, %dma_start3A_1297] : memref<3x128x128xf32, #tpu.memory_space<vmem>> -> memref<1x128x128xf32, #tpu.memory_space<vmem>>
    %dma_start3A_1299 = tpu.memref_squeeze %dma_start3A_1298 : memref<1x128x128xf32, #tpu.memory_space<vmem>> -> memref<128x128xf32, #tpu.memory_space<vmem>>
    %dma_start3A_1300 = arith.constant 0 : i32
    %dma_start3A_1301 = tpu.memref_slice %arg5[%dma_start3A_1292, %dma_start3A_1293, %dma_start3A_1300] : memref<3x1x128xi32, #tpu.memory_space<vmem>> -> memref<1x1x128xi32, #tpu.memory_space<vmem>>
    %dma_start3A_1302 = tpu.memref_squeeze %dma_start3A_1301 : memref<1x1x128xi32, #tpu.memory_space<vmem>> -> memref<128xi32, #tpu.memory_space<vmem>>
    %dma_start3A_1303 = arith.constant 0 : i32
    %dma_start3A_1304 = arith.constant 0 : i32
    %dma_start3A_1305 = tpu.memref_slice %arg7[%dma_start3A_1303, %dma_start3A_1304] : memref<128x128xf32, #tpu.memory_space<vmem_shared>> -> memref<128x128xf32, #tpu.memory_space<vmem_shared>>
    %dma_start3A_1306 = tpu.memref_slice %arg9[%dma_start3A_1295] : memref<3x!tpu.dma_semaphore, #tpu.memory_space<semaphore_mem>> -> memref<1x!tpu.dma_semaphore, #tpu.memory_space<semaphore_mem>>
    %dma_start3A_1307 = tpu.memref_squeeze %dma_start3A_1306 : memref<1x!tpu.dma_semaphore, #tpu.memory_space<semaphore_mem>> -> memref<!tpu.dma_semaphore, #tpu.memory_space<semaphore_mem>>
    tpu.enqueue_indirect_dma source(%dma_start3A_1305 : memref<128x128xf32, #tpu.memory_space<vmem_shared>>) target(%dma_start3A_1299 : memref<128x128xf32, #tpu.memory_space<vmem>>) offsets(%dma_start3A_1302 : memref<128xi32, #tpu.memory_space<vmem>>) semaphore(%dma_start3A_1307 : memref<!tpu.dma_semaphore, #tpu.memory_space<semaphore_mem>>)
    %dma_wait3A_1308 = arith.constant 0 : i32
    %dma_wait3A_1309 = arith.constant 0 : i32
    %dma_wait3A_1310 = arith.constant 0 : i32
    %dma_wait3A_1311 = arith.constant 0 : i32
    %dma_wait3A_1312 = arith.constant 0 : i32
    %dma_wait3A_1313 = arith.constant 0 : i32
    %dma_wait3A_1314 = tpu.memref_slice %arg6[%dma_wait3A_1310, %dma_wait3A_1312, %dma_wait3A_1313] : memref<3x128x128xf32, #tpu.memory_space<vmem>> -> memref<1x128x128xf32, #tpu.memory_space<vmem>>
    %dma_wait3A_1315 = tpu.memref_squeeze %dma_wait3A_1314 : memref<1x128x128xf32, #tpu.memory_space<vmem>> -> memref<128x128xf32, #tpu.memory_space<vmem>>
    %dma_wait3A_1316 = arith.constant 0 : i32
    %dma_wait3A_1317 = tpu.memref_slice %arg5[%dma_wait3A_1308, %dma_wait3A_1309, %dma_wait3A_1316] : memref<3x1x128xi32, #tpu.memory_space<vmem>> -> memref<1x1x128xi32, #tpu.memory_space<vmem>>
    %dma_wait3A_1318 = tpu.memref_squeeze %dma_wait3A_1317 : memref<1x1x128xi32, #tpu.memory_space<vmem>> -> memref<128xi32, #tpu.memory_space<vmem>>
    %dma_wait3A_1319 = arith.constant 0 : i32
    %dma_wait3A_1320 = arith.constant 0 : i32
    %dma_wait3A_1321 = tpu.memref_slice %arg7[%dma_wait3A_1319, %dma_wait3A_1320] : memref<128x128xf32, #tpu.memory_space<vmem_shared>> -> memref<128x128xf32, #tpu.memory_space<vmem_shared>>
    %dma_wait3A_1322 = tpu.memref_slice %arg9[%dma_wait3A_1311] : memref<3x!tpu.dma_semaphore, #tpu.memory_space<semaphore_mem>> -> memref<1x!tpu.dma_semaphore, #tpu.memory_space<semaphore_mem>>
    %dma_wait3A_1323 = tpu.memref_squeeze %dma_wait3A_1322 : memref<1x!tpu.dma_semaphore, #tpu.memory_space<semaphore_mem>> -> memref<!tpu.dma_semaphore, #tpu.memory_space<semaphore_mem>>
    tpu.wait_indirect_dma semaphore(%dma_wait3A_1323 : memref<!tpu.dma_semaphore, #tpu.memory_space<semaphore_mem>>) src(%dma_wait3A_1321 : memref<128x128xf32, #tpu.memory_space<vmem_shared>>) dst(%dma_wait3A_1315 : memref<128x128xf32, #tpu.memory_space<vmem>>)
    %add3A_1324 = arith.constant 480 : i32
    %add3A_1325 = arith.addi %add3A, %add3A_1324 : i32
    %mul3A_1326 = arith.constant 128 : i32
    %mul3A_1327 = arith.muli %add3A_1325, %mul3A_1326 : i32
    %min3A_1328 = arith.constant 99872 : i32
    %min3A_1329 = arith.minsi %mul3A_1327, %min3A_1328 : i32
    %add3A_1330 = arith.constant 0 : i32
    %add3A_1331 = arith.addi %min3A_1329, %add3A_1330 : i32
    %dma_start3A_1332 = arith.constant 0 : i32
    %dma_start3A_1333 = arith.constant 0 : i32
    %dma_start3A_1334 = arith.constant 0 : i32
    %dma_start3A_1335 = arith.constant 0 : i32
    %dma_start3A_1336 = tpu.memref_slice %arg5[%dma_start3A_1332, %dma_start3A_1333, %dma_start3A_1335] : memref<3x1x128xi32, #tpu.memory_space<vmem>> -> memref<1x1x128xi32, #tpu.memory_space<vmem>>
    %dma_start3A_1337 = tpu.memref_squeeze %dma_start3A_1336 : memref<1x1x128xi32, #tpu.memory_space<vmem>> -> memref<128xi32, #tpu.memory_space<vmem>>
    %dma_start3A_1338 = tpu.memref_slice %arg2[%add3A_1331] : memref<100000xi32, #tpu.memory_space<hbm>> -> memref<128xi32, #tpu.memory_space<hbm>>
    %dma_start3A_1339 = tpu.memref_slice %arg8[%dma_start3A_1334] : memref<3x!tpu.dma_semaphore, #tpu.memory_space<semaphore_mem>> -> memref<1x!tpu.dma_semaphore, #tpu.memory_space<semaphore_mem>>
    %dma_start3A_1340 = tpu.memref_squeeze %dma_start3A_1339 : memref<1x!tpu.dma_semaphore, #tpu.memory_space<semaphore_mem>> -> memref<!tpu.dma_semaphore, #tpu.memory_space<semaphore_mem>>
    %dma_start3A_1341 = arith.constant 0 : i32
    %dma_start3A_1342 = tpu.memref_slice %arg5[%dma_start3A_1332, %dma_start3A_1333, %dma_start3A_1341] : memref<3x1x128xi32, #tpu.memory_space<vmem>> -> memref<1x1x128xi32, #tpu.memory_space<vmem>>
    %dma_start3A_1343 = tpu.memref_squeeze %dma_start3A_1342 : memref<1x1x128xi32, #tpu.memory_space<vmem>> -> memref<128xi32, #tpu.memory_space<vmem>>
    %dma_start3A_1344 = tpu.memref_slice %arg2[%add3A_1331] : memref<100000xi32, #tpu.memory_space<hbm>> -> memref<128xi32, #tpu.memory_space<hbm>>
    tpu.enqueue_dma source(%dma_start3A_1344 : memref<128xi32, #tpu.memory_space<hbm>>) target(%dma_start3A_1343 : memref<128xi32, #tpu.memory_space<vmem>>) target_semaphore(%dma_start3A_1340 : memref<!tpu.dma_semaphore, #tpu.memory_space<semaphore_mem>>)
    %add3A_1345 = arith.constant 384 : i32
    %add3A_1346 = arith.addi %add3A, %add3A_1345 : i32
    %mul3A_1347 = arith.constant 128 : i32
    %mul3A_1348 = arith.muli %add3A_1346, %mul3A_1347 : i32
    %min3A_1349 = arith.constant 99872 : i32
    %min3A_1350 = arith.minsi %mul3A_1348, %min3A_1349 : i32
    %dma_start3A_1351 = arith.constant 0 : i32
    %dma_start3A_1352 = arith.constant 0 : i32
    %dma_start3A_1353 = arith.constant 0 : i32
    %dma_start3A_1354 = arith.constant 0 : i32
    %dma_start3A_1355 = tpu.memref_slice %arg6[%dma_start3A_1351, %dma_start3A_1353, %dma_start3A_1354] : memref<3x128x128xf32, #tpu.memory_space<vmem>> -> memref<1x128x128xf32, #tpu.memory_space<vmem>>
    %dma_start3A_1356 = tpu.memref_squeeze %dma_start3A_1355 : memref<1x128x128xf32, #tpu.memory_space<vmem>> -> memref<128x128xf32, #tpu.memory_space<vmem>>
    %dma_start3A_1357 = arith.constant 0 : i32
    %dma_start3A_1358 = tpu.memref_slice %arg4[%min3A_1350, %dma_start3A_1357] : memref<100000x128xf32, #tpu.memory_space<hbm>> -> memref<128x128xf32, #tpu.memory_space<hbm>>
    %dma_start3A_1359 = tpu.memref_slice %arg10[%dma_start3A_1352] : memref<3x!tpu.dma_semaphore, #tpu.memory_space<semaphore_mem>> -> memref<1x!tpu.dma_semaphore, #tpu.memory_space<semaphore_mem>>
    %dma_start3A_1360 = tpu.memref_squeeze %dma_start3A_1359 : memref<1x!tpu.dma_semaphore, #tpu.memory_space<semaphore_mem>> -> memref<!tpu.dma_semaphore, #tpu.memory_space<semaphore_mem>>
    %dma_start3A_1361 = arith.constant 0 : i32
    %dma_start3A_1362 = tpu.memref_slice %arg4[%min3A_1350, %dma_start3A_1361] : memref<100000x128xf32, #tpu.memory_space<hbm>> -> memref<128x128xf32, #tpu.memory_space<hbm>>
    %dma_start3A_1363 = arith.constant 0 : i32
    %dma_start3A_1364 = arith.constant 0 : i32
    %dma_start3A_1365 = tpu.memref_slice %arg6[%dma_start3A_1351, %dma_start3A_1363, %dma_start3A_1364] : memref<3x128x128xf32, #tpu.memory_space<vmem>> -> memref<1x128x128xf32, #tpu.memory_space<vmem>>
    %dma_start3A_1366 = tpu.memref_squeeze %dma_start3A_1365 : memref<1x128x128xf32, #tpu.memory_space<vmem>> -> memref<128x128xf32, #tpu.memory_space<vmem>>
    tpu.enqueue_dma source(%dma_start3A_1366 : memref<128x128xf32, #tpu.memory_space<vmem>>) target(%dma_start3A_1362 : memref<128x128xf32, #tpu.memory_space<hbm>>) target_semaphore(%dma_start3A_1360 : memref<!tpu.dma_semaphore, #tpu.memory_space<semaphore_mem>>)
    %dma_wait3A_1367 = arith.constant 1 : i32
    %dma_wait3A_1368 = arith.constant 0 : i32
    %dma_wait3A_1369 = arith.constant 1 : i32
    %dma_wait3A_1370 = arith.constant 0 : i32
    %dma_wait3A_1371 = tpu.memref_slice %arg5[%dma_wait3A_1367, %dma_wait3A_1368, %dma_wait3A_1370] : memref<3x1x128xi32, #tpu.memory_space<vmem>> -> memref<1x1x128xi32, #tpu.memory_space<vmem>>
    %dma_wait3A_1372 = tpu.memref_squeeze %dma_wait3A_1371 : memref<1x1x128xi32, #tpu.memory_space<vmem>> -> memref<128xi32, #tpu.memory_space<vmem>>
    %dma_wait3A_1373 = tpu.memref_slice %arg2[%add3A_1123] : memref<100000xi32, #tpu.memory_space<hbm>> -> memref<128xi32, #tpu.memory_space<hbm>>
    %dma_wait3A_1374 = tpu.memref_slice %arg8[%dma_wait3A_1369] : memref<3x!tpu.dma_semaphore, #tpu.memory_space<semaphore_mem>> -> memref<1x!tpu.dma_semaphore, #tpu.memory_space<semaphore_mem>>
    %dma_wait3A_1375 = tpu.memref_squeeze %dma_wait3A_1374 : memref<1x!tpu.dma_semaphore, #tpu.memory_space<semaphore_mem>> -> memref<!tpu.dma_semaphore, #tpu.memory_space<semaphore_mem>>
    %dma_wait3A_1376 = arith.constant 0 : i32
    %dma_wait3A_1377 = tpu.memref_slice %arg5[%dma_wait3A_1367, %dma_wait3A_1368, %dma_wait3A_1376] : memref<3x1x128xi32, #tpu.memory_space<vmem>> -> memref<1x1x128xi32, #tpu.memory_space<vmem>>
    %dma_wait3A_1378 = tpu.memref_squeeze %dma_wait3A_1377 : memref<1x1x128xi32, #tpu.memory_space<vmem>> -> memref<128xi32, #tpu.memory_space<vmem>>
    %dma_wait3A_1379 = tpu.memref_slice %arg2[%add3A_1123] : memref<100000xi32, #tpu.memory_space<hbm>> -> memref<128xi32, #tpu.memory_space<hbm>>
    tpu.wait_dma2 semaphore(%dma_wait3A_1375 : memref<!tpu.dma_semaphore, #tpu.memory_space<semaphore_mem>>) src(%dma_wait3A_1379 : memref<128xi32, #tpu.memory_space<hbm>>) dst(%dma_wait3A_1378 : memref<128xi32, #tpu.memory_space<vmem>>)
    %dma_wait3A_1380 = arith.constant 1 : i32
    %dma_wait3A_1381 = arith.constant 1 : i32
    %dma_wait3A_1382 = arith.constant 0 : i32
    %dma_wait3A_1383 = arith.constant 0 : i32
    %dma_wait3A_1384 = tpu.memref_slice %arg6[%dma_wait3A_1380, %dma_wait3A_1382, %dma_wait3A_1383] : memref<3x128x128xf32, #tpu.memory_space<vmem>> -> memref<1x128x128xf32, #tpu.memory_space<vmem>>
    %dma_wait3A_1385 = tpu.memref_squeeze %dma_wait3A_1384 : memref<1x128x128xf32, #tpu.memory_space<vmem>> -> memref<128x128xf32, #tpu.memory_space<vmem>>
    %dma_wait3A_1386 = arith.constant 0 : i32
    %dma_wait3A_1387 = tpu.memref_slice %arg4[%min3A_1142, %dma_wait3A_1386] : memref<100000x128xf32, #tpu.memory_space<hbm>> -> memref<128x128xf32, #tpu.memory_space<hbm>>
    %dma_wait3A_1388 = tpu.memref_slice %arg10[%dma_wait3A_1381] : memref<3x!tpu.dma_semaphore, #tpu.memory_space<semaphore_mem>> -> memref<1x!tpu.dma_semaphore, #tpu.memory_space<semaphore_mem>>
    %dma_wait3A_1389 = tpu.memref_squeeze %dma_wait3A_1388 : memref<1x!tpu.dma_semaphore, #tpu.memory_space<semaphore_mem>> -> memref<!tpu.dma_semaphore, #tpu.memory_space<semaphore_mem>>
    %dma_wait3A_1390 = arith.constant 0 : i32
    %dma_wait3A_1391 = tpu.memref_slice %arg4[%min3A_1142, %dma_wait3A_1390] : memref<100000x128xf32, #tpu.memory_space<hbm>> -> memref<128x128xf32, #tpu.memory_space<hbm>>
    %dma_wait3A_1392 = arith.constant 0 : i32
    %dma_wait3A_1393 = arith.constant 0 : i32
    %dma_wait3A_1394 = tpu.memref_slice %arg6[%dma_wait3A_1380, %dma_wait3A_1392, %dma_wait3A_1393] : memref<3x128x128xf32, #tpu.memory_space<vmem>> -> memref<1x128x128xf32, #tpu.memory_space<vmem>>
    %dma_wait3A_1395 = tpu.memref_squeeze %dma_wait3A_1394 : memref<1x128x128xf32, #tpu.memory_space<vmem>> -> memref<128x128xf32, #tpu.memory_space<vmem>>
    tpu.wait_dma2 semaphore(%dma_wait3A_1389 : memref<!tpu.dma_semaphore, #tpu.memory_space<semaphore_mem>>) src(%dma_wait3A_1395 : memref<128x128xf32, #tpu.memory_space<vmem>>) dst(%dma_wait3A_1391 : memref<128x128xf32, #tpu.memory_space<hbm>>)
    %dma_start3A_1396 = arith.constant 1 : i32
    %dma_start3A_1397 = arith.constant 0 : i32
    %dma_start3A_1398 = arith.constant 1 : i32
    %dma_start3A_1399 = arith.constant 1 : i32
    %dma_start3A_1400 = arith.constant 0 : i32
    %dma_start3A_1401 = arith.constant 0 : i32
    %dma_start3A_1402 = tpu.memref_slice %arg6[%dma_start3A_1398, %dma_start3A_1400, %dma_start3A_1401] : memref<3x128x128xf32, #tpu.memory_space<vmem>> -> memref<1x128x128xf32, #tpu.memory_space<vmem>>
    %dma_start3A_1403 = tpu.memref_squeeze %dma_start3A_1402 : memref<1x128x128xf32, #tpu.memory_space<vmem>> -> memref<128x128xf32, #tpu.memory_space<vmem>>
    %dma_start3A_1404 = arith.constant 0 : i32
    %dma_start3A_1405 = tpu.memref_slice %arg5[%dma_start3A_1396, %dma_start3A_1397, %dma_start3A_1404] : memref<3x1x128xi32, #tpu.memory_space<vmem>> -> memref<1x1x128xi32, #tpu.memory_space<vmem>>
    %dma_start3A_1406 = tpu.memref_squeeze %dma_start3A_1405 : memref<1x1x128xi32, #tpu.memory_space<vmem>> -> memref<128xi32, #tpu.memory_space<vmem>>
    %dma_start3A_1407 = arith.constant 0 : i32
    %dma_start3A_1408 = arith.constant 0 : i32
    %dma_start3A_1409 = tpu.memref_slice %arg7[%dma_start3A_1407, %dma_start3A_1408] : memref<128x128xf32, #tpu.memory_space<vmem_shared>> -> memref<128x128xf32, #tpu.memory_space<vmem_shared>>
    %dma_start3A_1410 = tpu.memref_slice %arg9[%dma_start3A_1399] : memref<3x!tpu.dma_semaphore, #tpu.memory_space<semaphore_mem>> -> memref<1x!tpu.dma_semaphore, #tpu.memory_space<semaphore_mem>>
    %dma_start3A_1411 = tpu.memref_squeeze %dma_start3A_1410 : memref<1x!tpu.dma_semaphore, #tpu.memory_space<semaphore_mem>> -> memref<!tpu.dma_semaphore, #tpu.memory_space<semaphore_mem>>
    tpu.enqueue_indirect_dma source(%dma_start3A_1409 : memref<128x128xf32, #tpu.memory_space<vmem_shared>>) target(%dma_start3A_1403 : memref<128x128xf32, #tpu.memory_space<vmem>>) offsets(%dma_start3A_1406 : memref<128xi32, #tpu.memory_space<vmem>>) semaphore(%dma_start3A_1411 : memref<!tpu.dma_semaphore, #tpu.memory_space<semaphore_mem>>)
    %dma_wait3A_1412 = arith.constant 1 : i32
    %dma_wait3A_1413 = arith.constant 0 : i32
    %dma_wait3A_1414 = arith.constant 1 : i32
    %dma_wait3A_1415 = arith.constant 1 : i32
    %dma_wait3A_1416 = arith.constant 0 : i32
    %dma_wait3A_1417 = arith.constant 0 : i32
    %dma_wait3A_1418 = tpu.memref_slice %arg6[%dma_wait3A_1414, %dma_wait3A_1416, %dma_wait3A_1417] : memref<3x128x128xf32, #tpu.memory_space<vmem>> -> memref<1x128x128xf32, #tpu.memory_space<vmem>>
    %dma_wait3A_1419 = tpu.memref_squeeze %dma_wait3A_1418 : memref<1x128x128xf32, #tpu.memory_space<vmem>> -> memref<128x128xf32, #tpu.memory_space<vmem>>
    %dma_wait3A_1420 = arith.constant 0 : i32
    %dma_wait3A_1421 = tpu.memref_slice %arg5[%dma_wait3A_1412, %dma_wait3A_1413, %dma_wait3A_1420] : memref<3x1x128xi32, #tpu.memory_space<vmem>> -> memref<1x1x128xi32, #tpu.memory_space<vmem>>
    %dma_wait3A_1422 = tpu.memref_squeeze %dma_wait3A_1421 : memref<1x1x128xi32, #tpu.memory_space<vmem>> -> memref<128xi32, #tpu.memory_space<vmem>>
    %dma_wait3A_1423 = arith.constant 0 : i32
    %dma_wait3A_1424 = arith.constant 0 : i32
    %dma_wait3A_1425 = tpu.memref_slice %arg7[%dma_wait3A_1423, %dma_wait3A_1424] : memref<128x128xf32, #tpu.memory_space<vmem_shared>> -> memref<128x128xf32, #tpu.memory_space<vmem_shared>>
    %dma_wait3A_1426 = tpu.memref_slice %arg9[%dma_wait3A_1415] : memref<3x!tpu.dma_semaphore, #tpu.memory_space<semaphore_mem>> -> memref<1x!tpu.dma_semaphore, #tpu.memory_space<semaphore_mem>>
    %dma_wait3A_1427 = tpu.memref_squeeze %dma_wait3A_1426 : memref<1x!tpu.dma_semaphore, #tpu.memory_space<semaphore_mem>> -> memref<!tpu.dma_semaphore, #tpu.memory_space<semaphore_mem>>
    tpu.wait_indirect_dma semaphore(%dma_wait3A_1427 : memref<!tpu.dma_semaphore, #tpu.memory_space<semaphore_mem>>) src(%dma_wait3A_1425 : memref<128x128xf32, #tpu.memory_space<vmem_shared>>) dst(%dma_wait3A_1419 : memref<128x128xf32, #tpu.memory_space<vmem>>)
    %add3A_1428 = arith.constant 512 : i32
    %add3A_1429 = arith.addi %add3A, %add3A_1428 : i32
    %mul3A_1430 = arith.constant 128 : i32
    %mul3A_1431 = arith.muli %add3A_1429, %mul3A_1430 : i32
    %min3A_1432 = arith.constant 99872 : i32
    %min3A_1433 = arith.minsi %mul3A_1431, %min3A_1432 : i32
    %add3A_1434 = arith.constant 0 : i32
    %add3A_1435 = arith.addi %min3A_1433, %add3A_1434 : i32
    %dma_start3A_1436 = arith.constant 1 : i32
    %dma_start3A_1437 = arith.constant 0 : i32
    %dma_start3A_1438 = arith.constant 1 : i32
    %dma_start3A_1439 = arith.constant 0 : i32
    %dma_start3A_1440 = tpu.memref_slice %arg5[%dma_start3A_1436, %dma_start3A_1437, %dma_start3A_1439] : memref<3x1x128xi32, #tpu.memory_space<vmem>> -> memref<1x1x128xi32, #tpu.memory_space<vmem>>
    %dma_start3A_1441 = tpu.memref_squeeze %dma_start3A_1440 : memref<1x1x128xi32, #tpu.memory_space<vmem>> -> memref<128xi32, #tpu.memory_space<vmem>>
    %dma_start3A_1442 = tpu.memref_slice %arg2[%add3A_1435] : memref<100000xi32, #tpu.memory_space<hbm>> -> memref<128xi32, #tpu.memory_space<hbm>>
    %dma_start3A_1443 = tpu.memref_slice %arg8[%dma_start3A_1438] : memref<3x!tpu.dma_semaphore, #tpu.memory_space<semaphore_mem>> -> memref<1x!tpu.dma_semaphore, #tpu.memory_space<semaphore_mem>>
    %dma_start3A_1444 = tpu.memref_squeeze %dma_start3A_1443 : memref<1x!tpu.dma_semaphore, #tpu.memory_space<semaphore_mem>> -> memref<!tpu.dma_semaphore, #tpu.memory_space<semaphore_mem>>
    %dma_start3A_1445 = arith.constant 0 : i32
    %dma_start3A_1446 = tpu.memref_slice %arg5[%dma_start3A_1436, %dma_start3A_1437, %dma_start3A_1445] : memref<3x1x128xi32, #tpu.memory_space<vmem>> -> memref<1x1x128xi32, #tpu.memory_space<vmem>>
    %dma_start3A_1447 = tpu.memref_squeeze %dma_start3A_1446 : memref<1x1x128xi32, #tpu.memory_space<vmem>> -> memref<128xi32, #tpu.memory_space<vmem>>
    %dma_start3A_1448 = tpu.memref_slice %arg2[%add3A_1435] : memref<100000xi32, #tpu.memory_space<hbm>> -> memref<128xi32, #tpu.memory_space<hbm>>
    tpu.enqueue_dma source(%dma_start3A_1448 : memref<128xi32, #tpu.memory_space<hbm>>) target(%dma_start3A_1447 : memref<128xi32, #tpu.memory_space<vmem>>) target_semaphore(%dma_start3A_1444 : memref<!tpu.dma_semaphore, #tpu.memory_space<semaphore_mem>>)
    %add3A_1449 = arith.constant 416 : i32
    %add3A_1450 = arith.addi %add3A, %add3A_1449 : i32
    %mul3A_1451 = arith.constant 128 : i32
    %mul3A_1452 = arith.muli %add3A_1450, %mul3A_1451 : i32
    %min3A_1453 = arith.constant 99872 : i32
    %min3A_1454 = arith.minsi %mul3A_1452, %min3A_1453 : i32
    %dma_start3A_1455 = arith.constant 1 : i32
    %dma_start3A_1456 = arith.constant 1 : i32
    %dma_start3A_1457 = arith.constant 0 : i32
    %dma_start3A_1458 = arith.constant 0 : i32
    %dma_start3A_1459 = tpu.memref_slice %arg6[%dma_start3A_1455, %dma_start3A_1457, %dma_start3A_1458] : memref<3x128x128xf32, #tpu.memory_space<vmem>> -> memref<1x128x128xf32, #tpu.memory_space<vmem>>
    %dma_start3A_1460 = tpu.memref_squeeze %dma_start3A_1459 : memref<1x128x128xf32, #tpu.memory_space<vmem>> -> memref<128x128xf32, #tpu.memory_space<vmem>>
    %dma_start3A_1461 = arith.constant 0 : i32
    %dma_start3A_1462 = tpu.memref_slice %arg4[%min3A_1454, %dma_start3A_1461] : memref<100000x128xf32, #tpu.memory_space<hbm>> -> memref<128x128xf32, #tpu.memory_space<hbm>>
    %dma_start3A_1463 = tpu.memref_slice %arg10[%dma_start3A_1456] : memref<3x!tpu.dma_semaphore, #tpu.memory_space<semaphore_mem>> -> memref<1x!tpu.dma_semaphore, #tpu.memory_space<semaphore_mem>>
    %dma_start3A_1464 = tpu.memref_squeeze %dma_start3A_1463 : memref<1x!tpu.dma_semaphore, #tpu.memory_space<semaphore_mem>> -> memref<!tpu.dma_semaphore, #tpu.memory_space<semaphore_mem>>
    %dma_start3A_1465 = arith.constant 0 : i32
    %dma_start3A_1466 = tpu.memref_slice %arg4[%min3A_1454, %dma_start3A_1465] : memref<100000x128xf32, #tpu.memory_space<hbm>> -> memref<128x128xf32, #tpu.memory_space<hbm>>
    %dma_start3A_1467 = arith.constant 0 : i32
    %dma_start3A_1468 = arith.constant 0 : i32
    %dma_start3A_1469 = tpu.memref_slice %arg6[%dma_start3A_1455, %dma_start3A_1467, %dma_start3A_1468] : memref<3x128x128xf32, #tpu.memory_space<vmem>> -> memref<1x128x128xf32, #tpu.memory_space<vmem>>
    %dma_start3A_1470 = tpu.memref_squeeze %dma_start3A_1469 : memref<1x128x128xf32, #tpu.memory_space<vmem>> -> memref<128x128xf32, #tpu.memory_space<vmem>>
    tpu.enqueue_dma source(%dma_start3A_1470 : memref<128x128xf32, #tpu.memory_space<vmem>>) target(%dma_start3A_1466 : memref<128x128xf32, #tpu.memory_space<hbm>>) target_semaphore(%dma_start3A_1464 : memref<!tpu.dma_semaphore, #tpu.memory_space<semaphore_mem>>)
    %dma_wait3A_1471 = arith.constant 2 : i32
    %dma_wait3A_1472 = arith.constant 0 : i32
    %dma_wait3A_1473 = arith.constant 2 : i32
    %dma_wait3A_1474 = arith.constant 0 : i32
    %dma_wait3A_1475 = tpu.memref_slice %arg5[%dma_wait3A_1471, %dma_wait3A_1472, %dma_wait3A_1474] : memref<3x1x128xi32, #tpu.memory_space<vmem>> -> memref<1x1x128xi32, #tpu.memory_space<vmem>>
    %dma_wait3A_1476 = tpu.memref_squeeze %dma_wait3A_1475 : memref<1x1x128xi32, #tpu.memory_space<vmem>> -> memref<128xi32, #tpu.memory_space<vmem>>
    %dma_wait3A_1477 = tpu.memref_slice %arg2[%add3A_1227] : memref<100000xi32, #tpu.memory_space<hbm>> -> memref<128xi32, #tpu.memory_space<hbm>>
    %dma_wait3A_1478 = tpu.memref_slice %arg8[%dma_wait3A_1473] : memref<3x!tpu.dma_semaphore, #tpu.memory_space<semaphore_mem>> -> memref<1x!tpu.dma_semaphore, #tpu.memory_space<semaphore_mem>>
    %dma_wait3A_1479 = tpu.memref_squeeze %dma_wait3A_1478 : memref<1x!tpu.dma_semaphore, #tpu.memory_space<semaphore_mem>> -> memref<!tpu.dma_semaphore, #tpu.memory_space<semaphore_mem>>
    %dma_wait3A_1480 = arith.constant 0 : i32
    %dma_wait3A_1481 = tpu.memref_slice %arg5[%dma_wait3A_1471, %dma_wait3A_1472, %dma_wait3A_1480] : memref<3x1x128xi32, #tpu.memory_space<vmem>> -> memref<1x1x128xi32, #tpu.memory_space<vmem>>
    %dma_wait3A_1482 = tpu.memref_squeeze %dma_wait3A_1481 : memref<1x1x128xi32, #tpu.memory_space<vmem>> -> memref<128xi32, #tpu.memory_space<vmem>>
    %dma_wait3A_1483 = tpu.memref_slice %arg2[%add3A_1227] : memref<100000xi32, #tpu.memory_space<hbm>> -> memref<128xi32, #tpu.memory_space<hbm>>
    tpu.wait_dma2 semaphore(%dma_wait3A_1479 : memref<!tpu.dma_semaphore, #tpu.memory_space<semaphore_mem>>) src(%dma_wait3A_1483 : memref<128xi32, #tpu.memory_space<hbm>>) dst(%dma_wait3A_1482 : memref<128xi32, #tpu.memory_space<vmem>>)
    %dma_wait3A_1484 = arith.constant 2 : i32
    %dma_wait3A_1485 = arith.constant 2 : i32
    %dma_wait3A_1486 = arith.constant 0 : i32
    %dma_wait3A_1487 = arith.constant 0 : i32
    %dma_wait3A_1488 = tpu.memref_slice %arg6[%dma_wait3A_1484, %dma_wait3A_1486, %dma_wait3A_1487] : memref<3x128x128xf32, #tpu.memory_space<vmem>> -> memref<1x128x128xf32, #tpu.memory_space<vmem>>
    %dma_wait3A_1489 = tpu.memref_squeeze %dma_wait3A_1488 : memref<1x128x128xf32, #tpu.memory_space<vmem>> -> memref<128x128xf32, #tpu.memory_space<vmem>>
    %dma_wait3A_1490 = arith.constant 0 : i32
    %dma_wait3A_1491 = tpu.memref_slice %arg4[%min3A_1246, %dma_wait3A_1490] : memref<100000x128xf32, #tpu.memory_space<hbm>> -> memref<128x128xf32, #tpu.memory_space<hbm>>
    %dma_wait3A_1492 = tpu.memref_slice %arg10[%dma_wait3A_1485] : memref<3x!tpu.dma_semaphore, #tpu.memory_space<semaphore_mem>> -> memref<1x!tpu.dma_semaphore, #tpu.memory_space<semaphore_mem>>
    %dma_wait3A_1493 = tpu.memref_squeeze %dma_wait3A_1492 : memref<1x!tpu.dma_semaphore, #tpu.memory_space<semaphore_mem>> -> memref<!tpu.dma_semaphore, #tpu.memory_space<semaphore_mem>>
    %dma_wait3A_1494 = arith.constant 0 : i32
    %dma_wait3A_1495 = tpu.memref_slice %arg4[%min3A_1246, %dma_wait3A_1494] : memref<100000x128xf32, #tpu.memory_space<hbm>> -> memref<128x128xf32, #tpu.memory_space<hbm>>
    %dma_wait3A_1496 = arith.constant 0 : i32
    %dma_wait3A_1497 = arith.constant 0 : i32
    %dma_wait3A_1498 = tpu.memref_slice %arg6[%dma_wait3A_1484, %dma_wait3A_1496, %dma_wait3A_1497] : memref<3x128x128xf32, #tpu.memory_space<vmem>> -> memref<1x128x128xf32, #tpu.memory_space<vmem>>
    %dma_wait3A_1499 = tpu.memref_squeeze %dma_wait3A_1498 : memref<1x128x128xf32, #tpu.memory_space<vmem>> -> memref<128x128xf32, #tpu.memory_space<vmem>>
    tpu.wait_dma2 semaphore(%dma_wait3A_1493 : memref<!tpu.dma_semaphore, #tpu.memory_space<semaphore_mem>>) src(%dma_wait3A_1499 : memref<128x128xf32, #tpu.memory_space<vmem>>) dst(%dma_wait3A_1495 : memref<128x128xf32, #tpu.memory_space<hbm>>)
    %dma_start3A_1500 = arith.constant 2 : i32
    %dma_start3A_1501 = arith.constant 0 : i32
    %dma_start3A_1502 = arith.constant 2 : i32
    %dma_start3A_1503 = arith.constant 2 : i32
    %dma_start3A_1504 = arith.constant 0 : i32
    %dma_start3A_1505 = arith.constant 0 : i32
    %dma_start3A_1506 = tpu.memref_slice %arg6[%dma_start3A_1502, %dma_start3A_1504, %dma_start3A_1505] : memref<3x128x128xf32, #tpu.memory_space<vmem>> -> memref<1x128x128xf32, #tpu.memory_space<vmem>>
    %dma_start3A_1507 = tpu.memref_squeeze %dma_start3A_1506 : memref<1x128x128xf32, #tpu.memory_space<vmem>> -> memref<128x128xf32, #tpu.memory_space<vmem>>
    %dma_start3A_1508 = arith.constant 0 : i32
    %dma_start3A_1509 = tpu.memref_slice %arg5[%dma_start3A_1500, %dma_start3A_1501, %dma_start3A_1508] : memref<3x1x128xi32, #tpu.memory_space<vmem>> -> memref<1x1x128xi32, #tpu.memory_space<vmem>>
    %dma_start3A_1510 = tpu.memref_squeeze %dma_start3A_1509 : memref<1x1x128xi32, #tpu.memory_space<vmem>> -> memref<128xi32, #tpu.memory_space<vmem>>
    %dma_start3A_1511 = arith.constant 0 : i32
    %dma_start3A_1512 = arith.constant 0 : i32
    %dma_start3A_1513 = tpu.memref_slice %arg7[%dma_start3A_1511, %dma_start3A_1512] : memref<128x128xf32, #tpu.memory_space<vmem_shared>> -> memref<128x128xf32, #tpu.memory_space<vmem_shared>>
    %dma_start3A_1514 = tpu.memref_slice %arg9[%dma_start3A_1503] : memref<3x!tpu.dma_semaphore, #tpu.memory_space<semaphore_mem>> -> memref<1x!tpu.dma_semaphore, #tpu.memory_space<semaphore_mem>>
    %dma_start3A_1515 = tpu.memref_squeeze %dma_start3A_1514 : memref<1x!tpu.dma_semaphore, #tpu.memory_space<semaphore_mem>> -> memref<!tpu.dma_semaphore, #tpu.memory_space<semaphore_mem>>
    tpu.enqueue_indirect_dma source(%dma_start3A_1513 : memref<128x128xf32, #tpu.memory_space<vmem_shared>>) target(%dma_start3A_1507 : memref<128x128xf32, #tpu.memory_space<vmem>>) offsets(%dma_start3A_1510 : memref<128xi32, #tpu.memory_space<vmem>>) semaphore(%dma_start3A_1515 : memref<!tpu.dma_semaphore, #tpu.memory_space<semaphore_mem>>)
    %dma_wait3A_1516 = arith.constant 2 : i32
    %dma_wait3A_1517 = arith.constant 0 : i32
    %dma_wait3A_1518 = arith.constant 2 : i32
    %dma_wait3A_1519 = arith.constant 2 : i32
    %dma_wait3A_1520 = arith.constant 0 : i32
    %dma_wait3A_1521 = arith.constant 0 : i32
    %dma_wait3A_1522 = tpu.memref_slice %arg6[%dma_wait3A_1518, %dma_wait3A_1520, %dma_wait3A_1521] : memref<3x128x128xf32, #tpu.memory_space<vmem>> -> memref<1x128x128xf32, #tpu.memory_space<vmem>>
    %dma_wait3A_1523 = tpu.memref_squeeze %dma_wait3A_1522 : memref<1x128x128xf32, #tpu.memory_space<vmem>> -> memref<128x128xf32, #tpu.memory_space<vmem>>
    %dma_wait3A_1524 = arith.constant 0 : i32
    %dma_wait3A_1525 = tpu.memref_slice %arg5[%dma_wait3A_1516, %dma_wait3A_1517, %dma_wait3A_1524] : memref<3x1x128xi32, #tpu.memory_space<vmem>> -> memref<1x1x128xi32, #tpu.memory_space<vmem>>
    %dma_wait3A_1526 = tpu.memref_squeeze %dma_wait3A_1525 : memref<1x1x128xi32, #tpu.memory_space<vmem>> -> memref<128xi32, #tpu.memory_space<vmem>>
    %dma_wait3A_1527 = arith.constant 0 : i32
    %dma_wait3A_1528 = arith.constant 0 : i32
    %dma_wait3A_1529 = tpu.memref_slice %arg7[%dma_wait3A_1527, %dma_wait3A_1528] : memref<128x128xf32, #tpu.memory_space<vmem_shared>> -> memref<128x128xf32, #tpu.memory_space<vmem_shared>>
    %dma_wait3A_1530 = tpu.memref_slice %arg9[%dma_wait3A_1519] : memref<3x!tpu.dma_semaphore, #tpu.memory_space<semaphore_mem>> -> memref<1x!tpu.dma_semaphore, #tpu.memory_space<semaphore_mem>>
    %dma_wait3A_1531 = tpu.memref_squeeze %dma_wait3A_1530 : memref<1x!tpu.dma_semaphore, #tpu.memory_space<semaphore_mem>> -> memref<!tpu.dma_semaphore, #tpu.memory_space<semaphore_mem>>
    tpu.wait_indirect_dma semaphore(%dma_wait3A_1531 : memref<!tpu.dma_semaphore, #tpu.memory_space<semaphore_mem>>) src(%dma_wait3A_1529 : memref<128x128xf32, #tpu.memory_space<vmem_shared>>) dst(%dma_wait3A_1523 : memref<128x128xf32, #tpu.memory_space<vmem>>)
    %add3A_1532 = arith.constant 544 : i32
    %add3A_1533 = arith.addi %add3A, %add3A_1532 : i32
    %mul3A_1534 = arith.constant 128 : i32
    %mul3A_1535 = arith.muli %add3A_1533, %mul3A_1534 : i32
    %min3A_1536 = arith.constant 99872 : i32
    %min3A_1537 = arith.minsi %mul3A_1535, %min3A_1536 : i32
    %add3A_1538 = arith.constant 0 : i32
    %add3A_1539 = arith.addi %min3A_1537, %add3A_1538 : i32
    %dma_start3A_1540 = arith.constant 2 : i32
    %dma_start3A_1541 = arith.constant 0 : i32
    %dma_start3A_1542 = arith.constant 2 : i32
    %dma_start3A_1543 = arith.constant 0 : i32
    %dma_start3A_1544 = tpu.memref_slice %arg5[%dma_start3A_1540, %dma_start3A_1541, %dma_start3A_1543] : memref<3x1x128xi32, #tpu.memory_space<vmem>> -> memref<1x1x128xi32, #tpu.memory_space<vmem>>
    %dma_start3A_1545 = tpu.memref_squeeze %dma_start3A_1544 : memref<1x1x128xi32, #tpu.memory_space<vmem>> -> memref<128xi32, #tpu.memory_space<vmem>>
    %dma_start3A_1546 = tpu.memref_slice %arg2[%add3A_1539] : memref<100000xi32, #tpu.memory_space<hbm>> -> memref<128xi32, #tpu.memory_space<hbm>>
    %dma_start3A_1547 = tpu.memref_slice %arg8[%dma_start3A_1542] : memref<3x!tpu.dma_semaphore, #tpu.memory_space<semaphore_mem>> -> memref<1x!tpu.dma_semaphore, #tpu.memory_space<semaphore_mem>>
    %dma_start3A_1548 = tpu.memref_squeeze %dma_start3A_1547 : memref<1x!tpu.dma_semaphore, #tpu.memory_space<semaphore_mem>> -> memref<!tpu.dma_semaphore, #tpu.memory_space<semaphore_mem>>
    %dma_start3A_1549 = arith.constant 0 : i32
    %dma_start3A_1550 = tpu.memref_slice %arg5[%dma_start3A_1540, %dma_start3A_1541, %dma_start3A_1549] : memref<3x1x128xi32, #tpu.memory_space<vmem>> -> memref<1x1x128xi32, #tpu.memory_space<vmem>>
    %dma_start3A_1551 = tpu.memref_squeeze %dma_start3A_1550 : memref<1x1x128xi32, #tpu.memory_space<vmem>> -> memref<128xi32, #tpu.memory_space<vmem>>
    %dma_start3A_1552 = tpu.memref_slice %arg2[%add3A_1539] : memref<100000xi32, #tpu.memory_space<hbm>> -> memref<128xi32, #tpu.memory_space<hbm>>
    tpu.enqueue_dma source(%dma_start3A_1552 : memref<128xi32, #tpu.memory_space<hbm>>) target(%dma_start3A_1551 : memref<128xi32, #tpu.memory_space<vmem>>) target_semaphore(%dma_start3A_1548 : memref<!tpu.dma_semaphore, #tpu.memory_space<semaphore_mem>>)
    %add3A_1553 = arith.constant 448 : i32
    %add3A_1554 = arith.addi %add3A, %add3A_1553 : i32
    %mul3A_1555 = arith.constant 128 : i32
    %mul3A_1556 = arith.muli %add3A_1554, %mul3A_1555 : i32
    %min3A_1557 = arith.constant 99872 : i32
    %min3A_1558 = arith.minsi %mul3A_1556, %min3A_1557 : i32
    %dma_start3A_1559 = arith.constant 2 : i32
    %dma_start3A_1560 = arith.constant 2 : i32
    %dma_start3A_1561 = arith.constant 0 : i32
    %dma_start3A_1562 = arith.constant 0 : i32
    %dma_start3A_1563 = tpu.memref_slice %arg6[%dma_start3A_1559, %dma_start3A_1561, %dma_start3A_1562] : memref<3x128x128xf32, #tpu.memory_space<vmem>> -> memref<1x128x128xf32, #tpu.memory_space<vmem>>
    %dma_start3A_1564 = tpu.memref_squeeze %dma_start3A_1563 : memref<1x128x128xf32, #tpu.memory_space<vmem>> -> memref<128x128xf32, #tpu.memory_space<vmem>>
    %dma_start3A_1565 = arith.constant 0 : i32
    %dma_start3A_1566 = tpu.memref_slice %arg4[%min3A_1558, %dma_start3A_1565] : memref<100000x128xf32, #tpu.memory_space<hbm>> -> memref<128x128xf32, #tpu.memory_space<hbm>>
    %dma_start3A_1567 = tpu.memref_slice %arg10[%dma_start3A_1560] : memref<3x!tpu.dma_semaphore, #tpu.memory_space<semaphore_mem>> -> memref<1x!tpu.dma_semaphore, #tpu.memory_space<semaphore_mem>>
    %dma_start3A_1568 = tpu.memref_squeeze %dma_start3A_1567 : memref<1x!tpu.dma_semaphore, #tpu.memory_space<semaphore_mem>> -> memref<!tpu.dma_semaphore, #tpu.memory_space<semaphore_mem>>
    %dma_start3A_1569 = arith.constant 0 : i32
    %dma_start3A_1570 = tpu.memref_slice %arg4[%min3A_1558, %dma_start3A_1569] : memref<100000x128xf32, #tpu.memory_space<hbm>> -> memref<128x128xf32, #tpu.memory_space<hbm>>
    %dma_start3A_1571 = arith.constant 0 : i32
    %dma_start3A_1572 = arith.constant 0 : i32
    %dma_start3A_1573 = tpu.memref_slice %arg6[%dma_start3A_1559, %dma_start3A_1571, %dma_start3A_1572] : memref<3x128x128xf32, #tpu.memory_space<vmem>> -> memref<1x128x128xf32, #tpu.memory_space<vmem>>
    %dma_start3A_1574 = tpu.memref_squeeze %dma_start3A_1573 : memref<1x128x128xf32, #tpu.memory_space<vmem>> -> memref<128x128xf32, #tpu.memory_space<vmem>>
    tpu.enqueue_dma source(%dma_start3A_1574 : memref<128x128xf32, #tpu.memory_space<vmem>>) target(%dma_start3A_1570 : memref<128x128xf32, #tpu.memory_space<hbm>>) target_semaphore(%dma_start3A_1568 : memref<!tpu.dma_semaphore, #tpu.memory_space<semaphore_mem>>)
    %dma_wait3A_1575 = arith.constant 0 : i32
    %dma_wait3A_1576 = arith.constant 0 : i32
    %dma_wait3A_1577 = arith.constant 0 : i32
    %dma_wait3A_1578 = arith.constant 0 : i32
    %dma_wait3A_1579 = tpu.memref_slice %arg5[%dma_wait3A_1575, %dma_wait3A_1576, %dma_wait3A_1578] : memref<3x1x128xi32, #tpu.memory_space<vmem>> -> memref<1x1x128xi32, #tpu.memory_space<vmem>>
    %dma_wait3A_1580 = tpu.memref_squeeze %dma_wait3A_1579 : memref<1x1x128xi32, #tpu.memory_space<vmem>> -> memref<128xi32, #tpu.memory_space<vmem>>
    %dma_wait3A_1581 = tpu.memref_slice %arg2[%add3A_1331] : memref<100000xi32, #tpu.memory_space<hbm>> -> memref<128xi32, #tpu.memory_space<hbm>>
    %dma_wait3A_1582 = tpu.memref_slice %arg8[%dma_wait3A_1577] : memref<3x!tpu.dma_semaphore, #tpu.memory_space<semaphore_mem>> -> memref<1x!tpu.dma_semaphore, #tpu.memory_space<semaphore_mem>>
    %dma_wait3A_1583 = tpu.memref_squeeze %dma_wait3A_1582 : memref<1x!tpu.dma_semaphore, #tpu.memory_space<semaphore_mem>> -> memref<!tpu.dma_semaphore, #tpu.memory_space<semaphore_mem>>
    %dma_wait3A_1584 = arith.constant 0 : i32
    %dma_wait3A_1585 = tpu.memref_slice %arg5[%dma_wait3A_1575, %dma_wait3A_1576, %dma_wait3A_1584] : memref<3x1x128xi32, #tpu.memory_space<vmem>> -> memref<1x1x128xi32, #tpu.memory_space<vmem>>
    %dma_wait3A_1586 = tpu.memref_squeeze %dma_wait3A_1585 : memref<1x1x128xi32, #tpu.memory_space<vmem>> -> memref<128xi32, #tpu.memory_space<vmem>>
    %dma_wait3A_1587 = tpu.memref_slice %arg2[%add3A_1331] : memref<100000xi32, #tpu.memory_space<hbm>> -> memref<128xi32, #tpu.memory_space<hbm>>
    tpu.wait_dma2 semaphore(%dma_wait3A_1583 : memref<!tpu.dma_semaphore, #tpu.memory_space<semaphore_mem>>) src(%dma_wait3A_1587 : memref<128xi32, #tpu.memory_space<hbm>>) dst(%dma_wait3A_1586 : memref<128xi32, #tpu.memory_space<vmem>>)
    %dma_wait3A_1588 = arith.constant 0 : i32
    %dma_wait3A_1589 = arith.constant 0 : i32
    %dma_wait3A_1590 = arith.constant 0 : i32
    %dma_wait3A_1591 = arith.constant 0 : i32
    %dma_wait3A_1592 = tpu.memref_slice %arg6[%dma_wait3A_1588, %dma_wait3A_1590, %dma_wait3A_1591] : memref<3x128x128xf32, #tpu.memory_space<vmem>> -> memref<1x128x128xf32, #tpu.memory_space<vmem>>
    %dma_wait3A_1593 = tpu.memref_squeeze %dma_wait3A_1592 : memref<1x128x128xf32, #tpu.memory_space<vmem>> -> memref<128x128xf32, #tpu.memory_space<vmem>>
    %dma_wait3A_1594 = arith.constant 0 : i32
    %dma_wait3A_1595 = tpu.memref_slice %arg4[%min3A_1350, %dma_wait3A_1594] : memref<100000x128xf32, #tpu.memory_space<hbm>> -> memref<128x128xf32, #tpu.memory_space<hbm>>
    %dma_wait3A_1596 = tpu.memref_slice %arg10[%dma_wait3A_1589] : memref<3x!tpu.dma_semaphore, #tpu.memory_space<semaphore_mem>> -> memref<1x!tpu.dma_semaphore, #tpu.memory_space<semaphore_mem>>
    %dma_wait3A_1597 = tpu.memref_squeeze %dma_wait3A_1596 : memref<1x!tpu.dma_semaphore, #tpu.memory_space<semaphore_mem>> -> memref<!tpu.dma_semaphore, #tpu.memory_space<semaphore_mem>>
    %dma_wait3A_1598 = arith.constant 0 : i32
    %dma_wait3A_1599 = tpu.memref_slice %arg4[%min3A_1350, %dma_wait3A_1598] : memref<100000x128xf32, #tpu.memory_space<hbm>> -> memref<128x128xf32, #tpu.memory_space<hbm>>
    %dma_wait3A_1600 = arith.constant 0 : i32
    %dma_wait3A_1601 = arith.constant 0 : i32
    %dma_wait3A_1602 = tpu.memref_slice %arg6[%dma_wait3A_1588, %dma_wait3A_1600, %dma_wait3A_1601] : memref<3x128x128xf32, #tpu.memory_space<vmem>> -> memref<1x128x128xf32, #tpu.memory_space<vmem>>
    %dma_wait3A_1603 = tpu.memref_squeeze %dma_wait3A_1602 : memref<1x128x128xf32, #tpu.memory_space<vmem>> -> memref<128x128xf32, #tpu.memory_space<vmem>>
    tpu.wait_dma2 semaphore(%dma_wait3A_1597 : memref<!tpu.dma_semaphore, #tpu.memory_space<semaphore_mem>>) src(%dma_wait3A_1603 : memref<128x128xf32, #tpu.memory_space<vmem>>) dst(%dma_wait3A_1599 : memref<128x128xf32, #tpu.memory_space<hbm>>)
    %dma_start3A_1604 = arith.constant 0 : i32
    %dma_start3A_1605 = arith.constant 0 : i32
    %dma_start3A_1606 = arith.constant 0 : i32
    %dma_start3A_1607 = arith.constant 0 : i32
    %dma_start3A_1608 = arith.constant 0 : i32
    %dma_start3A_1609 = arith.constant 0 : i32
    %dma_start3A_1610 = tpu.memref_slice %arg6[%dma_start3A_1606, %dma_start3A_1608, %dma_start3A_1609] : memref<3x128x128xf32, #tpu.memory_space<vmem>> -> memref<1x128x128xf32, #tpu.memory_space<vmem>>
    %dma_start3A_1611 = tpu.memref_squeeze %dma_start3A_1610 : memref<1x128x128xf32, #tpu.memory_space<vmem>> -> memref<128x128xf32, #tpu.memory_space<vmem>>
    %dma_start3A_1612 = arith.constant 0 : i32
    %dma_start3A_1613 = tpu.memref_slice %arg5[%dma_start3A_1604, %dma_start3A_1605, %dma_start3A_1612] : memref<3x1x128xi32, #tpu.memory_space<vmem>> -> memref<1x1x128xi32, #tpu.memory_space<vmem>>
    %dma_start3A_1614 = tpu.memref_squeeze %dma_start3A_1613 : memref<1x1x128xi32, #tpu.memory_space<vmem>> -> memref<128xi32, #tpu.memory_space<vmem>>
    %dma_start3A_1615 = arith.constant 0 : i32
    %dma_start3A_1616 = arith.constant 0 : i32
    %dma_start3A_1617 = tpu.memref_slice %arg7[%dma_start3A_1615, %dma_start3A_1616] : memref<128x128xf32, #tpu.memory_space<vmem_shared>> -> memref<128x128xf32, #tpu.memory_space<vmem_shared>>
    %dma_start3A_1618 = tpu.memref_slice %arg9[%dma_start3A_1607] : memref<3x!tpu.dma_semaphore, #tpu.memory_space<semaphore_mem>> -> memref<1x!tpu.dma_semaphore, #tpu.memory_space<semaphore_mem>>
    %dma_start3A_1619 = tpu.memref_squeeze %dma_start3A_1618 : memref<1x!tpu.dma_semaphore, #tpu.memory_space<semaphore_mem>> -> memref<!tpu.dma_semaphore, #tpu.memory_space<semaphore_mem>>
    tpu.enqueue_indirect_dma source(%dma_start3A_1617 : memref<128x128xf32, #tpu.memory_space<vmem_shared>>) target(%dma_start3A_1611 : memref<128x128xf32, #tpu.memory_space<vmem>>) offsets(%dma_start3A_1614 : memref<128xi32, #tpu.memory_space<vmem>>) semaphore(%dma_start3A_1619 : memref<!tpu.dma_semaphore, #tpu.memory_space<semaphore_mem>>)
    %dma_wait3A_1620 = arith.constant 0 : i32
    %dma_wait3A_1621 = arith.constant 0 : i32
    %dma_wait3A_1622 = arith.constant 0 : i32
    %dma_wait3A_1623 = arith.constant 0 : i32
    %dma_wait3A_1624 = arith.constant 0 : i32
    %dma_wait3A_1625 = arith.constant 0 : i32
    %dma_wait3A_1626 = tpu.memref_slice %arg6[%dma_wait3A_1622, %dma_wait3A_1624, %dma_wait3A_1625] : memref<3x128x128xf32, #tpu.memory_space<vmem>> -> memref<1x128x128xf32, #tpu.memory_space<vmem>>
    %dma_wait3A_1627 = tpu.memref_squeeze %dma_wait3A_1626 : memref<1x128x128xf32, #tpu.memory_space<vmem>> -> memref<128x128xf32, #tpu.memory_space<vmem>>
    %dma_wait3A_1628 = arith.constant 0 : i32
    %dma_wait3A_1629 = tpu.memref_slice %arg5[%dma_wait3A_1620, %dma_wait3A_1621, %dma_wait3A_1628] : memref<3x1x128xi32, #tpu.memory_space<vmem>> -> memref<1x1x128xi32, #tpu.memory_space<vmem>>
    %dma_wait3A_1630 = tpu.memref_squeeze %dma_wait3A_1629 : memref<1x1x128xi32, #tpu.memory_space<vmem>> -> memref<128xi32, #tpu.memory_space<vmem>>
    %dma_wait3A_1631 = arith.constant 0 : i32
    %dma_wait3A_1632 = arith.constant 0 : i32
    %dma_wait3A_1633 = tpu.memref_slice %arg7[%dma_wait3A_1631, %dma_wait3A_1632] : memref<128x128xf32, #tpu.memory_space<vmem_shared>> -> memref<128x128xf32, #tpu.memory_space<vmem_shared>>
    %dma_wait3A_1634 = tpu.memref_slice %arg9[%dma_wait3A_1623] : memref<3x!tpu.dma_semaphore, #tpu.memory_space<semaphore_mem>> -> memref<1x!tpu.dma_semaphore, #tpu.memory_space<semaphore_mem>>
    %dma_wait3A_1635 = tpu.memref_squeeze %dma_wait3A_1634 : memref<1x!tpu.dma_semaphore, #tpu.memory_space<semaphore_mem>> -> memref<!tpu.dma_semaphore, #tpu.memory_space<semaphore_mem>>
    tpu.wait_indirect_dma semaphore(%dma_wait3A_1635 : memref<!tpu.dma_semaphore, #tpu.memory_space<semaphore_mem>>) src(%dma_wait3A_1633 : memref<128x128xf32, #tpu.memory_space<vmem_shared>>) dst(%dma_wait3A_1627 : memref<128x128xf32, #tpu.memory_space<vmem>>)
    %add3A_1636 = arith.constant 576 : i32
    %add3A_1637 = arith.addi %add3A, %add3A_1636 : i32
    %mul3A_1638 = arith.constant 128 : i32
    %mul3A_1639 = arith.muli %add3A_1637, %mul3A_1638 : i32
    %min3A_1640 = arith.constant 99872 : i32
    %min3A_1641 = arith.minsi %mul3A_1639, %min3A_1640 : i32
    %add3A_1642 = arith.constant 0 : i32
    %add3A_1643 = arith.addi %min3A_1641, %add3A_1642 : i32
    %dma_start3A_1644 = arith.constant 0 : i32
    %dma_start3A_1645 = arith.constant 0 : i32
    %dma_start3A_1646 = arith.constant 0 : i32
    %dma_start3A_1647 = arith.constant 0 : i32
    %dma_start3A_1648 = tpu.memref_slice %arg5[%dma_start3A_1644, %dma_start3A_1645, %dma_start3A_1647] : memref<3x1x128xi32, #tpu.memory_space<vmem>> -> memref<1x1x128xi32, #tpu.memory_space<vmem>>
    %dma_start3A_1649 = tpu.memref_squeeze %dma_start3A_1648 : memref<1x1x128xi32, #tpu.memory_space<vmem>> -> memref<128xi32, #tpu.memory_space<vmem>>
    %dma_start3A_1650 = tpu.memref_slice %arg2[%add3A_1643] : memref<100000xi32, #tpu.memory_space<hbm>> -> memref<128xi32, #tpu.memory_space<hbm>>
    %dma_start3A_1651 = tpu.memref_slice %arg8[%dma_start3A_1646] : memref<3x!tpu.dma_semaphore, #tpu.memory_space<semaphore_mem>> -> memref<1x!tpu.dma_semaphore, #tpu.memory_space<semaphore_mem>>
    %dma_start3A_1652 = tpu.memref_squeeze %dma_start3A_1651 : memref<1x!tpu.dma_semaphore, #tpu.memory_space<semaphore_mem>> -> memref<!tpu.dma_semaphore, #tpu.memory_space<semaphore_mem>>
    %dma_start3A_1653 = arith.constant 0 : i32
    %dma_start3A_1654 = tpu.memref_slice %arg5[%dma_start3A_1644, %dma_start3A_1645, %dma_start3A_1653] : memref<3x1x128xi32, #tpu.memory_space<vmem>> -> memref<1x1x128xi32, #tpu.memory_space<vmem>>
    %dma_start3A_1655 = tpu.memref_squeeze %dma_start3A_1654 : memref<1x1x128xi32, #tpu.memory_space<vmem>> -> memref<128xi32, #tpu.memory_space<vmem>>
    %dma_start3A_1656 = tpu.memref_slice %arg2[%add3A_1643] : memref<100000xi32, #tpu.memory_space<hbm>> -> memref<128xi32, #tpu.memory_space<hbm>>
    tpu.enqueue_dma source(%dma_start3A_1656 : memref<128xi32, #tpu.memory_space<hbm>>) target(%dma_start3A_1655 : memref<128xi32, #tpu.memory_space<vmem>>) target_semaphore(%dma_start3A_1652 : memref<!tpu.dma_semaphore, #tpu.memory_space<semaphore_mem>>)
    %add3A_1657 = arith.constant 480 : i32
    %add3A_1658 = arith.addi %add3A, %add3A_1657 : i32
    %mul3A_1659 = arith.constant 128 : i32
    %mul3A_1660 = arith.muli %add3A_1658, %mul3A_1659 : i32
    %min3A_1661 = arith.constant 99872 : i32
    %min3A_1662 = arith.minsi %mul3A_1660, %min3A_1661 : i32
    %dma_start3A_1663 = arith.constant 0 : i32
    %dma_start3A_1664 = arith.constant 0 : i32
    %dma_start3A_1665 = arith.constant 0 : i32
    %dma_start3A_1666 = arith.constant 0 : i32
    %dma_start3A_1667 = tpu.memref_slice %arg6[%dma_start3A_1663, %dma_start3A_1665, %dma_start3A_1666] : memref<3x128x128xf32, #tpu.memory_space<vmem>> -> memref<1x128x128xf32, #tpu.memory_space<vmem>>
    %dma_start3A_1668 = tpu.memref_squeeze %dma_start3A_1667 : memref<1x128x128xf32, #tpu.memory_space<vmem>> -> memref<128x128xf32, #tpu.memory_space<vmem>>
    %dma_start3A_1669 = arith.constant 0 : i32
    %dma_start3A_1670 = tpu.memref_slice %arg4[%min3A_1662, %dma_start3A_1669] : memref<100000x128xf32, #tpu.memory_space<hbm>> -> memref<128x128xf32, #tpu.memory_space<hbm>>
    %dma_start3A_1671 = tpu.memref_slice %arg10[%dma_start3A_1664] : memref<3x!tpu.dma_semaphore, #tpu.memory_space<semaphore_mem>> -> memref<1x!tpu.dma_semaphore, #tpu.memory_space<semaphore_mem>>
    %dma_start3A_1672 = tpu.memref_squeeze %dma_start3A_1671 : memref<1x!tpu.dma_semaphore, #tpu.memory_space<semaphore_mem>> -> memref<!tpu.dma_semaphore, #tpu.memory_space<semaphore_mem>>
    %dma_start3A_1673 = arith.constant 0 : i32
    %dma_start3A_1674 = tpu.memref_slice %arg4[%min3A_1662, %dma_start3A_1673] : memref<100000x128xf32, #tpu.memory_space<hbm>> -> memref<128x128xf32, #tpu.memory_space<hbm>>
    %dma_start3A_1675 = arith.constant 0 : i32
    %dma_start3A_1676 = arith.constant 0 : i32
    %dma_start3A_1677 = tpu.memref_slice %arg6[%dma_start3A_1663, %dma_start3A_1675, %dma_start3A_1676] : memref<3x128x128xf32, #tpu.memory_space<vmem>> -> memref<1x128x128xf32, #tpu.memory_space<vmem>>
    %dma_start3A_1678 = tpu.memref_squeeze %dma_start3A_1677 : memref<1x128x128xf32, #tpu.memory_space<vmem>> -> memref<128x128xf32, #tpu.memory_space<vmem>>
    tpu.enqueue_dma source(%dma_start3A_1678 : memref<128x128xf32, #tpu.memory_space<vmem>>) target(%dma_start3A_1674 : memref<128x128xf32, #tpu.memory_space<hbm>>) target_semaphore(%dma_start3A_1672 : memref<!tpu.dma_semaphore, #tpu.memory_space<semaphore_mem>>)
    %dma_wait3A_1679 = arith.constant 1 : i32
    %dma_wait3A_1680 = arith.constant 0 : i32
    %dma_wait3A_1681 = arith.constant 1 : i32
    %dma_wait3A_1682 = arith.constant 0 : i32
    %dma_wait3A_1683 = tpu.memref_slice %arg5[%dma_wait3A_1679, %dma_wait3A_1680, %dma_wait3A_1682] : memref<3x1x128xi32, #tpu.memory_space<vmem>> -> memref<1x1x128xi32, #tpu.memory_space<vmem>>
    %dma_wait3A_1684 = tpu.memref_squeeze %dma_wait3A_1683 : memref<1x1x128xi32, #tpu.memory_space<vmem>> -> memref<128xi32, #tpu.memory_space<vmem>>
    %dma_wait3A_1685 = tpu.memref_slice %arg2[%add3A_1435] : memref<100000xi32, #tpu.memory_space<hbm>> -> memref<128xi32, #tpu.memory_space<hbm>>
    %dma_wait3A_1686 = tpu.memref_slice %arg8[%dma_wait3A_1681] : memref<3x!tpu.dma_semaphore, #tpu.memory_space<semaphore_mem>> -> memref<1x!tpu.dma_semaphore, #tpu.memory_space<semaphore_mem>>
    %dma_wait3A_1687 = tpu.memref_squeeze %dma_wait3A_1686 : memref<1x!tpu.dma_semaphore, #tpu.memory_space<semaphore_mem>> -> memref<!tpu.dma_semaphore, #tpu.memory_space<semaphore_mem>>
    %dma_wait3A_1688 = arith.constant 0 : i32
    %dma_wait3A_1689 = tpu.memref_slice %arg5[%dma_wait3A_1679, %dma_wait3A_1680, %dma_wait3A_1688] : memref<3x1x128xi32, #tpu.memory_space<vmem>> -> memref<1x1x128xi32, #tpu.memory_space<vmem>>
    %dma_wait3A_1690 = tpu.memref_squeeze %dma_wait3A_1689 : memref<1x1x128xi32, #tpu.memory_space<vmem>> -> memref<128xi32, #tpu.memory_space<vmem>>
    %dma_wait3A_1691 = tpu.memref_slice %arg2[%add3A_1435] : memref<100000xi32, #tpu.memory_space<hbm>> -> memref<128xi32, #tpu.memory_space<hbm>>
    tpu.wait_dma2 semaphore(%dma_wait3A_1687 : memref<!tpu.dma_semaphore, #tpu.memory_space<semaphore_mem>>) src(%dma_wait3A_1691 : memref<128xi32, #tpu.memory_space<hbm>>) dst(%dma_wait3A_1690 : memref<128xi32, #tpu.memory_space<vmem>>)
    %dma_wait3A_1692 = arith.constant 1 : i32
    %dma_wait3A_1693 = arith.constant 1 : i32
    %dma_wait3A_1694 = arith.constant 0 : i32
    %dma_wait3A_1695 = arith.constant 0 : i32
    %dma_wait3A_1696 = tpu.memref_slice %arg6[%dma_wait3A_1692, %dma_wait3A_1694, %dma_wait3A_1695] : memref<3x128x128xf32, #tpu.memory_space<vmem>> -> memref<1x128x128xf32, #tpu.memory_space<vmem>>
    %dma_wait3A_1697 = tpu.memref_squeeze %dma_wait3A_1696 : memref<1x128x128xf32, #tpu.memory_space<vmem>> -> memref<128x128xf32, #tpu.memory_space<vmem>>
    %dma_wait3A_1698 = arith.constant 0 : i32
    %dma_wait3A_1699 = tpu.memref_slice %arg4[%min3A_1454, %dma_wait3A_1698] : memref<100000x128xf32, #tpu.memory_space<hbm>> -> memref<128x128xf32, #tpu.memory_space<hbm>>
    %dma_wait3A_1700 = tpu.memref_slice %arg10[%dma_wait3A_1693] : memref<3x!tpu.dma_semaphore, #tpu.memory_space<semaphore_mem>> -> memref<1x!tpu.dma_semaphore, #tpu.memory_space<semaphore_mem>>
    %dma_wait3A_1701 = tpu.memref_squeeze %dma_wait3A_1700 : memref<1x!tpu.dma_semaphore, #tpu.memory_space<semaphore_mem>> -> memref<!tpu.dma_semaphore, #tpu.memory_space<semaphore_mem>>
    %dma_wait3A_1702 = arith.constant 0 : i32
    %dma_wait3A_1703 = tpu.memref_slice %arg4[%min3A_1454, %dma_wait3A_1702] : memref<100000x128xf32, #tpu.memory_space<hbm>> -> memref<128x128xf32, #tpu.memory_space<hbm>>
    %dma_wait3A_1704 = arith.constant 0 : i32
    %dma_wait3A_1705 = arith.constant 0 : i32
    %dma_wait3A_1706 = tpu.memref_slice %arg6[%dma_wait3A_1692, %dma_wait3A_1704, %dma_wait3A_1705] : memref<3x128x128xf32, #tpu.memory_space<vmem>> -> memref<1x128x128xf32, #tpu.memory_space<vmem>>
    %dma_wait3A_1707 = tpu.memref_squeeze %dma_wait3A_1706 : memref<1x128x128xf32, #tpu.memory_space<vmem>> -> memref<128x128xf32, #tpu.memory_space<vmem>>
    tpu.wait_dma2 semaphore(%dma_wait3A_1701 : memref<!tpu.dma_semaphore, #tpu.memory_space<semaphore_mem>>) src(%dma_wait3A_1707 : memref<128x128xf32, #tpu.memory_space<vmem>>) dst(%dma_wait3A_1703 : memref<128x128xf32, #tpu.memory_space<hbm>>)
    %dma_start3A_1708 = arith.constant 1 : i32
    %dma_start3A_1709 = arith.constant 0 : i32
    %dma_start3A_1710 = arith.constant 1 : i32
    %dma_start3A_1711 = arith.constant 1 : i32
    %dma_start3A_1712 = arith.constant 0 : i32
    %dma_start3A_1713 = arith.constant 0 : i32
    %dma_start3A_1714 = tpu.memref_slice %arg6[%dma_start3A_1710, %dma_start3A_1712, %dma_start3A_1713] : memref<3x128x128xf32, #tpu.memory_space<vmem>> -> memref<1x128x128xf32, #tpu.memory_space<vmem>>
    %dma_start3A_1715 = tpu.memref_squeeze %dma_start3A_1714 : memref<1x128x128xf32, #tpu.memory_space<vmem>> -> memref<128x128xf32, #tpu.memory_space<vmem>>
    %dma_start3A_1716 = arith.constant 0 : i32
    %dma_start3A_1717 = tpu.memref_slice %arg5[%dma_start3A_1708, %dma_start3A_1709, %dma_start3A_1716] : memref<3x1x128xi32, #tpu.memory_space<vmem>> -> memref<1x1x128xi32, #tpu.memory_space<vmem>>
    %dma_start3A_1718 = tpu.memref_squeeze %dma_start3A_1717 : memref<1x1x128xi32, #tpu.memory_space<vmem>> -> memref<128xi32, #tpu.memory_space<vmem>>
    %dma_start3A_1719 = arith.constant 0 : i32
    %dma_start3A_1720 = arith.constant 0 : i32
    %dma_start3A_1721 = tpu.memref_slice %arg7[%dma_start3A_1719, %dma_start3A_1720] : memref<128x128xf32, #tpu.memory_space<vmem_shared>> -> memref<128x128xf32, #tpu.memory_space<vmem_shared>>
    %dma_start3A_1722 = tpu.memref_slice %arg9[%dma_start3A_1711] : memref<3x!tpu.dma_semaphore, #tpu.memory_space<semaphore_mem>> -> memref<1x!tpu.dma_semaphore, #tpu.memory_space<semaphore_mem>>
    %dma_start3A_1723 = tpu.memref_squeeze %dma_start3A_1722 : memref<1x!tpu.dma_semaphore, #tpu.memory_space<semaphore_mem>> -> memref<!tpu.dma_semaphore, #tpu.memory_space<semaphore_mem>>
    tpu.enqueue_indirect_dma source(%dma_start3A_1721 : memref<128x128xf32, #tpu.memory_space<vmem_shared>>) target(%dma_start3A_1715 : memref<128x128xf32, #tpu.memory_space<vmem>>) offsets(%dma_start3A_1718 : memref<128xi32, #tpu.memory_space<vmem>>) semaphore(%dma_start3A_1723 : memref<!tpu.dma_semaphore, #tpu.memory_space<semaphore_mem>>)
    %dma_wait3A_1724 = arith.constant 1 : i32
    %dma_wait3A_1725 = arith.constant 0 : i32
    %dma_wait3A_1726 = arith.constant 1 : i32
    %dma_wait3A_1727 = arith.constant 1 : i32
    %dma_wait3A_1728 = arith.constant 0 : i32
    %dma_wait3A_1729 = arith.constant 0 : i32
    %dma_wait3A_1730 = tpu.memref_slice %arg6[%dma_wait3A_1726, %dma_wait3A_1728, %dma_wait3A_1729] : memref<3x128x128xf32, #tpu.memory_space<vmem>> -> memref<1x128x128xf32, #tpu.memory_space<vmem>>
    %dma_wait3A_1731 = tpu.memref_squeeze %dma_wait3A_1730 : memref<1x128x128xf32, #tpu.memory_space<vmem>> -> memref<128x128xf32, #tpu.memory_space<vmem>>
    %dma_wait3A_1732 = arith.constant 0 : i32
    %dma_wait3A_1733 = tpu.memref_slice %arg5[%dma_wait3A_1724, %dma_wait3A_1725, %dma_wait3A_1732] : memref<3x1x128xi32, #tpu.memory_space<vmem>> -> memref<1x1x128xi32, #tpu.memory_space<vmem>>
    %dma_wait3A_1734 = tpu.memref_squeeze %dma_wait3A_1733 : memref<1x1x128xi32, #tpu.memory_space<vmem>> -> memref<128xi32, #tpu.memory_space<vmem>>
    %dma_wait3A_1735 = arith.constant 0 : i32
    %dma_wait3A_1736 = arith.constant 0 : i32
    %dma_wait3A_1737 = tpu.memref_slice %arg7[%dma_wait3A_1735, %dma_wait3A_1736] : memref<128x128xf32, #tpu.memory_space<vmem_shared>> -> memref<128x128xf32, #tpu.memory_space<vmem_shared>>
    %dma_wait3A_1738 = tpu.memref_slice %arg9[%dma_wait3A_1727] : memref<3x!tpu.dma_semaphore, #tpu.memory_space<semaphore_mem>> -> memref<1x!tpu.dma_semaphore, #tpu.memory_space<semaphore_mem>>
    %dma_wait3A_1739 = tpu.memref_squeeze %dma_wait3A_1738 : memref<1x!tpu.dma_semaphore, #tpu.memory_space<semaphore_mem>> -> memref<!tpu.dma_semaphore, #tpu.memory_space<semaphore_mem>>
    tpu.wait_indirect_dma semaphore(%dma_wait3A_1739 : memref<!tpu.dma_semaphore, #tpu.memory_space<semaphore_mem>>) src(%dma_wait3A_1737 : memref<128x128xf32, #tpu.memory_space<vmem_shared>>) dst(%dma_wait3A_1731 : memref<128x128xf32, #tpu.memory_space<vmem>>)
    %add3A_1740 = arith.constant 608 : i32
    %add3A_1741 = arith.addi %add3A, %add3A_1740 : i32
    %mul3A_1742 = arith.constant 128 : i32
    %mul3A_1743 = arith.muli %add3A_1741, %mul3A_1742 : i32
    %min3A_1744 = arith.constant 99872 : i32
    %min3A_1745 = arith.minsi %mul3A_1743, %min3A_1744 : i32
    %add3A_1746 = arith.constant 0 : i32
    %add3A_1747 = arith.addi %min3A_1745, %add3A_1746 : i32
    %dma_start3A_1748 = arith.constant 1 : i32
    %dma_start3A_1749 = arith.constant 0 : i32
    %dma_start3A_1750 = arith.constant 1 : i32
    %dma_start3A_1751 = arith.constant 0 : i32
    %dma_start3A_1752 = tpu.memref_slice %arg5[%dma_start3A_1748, %dma_start3A_1749, %dma_start3A_1751] : memref<3x1x128xi32, #tpu.memory_space<vmem>> -> memref<1x1x128xi32, #tpu.memory_space<vmem>>
    %dma_start3A_1753 = tpu.memref_squeeze %dma_start3A_1752 : memref<1x1x128xi32, #tpu.memory_space<vmem>> -> memref<128xi32, #tpu.memory_space<vmem>>
    %dma_start3A_1754 = tpu.memref_slice %arg2[%add3A_1747] : memref<100000xi32, #tpu.memory_space<hbm>> -> memref<128xi32, #tpu.memory_space<hbm>>
    %dma_start3A_1755 = tpu.memref_slice %arg8[%dma_start3A_1750] : memref<3x!tpu.dma_semaphore, #tpu.memory_space<semaphore_mem>> -> memref<1x!tpu.dma_semaphore, #tpu.memory_space<semaphore_mem>>
    %dma_start3A_1756 = tpu.memref_squeeze %dma_start3A_1755 : memref<1x!tpu.dma_semaphore, #tpu.memory_space<semaphore_mem>> -> memref<!tpu.dma_semaphore, #tpu.memory_space<semaphore_mem>>
    %dma_start3A_1757 = arith.constant 0 : i32
    %dma_start3A_1758 = tpu.memref_slice %arg5[%dma_start3A_1748, %dma_start3A_1749, %dma_start3A_1757] : memref<3x1x128xi32, #tpu.memory_space<vmem>> -> memref<1x1x128xi32, #tpu.memory_space<vmem>>
    %dma_start3A_1759 = tpu.memref_squeeze %dma_start3A_1758 : memref<1x1x128xi32, #tpu.memory_space<vmem>> -> memref<128xi32, #tpu.memory_space<vmem>>
    %dma_start3A_1760 = tpu.memref_slice %arg2[%add3A_1747] : memref<100000xi32, #tpu.memory_space<hbm>> -> memref<128xi32, #tpu.memory_space<hbm>>
    tpu.enqueue_dma source(%dma_start3A_1760 : memref<128xi32, #tpu.memory_space<hbm>>) target(%dma_start3A_1759 : memref<128xi32, #tpu.memory_space<vmem>>) target_semaphore(%dma_start3A_1756 : memref<!tpu.dma_semaphore, #tpu.memory_space<semaphore_mem>>)
    %add3A_1761 = arith.constant 512 : i32
    %add3A_1762 = arith.addi %add3A, %add3A_1761 : i32
    %mul3A_1763 = arith.constant 128 : i32
    %mul3A_1764 = arith.muli %add3A_1762, %mul3A_1763 : i32
    %min3A_1765 = arith.constant 99872 : i32
    %min3A_1766 = arith.minsi %mul3A_1764, %min3A_1765 : i32
    %dma_start3A_1767 = arith.constant 1 : i32
    %dma_start3A_1768 = arith.constant 1 : i32
    %dma_start3A_1769 = arith.constant 0 : i32
    %dma_start3A_1770 = arith.constant 0 : i32
    %dma_start3A_1771 = tpu.memref_slice %arg6[%dma_start3A_1767, %dma_start3A_1769, %dma_start3A_1770] : memref<3x128x128xf32, #tpu.memory_space<vmem>> -> memref<1x128x128xf32, #tpu.memory_space<vmem>>
    %dma_start3A_1772 = tpu.memref_squeeze %dma_start3A_1771 : memref<1x128x128xf32, #tpu.memory_space<vmem>> -> memref<128x128xf32, #tpu.memory_space<vmem>>
    %dma_start3A_1773 = arith.constant 0 : i32
    %dma_start3A_1774 = tpu.memref_slice %arg4[%min3A_1766, %dma_start3A_1773] : memref<100000x128xf32, #tpu.memory_space<hbm>> -> memref<128x128xf32, #tpu.memory_space<hbm>>
    %dma_start3A_1775 = tpu.memref_slice %arg10[%dma_start3A_1768] : memref<3x!tpu.dma_semaphore, #tpu.memory_space<semaphore_mem>> -> memref<1x!tpu.dma_semaphore, #tpu.memory_space<semaphore_mem>>
    %dma_start3A_1776 = tpu.memref_squeeze %dma_start3A_1775 : memref<1x!tpu.dma_semaphore, #tpu.memory_space<semaphore_mem>> -> memref<!tpu.dma_semaphore, #tpu.memory_space<semaphore_mem>>
    %dma_start3A_1777 = arith.constant 0 : i32
    %dma_start3A_1778 = tpu.memref_slice %arg4[%min3A_1766, %dma_start3A_1777] : memref<100000x128xf32, #tpu.memory_space<hbm>> -> memref<128x128xf32, #tpu.memory_space<hbm>>
    %dma_start3A_1779 = arith.constant 0 : i32
    %dma_start3A_1780 = arith.constant 0 : i32
    %dma_start3A_1781 = tpu.memref_slice %arg6[%dma_start3A_1767, %dma_start3A_1779, %dma_start3A_1780] : memref<3x128x128xf32, #tpu.memory_space<vmem>> -> memref<1x128x128xf32, #tpu.memory_space<vmem>>
    %dma_start3A_1782 = tpu.memref_squeeze %dma_start3A_1781 : memref<1x128x128xf32, #tpu.memory_space<vmem>> -> memref<128x128xf32, #tpu.memory_space<vmem>>
    tpu.enqueue_dma source(%dma_start3A_1782 : memref<128x128xf32, #tpu.memory_space<vmem>>) target(%dma_start3A_1778 : memref<128x128xf32, #tpu.memory_space<hbm>>) target_semaphore(%dma_start3A_1776 : memref<!tpu.dma_semaphore, #tpu.memory_space<semaphore_mem>>)
    %dma_wait3A_1783 = arith.constant 2 : i32
    %dma_wait3A_1784 = arith.constant 0 : i32
    %dma_wait3A_1785 = arith.constant 2 : i32
    %dma_wait3A_1786 = arith.constant 0 : i32
    %dma_wait3A_1787 = tpu.memref_slice %arg5[%dma_wait3A_1783, %dma_wait3A_1784, %dma_wait3A_1786] : memref<3x1x128xi32, #tpu.memory_space<vmem>> -> memref<1x1x128xi32, #tpu.memory_space<vmem>>
    %dma_wait3A_1788 = tpu.memref_squeeze %dma_wait3A_1787 : memref<1x1x128xi32, #tpu.memory_space<vmem>> -> memref<128xi32, #tpu.memory_space<vmem>>
    %dma_wait3A_1789 = tpu.memref_slice %arg2[%add3A_1539] : memref<100000xi32, #tpu.memory_space<hbm>> -> memref<128xi32, #tpu.memory_space<hbm>>
    %dma_wait3A_1790 = tpu.memref_slice %arg8[%dma_wait3A_1785] : memref<3x!tpu.dma_semaphore, #tpu.memory_space<semaphore_mem>> -> memref<1x!tpu.dma_semaphore, #tpu.memory_space<semaphore_mem>>
    %dma_wait3A_1791 = tpu.memref_squeeze %dma_wait3A_1790 : memref<1x!tpu.dma_semaphore, #tpu.memory_space<semaphore_mem>> -> memref<!tpu.dma_semaphore, #tpu.memory_space<semaphore_mem>>
    %dma_wait3A_1792 = arith.constant 0 : i32
    %dma_wait3A_1793 = tpu.memref_slice %arg5[%dma_wait3A_1783, %dma_wait3A_1784, %dma_wait3A_1792] : memref<3x1x128xi32, #tpu.memory_space<vmem>> -> memref<1x1x128xi32, #tpu.memory_space<vmem>>
    %dma_wait3A_1794 = tpu.memref_squeeze %dma_wait3A_1793 : memref<1x1x128xi32, #tpu.memory_space<vmem>> -> memref<128xi32, #tpu.memory_space<vmem>>
    %dma_wait3A_1795 = tpu.memref_slice %arg2[%add3A_1539] : memref<100000xi32, #tpu.memory_space<hbm>> -> memref<128xi32, #tpu.memory_space<hbm>>
    tpu.wait_dma2 semaphore(%dma_wait3A_1791 : memref<!tpu.dma_semaphore, #tpu.memory_space<semaphore_mem>>) src(%dma_wait3A_1795 : memref<128xi32, #tpu.memory_space<hbm>>) dst(%dma_wait3A_1794 : memref<128xi32, #tpu.memory_space<vmem>>)
    %dma_wait3A_1796 = arith.constant 2 : i32
    %dma_wait3A_1797 = arith.constant 2 : i32
    %dma_wait3A_1798 = arith.constant 0 : i32
    %dma_wait3A_1799 = arith.constant 0 : i32
    %dma_wait3A_1800 = tpu.memref_slice %arg6[%dma_wait3A_1796, %dma_wait3A_1798, %dma_wait3A_1799] : memref<3x128x128xf32, #tpu.memory_space<vmem>> -> memref<1x128x128xf32, #tpu.memory_space<vmem>>
    %dma_wait3A_1801 = tpu.memref_squeeze %dma_wait3A_1800 : memref<1x128x128xf32, #tpu.memory_space<vmem>> -> memref<128x128xf32, #tpu.memory_space<vmem>>
    %dma_wait3A_1802 = arith.constant 0 : i32
    %dma_wait3A_1803 = tpu.memref_slice %arg4[%min3A_1558, %dma_wait3A_1802] : memref<100000x128xf32, #tpu.memory_space<hbm>> -> memref<128x128xf32, #tpu.memory_space<hbm>>
    %dma_wait3A_1804 = tpu.memref_slice %arg10[%dma_wait3A_1797] : memref<3x!tpu.dma_semaphore, #tpu.memory_space<semaphore_mem>> -> memref<1x!tpu.dma_semaphore, #tpu.memory_space<semaphore_mem>>
    %dma_wait3A_1805 = tpu.memref_squeeze %dma_wait3A_1804 : memref<1x!tpu.dma_semaphore, #tpu.memory_space<semaphore_mem>> -> memref<!tpu.dma_semaphore, #tpu.memory_space<semaphore_mem>>
    %dma_wait3A_1806 = arith.constant 0 : i32
    %dma_wait3A_1807 = tpu.memref_slice %arg4[%min3A_1558, %dma_wait3A_1806] : memref<100000x128xf32, #tpu.memory_space<hbm>> -> memref<128x128xf32, #tpu.memory_space<hbm>>
    %dma_wait3A_1808 = arith.constant 0 : i32
    %dma_wait3A_1809 = arith.constant 0 : i32
    %dma_wait3A_1810 = tpu.memref_slice %arg6[%dma_wait3A_1796, %dma_wait3A_1808, %dma_wait3A_1809] : memref<3x128x128xf32, #tpu.memory_space<vmem>> -> memref<1x128x128xf32, #tpu.memory_space<vmem>>
    %dma_wait3A_1811 = tpu.memref_squeeze %dma_wait3A_1810 : memref<1x128x128xf32, #tpu.memory_space<vmem>> -> memref<128x128xf32, #tpu.memory_space<vmem>>
    tpu.wait_dma2 semaphore(%dma_wait3A_1805 : memref<!tpu.dma_semaphore, #tpu.memory_space<semaphore_mem>>) src(%dma_wait3A_1811 : memref<128x128xf32, #tpu.memory_space<vmem>>) dst(%dma_wait3A_1807 : memref<128x128xf32, #tpu.memory_space<hbm>>)
    %dma_start3A_1812 = arith.constant 2 : i32
    %dma_start3A_1813 = arith.constant 0 : i32
    %dma_start3A_1814 = arith.constant 2 : i32
    %dma_start3A_1815 = arith.constant 2 : i32
    %dma_start3A_1816 = arith.constant 0 : i32
    %dma_start3A_1817 = arith.constant 0 : i32
    %dma_start3A_1818 = tpu.memref_slice %arg6[%dma_start3A_1814, %dma_start3A_1816, %dma_start3A_1817] : memref<3x128x128xf32, #tpu.memory_space<vmem>> -> memref<1x128x128xf32, #tpu.memory_space<vmem>>
    %dma_start3A_1819 = tpu.memref_squeeze %dma_start3A_1818 : memref<1x128x128xf32, #tpu.memory_space<vmem>> -> memref<128x128xf32, #tpu.memory_space<vmem>>
    %dma_start3A_1820 = arith.constant 0 : i32
    %dma_start3A_1821 = tpu.memref_slice %arg5[%dma_start3A_1812, %dma_start3A_1813, %dma_start3A_1820] : memref<3x1x128xi32, #tpu.memory_space<vmem>> -> memref<1x1x128xi32, #tpu.memory_space<vmem>>
    %dma_start3A_1822 = tpu.memref_squeeze %dma_start3A_1821 : memref<1x1x128xi32, #tpu.memory_space<vmem>> -> memref<128xi32, #tpu.memory_space<vmem>>
    %dma_start3A_1823 = arith.constant 0 : i32
    %dma_start3A_1824 = arith.constant 0 : i32
    %dma_start3A_1825 = tpu.memref_slice %arg7[%dma_start3A_1823, %dma_start3A_1824] : memref<128x128xf32, #tpu.memory_space<vmem_shared>> -> memref<128x128xf32, #tpu.memory_space<vmem_shared>>
    %dma_start3A_1826 = tpu.memref_slice %arg9[%dma_start3A_1815] : memref<3x!tpu.dma_semaphore, #tpu.memory_space<semaphore_mem>> -> memref<1x!tpu.dma_semaphore, #tpu.memory_space<semaphore_mem>>
    %dma_start3A_1827 = tpu.memref_squeeze %dma_start3A_1826 : memref<1x!tpu.dma_semaphore, #tpu.memory_space<semaphore_mem>> -> memref<!tpu.dma_semaphore, #tpu.memory_space<semaphore_mem>>
    tpu.enqueue_indirect_dma source(%dma_start3A_1825 : memref<128x128xf32, #tpu.memory_space<vmem_shared>>) target(%dma_start3A_1819 : memref<128x128xf32, #tpu.memory_space<vmem>>) offsets(%dma_start3A_1822 : memref<128xi32, #tpu.memory_space<vmem>>) semaphore(%dma_start3A_1827 : memref<!tpu.dma_semaphore, #tpu.memory_space<semaphore_mem>>)
    %dma_wait3A_1828 = arith.constant 2 : i32
    %dma_wait3A_1829 = arith.constant 0 : i32
    %dma_wait3A_1830 = arith.constant 2 : i32
    %dma_wait3A_1831 = arith.constant 2 : i32
    %dma_wait3A_1832 = arith.constant 0 : i32
    %dma_wait3A_1833 = arith.constant 0 : i32
    %dma_wait3A_1834 = tpu.memref_slice %arg6[%dma_wait3A_1830, %dma_wait3A_1832, %dma_wait3A_1833] : memref<3x128x128xf32, #tpu.memory_space<vmem>> -> memref<1x128x128xf32, #tpu.memory_space<vmem>>
    %dma_wait3A_1835 = tpu.memref_squeeze %dma_wait3A_1834 : memref<1x128x128xf32, #tpu.memory_space<vmem>> -> memref<128x128xf32, #tpu.memory_space<vmem>>
    %dma_wait3A_1836 = arith.constant 0 : i32
    %dma_wait3A_1837 = tpu.memref_slice %arg5[%dma_wait3A_1828, %dma_wait3A_1829, %dma_wait3A_1836] : memref<3x1x128xi32, #tpu.memory_space<vmem>> -> memref<1x1x128xi32, #tpu.memory_space<vmem>>
    %dma_wait3A_1838 = tpu.memref_squeeze %dma_wait3A_1837 : memref<1x1x128xi32, #tpu.memory_space<vmem>> -> memref<128xi32, #tpu.memory_space<vmem>>
    %dma_wait3A_1839 = arith.constant 0 : i32
    %dma_wait3A_1840 = arith.constant 0 : i32
    %dma_wait3A_1841 = tpu.memref_slice %arg7[%dma_wait3A_1839, %dma_wait3A_1840] : memref<128x128xf32, #tpu.memory_space<vmem_shared>> -> memref<128x128xf32, #tpu.memory_space<vmem_shared>>
    %dma_wait3A_1842 = tpu.memref_slice %arg9[%dma_wait3A_1831] : memref<3x!tpu.dma_semaphore, #tpu.memory_space<semaphore_mem>> -> memref<1x!tpu.dma_semaphore, #tpu.memory_space<semaphore_mem>>
    %dma_wait3A_1843 = tpu.memref_squeeze %dma_wait3A_1842 : memref<1x!tpu.dma_semaphore, #tpu.memory_space<semaphore_mem>> -> memref<!tpu.dma_semaphore, #tpu.memory_space<semaphore_mem>>
    tpu.wait_indirect_dma semaphore(%dma_wait3A_1843 : memref<!tpu.dma_semaphore, #tpu.memory_space<semaphore_mem>>) src(%dma_wait3A_1841 : memref<128x128xf32, #tpu.memory_space<vmem_shared>>) dst(%dma_wait3A_1835 : memref<128x128xf32, #tpu.memory_space<vmem>>)
    %add3A_1844 = arith.constant 640 : i32
    %add3A_1845 = arith.addi %add3A, %add3A_1844 : i32
    %mul3A_1846 = arith.constant 128 : i32
    %mul3A_1847 = arith.muli %add3A_1845, %mul3A_1846 : i32
    %min3A_1848 = arith.constant 99872 : i32
    %min3A_1849 = arith.minsi %mul3A_1847, %min3A_1848 : i32
    %add3A_1850 = arith.constant 0 : i32
    %add3A_1851 = arith.addi %min3A_1849, %add3A_1850 : i32
    %dma_start3A_1852 = arith.constant 2 : i32
    %dma_start3A_1853 = arith.constant 0 : i32
    %dma_start3A_1854 = arith.constant 2 : i32
    %dma_start3A_1855 = arith.constant 0 : i32
    %dma_start3A_1856 = tpu.memref_slice %arg5[%dma_start3A_1852, %dma_start3A_1853, %dma_start3A_1855] : memref<3x1x128xi32, #tpu.memory_space<vmem>> -> memref<1x1x128xi32, #tpu.memory_space<vmem>>
    %dma_start3A_1857 = tpu.memref_squeeze %dma_start3A_1856 : memref<1x1x128xi32, #tpu.memory_space<vmem>> -> memref<128xi32, #tpu.memory_space<vmem>>
    %dma_start3A_1858 = tpu.memref_slice %arg2[%add3A_1851] : memref<100000xi32, #tpu.memory_space<hbm>> -> memref<128xi32, #tpu.memory_space<hbm>>
    %dma_start3A_1859 = tpu.memref_slice %arg8[%dma_start3A_1854] : memref<3x!tpu.dma_semaphore, #tpu.memory_space<semaphore_mem>> -> memref<1x!tpu.dma_semaphore, #tpu.memory_space<semaphore_mem>>
    %dma_start3A_1860 = tpu.memref_squeeze %dma_start3A_1859 : memref<1x!tpu.dma_semaphore, #tpu.memory_space<semaphore_mem>> -> memref<!tpu.dma_semaphore, #tpu.memory_space<semaphore_mem>>
    %dma_start3A_1861 = arith.constant 0 : i32
    %dma_start3A_1862 = tpu.memref_slice %arg5[%dma_start3A_1852, %dma_start3A_1853, %dma_start3A_1861] : memref<3x1x128xi32, #tpu.memory_space<vmem>> -> memref<1x1x128xi32, #tpu.memory_space<vmem>>
    %dma_start3A_1863 = tpu.memref_squeeze %dma_start3A_1862 : memref<1x1x128xi32, #tpu.memory_space<vmem>> -> memref<128xi32, #tpu.memory_space<vmem>>
    %dma_start3A_1864 = tpu.memref_slice %arg2[%add3A_1851] : memref<100000xi32, #tpu.memory_space<hbm>> -> memref<128xi32, #tpu.memory_space<hbm>>
    tpu.enqueue_dma source(%dma_start3A_1864 : memref<128xi32, #tpu.memory_space<hbm>>) target(%dma_start3A_1863 : memref<128xi32, #tpu.memory_space<vmem>>) target_semaphore(%dma_start3A_1860 : memref<!tpu.dma_semaphore, #tpu.memory_space<semaphore_mem>>)
    %add3A_1865 = arith.constant 544 : i32
    %add3A_1866 = arith.addi %add3A, %add3A_1865 : i32
    %mul3A_1867 = arith.constant 128 : i32
    %mul3A_1868 = arith.muli %add3A_1866, %mul3A_1867 : i32
    %min3A_1869 = arith.constant 99872 : i32
    %min3A_1870 = arith.minsi %mul3A_1868, %min3A_1869 : i32
    %dma_start3A_1871 = arith.constant 2 : i32
    %dma_start3A_1872 = arith.constant 2 : i32
    %dma_start3A_1873 = arith.constant 0 : i32
    %dma_start3A_1874 = arith.constant 0 : i32
    %dma_start3A_1875 = tpu.memref_slice %arg6[%dma_start3A_1871, %dma_start3A_1873, %dma_start3A_1874] : memref<3x128x128xf32, #tpu.memory_space<vmem>> -> memref<1x128x128xf32, #tpu.memory_space<vmem>>
    %dma_start3A_1876 = tpu.memref_squeeze %dma_start3A_1875 : memref<1x128x128xf32, #tpu.memory_space<vmem>> -> memref<128x128xf32, #tpu.memory_space<vmem>>
    %dma_start3A_1877 = arith.constant 0 : i32
    %dma_start3A_1878 = tpu.memref_slice %arg4[%min3A_1870, %dma_start3A_1877] : memref<100000x128xf32, #tpu.memory_space<hbm>> -> memref<128x128xf32, #tpu.memory_space<hbm>>
    %dma_start3A_1879 = tpu.memref_slice %arg10[%dma_start3A_1872] : memref<3x!tpu.dma_semaphore, #tpu.memory_space<semaphore_mem>> -> memref<1x!tpu.dma_semaphore, #tpu.memory_space<semaphore_mem>>
    %dma_start3A_1880 = tpu.memref_squeeze %dma_start3A_1879 : memref<1x!tpu.dma_semaphore, #tpu.memory_space<semaphore_mem>> -> memref<!tpu.dma_semaphore, #tpu.memory_space<semaphore_mem>>
    %dma_start3A_1881 = arith.constant 0 : i32
    %dma_start3A_1882 = tpu.memref_slice %arg4[%min3A_1870, %dma_start3A_1881] : memref<100000x128xf32, #tpu.memory_space<hbm>> -> memref<128x128xf32, #tpu.memory_space<hbm>>
    %dma_start3A_1883 = arith.constant 0 : i32
    %dma_start3A_1884 = arith.constant 0 : i32
    %dma_start3A_1885 = tpu.memref_slice %arg6[%dma_start3A_1871, %dma_start3A_1883, %dma_start3A_1884] : memref<3x128x128xf32, #tpu.memory_space<vmem>> -> memref<1x128x128xf32, #tpu.memory_space<vmem>>
    %dma_start3A_1886 = tpu.memref_squeeze %dma_start3A_1885 : memref<1x128x128xf32, #tpu.memory_space<vmem>> -> memref<128x128xf32, #tpu.memory_space<vmem>>
    tpu.enqueue_dma source(%dma_start3A_1886 : memref<128x128xf32, #tpu.memory_space<vmem>>) target(%dma_start3A_1882 : memref<128x128xf32, #tpu.memory_space<hbm>>) target_semaphore(%dma_start3A_1880 : memref<!tpu.dma_semaphore, #tpu.memory_space<semaphore_mem>>)
    %dma_wait3A_1887 = arith.constant 0 : i32
    %dma_wait3A_1888 = arith.constant 0 : i32
    %dma_wait3A_1889 = arith.constant 0 : i32
    %dma_wait3A_1890 = arith.constant 0 : i32
    %dma_wait3A_1891 = tpu.memref_slice %arg5[%dma_wait3A_1887, %dma_wait3A_1888, %dma_wait3A_1890] : memref<3x1x128xi32, #tpu.memory_space<vmem>> -> memref<1x1x128xi32, #tpu.memory_space<vmem>>
    %dma_wait3A_1892 = tpu.memref_squeeze %dma_wait3A_1891 : memref<1x1x128xi32, #tpu.memory_space<vmem>> -> memref<128xi32, #tpu.memory_space<vmem>>
    %dma_wait3A_1893 = tpu.memref_slice %arg2[%add3A_1643] : memref<100000xi32, #tpu.memory_space<hbm>> -> memref<128xi32, #tpu.memory_space<hbm>>
    %dma_wait3A_1894 = tpu.memref_slice %arg8[%dma_wait3A_1889] : memref<3x!tpu.dma_semaphore, #tpu.memory_space<semaphore_mem>> -> memref<1x!tpu.dma_semaphore, #tpu.memory_space<semaphore_mem>>
    %dma_wait3A_1895 = tpu.memref_squeeze %dma_wait3A_1894 : memref<1x!tpu.dma_semaphore, #tpu.memory_space<semaphore_mem>> -> memref<!tpu.dma_semaphore, #tpu.memory_space<semaphore_mem>>
    %dma_wait3A_1896 = arith.constant 0 : i32
    %dma_wait3A_1897 = tpu.memref_slice %arg5[%dma_wait3A_1887, %dma_wait3A_1888, %dma_wait3A_1896] : memref<3x1x128xi32, #tpu.memory_space<vmem>> -> memref<1x1x128xi32, #tpu.memory_space<vmem>>
    %dma_wait3A_1898 = tpu.memref_squeeze %dma_wait3A_1897 : memref<1x1x128xi32, #tpu.memory_space<vmem>> -> memref<128xi32, #tpu.memory_space<vmem>>
    %dma_wait3A_1899 = tpu.memref_slice %arg2[%add3A_1643] : memref<100000xi32, #tpu.memory_space<hbm>> -> memref<128xi32, #tpu.memory_space<hbm>>
    tpu.wait_dma2 semaphore(%dma_wait3A_1895 : memref<!tpu.dma_semaphore, #tpu.memory_space<semaphore_mem>>) src(%dma_wait3A_1899 : memref<128xi32, #tpu.memory_space<hbm>>) dst(%dma_wait3A_1898 : memref<128xi32, #tpu.memory_space<vmem>>)
    %dma_wait3A_1900 = arith.constant 0 : i32
    %dma_wait3A_1901 = arith.constant 0 : i32
    %dma_wait3A_1902 = arith.constant 0 : i32
    %dma_wait3A_1903 = arith.constant 0 : i32
    %dma_wait3A_1904 = tpu.memref_slice %arg6[%dma_wait3A_1900, %dma_wait3A_1902, %dma_wait3A_1903] : memref<3x128x128xf32, #tpu.memory_space<vmem>> -> memref<1x128x128xf32, #tpu.memory_space<vmem>>
    %dma_wait3A_1905 = tpu.memref_squeeze %dma_wait3A_1904 : memref<1x128x128xf32, #tpu.memory_space<vmem>> -> memref<128x128xf32, #tpu.memory_space<vmem>>
    %dma_wait3A_1906 = arith.constant 0 : i32
    %dma_wait3A_1907 = tpu.memref_slice %arg4[%min3A_1662, %dma_wait3A_1906] : memref<100000x128xf32, #tpu.memory_space<hbm>> -> memref<128x128xf32, #tpu.memory_space<hbm>>
    %dma_wait3A_1908 = tpu.memref_slice %arg10[%dma_wait3A_1901] : memref<3x!tpu.dma_semaphore, #tpu.memory_space<semaphore_mem>> -> memref<1x!tpu.dma_semaphore, #tpu.memory_space<semaphore_mem>>
    %dma_wait3A_1909 = tpu.memref_squeeze %dma_wait3A_1908 : memref<1x!tpu.dma_semaphore, #tpu.memory_space<semaphore_mem>> -> memref<!tpu.dma_semaphore, #tpu.memory_space<semaphore_mem>>
    %dma_wait3A_1910 = arith.constant 0 : i32
    %dma_wait3A_1911 = tpu.memref_slice %arg4[%min3A_1662, %dma_wait3A_1910] : memref<100000x128xf32, #tpu.memory_space<hbm>> -> memref<128x128xf32, #tpu.memory_space<hbm>>
    %dma_wait3A_1912 = arith.constant 0 : i32
    %dma_wait3A_1913 = arith.constant 0 : i32
    %dma_wait3A_1914 = tpu.memref_slice %arg6[%dma_wait3A_1900, %dma_wait3A_1912, %dma_wait3A_1913] : memref<3x128x128xf32, #tpu.memory_space<vmem>> -> memref<1x128x128xf32, #tpu.memory_space<vmem>>
    %dma_wait3A_1915 = tpu.memref_squeeze %dma_wait3A_1914 : memref<1x128x128xf32, #tpu.memory_space<vmem>> -> memref<128x128xf32, #tpu.memory_space<vmem>>
    tpu.wait_dma2 semaphore(%dma_wait3A_1909 : memref<!tpu.dma_semaphore, #tpu.memory_space<semaphore_mem>>) src(%dma_wait3A_1915 : memref<128x128xf32, #tpu.memory_space<vmem>>) dst(%dma_wait3A_1911 : memref<128x128xf32, #tpu.memory_space<hbm>>)
    %dma_start3A_1916 = arith.constant 0 : i32
    %dma_start3A_1917 = arith.constant 0 : i32
    %dma_start3A_1918 = arith.constant 0 : i32
    %dma_start3A_1919 = arith.constant 0 : i32
    %dma_start3A_1920 = arith.constant 0 : i32
    %dma_start3A_1921 = arith.constant 0 : i32
    %dma_start3A_1922 = tpu.memref_slice %arg6[%dma_start3A_1918, %dma_start3A_1920, %dma_start3A_1921] : memref<3x128x128xf32, #tpu.memory_space<vmem>> -> memref<1x128x128xf32, #tpu.memory_space<vmem>>
    %dma_start3A_1923 = tpu.memref_squeeze %dma_start3A_1922 : memref<1x128x128xf32, #tpu.memory_space<vmem>> -> memref<128x128xf32, #tpu.memory_space<vmem>>
    %dma_start3A_1924 = arith.constant 0 : i32
    %dma_start3A_1925 = tpu.memref_slice %arg5[%dma_start3A_1916, %dma_start3A_1917, %dma_start3A_1924] : memref<3x1x128xi32, #tpu.memory_space<vmem>> -> memref<1x1x128xi32, #tpu.memory_space<vmem>>
    %dma_start3A_1926 = tpu.memref_squeeze %dma_start3A_1925 : memref<1x1x128xi32, #tpu.memory_space<vmem>> -> memref<128xi32, #tpu.memory_space<vmem>>
    %dma_start3A_1927 = arith.constant 0 : i32
    %dma_start3A_1928 = arith.constant 0 : i32
    %dma_start3A_1929 = tpu.memref_slice %arg7[%dma_start3A_1927, %dma_start3A_1928] : memref<128x128xf32, #tpu.memory_space<vmem_shared>> -> memref<128x128xf32, #tpu.memory_space<vmem_shared>>
    %dma_start3A_1930 = tpu.memref_slice %arg9[%dma_start3A_1919] : memref<3x!tpu.dma_semaphore, #tpu.memory_space<semaphore_mem>> -> memref<1x!tpu.dma_semaphore, #tpu.memory_space<semaphore_mem>>
    %dma_start3A_1931 = tpu.memref_squeeze %dma_start3A_1930 : memref<1x!tpu.dma_semaphore, #tpu.memory_space<semaphore_mem>> -> memref<!tpu.dma_semaphore, #tpu.memory_space<semaphore_mem>>
    tpu.enqueue_indirect_dma source(%dma_start3A_1929 : memref<128x128xf32, #tpu.memory_space<vmem_shared>>) target(%dma_start3A_1923 : memref<128x128xf32, #tpu.memory_space<vmem>>) offsets(%dma_start3A_1926 : memref<128xi32, #tpu.memory_space<vmem>>) semaphore(%dma_start3A_1931 : memref<!tpu.dma_semaphore, #tpu.memory_space<semaphore_mem>>)
    %dma_wait3A_1932 = arith.constant 0 : i32
    %dma_wait3A_1933 = arith.constant 0 : i32
    %dma_wait3A_1934 = arith.constant 0 : i32
    %dma_wait3A_1935 = arith.constant 0 : i32
    %dma_wait3A_1936 = arith.constant 0 : i32
    %dma_wait3A_1937 = arith.constant 0 : i32
    %dma_wait3A_1938 = tpu.memref_slice %arg6[%dma_wait3A_1934, %dma_wait3A_1936, %dma_wait3A_1937] : memref<3x128x128xf32, #tpu.memory_space<vmem>> -> memref<1x128x128xf32, #tpu.memory_space<vmem>>
    %dma_wait3A_1939 = tpu.memref_squeeze %dma_wait3A_1938 : memref<1x128x128xf32, #tpu.memory_space<vmem>> -> memref<128x128xf32, #tpu.memory_space<vmem>>
    %dma_wait3A_1940 = arith.constant 0 : i32
    %dma_wait3A_1941 = tpu.memref_slice %arg5[%dma_wait3A_1932, %dma_wait3A_1933, %dma_wait3A_1940] : memref<3x1x128xi32, #tpu.memory_space<vmem>> -> memref<1x1x128xi32, #tpu.memory_space<vmem>>
    %dma_wait3A_1942 = tpu.memref_squeeze %dma_wait3A_1941 : memref<1x1x128xi32, #tpu.memory_space<vmem>> -> memref<128xi32, #tpu.memory_space<vmem>>
    %dma_wait3A_1943 = arith.constant 0 : i32
    %dma_wait3A_1944 = arith.constant 0 : i32
    %dma_wait3A_1945 = tpu.memref_slice %arg7[%dma_wait3A_1943, %dma_wait3A_1944] : memref<128x128xf32, #tpu.memory_space<vmem_shared>> -> memref<128x128xf32, #tpu.memory_space<vmem_shared>>
    %dma_wait3A_1946 = tpu.memref_slice %arg9[%dma_wait3A_1935] : memref<3x!tpu.dma_semaphore, #tpu.memory_space<semaphore_mem>> -> memref<1x!tpu.dma_semaphore, #tpu.memory_space<semaphore_mem>>
    %dma_wait3A_1947 = tpu.memref_squeeze %dma_wait3A_1946 : memref<1x!tpu.dma_semaphore, #tpu.memory_space<semaphore_mem>> -> memref<!tpu.dma_semaphore, #tpu.memory_space<semaphore_mem>>
    tpu.wait_indirect_dma semaphore(%dma_wait3A_1947 : memref<!tpu.dma_semaphore, #tpu.memory_space<semaphore_mem>>) src(%dma_wait3A_1945 : memref<128x128xf32, #tpu.memory_space<vmem_shared>>) dst(%dma_wait3A_1939 : memref<128x128xf32, #tpu.memory_space<vmem>>)
    %add3A_1948 = arith.constant 672 : i32
    %add3A_1949 = arith.addi %add3A, %add3A_1948 : i32
    %mul3A_1950 = arith.constant 128 : i32
    %mul3A_1951 = arith.muli %add3A_1949, %mul3A_1950 : i32
    %min3A_1952 = arith.constant 99872 : i32
    %min3A_1953 = arith.minsi %mul3A_1951, %min3A_1952 : i32
    %add3A_1954 = arith.constant 0 : i32
    %add3A_1955 = arith.addi %min3A_1953, %add3A_1954 : i32
    %dma_start3A_1956 = arith.constant 0 : i32
    %dma_start3A_1957 = arith.constant 0 : i32
    %dma_start3A_1958 = arith.constant 0 : i32
    %dma_start3A_1959 = arith.constant 0 : i32
    %dma_start3A_1960 = tpu.memref_slice %arg5[%dma_start3A_1956, %dma_start3A_1957, %dma_start3A_1959] : memref<3x1x128xi32, #tpu.memory_space<vmem>> -> memref<1x1x128xi32, #tpu.memory_space<vmem>>
    %dma_start3A_1961 = tpu.memref_squeeze %dma_start3A_1960 : memref<1x1x128xi32, #tpu.memory_space<vmem>> -> memref<128xi32, #tpu.memory_space<vmem>>
    %dma_start3A_1962 = tpu.memref_slice %arg2[%add3A_1955] : memref<100000xi32, #tpu.memory_space<hbm>> -> memref<128xi32, #tpu.memory_space<hbm>>
    %dma_start3A_1963 = tpu.memref_slice %arg8[%dma_start3A_1958] : memref<3x!tpu.dma_semaphore, #tpu.memory_space<semaphore_mem>> -> memref<1x!tpu.dma_semaphore, #tpu.memory_space<semaphore_mem>>
    %dma_start3A_1964 = tpu.memref_squeeze %dma_start3A_1963 : memref<1x!tpu.dma_semaphore, #tpu.memory_space<semaphore_mem>> -> memref<!tpu.dma_semaphore, #tpu.memory_space<semaphore_mem>>
    %dma_start3A_1965 = arith.constant 0 : i32
    %dma_start3A_1966 = tpu.memref_slice %arg5[%dma_start3A_1956, %dma_start3A_1957, %dma_start3A_1965] : memref<3x1x128xi32, #tpu.memory_space<vmem>> -> memref<1x1x128xi32, #tpu.memory_space<vmem>>
    %dma_start3A_1967 = tpu.memref_squeeze %dma_start3A_1966 : memref<1x1x128xi32, #tpu.memory_space<vmem>> -> memref<128xi32, #tpu.memory_space<vmem>>
    %dma_start3A_1968 = tpu.memref_slice %arg2[%add3A_1955] : memref<100000xi32, #tpu.memory_space<hbm>> -> memref<128xi32, #tpu.memory_space<hbm>>
    tpu.enqueue_dma source(%dma_start3A_1968 : memref<128xi32, #tpu.memory_space<hbm>>) target(%dma_start3A_1967 : memref<128xi32, #tpu.memory_space<vmem>>) target_semaphore(%dma_start3A_1964 : memref<!tpu.dma_semaphore, #tpu.memory_space<semaphore_mem>>)
    %add3A_1969 = arith.constant 576 : i32
    %add3A_1970 = arith.addi %add3A, %add3A_1969 : i32
    %mul3A_1971 = arith.constant 128 : i32
    %mul3A_1972 = arith.muli %add3A_1970, %mul3A_1971 : i32
    %min3A_1973 = arith.constant 99872 : i32
    %min3A_1974 = arith.minsi %mul3A_1972, %min3A_1973 : i32
    %dma_start3A_1975 = arith.constant 0 : i32
    %dma_start3A_1976 = arith.constant 0 : i32
    %dma_start3A_1977 = arith.constant 0 : i32
    %dma_start3A_1978 = arith.constant 0 : i32
    %dma_start3A_1979 = tpu.memref_slice %arg6[%dma_start3A_1975, %dma_start3A_1977, %dma_start3A_1978] : memref<3x128x128xf32, #tpu.memory_space<vmem>> -> memref<1x128x128xf32, #tpu.memory_space<vmem>>
    %dma_start3A_1980 = tpu.memref_squeeze %dma_start3A_1979 : memref<1x128x128xf32, #tpu.memory_space<vmem>> -> memref<128x128xf32, #tpu.memory_space<vmem>>
    %dma_start3A_1981 = arith.constant 0 : i32
    %dma_start3A_1982 = tpu.memref_slice %arg4[%min3A_1974, %dma_start3A_1981] : memref<100000x128xf32, #tpu.memory_space<hbm>> -> memref<128x128xf32, #tpu.memory_space<hbm>>
    %dma_start3A_1983 = tpu.memref_slice %arg10[%dma_start3A_1976] : memref<3x!tpu.dma_semaphore, #tpu.memory_space<semaphore_mem>> -> memref<1x!tpu.dma_semaphore, #tpu.memory_space<semaphore_mem>>
    %dma_start3A_1984 = tpu.memref_squeeze %dma_start3A_1983 : memref<1x!tpu.dma_semaphore, #tpu.memory_space<semaphore_mem>> -> memref<!tpu.dma_semaphore, #tpu.memory_space<semaphore_mem>>
    %dma_start3A_1985 = arith.constant 0 : i32
    %dma_start3A_1986 = tpu.memref_slice %arg4[%min3A_1974, %dma_start3A_1985] : memref<100000x128xf32, #tpu.memory_space<hbm>> -> memref<128x128xf32, #tpu.memory_space<hbm>>
    %dma_start3A_1987 = arith.constant 0 : i32
    %dma_start3A_1988 = arith.constant 0 : i32
    %dma_start3A_1989 = tpu.memref_slice %arg6[%dma_start3A_1975, %dma_start3A_1987, %dma_start3A_1988] : memref<3x128x128xf32, #tpu.memory_space<vmem>> -> memref<1x128x128xf32, #tpu.memory_space<vmem>>
    %dma_start3A_1990 = tpu.memref_squeeze %dma_start3A_1989 : memref<1x128x128xf32, #tpu.memory_space<vmem>> -> memref<128x128xf32, #tpu.memory_space<vmem>>
    tpu.enqueue_dma source(%dma_start3A_1990 : memref<128x128xf32, #tpu.memory_space<vmem>>) target(%dma_start3A_1986 : memref<128x128xf32, #tpu.memory_space<hbm>>) target_semaphore(%dma_start3A_1984 : memref<!tpu.dma_semaphore, #tpu.memory_space<semaphore_mem>>)
    %dma_wait3A_1991 = arith.constant 1 : i32
    %dma_wait3A_1992 = arith.constant 0 : i32
    %dma_wait3A_1993 = arith.constant 1 : i32
    %dma_wait3A_1994 = arith.constant 0 : i32
    %dma_wait3A_1995 = tpu.memref_slice %arg5[%dma_wait3A_1991, %dma_wait3A_1992, %dma_wait3A_1994] : memref<3x1x128xi32, #tpu.memory_space<vmem>> -> memref<1x1x128xi32, #tpu.memory_space<vmem>>
    %dma_wait3A_1996 = tpu.memref_squeeze %dma_wait3A_1995 : memref<1x1x128xi32, #tpu.memory_space<vmem>> -> memref<128xi32, #tpu.memory_space<vmem>>
    %dma_wait3A_1997 = tpu.memref_slice %arg2[%add3A_1747] : memref<100000xi32, #tpu.memory_space<hbm>> -> memref<128xi32, #tpu.memory_space<hbm>>
    %dma_wait3A_1998 = tpu.memref_slice %arg8[%dma_wait3A_1993] : memref<3x!tpu.dma_semaphore, #tpu.memory_space<semaphore_mem>> -> memref<1x!tpu.dma_semaphore, #tpu.memory_space<semaphore_mem>>
    %dma_wait3A_1999 = tpu.memref_squeeze %dma_wait3A_1998 : memref<1x!tpu.dma_semaphore, #tpu.memory_space<semaphore_mem>> -> memref<!tpu.dma_semaphore, #tpu.memory_space<semaphore_mem>>
    %dma_wait3A_2000 = arith.constant 0 : i32
    %dma_wait3A_2001 = tpu.memref_slice %arg5[%dma_wait3A_1991, %dma_wait3A_1992, %dma_wait3A_2000] : memref<3x1x128xi32, #tpu.memory_space<vmem>> -> memref<1x1x128xi32, #tpu.memory_space<vmem>>
    %dma_wait3A_2002 = tpu.memref_squeeze %dma_wait3A_2001 : memref<1x1x128xi32, #tpu.memory_space<vmem>> -> memref<128xi32, #tpu.memory_space<vmem>>
    %dma_wait3A_2003 = tpu.memref_slice %arg2[%add3A_1747] : memref<100000xi32, #tpu.memory_space<hbm>> -> memref<128xi32, #tpu.memory_space<hbm>>
    tpu.wait_dma2 semaphore(%dma_wait3A_1999 : memref<!tpu.dma_semaphore, #tpu.memory_space<semaphore_mem>>) src(%dma_wait3A_2003 : memref<128xi32, #tpu.memory_space<hbm>>) dst(%dma_wait3A_2002 : memref<128xi32, #tpu.memory_space<vmem>>)
    %dma_wait3A_2004 = arith.constant 1 : i32
    %dma_wait3A_2005 = arith.constant 1 : i32
    %dma_wait3A_2006 = arith.constant 0 : i32
    %dma_wait3A_2007 = arith.constant 0 : i32
    %dma_wait3A_2008 = tpu.memref_slice %arg6[%dma_wait3A_2004, %dma_wait3A_2006, %dma_wait3A_2007] : memref<3x128x128xf32, #tpu.memory_space<vmem>> -> memref<1x128x128xf32, #tpu.memory_space<vmem>>
    %dma_wait3A_2009 = tpu.memref_squeeze %dma_wait3A_2008 : memref<1x128x128xf32, #tpu.memory_space<vmem>> -> memref<128x128xf32, #tpu.memory_space<vmem>>
    %dma_wait3A_2010 = arith.constant 0 : i32
    %dma_wait3A_2011 = tpu.memref_slice %arg4[%min3A_1766, %dma_wait3A_2010] : memref<100000x128xf32, #tpu.memory_space<hbm>> -> memref<128x128xf32, #tpu.memory_space<hbm>>
    %dma_wait3A_2012 = tpu.memref_slice %arg10[%dma_wait3A_2005] : memref<3x!tpu.dma_semaphore, #tpu.memory_space<semaphore_mem>> -> memref<1x!tpu.dma_semaphore, #tpu.memory_space<semaphore_mem>>
    %dma_wait3A_2013 = tpu.memref_squeeze %dma_wait3A_2012 : memref<1x!tpu.dma_semaphore, #tpu.memory_space<semaphore_mem>> -> memref<!tpu.dma_semaphore, #tpu.memory_space<semaphore_mem>>
    %dma_wait3A_2014 = arith.constant 0 : i32
    %dma_wait3A_2015 = tpu.memref_slice %arg4[%min3A_1766, %dma_wait3A_2014] : memref<100000x128xf32, #tpu.memory_space<hbm>> -> memref<128x128xf32, #tpu.memory_space<hbm>>
    %dma_wait3A_2016 = arith.constant 0 : i32
    %dma_wait3A_2017 = arith.constant 0 : i32
    %dma_wait3A_2018 = tpu.memref_slice %arg6[%dma_wait3A_2004, %dma_wait3A_2016, %dma_wait3A_2017] : memref<3x128x128xf32, #tpu.memory_space<vmem>> -> memref<1x128x128xf32, #tpu.memory_space<vmem>>
    %dma_wait3A_2019 = tpu.memref_squeeze %dma_wait3A_2018 : memref<1x128x128xf32, #tpu.memory_space<vmem>> -> memref<128x128xf32, #tpu.memory_space<vmem>>
    tpu.wait_dma2 semaphore(%dma_wait3A_2013 : memref<!tpu.dma_semaphore, #tpu.memory_space<semaphore_mem>>) src(%dma_wait3A_2019 : memref<128x128xf32, #tpu.memory_space<vmem>>) dst(%dma_wait3A_2015 : memref<128x128xf32, #tpu.memory_space<hbm>>)
    %dma_start3A_2020 = arith.constant 1 : i32
    %dma_start3A_2021 = arith.constant 0 : i32
    %dma_start3A_2022 = arith.constant 1 : i32
    %dma_start3A_2023 = arith.constant 1 : i32
    %dma_start3A_2024 = arith.constant 0 : i32
    %dma_start3A_2025 = arith.constant 0 : i32
    %dma_start3A_2026 = tpu.memref_slice %arg6[%dma_start3A_2022, %dma_start3A_2024, %dma_start3A_2025] : memref<3x128x128xf32, #tpu.memory_space<vmem>> -> memref<1x128x128xf32, #tpu.memory_space<vmem>>
    %dma_start3A_2027 = tpu.memref_squeeze %dma_start3A_2026 : memref<1x128x128xf32, #tpu.memory_space<vmem>> -> memref<128x128xf32, #tpu.memory_space<vmem>>
    %dma_start3A_2028 = arith.constant 0 : i32
    %dma_start3A_2029 = tpu.memref_slice %arg5[%dma_start3A_2020, %dma_start3A_2021, %dma_start3A_2028] : memref<3x1x128xi32, #tpu.memory_space<vmem>> -> memref<1x1x128xi32, #tpu.memory_space<vmem>>
    %dma_start3A_2030 = tpu.memref_squeeze %dma_start3A_2029 : memref<1x1x128xi32, #tpu.memory_space<vmem>> -> memref<128xi32, #tpu.memory_space<vmem>>
    %dma_start3A_2031 = arith.constant 0 : i32
    %dma_start3A_2032 = arith.constant 0 : i32
    %dma_start3A_2033 = tpu.memref_slice %arg7[%dma_start3A_2031, %dma_start3A_2032] : memref<128x128xf32, #tpu.memory_space<vmem_shared>> -> memref<128x128xf32, #tpu.memory_space<vmem_shared>>
    %dma_start3A_2034 = tpu.memref_slice %arg9[%dma_start3A_2023] : memref<3x!tpu.dma_semaphore, #tpu.memory_space<semaphore_mem>> -> memref<1x!tpu.dma_semaphore, #tpu.memory_space<semaphore_mem>>
    %dma_start3A_2035 = tpu.memref_squeeze %dma_start3A_2034 : memref<1x!tpu.dma_semaphore, #tpu.memory_space<semaphore_mem>> -> memref<!tpu.dma_semaphore, #tpu.memory_space<semaphore_mem>>
    tpu.enqueue_indirect_dma source(%dma_start3A_2033 : memref<128x128xf32, #tpu.memory_space<vmem_shared>>) target(%dma_start3A_2027 : memref<128x128xf32, #tpu.memory_space<vmem>>) offsets(%dma_start3A_2030 : memref<128xi32, #tpu.memory_space<vmem>>) semaphore(%dma_start3A_2035 : memref<!tpu.dma_semaphore, #tpu.memory_space<semaphore_mem>>)
    %dma_wait3A_2036 = arith.constant 1 : i32
    %dma_wait3A_2037 = arith.constant 0 : i32
    %dma_wait3A_2038 = arith.constant 1 : i32
    %dma_wait3A_2039 = arith.constant 1 : i32
    %dma_wait3A_2040 = arith.constant 0 : i32
    %dma_wait3A_2041 = arith.constant 0 : i32
    %dma_wait3A_2042 = tpu.memref_slice %arg6[%dma_wait3A_2038, %dma_wait3A_2040, %dma_wait3A_2041] : memref<3x128x128xf32, #tpu.memory_space<vmem>> -> memref<1x128x128xf32, #tpu.memory_space<vmem>>
    %dma_wait3A_2043 = tpu.memref_squeeze %dma_wait3A_2042 : memref<1x128x128xf32, #tpu.memory_space<vmem>> -> memref<128x128xf32, #tpu.memory_space<vmem>>
    %dma_wait3A_2044 = arith.constant 0 : i32
    %dma_wait3A_2045 = tpu.memref_slice %arg5[%dma_wait3A_2036, %dma_wait3A_2037, %dma_wait3A_2044] : memref<3x1x128xi32, #tpu.memory_space<vmem>> -> memref<1x1x128xi32, #tpu.memory_space<vmem>>
    %dma_wait3A_2046 = tpu.memref_squeeze %dma_wait3A_2045 : memref<1x1x128xi32, #tpu.memory_space<vmem>> -> memref<128xi32, #tpu.memory_space<vmem>>
    %dma_wait3A_2047 = arith.constant 0 : i32
    %dma_wait3A_2048 = arith.constant 0 : i32
    %dma_wait3A_2049 = tpu.memref_slice %arg7[%dma_wait3A_2047, %dma_wait3A_2048] : memref<128x128xf32, #tpu.memory_space<vmem_shared>> -> memref<128x128xf32, #tpu.memory_space<vmem_shared>>
    %dma_wait3A_2050 = tpu.memref_slice %arg9[%dma_wait3A_2039] : memref<3x!tpu.dma_semaphore, #tpu.memory_space<semaphore_mem>> -> memref<1x!tpu.dma_semaphore, #tpu.memory_space<semaphore_mem>>
    %dma_wait3A_2051 = tpu.memref_squeeze %dma_wait3A_2050 : memref<1x!tpu.dma_semaphore, #tpu.memory_space<semaphore_mem>> -> memref<!tpu.dma_semaphore, #tpu.memory_space<semaphore_mem>>
    tpu.wait_indirect_dma semaphore(%dma_wait3A_2051 : memref<!tpu.dma_semaphore, #tpu.memory_space<semaphore_mem>>) src(%dma_wait3A_2049 : memref<128x128xf32, #tpu.memory_space<vmem_shared>>) dst(%dma_wait3A_2043 : memref<128x128xf32, #tpu.memory_space<vmem>>)
    %add3A_2052 = arith.constant 704 : i32
    %add3A_2053 = arith.addi %add3A, %add3A_2052 : i32
    %mul3A_2054 = arith.constant 128 : i32
    %mul3A_2055 = arith.muli %add3A_2053, %mul3A_2054 : i32
    %min3A_2056 = arith.constant 99872 : i32
    %min3A_2057 = arith.minsi %mul3A_2055, %min3A_2056 : i32
    %add3A_2058 = arith.constant 0 : i32
    %add3A_2059 = arith.addi %min3A_2057, %add3A_2058 : i32
    %dma_start3A_2060 = arith.constant 1 : i32
    %dma_start3A_2061 = arith.constant 0 : i32
    %dma_start3A_2062 = arith.constant 1 : i32
    %dma_start3A_2063 = arith.constant 0 : i32
    %dma_start3A_2064 = tpu.memref_slice %arg5[%dma_start3A_2060, %dma_start3A_2061, %dma_start3A_2063] : memref<3x1x128xi32, #tpu.memory_space<vmem>> -> memref<1x1x128xi32, #tpu.memory_space<vmem>>
    %dma_start3A_2065 = tpu.memref_squeeze %dma_start3A_2064 : memref<1x1x128xi32, #tpu.memory_space<vmem>> -> memref<128xi32, #tpu.memory_space<vmem>>
    %dma_start3A_2066 = tpu.memref_slice %arg2[%add3A_2059] : memref<100000xi32, #tpu.memory_space<hbm>> -> memref<128xi32, #tpu.memory_space<hbm>>
    %dma_start3A_2067 = tpu.memref_slice %arg8[%dma_start3A_2062] : memref<3x!tpu.dma_semaphore, #tpu.memory_space<semaphore_mem>> -> memref<1x!tpu.dma_semaphore, #tpu.memory_space<semaphore_mem>>
    %dma_start3A_2068 = tpu.memref_squeeze %dma_start3A_2067 : memref<1x!tpu.dma_semaphore, #tpu.memory_space<semaphore_mem>> -> memref<!tpu.dma_semaphore, #tpu.memory_space<semaphore_mem>>
    %dma_start3A_2069 = arith.constant 0 : i32
    %dma_start3A_2070 = tpu.memref_slice %arg5[%dma_start3A_2060, %dma_start3A_2061, %dma_start3A_2069] : memref<3x1x128xi32, #tpu.memory_space<vmem>> -> memref<1x1x128xi32, #tpu.memory_space<vmem>>
    %dma_start3A_2071 = tpu.memref_squeeze %dma_start3A_2070 : memref<1x1x128xi32, #tpu.memory_space<vmem>> -> memref<128xi32, #tpu.memory_space<vmem>>
    %dma_start3A_2072 = tpu.memref_slice %arg2[%add3A_2059] : memref<100000xi32, #tpu.memory_space<hbm>> -> memref<128xi32, #tpu.memory_space<hbm>>
    tpu.enqueue_dma source(%dma_start3A_2072 : memref<128xi32, #tpu.memory_space<hbm>>) target(%dma_start3A_2071 : memref<128xi32, #tpu.memory_space<vmem>>) target_semaphore(%dma_start3A_2068 : memref<!tpu.dma_semaphore, #tpu.memory_space<semaphore_mem>>)
    %add3A_2073 = arith.constant 608 : i32
    %add3A_2074 = arith.addi %add3A, %add3A_2073 : i32
    %mul3A_2075 = arith.constant 128 : i32
    %mul3A_2076 = arith.muli %add3A_2074, %mul3A_2075 : i32
    %min3A_2077 = arith.constant 99872 : i32
    %min3A_2078 = arith.minsi %mul3A_2076, %min3A_2077 : i32
    %dma_start3A_2079 = arith.constant 1 : i32
    %dma_start3A_2080 = arith.constant 1 : i32
    %dma_start3A_2081 = arith.constant 0 : i32
    %dma_start3A_2082 = arith.constant 0 : i32
    %dma_start3A_2083 = tpu.memref_slice %arg6[%dma_start3A_2079, %dma_start3A_2081, %dma_start3A_2082] : memref<3x128x128xf32, #tpu.memory_space<vmem>> -> memref<1x128x128xf32, #tpu.memory_space<vmem>>
    %dma_start3A_2084 = tpu.memref_squeeze %dma_start3A_2083 : memref<1x128x128xf32, #tpu.memory_space<vmem>> -> memref<128x128xf32, #tpu.memory_space<vmem>>
    %dma_start3A_2085 = arith.constant 0 : i32
    %dma_start3A_2086 = tpu.memref_slice %arg4[%min3A_2078, %dma_start3A_2085] : memref<100000x128xf32, #tpu.memory_space<hbm>> -> memref<128x128xf32, #tpu.memory_space<hbm>>
    %dma_start3A_2087 = tpu.memref_slice %arg10[%dma_start3A_2080] : memref<3x!tpu.dma_semaphore, #tpu.memory_space<semaphore_mem>> -> memref<1x!tpu.dma_semaphore, #tpu.memory_space<semaphore_mem>>
    %dma_start3A_2088 = tpu.memref_squeeze %dma_start3A_2087 : memref<1x!tpu.dma_semaphore, #tpu.memory_space<semaphore_mem>> -> memref<!tpu.dma_semaphore, #tpu.memory_space<semaphore_mem>>
    %dma_start3A_2089 = arith.constant 0 : i32
    %dma_start3A_2090 = tpu.memref_slice %arg4[%min3A_2078, %dma_start3A_2089] : memref<100000x128xf32, #tpu.memory_space<hbm>> -> memref<128x128xf32, #tpu.memory_space<hbm>>
    %dma_start3A_2091 = arith.constant 0 : i32
    %dma_start3A_2092 = arith.constant 0 : i32
    %dma_start3A_2093 = tpu.memref_slice %arg6[%dma_start3A_2079, %dma_start3A_2091, %dma_start3A_2092] : memref<3x128x128xf32, #tpu.memory_space<vmem>> -> memref<1x128x128xf32, #tpu.memory_space<vmem>>
    %dma_start3A_2094 = tpu.memref_squeeze %dma_start3A_2093 : memref<1x128x128xf32, #tpu.memory_space<vmem>> -> memref<128x128xf32, #tpu.memory_space<vmem>>
    tpu.enqueue_dma source(%dma_start3A_2094 : memref<128x128xf32, #tpu.memory_space<vmem>>) target(%dma_start3A_2090 : memref<128x128xf32, #tpu.memory_space<hbm>>) target_semaphore(%dma_start3A_2088 : memref<!tpu.dma_semaphore, #tpu.memory_space<semaphore_mem>>)
    %dma_wait3A_2095 = arith.constant 2 : i32
    %dma_wait3A_2096 = arith.constant 0 : i32
    %dma_wait3A_2097 = arith.constant 2 : i32
    %dma_wait3A_2098 = arith.constant 0 : i32
    %dma_wait3A_2099 = tpu.memref_slice %arg5[%dma_wait3A_2095, %dma_wait3A_2096, %dma_wait3A_2098] : memref<3x1x128xi32, #tpu.memory_space<vmem>> -> memref<1x1x128xi32, #tpu.memory_space<vmem>>
    %dma_wait3A_2100 = tpu.memref_squeeze %dma_wait3A_2099 : memref<1x1x128xi32, #tpu.memory_space<vmem>> -> memref<128xi32, #tpu.memory_space<vmem>>
    %dma_wait3A_2101 = tpu.memref_slice %arg2[%add3A_1851] : memref<100000xi32, #tpu.memory_space<hbm>> -> memref<128xi32, #tpu.memory_space<hbm>>
    %dma_wait3A_2102 = tpu.memref_slice %arg8[%dma_wait3A_2097] : memref<3x!tpu.dma_semaphore, #tpu.memory_space<semaphore_mem>> -> memref<1x!tpu.dma_semaphore, #tpu.memory_space<semaphore_mem>>
    %dma_wait3A_2103 = tpu.memref_squeeze %dma_wait3A_2102 : memref<1x!tpu.dma_semaphore, #tpu.memory_space<semaphore_mem>> -> memref<!tpu.dma_semaphore, #tpu.memory_space<semaphore_mem>>
    %dma_wait3A_2104 = arith.constant 0 : i32
    %dma_wait3A_2105 = tpu.memref_slice %arg5[%dma_wait3A_2095, %dma_wait3A_2096, %dma_wait3A_2104] : memref<3x1x128xi32, #tpu.memory_space<vmem>> -> memref<1x1x128xi32, #tpu.memory_space<vmem>>
    %dma_wait3A_2106 = tpu.memref_squeeze %dma_wait3A_2105 : memref<1x1x128xi32, #tpu.memory_space<vmem>> -> memref<128xi32, #tpu.memory_space<vmem>>
    %dma_wait3A_2107 = tpu.memref_slice %arg2[%add3A_1851] : memref<100000xi32, #tpu.memory_space<hbm>> -> memref<128xi32, #tpu.memory_space<hbm>>
    tpu.wait_dma2 semaphore(%dma_wait3A_2103 : memref<!tpu.dma_semaphore, #tpu.memory_space<semaphore_mem>>) src(%dma_wait3A_2107 : memref<128xi32, #tpu.memory_space<hbm>>) dst(%dma_wait3A_2106 : memref<128xi32, #tpu.memory_space<vmem>>)
    %dma_wait3A_2108 = arith.constant 2 : i32
    %dma_wait3A_2109 = arith.constant 2 : i32
    %dma_wait3A_2110 = arith.constant 0 : i32
    %dma_wait3A_2111 = arith.constant 0 : i32
    %dma_wait3A_2112 = tpu.memref_slice %arg6[%dma_wait3A_2108, %dma_wait3A_2110, %dma_wait3A_2111] : memref<3x128x128xf32, #tpu.memory_space<vmem>> -> memref<1x128x128xf32, #tpu.memory_space<vmem>>
    %dma_wait3A_2113 = tpu.memref_squeeze %dma_wait3A_2112 : memref<1x128x128xf32, #tpu.memory_space<vmem>> -> memref<128x128xf32, #tpu.memory_space<vmem>>
    %dma_wait3A_2114 = arith.constant 0 : i32
    %dma_wait3A_2115 = tpu.memref_slice %arg4[%min3A_1870, %dma_wait3A_2114] : memref<100000x128xf32, #tpu.memory_space<hbm>> -> memref<128x128xf32, #tpu.memory_space<hbm>>
    %dma_wait3A_2116 = tpu.memref_slice %arg10[%dma_wait3A_2109] : memref<3x!tpu.dma_semaphore, #tpu.memory_space<semaphore_mem>> -> memref<1x!tpu.dma_semaphore, #tpu.memory_space<semaphore_mem>>
    %dma_wait3A_2117 = tpu.memref_squeeze %dma_wait3A_2116 : memref<1x!tpu.dma_semaphore, #tpu.memory_space<semaphore_mem>> -> memref<!tpu.dma_semaphore, #tpu.memory_space<semaphore_mem>>
    %dma_wait3A_2118 = arith.constant 0 : i32
    %dma_wait3A_2119 = tpu.memref_slice %arg4[%min3A_1870, %dma_wait3A_2118] : memref<100000x128xf32, #tpu.memory_space<hbm>> -> memref<128x128xf32, #tpu.memory_space<hbm>>
    %dma_wait3A_2120 = arith.constant 0 : i32
    %dma_wait3A_2121 = arith.constant 0 : i32
    %dma_wait3A_2122 = tpu.memref_slice %arg6[%dma_wait3A_2108, %dma_wait3A_2120, %dma_wait3A_2121] : memref<3x128x128xf32, #tpu.memory_space<vmem>> -> memref<1x128x128xf32, #tpu.memory_space<vmem>>
    %dma_wait3A_2123 = tpu.memref_squeeze %dma_wait3A_2122 : memref<1x128x128xf32, #tpu.memory_space<vmem>> -> memref<128x128xf32, #tpu.memory_space<vmem>>
    tpu.wait_dma2 semaphore(%dma_wait3A_2117 : memref<!tpu.dma_semaphore, #tpu.memory_space<semaphore_mem>>) src(%dma_wait3A_2123 : memref<128x128xf32, #tpu.memory_space<vmem>>) dst(%dma_wait3A_2119 : memref<128x128xf32, #tpu.memory_space<hbm>>)
    %dma_start3A_2124 = arith.constant 2 : i32
    %dma_start3A_2125 = arith.constant 0 : i32
    %dma_start3A_2126 = arith.constant 2 : i32
    %dma_start3A_2127 = arith.constant 2 : i32
    %dma_start3A_2128 = arith.constant 0 : i32
    %dma_start3A_2129 = arith.constant 0 : i32
    %dma_start3A_2130 = tpu.memref_slice %arg6[%dma_start3A_2126, %dma_start3A_2128, %dma_start3A_2129] : memref<3x128x128xf32, #tpu.memory_space<vmem>> -> memref<1x128x128xf32, #tpu.memory_space<vmem>>
    %dma_start3A_2131 = tpu.memref_squeeze %dma_start3A_2130 : memref<1x128x128xf32, #tpu.memory_space<vmem>> -> memref<128x128xf32, #tpu.memory_space<vmem>>
    %dma_start3A_2132 = arith.constant 0 : i32
    %dma_start3A_2133 = tpu.memref_slice %arg5[%dma_start3A_2124, %dma_start3A_2125, %dma_start3A_2132] : memref<3x1x128xi32, #tpu.memory_space<vmem>> -> memref<1x1x128xi32, #tpu.memory_space<vmem>>
    %dma_start3A_2134 = tpu.memref_squeeze %dma_start3A_2133 : memref<1x1x128xi32, #tpu.memory_space<vmem>> -> memref<128xi32, #tpu.memory_space<vmem>>
    %dma_start3A_2135 = arith.constant 0 : i32
    %dma_start3A_2136 = arith.constant 0 : i32
    %dma_start3A_2137 = tpu.memref_slice %arg7[%dma_start3A_2135, %dma_start3A_2136] : memref<128x128xf32, #tpu.memory_space<vmem_shared>> -> memref<128x128xf32, #tpu.memory_space<vmem_shared>>
    %dma_start3A_2138 = tpu.memref_slice %arg9[%dma_start3A_2127] : memref<3x!tpu.dma_semaphore, #tpu.memory_space<semaphore_mem>> -> memref<1x!tpu.dma_semaphore, #tpu.memory_space<semaphore_mem>>
    %dma_start3A_2139 = tpu.memref_squeeze %dma_start3A_2138 : memref<1x!tpu.dma_semaphore, #tpu.memory_space<semaphore_mem>> -> memref<!tpu.dma_semaphore, #tpu.memory_space<semaphore_mem>>
    tpu.enqueue_indirect_dma source(%dma_start3A_2137 : memref<128x128xf32, #tpu.memory_space<vmem_shared>>) target(%dma_start3A_2131 : memref<128x128xf32, #tpu.memory_space<vmem>>) offsets(%dma_start3A_2134 : memref<128xi32, #tpu.memory_space<vmem>>) semaphore(%dma_start3A_2139 : memref<!tpu.dma_semaphore, #tpu.memory_space<semaphore_mem>>)
    %dma_wait3A_2140 = arith.constant 2 : i32
    %dma_wait3A_2141 = arith.constant 0 : i32
    %dma_wait3A_2142 = arith.constant 2 : i32
    %dma_wait3A_2143 = arith.constant 2 : i32
    %dma_wait3A_2144 = arith.constant 0 : i32
    %dma_wait3A_2145 = arith.constant 0 : i32
    %dma_wait3A_2146 = tpu.memref_slice %arg6[%dma_wait3A_2142, %dma_wait3A_2144, %dma_wait3A_2145] : memref<3x128x128xf32, #tpu.memory_space<vmem>> -> memref<1x128x128xf32, #tpu.memory_space<vmem>>
    %dma_wait3A_2147 = tpu.memref_squeeze %dma_wait3A_2146 : memref<1x128x128xf32, #tpu.memory_space<vmem>> -> memref<128x128xf32, #tpu.memory_space<vmem>>
    %dma_wait3A_2148 = arith.constant 0 : i32
    %dma_wait3A_2149 = tpu.memref_slice %arg5[%dma_wait3A_2140, %dma_wait3A_2141, %dma_wait3A_2148] : memref<3x1x128xi32, #tpu.memory_space<vmem>> -> memref<1x1x128xi32, #tpu.memory_space<vmem>>
    %dma_wait3A_2150 = tpu.memref_squeeze %dma_wait3A_2149 : memref<1x1x128xi32, #tpu.memory_space<vmem>> -> memref<128xi32, #tpu.memory_space<vmem>>
    %dma_wait3A_2151 = arith.constant 0 : i32
    %dma_wait3A_2152 = arith.constant 0 : i32
    %dma_wait3A_2153 = tpu.memref_slice %arg7[%dma_wait3A_2151, %dma_wait3A_2152] : memref<128x128xf32, #tpu.memory_space<vmem_shared>> -> memref<128x128xf32, #tpu.memory_space<vmem_shared>>
    %dma_wait3A_2154 = tpu.memref_slice %arg9[%dma_wait3A_2143] : memref<3x!tpu.dma_semaphore, #tpu.memory_space<semaphore_mem>> -> memref<1x!tpu.dma_semaphore, #tpu.memory_space<semaphore_mem>>
    %dma_wait3A_2155 = tpu.memref_squeeze %dma_wait3A_2154 : memref<1x!tpu.dma_semaphore, #tpu.memory_space<semaphore_mem>> -> memref<!tpu.dma_semaphore, #tpu.memory_space<semaphore_mem>>
    tpu.wait_indirect_dma semaphore(%dma_wait3A_2155 : memref<!tpu.dma_semaphore, #tpu.memory_space<semaphore_mem>>) src(%dma_wait3A_2153 : memref<128x128xf32, #tpu.memory_space<vmem_shared>>) dst(%dma_wait3A_2147 : memref<128x128xf32, #tpu.memory_space<vmem>>)
    %add3A_2156 = arith.constant 736 : i32
    %add3A_2157 = arith.addi %add3A, %add3A_2156 : i32
    %mul3A_2158 = arith.constant 128 : i32
    %mul3A_2159 = arith.muli %add3A_2157, %mul3A_2158 : i32
    %min3A_2160 = arith.constant 99872 : i32
    %min3A_2161 = arith.minsi %mul3A_2159, %min3A_2160 : i32
    %add3A_2162 = arith.constant 0 : i32
    %add3A_2163 = arith.addi %min3A_2161, %add3A_2162 : i32
    %dma_start3A_2164 = arith.constant 2 : i32
    %dma_start3A_2165 = arith.constant 0 : i32
    %dma_start3A_2166 = arith.constant 2 : i32
    %dma_start3A_2167 = arith.constant 0 : i32
    %dma_start3A_2168 = tpu.memref_slice %arg5[%dma_start3A_2164, %dma_start3A_2165, %dma_start3A_2167] : memref<3x1x128xi32, #tpu.memory_space<vmem>> -> memref<1x1x128xi32, #tpu.memory_space<vmem>>
    %dma_start3A_2169 = tpu.memref_squeeze %dma_start3A_2168 : memref<1x1x128xi32, #tpu.memory_space<vmem>> -> memref<128xi32, #tpu.memory_space<vmem>>
    %dma_start3A_2170 = tpu.memref_slice %arg2[%add3A_2163] : memref<100000xi32, #tpu.memory_space<hbm>> -> memref<128xi32, #tpu.memory_space<hbm>>
    %dma_start3A_2171 = tpu.memref_slice %arg8[%dma_start3A_2166] : memref<3x!tpu.dma_semaphore, #tpu.memory_space<semaphore_mem>> -> memref<1x!tpu.dma_semaphore, #tpu.memory_space<semaphore_mem>>
    %dma_start3A_2172 = tpu.memref_squeeze %dma_start3A_2171 : memref<1x!tpu.dma_semaphore, #tpu.memory_space<semaphore_mem>> -> memref<!tpu.dma_semaphore, #tpu.memory_space<semaphore_mem>>
    %dma_start3A_2173 = arith.constant 0 : i32
    %dma_start3A_2174 = tpu.memref_slice %arg5[%dma_start3A_2164, %dma_start3A_2165, %dma_start3A_2173] : memref<3x1x128xi32, #tpu.memory_space<vmem>> -> memref<1x1x128xi32, #tpu.memory_space<vmem>>
    %dma_start3A_2175 = tpu.memref_squeeze %dma_start3A_2174 : memref<1x1x128xi32, #tpu.memory_space<vmem>> -> memref<128xi32, #tpu.memory_space<vmem>>
    %dma_start3A_2176 = tpu.memref_slice %arg2[%add3A_2163] : memref<100000xi32, #tpu.memory_space<hbm>> -> memref<128xi32, #tpu.memory_space<hbm>>
    tpu.enqueue_dma source(%dma_start3A_2176 : memref<128xi32, #tpu.memory_space<hbm>>) target(%dma_start3A_2175 : memref<128xi32, #tpu.memory_space<vmem>>) target_semaphore(%dma_start3A_2172 : memref<!tpu.dma_semaphore, #tpu.memory_space<semaphore_mem>>)
    %add3A_2177 = arith.constant 640 : i32
    %add3A_2178 = arith.addi %add3A, %add3A_2177 : i32
    %mul3A_2179 = arith.constant 128 : i32
    %mul3A_2180 = arith.muli %add3A_2178, %mul3A_2179 : i32
    %min3A_2181 = arith.constant 99872 : i32
    %min3A_2182 = arith.minsi %mul3A_2180, %min3A_2181 : i32
    %dma_start3A_2183 = arith.constant 2 : i32
    %dma_start3A_2184 = arith.constant 2 : i32
    %dma_start3A_2185 = arith.constant 0 : i32
    %dma_start3A_2186 = arith.constant 0 : i32
    %dma_start3A_2187 = tpu.memref_slice %arg6[%dma_start3A_2183, %dma_start3A_2185, %dma_start3A_2186] : memref<3x128x128xf32, #tpu.memory_space<vmem>> -> memref<1x128x128xf32, #tpu.memory_space<vmem>>
    %dma_start3A_2188 = tpu.memref_squeeze %dma_start3A_2187 : memref<1x128x128xf32, #tpu.memory_space<vmem>> -> memref<128x128xf32, #tpu.memory_space<vmem>>
    %dma_start3A_2189 = arith.constant 0 : i32
    %dma_start3A_2190 = tpu.memref_slice %arg4[%min3A_2182, %dma_start3A_2189] : memref<100000x128xf32, #tpu.memory_space<hbm>> -> memref<128x128xf32, #tpu.memory_space<hbm>>
    %dma_start3A_2191 = tpu.memref_slice %arg10[%dma_start3A_2184] : memref<3x!tpu.dma_semaphore, #tpu.memory_space<semaphore_mem>> -> memref<1x!tpu.dma_semaphore, #tpu.memory_space<semaphore_mem>>
    %dma_start3A_2192 = tpu.memref_squeeze %dma_start3A_2191 : memref<1x!tpu.dma_semaphore, #tpu.memory_space<semaphore_mem>> -> memref<!tpu.dma_semaphore, #tpu.memory_space<semaphore_mem>>
    %dma_start3A_2193 = arith.constant 0 : i32
    %dma_start3A_2194 = tpu.memref_slice %arg4[%min3A_2182, %dma_start3A_2193] : memref<100000x128xf32, #tpu.memory_space<hbm>> -> memref<128x128xf32, #tpu.memory_space<hbm>>
    %dma_start3A_2195 = arith.constant 0 : i32
    %dma_start3A_2196 = arith.constant 0 : i32
    %dma_start3A_2197 = tpu.memref_slice %arg6[%dma_start3A_2183, %dma_start3A_2195, %dma_start3A_2196] : memref<3x128x128xf32, #tpu.memory_space<vmem>> -> memref<1x128x128xf32, #tpu.memory_space<vmem>>
    %dma_start3A_2198 = tpu.memref_squeeze %dma_start3A_2197 : memref<1x128x128xf32, #tpu.memory_space<vmem>> -> memref<128x128xf32, #tpu.memory_space<vmem>>
    tpu.enqueue_dma source(%dma_start3A_2198 : memref<128x128xf32, #tpu.memory_space<vmem>>) target(%dma_start3A_2194 : memref<128x128xf32, #tpu.memory_space<hbm>>) target_semaphore(%dma_start3A_2192 : memref<!tpu.dma_semaphore, #tpu.memory_space<semaphore_mem>>)
    %dma_wait3A_2199 = arith.constant 0 : i32
    %dma_wait3A_2200 = arith.constant 0 : i32
    %dma_wait3A_2201 = arith.constant 0 : i32
    %dma_wait3A_2202 = arith.constant 0 : i32
    %dma_wait3A_2203 = tpu.memref_slice %arg5[%dma_wait3A_2199, %dma_wait3A_2200, %dma_wait3A_2202] : memref<3x1x128xi32, #tpu.memory_space<vmem>> -> memref<1x1x128xi32, #tpu.memory_space<vmem>>
    %dma_wait3A_2204 = tpu.memref_squeeze %dma_wait3A_2203 : memref<1x1x128xi32, #tpu.memory_space<vmem>> -> memref<128xi32, #tpu.memory_space<vmem>>
    %dma_wait3A_2205 = tpu.memref_slice %arg2[%add3A_1955] : memref<100000xi32, #tpu.memory_space<hbm>> -> memref<128xi32, #tpu.memory_space<hbm>>
    %dma_wait3A_2206 = tpu.memref_slice %arg8[%dma_wait3A_2201] : memref<3x!tpu.dma_semaphore, #tpu.memory_space<semaphore_mem>> -> memref<1x!tpu.dma_semaphore, #tpu.memory_space<semaphore_mem>>
    %dma_wait3A_2207 = tpu.memref_squeeze %dma_wait3A_2206 : memref<1x!tpu.dma_semaphore, #tpu.memory_space<semaphore_mem>> -> memref<!tpu.dma_semaphore, #tpu.memory_space<semaphore_mem>>
    %dma_wait3A_2208 = arith.constant 0 : i32
    %dma_wait3A_2209 = tpu.memref_slice %arg5[%dma_wait3A_2199, %dma_wait3A_2200, %dma_wait3A_2208] : memref<3x1x128xi32, #tpu.memory_space<vmem>> -> memref<1x1x128xi32, #tpu.memory_space<vmem>>
    %dma_wait3A_2210 = tpu.memref_squeeze %dma_wait3A_2209 : memref<1x1x128xi32, #tpu.memory_space<vmem>> -> memref<128xi32, #tpu.memory_space<vmem>>
    %dma_wait3A_2211 = tpu.memref_slice %arg2[%add3A_1955] : memref<100000xi32, #tpu.memory_space<hbm>> -> memref<128xi32, #tpu.memory_space<hbm>>
    tpu.wait_dma2 semaphore(%dma_wait3A_2207 : memref<!tpu.dma_semaphore, #tpu.memory_space<semaphore_mem>>) src(%dma_wait3A_2211 : memref<128xi32, #tpu.memory_space<hbm>>) dst(%dma_wait3A_2210 : memref<128xi32, #tpu.memory_space<vmem>>)
    %dma_wait3A_2212 = arith.constant 0 : i32
    %dma_wait3A_2213 = arith.constant 0 : i32
    %dma_wait3A_2214 = arith.constant 0 : i32
    %dma_wait3A_2215 = arith.constant 0 : i32
    %dma_wait3A_2216 = tpu.memref_slice %arg6[%dma_wait3A_2212, %dma_wait3A_2214, %dma_wait3A_2215] : memref<3x128x128xf32, #tpu.memory_space<vmem>> -> memref<1x128x128xf32, #tpu.memory_space<vmem>>
    %dma_wait3A_2217 = tpu.memref_squeeze %dma_wait3A_2216 : memref<1x128x128xf32, #tpu.memory_space<vmem>> -> memref<128x128xf32, #tpu.memory_space<vmem>>
    %dma_wait3A_2218 = arith.constant 0 : i32
    %dma_wait3A_2219 = tpu.memref_slice %arg4[%min3A_1974, %dma_wait3A_2218] : memref<100000x128xf32, #tpu.memory_space<hbm>> -> memref<128x128xf32, #tpu.memory_space<hbm>>
    %dma_wait3A_2220 = tpu.memref_slice %arg10[%dma_wait3A_2213] : memref<3x!tpu.dma_semaphore, #tpu.memory_space<semaphore_mem>> -> memref<1x!tpu.dma_semaphore, #tpu.memory_space<semaphore_mem>>
    %dma_wait3A_2221 = tpu.memref_squeeze %dma_wait3A_2220 : memref<1x!tpu.dma_semaphore, #tpu.memory_space<semaphore_mem>> -> memref<!tpu.dma_semaphore, #tpu.memory_space<semaphore_mem>>
    %dma_wait3A_2222 = arith.constant 0 : i32
    %dma_wait3A_2223 = tpu.memref_slice %arg4[%min3A_1974, %dma_wait3A_2222] : memref<100000x128xf32, #tpu.memory_space<hbm>> -> memref<128x128xf32, #tpu.memory_space<hbm>>
    %dma_wait3A_2224 = arith.constant 0 : i32
    %dma_wait3A_2225 = arith.constant 0 : i32
    %dma_wait3A_2226 = tpu.memref_slice %arg6[%dma_wait3A_2212, %dma_wait3A_2224, %dma_wait3A_2225] : memref<3x128x128xf32, #tpu.memory_space<vmem>> -> memref<1x128x128xf32, #tpu.memory_space<vmem>>
    %dma_wait3A_2227 = tpu.memref_squeeze %dma_wait3A_2226 : memref<1x128x128xf32, #tpu.memory_space<vmem>> -> memref<128x128xf32, #tpu.memory_space<vmem>>
    tpu.wait_dma2 semaphore(%dma_wait3A_2221 : memref<!tpu.dma_semaphore, #tpu.memory_space<semaphore_mem>>) src(%dma_wait3A_2227 : memref<128x128xf32, #tpu.memory_space<vmem>>) dst(%dma_wait3A_2223 : memref<128x128xf32, #tpu.memory_space<hbm>>)
    %dma_start3A_2228 = arith.constant 0 : i32
    %dma_start3A_2229 = arith.constant 0 : i32
    %dma_start3A_2230 = arith.constant 0 : i32
    %dma_start3A_2231 = arith.constant 0 : i32
    %dma_start3A_2232 = arith.constant 0 : i32
    %dma_start3A_2233 = arith.constant 0 : i32
    %dma_start3A_2234 = tpu.memref_slice %arg6[%dma_start3A_2230, %dma_start3A_2232, %dma_start3A_2233] : memref<3x128x128xf32, #tpu.memory_space<vmem>> -> memref<1x128x128xf32, #tpu.memory_space<vmem>>
    %dma_start3A_2235 = tpu.memref_squeeze %dma_start3A_2234 : memref<1x128x128xf32, #tpu.memory_space<vmem>> -> memref<128x128xf32, #tpu.memory_space<vmem>>
    %dma_start3A_2236 = arith.constant 0 : i32
    %dma_start3A_2237 = tpu.memref_slice %arg5[%dma_start3A_2228, %dma_start3A_2229, %dma_start3A_2236] : memref<3x1x128xi32, #tpu.memory_space<vmem>> -> memref<1x1x128xi32, #tpu.memory_space<vmem>>
    %dma_start3A_2238 = tpu.memref_squeeze %dma_start3A_2237 : memref<1x1x128xi32, #tpu.memory_space<vmem>> -> memref<128xi32, #tpu.memory_space<vmem>>
    %dma_start3A_2239 = arith.constant 0 : i32
    %dma_start3A_2240 = arith.constant 0 : i32
    %dma_start3A_2241 = tpu.memref_slice %arg7[%dma_start3A_2239, %dma_start3A_2240] : memref<128x128xf32, #tpu.memory_space<vmem_shared>> -> memref<128x128xf32, #tpu.memory_space<vmem_shared>>
    %dma_start3A_2242 = tpu.memref_slice %arg9[%dma_start3A_2231] : memref<3x!tpu.dma_semaphore, #tpu.memory_space<semaphore_mem>> -> memref<1x!tpu.dma_semaphore, #tpu.memory_space<semaphore_mem>>
    %dma_start3A_2243 = tpu.memref_squeeze %dma_start3A_2242 : memref<1x!tpu.dma_semaphore, #tpu.memory_space<semaphore_mem>> -> memref<!tpu.dma_semaphore, #tpu.memory_space<semaphore_mem>>
    tpu.enqueue_indirect_dma source(%dma_start3A_2241 : memref<128x128xf32, #tpu.memory_space<vmem_shared>>) target(%dma_start3A_2235 : memref<128x128xf32, #tpu.memory_space<vmem>>) offsets(%dma_start3A_2238 : memref<128xi32, #tpu.memory_space<vmem>>) semaphore(%dma_start3A_2243 : memref<!tpu.dma_semaphore, #tpu.memory_space<semaphore_mem>>)
    %dma_wait3A_2244 = arith.constant 0 : i32
    %dma_wait3A_2245 = arith.constant 0 : i32
    %dma_wait3A_2246 = arith.constant 0 : i32
    %dma_wait3A_2247 = arith.constant 0 : i32
    %dma_wait3A_2248 = arith.constant 0 : i32
    %dma_wait3A_2249 = arith.constant 0 : i32
    %dma_wait3A_2250 = tpu.memref_slice %arg6[%dma_wait3A_2246, %dma_wait3A_2248, %dma_wait3A_2249] : memref<3x128x128xf32, #tpu.memory_space<vmem>> -> memref<1x128x128xf32, #tpu.memory_space<vmem>>
    %dma_wait3A_2251 = tpu.memref_squeeze %dma_wait3A_2250 : memref<1x128x128xf32, #tpu.memory_space<vmem>> -> memref<128x128xf32, #tpu.memory_space<vmem>>
    %dma_wait3A_2252 = arith.constant 0 : i32
    %dma_wait3A_2253 = tpu.memref_slice %arg5[%dma_wait3A_2244, %dma_wait3A_2245, %dma_wait3A_2252] : memref<3x1x128xi32, #tpu.memory_space<vmem>> -> memref<1x1x128xi32, #tpu.memory_space<vmem>>
    %dma_wait3A_2254 = tpu.memref_squeeze %dma_wait3A_2253 : memref<1x1x128xi32, #tpu.memory_space<vmem>> -> memref<128xi32, #tpu.memory_space<vmem>>
    %dma_wait3A_2255 = arith.constant 0 : i32
    %dma_wait3A_2256 = arith.constant 0 : i32
    %dma_wait3A_2257 = tpu.memref_slice %arg7[%dma_wait3A_2255, %dma_wait3A_2256] : memref<128x128xf32, #tpu.memory_space<vmem_shared>> -> memref<128x128xf32, #tpu.memory_space<vmem_shared>>
    %dma_wait3A_2258 = tpu.memref_slice %arg9[%dma_wait3A_2247] : memref<3x!tpu.dma_semaphore, #tpu.memory_space<semaphore_mem>> -> memref<1x!tpu.dma_semaphore, #tpu.memory_space<semaphore_mem>>
    %dma_wait3A_2259 = tpu.memref_squeeze %dma_wait3A_2258 : memref<1x!tpu.dma_semaphore, #tpu.memory_space<semaphore_mem>> -> memref<!tpu.dma_semaphore, #tpu.memory_space<semaphore_mem>>
    tpu.wait_indirect_dma semaphore(%dma_wait3A_2259 : memref<!tpu.dma_semaphore, #tpu.memory_space<semaphore_mem>>) src(%dma_wait3A_2257 : memref<128x128xf32, #tpu.memory_space<vmem_shared>>) dst(%dma_wait3A_2251 : memref<128x128xf32, #tpu.memory_space<vmem>>)
    %add3A_2260 = arith.constant 768 : i32
    %add3A_2261 = arith.addi %add3A, %add3A_2260 : i32
    %mul3A_2262 = arith.constant 128 : i32
    %mul3A_2263 = arith.muli %add3A_2261, %mul3A_2262 : i32
    %min3A_2264 = arith.constant 99872 : i32
    %min3A_2265 = arith.minsi %mul3A_2263, %min3A_2264 : i32
    %add3A_2266 = arith.constant 0 : i32
    %add3A_2267 = arith.addi %min3A_2265, %add3A_2266 : i32
    %dma_start3A_2268 = arith.constant 0 : i32
    %dma_start3A_2269 = arith.constant 0 : i32
    %dma_start3A_2270 = arith.constant 0 : i32
    %dma_start3A_2271 = arith.constant 0 : i32
    %dma_start3A_2272 = tpu.memref_slice %arg5[%dma_start3A_2268, %dma_start3A_2269, %dma_start3A_2271] : memref<3x1x128xi32, #tpu.memory_space<vmem>> -> memref<1x1x128xi32, #tpu.memory_space<vmem>>
    %dma_start3A_2273 = tpu.memref_squeeze %dma_start3A_2272 : memref<1x1x128xi32, #tpu.memory_space<vmem>> -> memref<128xi32, #tpu.memory_space<vmem>>
    %dma_start3A_2274 = tpu.memref_slice %arg2[%add3A_2267] : memref<100000xi32, #tpu.memory_space<hbm>> -> memref<128xi32, #tpu.memory_space<hbm>>
    %dma_start3A_2275 = tpu.memref_slice %arg8[%dma_start3A_2270] : memref<3x!tpu.dma_semaphore, #tpu.memory_space<semaphore_mem>> -> memref<1x!tpu.dma_semaphore, #tpu.memory_space<semaphore_mem>>
    %dma_start3A_2276 = tpu.memref_squeeze %dma_start3A_2275 : memref<1x!tpu.dma_semaphore, #tpu.memory_space<semaphore_mem>> -> memref<!tpu.dma_semaphore, #tpu.memory_space<semaphore_mem>>
    %dma_start3A_2277 = arith.constant 0 : i32
    %dma_start3A_2278 = tpu.memref_slice %arg5[%dma_start3A_2268, %dma_start3A_2269, %dma_start3A_2277] : memref<3x1x128xi32, #tpu.memory_space<vmem>> -> memref<1x1x128xi32, #tpu.memory_space<vmem>>
    %dma_start3A_2279 = tpu.memref_squeeze %dma_start3A_2278 : memref<1x1x128xi32, #tpu.memory_space<vmem>> -> memref<128xi32, #tpu.memory_space<vmem>>
    %dma_start3A_2280 = tpu.memref_slice %arg2[%add3A_2267] : memref<100000xi32, #tpu.memory_space<hbm>> -> memref<128xi32, #tpu.memory_space<hbm>>
    tpu.enqueue_dma source(%dma_start3A_2280 : memref<128xi32, #tpu.memory_space<hbm>>) target(%dma_start3A_2279 : memref<128xi32, #tpu.memory_space<vmem>>) target_semaphore(%dma_start3A_2276 : memref<!tpu.dma_semaphore, #tpu.memory_space<semaphore_mem>>)
    %add3A_2281 = arith.constant 672 : i32
    %add3A_2282 = arith.addi %add3A, %add3A_2281 : i32
    %mul3A_2283 = arith.constant 128 : i32
    %mul3A_2284 = arith.muli %add3A_2282, %mul3A_2283 : i32
    %min3A_2285 = arith.constant 99872 : i32
    %min3A_2286 = arith.minsi %mul3A_2284, %min3A_2285 : i32
    %dma_start3A_2287 = arith.constant 0 : i32
    %dma_start3A_2288 = arith.constant 0 : i32
    %dma_start3A_2289 = arith.constant 0 : i32
    %dma_start3A_2290 = arith.constant 0 : i32
    %dma_start3A_2291 = tpu.memref_slice %arg6[%dma_start3A_2287, %dma_start3A_2289, %dma_start3A_2290] : memref<3x128x128xf32, #tpu.memory_space<vmem>> -> memref<1x128x128xf32, #tpu.memory_space<vmem>>
    %dma_start3A_2292 = tpu.memref_squeeze %dma_start3A_2291 : memref<1x128x128xf32, #tpu.memory_space<vmem>> -> memref<128x128xf32, #tpu.memory_space<vmem>>
    %dma_start3A_2293 = arith.constant 0 : i32
    %dma_start3A_2294 = tpu.memref_slice %arg4[%min3A_2286, %dma_start3A_2293] : memref<100000x128xf32, #tpu.memory_space<hbm>> -> memref<128x128xf32, #tpu.memory_space<hbm>>
    %dma_start3A_2295 = tpu.memref_slice %arg10[%dma_start3A_2288] : memref<3x!tpu.dma_semaphore, #tpu.memory_space<semaphore_mem>> -> memref<1x!tpu.dma_semaphore, #tpu.memory_space<semaphore_mem>>
    %dma_start3A_2296 = tpu.memref_squeeze %dma_start3A_2295 : memref<1x!tpu.dma_semaphore, #tpu.memory_space<semaphore_mem>> -> memref<!tpu.dma_semaphore, #tpu.memory_space<semaphore_mem>>
    %dma_start3A_2297 = arith.constant 0 : i32
    %dma_start3A_2298 = tpu.memref_slice %arg4[%min3A_2286, %dma_start3A_2297] : memref<100000x128xf32, #tpu.memory_space<hbm>> -> memref<128x128xf32, #tpu.memory_space<hbm>>
    %dma_start3A_2299 = arith.constant 0 : i32
    %dma_start3A_2300 = arith.constant 0 : i32
    %dma_start3A_2301 = tpu.memref_slice %arg6[%dma_start3A_2287, %dma_start3A_2299, %dma_start3A_2300] : memref<3x128x128xf32, #tpu.memory_space<vmem>> -> memref<1x128x128xf32, #tpu.memory_space<vmem>>
    %dma_start3A_2302 = tpu.memref_squeeze %dma_start3A_2301 : memref<1x128x128xf32, #tpu.memory_space<vmem>> -> memref<128x128xf32, #tpu.memory_space<vmem>>
    tpu.enqueue_dma source(%dma_start3A_2302 : memref<128x128xf32, #tpu.memory_space<vmem>>) target(%dma_start3A_2298 : memref<128x128xf32, #tpu.memory_space<hbm>>) target_semaphore(%dma_start3A_2296 : memref<!tpu.dma_semaphore, #tpu.memory_space<semaphore_mem>>)
    %dma_wait3A_2303 = arith.constant 1 : i32
    %dma_wait3A_2304 = arith.constant 0 : i32
    %dma_wait3A_2305 = arith.constant 1 : i32
    %dma_wait3A_2306 = arith.constant 0 : i32
    %dma_wait3A_2307 = tpu.memref_slice %arg5[%dma_wait3A_2303, %dma_wait3A_2304, %dma_wait3A_2306] : memref<3x1x128xi32, #tpu.memory_space<vmem>> -> memref<1x1x128xi32, #tpu.memory_space<vmem>>
    %dma_wait3A_2308 = tpu.memref_squeeze %dma_wait3A_2307 : memref<1x1x128xi32, #tpu.memory_space<vmem>> -> memref<128xi32, #tpu.memory_space<vmem>>
    %dma_wait3A_2309 = tpu.memref_slice %arg2[%add3A_2059] : memref<100000xi32, #tpu.memory_space<hbm>> -> memref<128xi32, #tpu.memory_space<hbm>>
    %dma_wait3A_2310 = tpu.memref_slice %arg8[%dma_wait3A_2305] : memref<3x!tpu.dma_semaphore, #tpu.memory_space<semaphore_mem>> -> memref<1x!tpu.dma_semaphore, #tpu.memory_space<semaphore_mem>>
    %dma_wait3A_2311 = tpu.memref_squeeze %dma_wait3A_2310 : memref<1x!tpu.dma_semaphore, #tpu.memory_space<semaphore_mem>> -> memref<!tpu.dma_semaphore, #tpu.memory_space<semaphore_mem>>
    %dma_wait3A_2312 = arith.constant 0 : i32
    %dma_wait3A_2313 = tpu.memref_slice %arg5[%dma_wait3A_2303, %dma_wait3A_2304, %dma_wait3A_2312] : memref<3x1x128xi32, #tpu.memory_space<vmem>> -> memref<1x1x128xi32, #tpu.memory_space<vmem>>
    %dma_wait3A_2314 = tpu.memref_squeeze %dma_wait3A_2313 : memref<1x1x128xi32, #tpu.memory_space<vmem>> -> memref<128xi32, #tpu.memory_space<vmem>>
    %dma_wait3A_2315 = tpu.memref_slice %arg2[%add3A_2059] : memref<100000xi32, #tpu.memory_space<hbm>> -> memref<128xi32, #tpu.memory_space<hbm>>
    tpu.wait_dma2 semaphore(%dma_wait3A_2311 : memref<!tpu.dma_semaphore, #tpu.memory_space<semaphore_mem>>) src(%dma_wait3A_2315 : memref<128xi32, #tpu.memory_space<hbm>>) dst(%dma_wait3A_2314 : memref<128xi32, #tpu.memory_space<vmem>>)
    %dma_wait3A_2316 = arith.constant 1 : i32
    %dma_wait3A_2317 = arith.constant 1 : i32
    %dma_wait3A_2318 = arith.constant 0 : i32
    %dma_wait3A_2319 = arith.constant 0 : i32
    %dma_wait3A_2320 = tpu.memref_slice %arg6[%dma_wait3A_2316, %dma_wait3A_2318, %dma_wait3A_2319] : memref<3x128x128xf32, #tpu.memory_space<vmem>> -> memref<1x128x128xf32, #tpu.memory_space<vmem>>
    %dma_wait3A_2321 = tpu.memref_squeeze %dma_wait3A_2320 : memref<1x128x128xf32, #tpu.memory_space<vmem>> -> memref<128x128xf32, #tpu.memory_space<vmem>>
    %dma_wait3A_2322 = arith.constant 0 : i32
    %dma_wait3A_2323 = tpu.memref_slice %arg4[%min3A_2078, %dma_wait3A_2322] : memref<100000x128xf32, #tpu.memory_space<hbm>> -> memref<128x128xf32, #tpu.memory_space<hbm>>
    %dma_wait3A_2324 = tpu.memref_slice %arg10[%dma_wait3A_2317] : memref<3x!tpu.dma_semaphore, #tpu.memory_space<semaphore_mem>> -> memref<1x!tpu.dma_semaphore, #tpu.memory_space<semaphore_mem>>
    %dma_wait3A_2325 = tpu.memref_squeeze %dma_wait3A_2324 : memref<1x!tpu.dma_semaphore, #tpu.memory_space<semaphore_mem>> -> memref<!tpu.dma_semaphore, #tpu.memory_space<semaphore_mem>>
    %dma_wait3A_2326 = arith.constant 0 : i32
    %dma_wait3A_2327 = tpu.memref_slice %arg4[%min3A_2078, %dma_wait3A_2326] : memref<100000x128xf32, #tpu.memory_space<hbm>> -> memref<128x128xf32, #tpu.memory_space<hbm>>
    %dma_wait3A_2328 = arith.constant 0 : i32
    %dma_wait3A_2329 = arith.constant 0 : i32
    %dma_wait3A_2330 = tpu.memref_slice %arg6[%dma_wait3A_2316, %dma_wait3A_2328, %dma_wait3A_2329] : memref<3x128x128xf32, #tpu.memory_space<vmem>> -> memref<1x128x128xf32, #tpu.memory_space<vmem>>
    %dma_wait3A_2331 = tpu.memref_squeeze %dma_wait3A_2330 : memref<1x128x128xf32, #tpu.memory_space<vmem>> -> memref<128x128xf32, #tpu.memory_space<vmem>>
    tpu.wait_dma2 semaphore(%dma_wait3A_2325 : memref<!tpu.dma_semaphore, #tpu.memory_space<semaphore_mem>>) src(%dma_wait3A_2331 : memref<128x128xf32, #tpu.memory_space<vmem>>) dst(%dma_wait3A_2327 : memref<128x128xf32, #tpu.memory_space<hbm>>)
    %dma_start3A_2332 = arith.constant 1 : i32
    %dma_start3A_2333 = arith.constant 0 : i32
    %dma_start3A_2334 = arith.constant 1 : i32
    %dma_start3A_2335 = arith.constant 1 : i32
    %dma_start3A_2336 = arith.constant 0 : i32
    %dma_start3A_2337 = arith.constant 0 : i32
    %dma_start3A_2338 = tpu.memref_slice %arg6[%dma_start3A_2334, %dma_start3A_2336, %dma_start3A_2337] : memref<3x128x128xf32, #tpu.memory_space<vmem>> -> memref<1x128x128xf32, #tpu.memory_space<vmem>>
    %dma_start3A_2339 = tpu.memref_squeeze %dma_start3A_2338 : memref<1x128x128xf32, #tpu.memory_space<vmem>> -> memref<128x128xf32, #tpu.memory_space<vmem>>
    %dma_start3A_2340 = arith.constant 0 : i32
    %dma_start3A_2341 = tpu.memref_slice %arg5[%dma_start3A_2332, %dma_start3A_2333, %dma_start3A_2340] : memref<3x1x128xi32, #tpu.memory_space<vmem>> -> memref<1x1x128xi32, #tpu.memory_space<vmem>>
    %dma_start3A_2342 = tpu.memref_squeeze %dma_start3A_2341 : memref<1x1x128xi32, #tpu.memory_space<vmem>> -> memref<128xi32, #tpu.memory_space<vmem>>
    %dma_start3A_2343 = arith.constant 0 : i32
    %dma_start3A_2344 = arith.constant 0 : i32
    %dma_start3A_2345 = tpu.memref_slice %arg7[%dma_start3A_2343, %dma_start3A_2344] : memref<128x128xf32, #tpu.memory_space<vmem_shared>> -> memref<128x128xf32, #tpu.memory_space<vmem_shared>>
    %dma_start3A_2346 = tpu.memref_slice %arg9[%dma_start3A_2335] : memref<3x!tpu.dma_semaphore, #tpu.memory_space<semaphore_mem>> -> memref<1x!tpu.dma_semaphore, #tpu.memory_space<semaphore_mem>>
    %dma_start3A_2347 = tpu.memref_squeeze %dma_start3A_2346 : memref<1x!tpu.dma_semaphore, #tpu.memory_space<semaphore_mem>> -> memref<!tpu.dma_semaphore, #tpu.memory_space<semaphore_mem>>
    tpu.enqueue_indirect_dma source(%dma_start3A_2345 : memref<128x128xf32, #tpu.memory_space<vmem_shared>>) target(%dma_start3A_2339 : memref<128x128xf32, #tpu.memory_space<vmem>>) offsets(%dma_start3A_2342 : memref<128xi32, #tpu.memory_space<vmem>>) semaphore(%dma_start3A_2347 : memref<!tpu.dma_semaphore, #tpu.memory_space<semaphore_mem>>)
    %dma_wait3A_2348 = arith.constant 1 : i32
    %dma_wait3A_2349 = arith.constant 0 : i32
    %dma_wait3A_2350 = arith.constant 1 : i32
    %dma_wait3A_2351 = arith.constant 1 : i32
    %dma_wait3A_2352 = arith.constant 0 : i32
    %dma_wait3A_2353 = arith.constant 0 : i32
    %dma_wait3A_2354 = tpu.memref_slice %arg6[%dma_wait3A_2350, %dma_wait3A_2352, %dma_wait3A_2353] : memref<3x128x128xf32, #tpu.memory_space<vmem>> -> memref<1x128x128xf32, #tpu.memory_space<vmem>>
    %dma_wait3A_2355 = tpu.memref_squeeze %dma_wait3A_2354 : memref<1x128x128xf32, #tpu.memory_space<vmem>> -> memref<128x128xf32, #tpu.memory_space<vmem>>
    %dma_wait3A_2356 = arith.constant 0 : i32
    %dma_wait3A_2357 = tpu.memref_slice %arg5[%dma_wait3A_2348, %dma_wait3A_2349, %dma_wait3A_2356] : memref<3x1x128xi32, #tpu.memory_space<vmem>> -> memref<1x1x128xi32, #tpu.memory_space<vmem>>
    %dma_wait3A_2358 = tpu.memref_squeeze %dma_wait3A_2357 : memref<1x1x128xi32, #tpu.memory_space<vmem>> -> memref<128xi32, #tpu.memory_space<vmem>>
    %dma_wait3A_2359 = arith.constant 0 : i32
    %dma_wait3A_2360 = arith.constant 0 : i32
    %dma_wait3A_2361 = tpu.memref_slice %arg7[%dma_wait3A_2359, %dma_wait3A_2360] : memref<128x128xf32, #tpu.memory_space<vmem_shared>> -> memref<128x128xf32, #tpu.memory_space<vmem_shared>>
    %dma_wait3A_2362 = tpu.memref_slice %arg9[%dma_wait3A_2351] : memref<3x!tpu.dma_semaphore, #tpu.memory_space<semaphore_mem>> -> memref<1x!tpu.dma_semaphore, #tpu.memory_space<semaphore_mem>>
    %dma_wait3A_2363 = tpu.memref_squeeze %dma_wait3A_2362 : memref<1x!tpu.dma_semaphore, #tpu.memory_space<semaphore_mem>> -> memref<!tpu.dma_semaphore, #tpu.memory_space<semaphore_mem>>
    tpu.wait_indirect_dma semaphore(%dma_wait3A_2363 : memref<!tpu.dma_semaphore, #tpu.memory_space<semaphore_mem>>) src(%dma_wait3A_2361 : memref<128x128xf32, #tpu.memory_space<vmem_shared>>) dst(%dma_wait3A_2355 : memref<128x128xf32, #tpu.memory_space<vmem>>)
    %add3A_2364 = arith.constant 704 : i32
    %add3A_2365 = arith.addi %add3A, %add3A_2364 : i32
    %mul3A_2366 = arith.constant 128 : i32
    %mul3A_2367 = arith.muli %add3A_2365, %mul3A_2366 : i32
    %min3A_2368 = arith.constant 99872 : i32
    %min3A_2369 = arith.minsi %mul3A_2367, %min3A_2368 : i32
    %dma_start3A_2370 = arith.constant 1 : i32
    %dma_start3A_2371 = arith.constant 1 : i32
    %dma_start3A_2372 = arith.constant 0 : i32
    %dma_start3A_2373 = arith.constant 0 : i32
    %dma_start3A_2374 = tpu.memref_slice %arg6[%dma_start3A_2370, %dma_start3A_2372, %dma_start3A_2373] : memref<3x128x128xf32, #tpu.memory_space<vmem>> -> memref<1x128x128xf32, #tpu.memory_space<vmem>>
    %dma_start3A_2375 = tpu.memref_squeeze %dma_start3A_2374 : memref<1x128x128xf32, #tpu.memory_space<vmem>> -> memref<128x128xf32, #tpu.memory_space<vmem>>
    %dma_start3A_2376 = arith.constant 0 : i32
    %dma_start3A_2377 = tpu.memref_slice %arg4[%min3A_2369, %dma_start3A_2376] : memref<100000x128xf32, #tpu.memory_space<hbm>> -> memref<128x128xf32, #tpu.memory_space<hbm>>
    %dma_start3A_2378 = tpu.memref_slice %arg10[%dma_start3A_2371] : memref<3x!tpu.dma_semaphore, #tpu.memory_space<semaphore_mem>> -> memref<1x!tpu.dma_semaphore, #tpu.memory_space<semaphore_mem>>
    %dma_start3A_2379 = tpu.memref_squeeze %dma_start3A_2378 : memref<1x!tpu.dma_semaphore, #tpu.memory_space<semaphore_mem>> -> memref<!tpu.dma_semaphore, #tpu.memory_space<semaphore_mem>>
    %dma_start3A_2380 = arith.constant 0 : i32
    %dma_start3A_2381 = tpu.memref_slice %arg4[%min3A_2369, %dma_start3A_2380] : memref<100000x128xf32, #tpu.memory_space<hbm>> -> memref<128x128xf32, #tpu.memory_space<hbm>>
    %dma_start3A_2382 = arith.constant 0 : i32
    %dma_start3A_2383 = arith.constant 0 : i32
    %dma_start3A_2384 = tpu.memref_slice %arg6[%dma_start3A_2370, %dma_start3A_2382, %dma_start3A_2383] : memref<3x128x128xf32, #tpu.memory_space<vmem>> -> memref<1x128x128xf32, #tpu.memory_space<vmem>>
    %dma_start3A_2385 = tpu.memref_squeeze %dma_start3A_2384 : memref<1x128x128xf32, #tpu.memory_space<vmem>> -> memref<128x128xf32, #tpu.memory_space<vmem>>
    tpu.enqueue_dma source(%dma_start3A_2385 : memref<128x128xf32, #tpu.memory_space<vmem>>) target(%dma_start3A_2381 : memref<128x128xf32, #tpu.memory_space<hbm>>) target_semaphore(%dma_start3A_2379 : memref<!tpu.dma_semaphore, #tpu.memory_space<semaphore_mem>>)
    %dma_wait3A_2386 = arith.constant 2 : i32
    %dma_wait3A_2387 = arith.constant 0 : i32
    %dma_wait3A_2388 = arith.constant 2 : i32
    %dma_wait3A_2389 = arith.constant 0 : i32
    %dma_wait3A_2390 = tpu.memref_slice %arg5[%dma_wait3A_2386, %dma_wait3A_2387, %dma_wait3A_2389] : memref<3x1x128xi32, #tpu.memory_space<vmem>> -> memref<1x1x128xi32, #tpu.memory_space<vmem>>
    %dma_wait3A_2391 = tpu.memref_squeeze %dma_wait3A_2390 : memref<1x1x128xi32, #tpu.memory_space<vmem>> -> memref<128xi32, #tpu.memory_space<vmem>>
    %dma_wait3A_2392 = tpu.memref_slice %arg2[%add3A_2163] : memref<100000xi32, #tpu.memory_space<hbm>> -> memref<128xi32, #tpu.memory_space<hbm>>
    %dma_wait3A_2393 = tpu.memref_slice %arg8[%dma_wait3A_2388] : memref<3x!tpu.dma_semaphore, #tpu.memory_space<semaphore_mem>> -> memref<1x!tpu.dma_semaphore, #tpu.memory_space<semaphore_mem>>
    %dma_wait3A_2394 = tpu.memref_squeeze %dma_wait3A_2393 : memref<1x!tpu.dma_semaphore, #tpu.memory_space<semaphore_mem>> -> memref<!tpu.dma_semaphore, #tpu.memory_space<semaphore_mem>>
    %dma_wait3A_2395 = arith.constant 0 : i32
    %dma_wait3A_2396 = tpu.memref_slice %arg5[%dma_wait3A_2386, %dma_wait3A_2387, %dma_wait3A_2395] : memref<3x1x128xi32, #tpu.memory_space<vmem>> -> memref<1x1x128xi32, #tpu.memory_space<vmem>>
    %dma_wait3A_2397 = tpu.memref_squeeze %dma_wait3A_2396 : memref<1x1x128xi32, #tpu.memory_space<vmem>> -> memref<128xi32, #tpu.memory_space<vmem>>
    %dma_wait3A_2398 = tpu.memref_slice %arg2[%add3A_2163] : memref<100000xi32, #tpu.memory_space<hbm>> -> memref<128xi32, #tpu.memory_space<hbm>>
    tpu.wait_dma2 semaphore(%dma_wait3A_2394 : memref<!tpu.dma_semaphore, #tpu.memory_space<semaphore_mem>>) src(%dma_wait3A_2398 : memref<128xi32, #tpu.memory_space<hbm>>) dst(%dma_wait3A_2397 : memref<128xi32, #tpu.memory_space<vmem>>)
    %dma_wait3A_2399 = arith.constant 2 : i32
    %dma_wait3A_2400 = arith.constant 2 : i32
    %dma_wait3A_2401 = arith.constant 0 : i32
    %dma_wait3A_2402 = arith.constant 0 : i32
    %dma_wait3A_2403 = tpu.memref_slice %arg6[%dma_wait3A_2399, %dma_wait3A_2401, %dma_wait3A_2402] : memref<3x128x128xf32, #tpu.memory_space<vmem>> -> memref<1x128x128xf32, #tpu.memory_space<vmem>>
    %dma_wait3A_2404 = tpu.memref_squeeze %dma_wait3A_2403 : memref<1x128x128xf32, #tpu.memory_space<vmem>> -> memref<128x128xf32, #tpu.memory_space<vmem>>
    %dma_wait3A_2405 = arith.constant 0 : i32
    %dma_wait3A_2406 = tpu.memref_slice %arg4[%min3A_2182, %dma_wait3A_2405] : memref<100000x128xf32, #tpu.memory_space<hbm>> -> memref<128x128xf32, #tpu.memory_space<hbm>>
    %dma_wait3A_2407 = tpu.memref_slice %arg10[%dma_wait3A_2400] : memref<3x!tpu.dma_semaphore, #tpu.memory_space<semaphore_mem>> -> memref<1x!tpu.dma_semaphore, #tpu.memory_space<semaphore_mem>>
    %dma_wait3A_2408 = tpu.memref_squeeze %dma_wait3A_2407 : memref<1x!tpu.dma_semaphore, #tpu.memory_space<semaphore_mem>> -> memref<!tpu.dma_semaphore, #tpu.memory_space<semaphore_mem>>
    %dma_wait3A_2409 = arith.constant 0 : i32
    %dma_wait3A_2410 = tpu.memref_slice %arg4[%min3A_2182, %dma_wait3A_2409] : memref<100000x128xf32, #tpu.memory_space<hbm>> -> memref<128x128xf32, #tpu.memory_space<hbm>>
    %dma_wait3A_2411 = arith.constant 0 : i32
    %dma_wait3A_2412 = arith.constant 0 : i32
    %dma_wait3A_2413 = tpu.memref_slice %arg6[%dma_wait3A_2399, %dma_wait3A_2411, %dma_wait3A_2412] : memref<3x128x128xf32, #tpu.memory_space<vmem>> -> memref<1x128x128xf32, #tpu.memory_space<vmem>>
    %dma_wait3A_2414 = tpu.memref_squeeze %dma_wait3A_2413 : memref<1x128x128xf32, #tpu.memory_space<vmem>> -> memref<128x128xf32, #tpu.memory_space<vmem>>
    tpu.wait_dma2 semaphore(%dma_wait3A_2408 : memref<!tpu.dma_semaphore, #tpu.memory_space<semaphore_mem>>) src(%dma_wait3A_2414 : memref<128x128xf32, #tpu.memory_space<vmem>>) dst(%dma_wait3A_2410 : memref<128x128xf32, #tpu.memory_space<hbm>>)
    %dma_start3A_2415 = arith.constant 2 : i32
    %dma_start3A_2416 = arith.constant 0 : i32
    %dma_start3A_2417 = arith.constant 2 : i32
    %dma_start3A_2418 = arith.constant 2 : i32
    %dma_start3A_2419 = arith.constant 0 : i32
    %dma_start3A_2420 = arith.constant 0 : i32
    %dma_start3A_2421 = tpu.memref_slice %arg6[%dma_start3A_2417, %dma_start3A_2419, %dma_start3A_2420] : memref<3x128x128xf32, #tpu.memory_space<vmem>> -> memref<1x128x128xf32, #tpu.memory_space<vmem>>
    %dma_start3A_2422 = tpu.memref_squeeze %dma_start3A_2421 : memref<1x128x128xf32, #tpu.memory_space<vmem>> -> memref<128x128xf32, #tpu.memory_space<vmem>>
    %dma_start3A_2423 = arith.constant 0 : i32
    %dma_start3A_2424 = tpu.memref_slice %arg5[%dma_start3A_2415, %dma_start3A_2416, %dma_start3A_2423] : memref<3x1x128xi32, #tpu.memory_space<vmem>> -> memref<1x1x128xi32, #tpu.memory_space<vmem>>
    %dma_start3A_2425 = tpu.memref_squeeze %dma_start3A_2424 : memref<1x1x128xi32, #tpu.memory_space<vmem>> -> memref<128xi32, #tpu.memory_space<vmem>>
    %dma_start3A_2426 = arith.constant 0 : i32
    %dma_start3A_2427 = arith.constant 0 : i32
    %dma_start3A_2428 = tpu.memref_slice %arg7[%dma_start3A_2426, %dma_start3A_2427] : memref<128x128xf32, #tpu.memory_space<vmem_shared>> -> memref<128x128xf32, #tpu.memory_space<vmem_shared>>
    %dma_start3A_2429 = tpu.memref_slice %arg9[%dma_start3A_2418] : memref<3x!tpu.dma_semaphore, #tpu.memory_space<semaphore_mem>> -> memref<1x!tpu.dma_semaphore, #tpu.memory_space<semaphore_mem>>
    %dma_start3A_2430 = tpu.memref_squeeze %dma_start3A_2429 : memref<1x!tpu.dma_semaphore, #tpu.memory_space<semaphore_mem>> -> memref<!tpu.dma_semaphore, #tpu.memory_space<semaphore_mem>>
    tpu.enqueue_indirect_dma source(%dma_start3A_2428 : memref<128x128xf32, #tpu.memory_space<vmem_shared>>) target(%dma_start3A_2422 : memref<128x128xf32, #tpu.memory_space<vmem>>) offsets(%dma_start3A_2425 : memref<128xi32, #tpu.memory_space<vmem>>) semaphore(%dma_start3A_2430 : memref<!tpu.dma_semaphore, #tpu.memory_space<semaphore_mem>>)
    %dma_wait3A_2431 = arith.constant 2 : i32
    %dma_wait3A_2432 = arith.constant 0 : i32
    %dma_wait3A_2433 = arith.constant 2 : i32
    %dma_wait3A_2434 = arith.constant 2 : i32
    %dma_wait3A_2435 = arith.constant 0 : i32
    %dma_wait3A_2436 = arith.constant 0 : i32
    %dma_wait3A_2437 = tpu.memref_slice %arg6[%dma_wait3A_2433, %dma_wait3A_2435, %dma_wait3A_2436] : memref<3x128x128xf32, #tpu.memory_space<vmem>> -> memref<1x128x128xf32, #tpu.memory_space<vmem>>
    %dma_wait3A_2438 = tpu.memref_squeeze %dma_wait3A_2437 : memref<1x128x128xf32, #tpu.memory_space<vmem>> -> memref<128x128xf32, #tpu.memory_space<vmem>>
    %dma_wait3A_2439 = arith.constant 0 : i32
    %dma_wait3A_2440 = tpu.memref_slice %arg5[%dma_wait3A_2431, %dma_wait3A_2432, %dma_wait3A_2439] : memref<3x1x128xi32, #tpu.memory_space<vmem>> -> memref<1x1x128xi32, #tpu.memory_space<vmem>>
    %dma_wait3A_2441 = tpu.memref_squeeze %dma_wait3A_2440 : memref<1x1x128xi32, #tpu.memory_space<vmem>> -> memref<128xi32, #tpu.memory_space<vmem>>
    %dma_wait3A_2442 = arith.constant 0 : i32
    %dma_wait3A_2443 = arith.constant 0 : i32
    %dma_wait3A_2444 = tpu.memref_slice %arg7[%dma_wait3A_2442, %dma_wait3A_2443] : memref<128x128xf32, #tpu.memory_space<vmem_shared>> -> memref<128x128xf32, #tpu.memory_space<vmem_shared>>
    %dma_wait3A_2445 = tpu.memref_slice %arg9[%dma_wait3A_2434] : memref<3x!tpu.dma_semaphore, #tpu.memory_space<semaphore_mem>> -> memref<1x!tpu.dma_semaphore, #tpu.memory_space<semaphore_mem>>
    %dma_wait3A_2446 = tpu.memref_squeeze %dma_wait3A_2445 : memref<1x!tpu.dma_semaphore, #tpu.memory_space<semaphore_mem>> -> memref<!tpu.dma_semaphore, #tpu.memory_space<semaphore_mem>>
    tpu.wait_indirect_dma semaphore(%dma_wait3A_2446 : memref<!tpu.dma_semaphore, #tpu.memory_space<semaphore_mem>>) src(%dma_wait3A_2444 : memref<128x128xf32, #tpu.memory_space<vmem_shared>>) dst(%dma_wait3A_2438 : memref<128x128xf32, #tpu.memory_space<vmem>>)
    %add3A_2447 = arith.constant 736 : i32
    %add3A_2448 = arith.addi %add3A, %add3A_2447 : i32
    %mul3A_2449 = arith.constant 128 : i32
    %mul3A_2450 = arith.muli %add3A_2448, %mul3A_2449 : i32
    %min3A_2451 = arith.constant 99872 : i32
    %min3A_2452 = arith.minsi %mul3A_2450, %min3A_2451 : i32
    %dma_start3A_2453 = arith.constant 2 : i32
    %dma_start3A_2454 = arith.constant 2 : i32
    %dma_start3A_2455 = arith.constant 0 : i32
    %dma_start3A_2456 = arith.constant 0 : i32
    %dma_start3A_2457 = tpu.memref_slice %arg6[%dma_start3A_2453, %dma_start3A_2455, %dma_start3A_2456] : memref<3x128x128xf32, #tpu.memory_space<vmem>> -> memref<1x128x128xf32, #tpu.memory_space<vmem>>
    %dma_start3A_2458 = tpu.memref_squeeze %dma_start3A_2457 : memref<1x128x128xf32, #tpu.memory_space<vmem>> -> memref<128x128xf32, #tpu.memory_space<vmem>>
    %dma_start3A_2459 = arith.constant 0 : i32
    %dma_start3A_2460 = tpu.memref_slice %arg4[%min3A_2452, %dma_start3A_2459] : memref<100000x128xf32, #tpu.memory_space<hbm>> -> memref<128x128xf32, #tpu.memory_space<hbm>>
    %dma_start3A_2461 = tpu.memref_slice %arg10[%dma_start3A_2454] : memref<3x!tpu.dma_semaphore, #tpu.memory_space<semaphore_mem>> -> memref<1x!tpu.dma_semaphore, #tpu.memory_space<semaphore_mem>>
    %dma_start3A_2462 = tpu.memref_squeeze %dma_start3A_2461 : memref<1x!tpu.dma_semaphore, #tpu.memory_space<semaphore_mem>> -> memref<!tpu.dma_semaphore, #tpu.memory_space<semaphore_mem>>
    %dma_start3A_2463 = arith.constant 0 : i32
    %dma_start3A_2464 = tpu.memref_slice %arg4[%min3A_2452, %dma_start3A_2463] : memref<100000x128xf32, #tpu.memory_space<hbm>> -> memref<128x128xf32, #tpu.memory_space<hbm>>
    %dma_start3A_2465 = arith.constant 0 : i32
    %dma_start3A_2466 = arith.constant 0 : i32
    %dma_start3A_2467 = tpu.memref_slice %arg6[%dma_start3A_2453, %dma_start3A_2465, %dma_start3A_2466] : memref<3x128x128xf32, #tpu.memory_space<vmem>> -> memref<1x128x128xf32, #tpu.memory_space<vmem>>
    %dma_start3A_2468 = tpu.memref_squeeze %dma_start3A_2467 : memref<1x128x128xf32, #tpu.memory_space<vmem>> -> memref<128x128xf32, #tpu.memory_space<vmem>>
    tpu.enqueue_dma source(%dma_start3A_2468 : memref<128x128xf32, #tpu.memory_space<vmem>>) target(%dma_start3A_2464 : memref<128x128xf32, #tpu.memory_space<hbm>>) target_semaphore(%dma_start3A_2462 : memref<!tpu.dma_semaphore, #tpu.memory_space<semaphore_mem>>)
    %dma_wait3A_2469 = arith.constant 0 : i32
    %dma_wait3A_2470 = arith.constant 0 : i32
    %dma_wait3A_2471 = arith.constant 0 : i32
    %dma_wait3A_2472 = arith.constant 0 : i32
    %dma_wait3A_2473 = tpu.memref_slice %arg5[%dma_wait3A_2469, %dma_wait3A_2470, %dma_wait3A_2472] : memref<3x1x128xi32, #tpu.memory_space<vmem>> -> memref<1x1x128xi32, #tpu.memory_space<vmem>>
    %dma_wait3A_2474 = tpu.memref_squeeze %dma_wait3A_2473 : memref<1x1x128xi32, #tpu.memory_space<vmem>> -> memref<128xi32, #tpu.memory_space<vmem>>
    %dma_wait3A_2475 = tpu.memref_slice %arg2[%add3A_2267] : memref<100000xi32, #tpu.memory_space<hbm>> -> memref<128xi32, #tpu.memory_space<hbm>>
    %dma_wait3A_2476 = tpu.memref_slice %arg8[%dma_wait3A_2471] : memref<3x!tpu.dma_semaphore, #tpu.memory_space<semaphore_mem>> -> memref<1x!tpu.dma_semaphore, #tpu.memory_space<semaphore_mem>>
    %dma_wait3A_2477 = tpu.memref_squeeze %dma_wait3A_2476 : memref<1x!tpu.dma_semaphore, #tpu.memory_space<semaphore_mem>> -> memref<!tpu.dma_semaphore, #tpu.memory_space<semaphore_mem>>
    %dma_wait3A_2478 = arith.constant 0 : i32
    %dma_wait3A_2479 = tpu.memref_slice %arg5[%dma_wait3A_2469, %dma_wait3A_2470, %dma_wait3A_2478] : memref<3x1x128xi32, #tpu.memory_space<vmem>> -> memref<1x1x128xi32, #tpu.memory_space<vmem>>
    %dma_wait3A_2480 = tpu.memref_squeeze %dma_wait3A_2479 : memref<1x1x128xi32, #tpu.memory_space<vmem>> -> memref<128xi32, #tpu.memory_space<vmem>>
    %dma_wait3A_2481 = tpu.memref_slice %arg2[%add3A_2267] : memref<100000xi32, #tpu.memory_space<hbm>> -> memref<128xi32, #tpu.memory_space<hbm>>
    tpu.wait_dma2 semaphore(%dma_wait3A_2477 : memref<!tpu.dma_semaphore, #tpu.memory_space<semaphore_mem>>) src(%dma_wait3A_2481 : memref<128xi32, #tpu.memory_space<hbm>>) dst(%dma_wait3A_2480 : memref<128xi32, #tpu.memory_space<vmem>>)
    %dma_wait3A_2482 = arith.constant 0 : i32
    %dma_wait3A_2483 = arith.constant 0 : i32
    %dma_wait3A_2484 = arith.constant 0 : i32
    %dma_wait3A_2485 = arith.constant 0 : i32
    %dma_wait3A_2486 = tpu.memref_slice %arg6[%dma_wait3A_2482, %dma_wait3A_2484, %dma_wait3A_2485] : memref<3x128x128xf32, #tpu.memory_space<vmem>> -> memref<1x128x128xf32, #tpu.memory_space<vmem>>
    %dma_wait3A_2487 = tpu.memref_squeeze %dma_wait3A_2486 : memref<1x128x128xf32, #tpu.memory_space<vmem>> -> memref<128x128xf32, #tpu.memory_space<vmem>>
    %dma_wait3A_2488 = arith.constant 0 : i32
    %dma_wait3A_2489 = tpu.memref_slice %arg4[%min3A_2286, %dma_wait3A_2488] : memref<100000x128xf32, #tpu.memory_space<hbm>> -> memref<128x128xf32, #tpu.memory_space<hbm>>
    %dma_wait3A_2490 = tpu.memref_slice %arg10[%dma_wait3A_2483] : memref<3x!tpu.dma_semaphore, #tpu.memory_space<semaphore_mem>> -> memref<1x!tpu.dma_semaphore, #tpu.memory_space<semaphore_mem>>
    %dma_wait3A_2491 = tpu.memref_squeeze %dma_wait3A_2490 : memref<1x!tpu.dma_semaphore, #tpu.memory_space<semaphore_mem>> -> memref<!tpu.dma_semaphore, #tpu.memory_space<semaphore_mem>>
    %dma_wait3A_2492 = arith.constant 0 : i32
    %dma_wait3A_2493 = tpu.memref_slice %arg4[%min3A_2286, %dma_wait3A_2492] : memref<100000x128xf32, #tpu.memory_space<hbm>> -> memref<128x128xf32, #tpu.memory_space<hbm>>
    %dma_wait3A_2494 = arith.constant 0 : i32
    %dma_wait3A_2495 = arith.constant 0 : i32
    %dma_wait3A_2496 = tpu.memref_slice %arg6[%dma_wait3A_2482, %dma_wait3A_2494, %dma_wait3A_2495] : memref<3x128x128xf32, #tpu.memory_space<vmem>> -> memref<1x128x128xf32, #tpu.memory_space<vmem>>
    %dma_wait3A_2497 = tpu.memref_squeeze %dma_wait3A_2496 : memref<1x128x128xf32, #tpu.memory_space<vmem>> -> memref<128x128xf32, #tpu.memory_space<vmem>>
    tpu.wait_dma2 semaphore(%dma_wait3A_2491 : memref<!tpu.dma_semaphore, #tpu.memory_space<semaphore_mem>>) src(%dma_wait3A_2497 : memref<128x128xf32, #tpu.memory_space<vmem>>) dst(%dma_wait3A_2493 : memref<128x128xf32, #tpu.memory_space<hbm>>)
    %dma_start3A_2498 = arith.constant 0 : i32
    %dma_start3A_2499 = arith.constant 0 : i32
    %dma_start3A_2500 = arith.constant 0 : i32
    %dma_start3A_2501 = arith.constant 0 : i32
    %dma_start3A_2502 = arith.constant 0 : i32
    %dma_start3A_2503 = arith.constant 0 : i32
    %dma_start3A_2504 = tpu.memref_slice %arg6[%dma_start3A_2500, %dma_start3A_2502, %dma_start3A_2503] : memref<3x128x128xf32, #tpu.memory_space<vmem>> -> memref<1x128x128xf32, #tpu.memory_space<vmem>>
    %dma_start3A_2505 = tpu.memref_squeeze %dma_start3A_2504 : memref<1x128x128xf32, #tpu.memory_space<vmem>> -> memref<128x128xf32, #tpu.memory_space<vmem>>
    %dma_start3A_2506 = arith.constant 0 : i32
    %dma_start3A_2507 = tpu.memref_slice %arg5[%dma_start3A_2498, %dma_start3A_2499, %dma_start3A_2506] : memref<3x1x128xi32, #tpu.memory_space<vmem>> -> memref<1x1x128xi32, #tpu.memory_space<vmem>>
    %dma_start3A_2508 = tpu.memref_squeeze %dma_start3A_2507 : memref<1x1x128xi32, #tpu.memory_space<vmem>> -> memref<128xi32, #tpu.memory_space<vmem>>
    %dma_start3A_2509 = arith.constant 0 : i32
    %dma_start3A_2510 = arith.constant 0 : i32
    %dma_start3A_2511 = tpu.memref_slice %arg7[%dma_start3A_2509, %dma_start3A_2510] : memref<128x128xf32, #tpu.memory_space<vmem_shared>> -> memref<128x128xf32, #tpu.memory_space<vmem_shared>>
    %dma_start3A_2512 = tpu.memref_slice %arg9[%dma_start3A_2501] : memref<3x!tpu.dma_semaphore, #tpu.memory_space<semaphore_mem>> -> memref<1x!tpu.dma_semaphore, #tpu.memory_space<semaphore_mem>>
    %dma_start3A_2513 = tpu.memref_squeeze %dma_start3A_2512 : memref<1x!tpu.dma_semaphore, #tpu.memory_space<semaphore_mem>> -> memref<!tpu.dma_semaphore, #tpu.memory_space<semaphore_mem>>
    tpu.enqueue_indirect_dma source(%dma_start3A_2511 : memref<128x128xf32, #tpu.memory_space<vmem_shared>>) target(%dma_start3A_2505 : memref<128x128xf32, #tpu.memory_space<vmem>>) offsets(%dma_start3A_2508 : memref<128xi32, #tpu.memory_space<vmem>>) semaphore(%dma_start3A_2513 : memref<!tpu.dma_semaphore, #tpu.memory_space<semaphore_mem>>)
    %dma_wait3A_2514 = arith.constant 0 : i32
    %dma_wait3A_2515 = arith.constant 0 : i32
    %dma_wait3A_2516 = arith.constant 0 : i32
    %dma_wait3A_2517 = arith.constant 0 : i32
    %dma_wait3A_2518 = arith.constant 0 : i32
    %dma_wait3A_2519 = arith.constant 0 : i32
    %dma_wait3A_2520 = tpu.memref_slice %arg6[%dma_wait3A_2516, %dma_wait3A_2518, %dma_wait3A_2519] : memref<3x128x128xf32, #tpu.memory_space<vmem>> -> memref<1x128x128xf32, #tpu.memory_space<vmem>>
    %dma_wait3A_2521 = tpu.memref_squeeze %dma_wait3A_2520 : memref<1x128x128xf32, #tpu.memory_space<vmem>> -> memref<128x128xf32, #tpu.memory_space<vmem>>
    %dma_wait3A_2522 = arith.constant 0 : i32
    %dma_wait3A_2523 = tpu.memref_slice %arg5[%dma_wait3A_2514, %dma_wait3A_2515, %dma_wait3A_2522] : memref<3x1x128xi32, #tpu.memory_space<vmem>> -> memref<1x1x128xi32, #tpu.memory_space<vmem>>
    %dma_wait3A_2524 = tpu.memref_squeeze %dma_wait3A_2523 : memref<1x1x128xi32, #tpu.memory_space<vmem>> -> memref<128xi32, #tpu.memory_space<vmem>>
    %dma_wait3A_2525 = arith.constant 0 : i32
    %dma_wait3A_2526 = arith.constant 0 : i32
    %dma_wait3A_2527 = tpu.memref_slice %arg7[%dma_wait3A_2525, %dma_wait3A_2526] : memref<128x128xf32, #tpu.memory_space<vmem_shared>> -> memref<128x128xf32, #tpu.memory_space<vmem_shared>>
    %dma_wait3A_2528 = tpu.memref_slice %arg9[%dma_wait3A_2517] : memref<3x!tpu.dma_semaphore, #tpu.memory_space<semaphore_mem>> -> memref<1x!tpu.dma_semaphore, #tpu.memory_space<semaphore_mem>>
    %dma_wait3A_2529 = tpu.memref_squeeze %dma_wait3A_2528 : memref<1x!tpu.dma_semaphore, #tpu.memory_space<semaphore_mem>> -> memref<!tpu.dma_semaphore, #tpu.memory_space<semaphore_mem>>
    tpu.wait_indirect_dma semaphore(%dma_wait3A_2529 : memref<!tpu.dma_semaphore, #tpu.memory_space<semaphore_mem>>) src(%dma_wait3A_2527 : memref<128x128xf32, #tpu.memory_space<vmem_shared>>) dst(%dma_wait3A_2521 : memref<128x128xf32, #tpu.memory_space<vmem>>)
    %add3A_2530 = arith.constant 768 : i32
    %add3A_2531 = arith.addi %add3A, %add3A_2530 : i32
    %mul3A_2532 = arith.constant 128 : i32
    %mul3A_2533 = arith.muli %add3A_2531, %mul3A_2532 : i32
    %min3A_2534 = arith.constant 99872 : i32
    %min3A_2535 = arith.minsi %mul3A_2533, %min3A_2534 : i32
    %dma_start3A_2536 = arith.constant 0 : i32
    %dma_start3A_2537 = arith.constant 0 : i32
    %dma_start3A_2538 = arith.constant 0 : i32
    %dma_start3A_2539 = arith.constant 0 : i32
    %dma_start3A_2540 = tpu.memref_slice %arg6[%dma_start3A_2536, %dma_start3A_2538, %dma_start3A_2539] : memref<3x128x128xf32, #tpu.memory_space<vmem>> -> memref<1x128x128xf32, #tpu.memory_space<vmem>>
    %dma_start3A_2541 = tpu.memref_squeeze %dma_start3A_2540 : memref<1x128x128xf32, #tpu.memory_space<vmem>> -> memref<128x128xf32, #tpu.memory_space<vmem>>
    %dma_start3A_2542 = arith.constant 0 : i32
    %dma_start3A_2543 = tpu.memref_slice %arg4[%min3A_2535, %dma_start3A_2542] : memref<100000x128xf32, #tpu.memory_space<hbm>> -> memref<128x128xf32, #tpu.memory_space<hbm>>
    %dma_start3A_2544 = tpu.memref_slice %arg10[%dma_start3A_2537] : memref<3x!tpu.dma_semaphore, #tpu.memory_space<semaphore_mem>> -> memref<1x!tpu.dma_semaphore, #tpu.memory_space<semaphore_mem>>
    %dma_start3A_2545 = tpu.memref_squeeze %dma_start3A_2544 : memref<1x!tpu.dma_semaphore, #tpu.memory_space<semaphore_mem>> -> memref<!tpu.dma_semaphore, #tpu.memory_space<semaphore_mem>>
    %dma_start3A_2546 = arith.constant 0 : i32
    %dma_start3A_2547 = tpu.memref_slice %arg4[%min3A_2535, %dma_start3A_2546] : memref<100000x128xf32, #tpu.memory_space<hbm>> -> memref<128x128xf32, #tpu.memory_space<hbm>>
    %dma_start3A_2548 = arith.constant 0 : i32
    %dma_start3A_2549 = arith.constant 0 : i32
    %dma_start3A_2550 = tpu.memref_slice %arg6[%dma_start3A_2536, %dma_start3A_2548, %dma_start3A_2549] : memref<3x128x128xf32, #tpu.memory_space<vmem>> -> memref<1x128x128xf32, #tpu.memory_space<vmem>>
    %dma_start3A_2551 = tpu.memref_squeeze %dma_start3A_2550 : memref<1x128x128xf32, #tpu.memory_space<vmem>> -> memref<128x128xf32, #tpu.memory_space<vmem>>
    tpu.enqueue_dma source(%dma_start3A_2551 : memref<128x128xf32, #tpu.memory_space<vmem>>) target(%dma_start3A_2547 : memref<128x128xf32, #tpu.memory_space<hbm>>) target_semaphore(%dma_start3A_2545 : memref<!tpu.dma_semaphore, #tpu.memory_space<semaphore_mem>>)
    %dma_wait3A_2552 = arith.constant 1 : i32
    %dma_wait3A_2553 = arith.constant 1 : i32
    %dma_wait3A_2554 = arith.constant 0 : i32
    %dma_wait3A_2555 = arith.constant 0 : i32
    %dma_wait3A_2556 = tpu.memref_slice %arg6[%dma_wait3A_2552, %dma_wait3A_2554, %dma_wait3A_2555] : memref<3x128x128xf32, #tpu.memory_space<vmem>> -> memref<1x128x128xf32, #tpu.memory_space<vmem>>
    %dma_wait3A_2557 = tpu.memref_squeeze %dma_wait3A_2556 : memref<1x128x128xf32, #tpu.memory_space<vmem>> -> memref<128x128xf32, #tpu.memory_space<vmem>>
    %dma_wait3A_2558 = arith.constant 0 : i32
    %dma_wait3A_2559 = tpu.memref_slice %arg4[%min3A_2369, %dma_wait3A_2558] : memref<100000x128xf32, #tpu.memory_space<hbm>> -> memref<128x128xf32, #tpu.memory_space<hbm>>
    %dma_wait3A_2560 = tpu.memref_slice %arg10[%dma_wait3A_2553] : memref<3x!tpu.dma_semaphore, #tpu.memory_space<semaphore_mem>> -> memref<1x!tpu.dma_semaphore, #tpu.memory_space<semaphore_mem>>
    %dma_wait3A_2561 = tpu.memref_squeeze %dma_wait3A_2560 : memref<1x!tpu.dma_semaphore, #tpu.memory_space<semaphore_mem>> -> memref<!tpu.dma_semaphore, #tpu.memory_space<semaphore_mem>>
    %dma_wait3A_2562 = arith.constant 0 : i32
    %dma_wait3A_2563 = tpu.memref_slice %arg4[%min3A_2369, %dma_wait3A_2562] : memref<100000x128xf32, #tpu.memory_space<hbm>> -> memref<128x128xf32, #tpu.memory_space<hbm>>
    %dma_wait3A_2564 = arith.constant 0 : i32
    %dma_wait3A_2565 = arith.constant 0 : i32
    %dma_wait3A_2566 = tpu.memref_slice %arg6[%dma_wait3A_2552, %dma_wait3A_2564, %dma_wait3A_2565] : memref<3x128x128xf32, #tpu.memory_space<vmem>> -> memref<1x128x128xf32, #tpu.memory_space<vmem>>
    %dma_wait3A_2567 = tpu.memref_squeeze %dma_wait3A_2566 : memref<1x128x128xf32, #tpu.memory_space<vmem>> -> memref<128x128xf32, #tpu.memory_space<vmem>>
    tpu.wait_dma2 semaphore(%dma_wait3A_2561 : memref<!tpu.dma_semaphore, #tpu.memory_space<semaphore_mem>>) src(%dma_wait3A_2567 : memref<128x128xf32, #tpu.memory_space<vmem>>) dst(%dma_wait3A_2563 : memref<128x128xf32, #tpu.memory_space<hbm>>)
    %dma_wait3A_2568 = arith.constant 2 : i32
    %dma_wait3A_2569 = arith.constant 2 : i32
    %dma_wait3A_2570 = arith.constant 0 : i32
    %dma_wait3A_2571 = arith.constant 0 : i32
    %dma_wait3A_2572 = tpu.memref_slice %arg6[%dma_wait3A_2568, %dma_wait3A_2570, %dma_wait3A_2571] : memref<3x128x128xf32, #tpu.memory_space<vmem>> -> memref<1x128x128xf32, #tpu.memory_space<vmem>>
    %dma_wait3A_2573 = tpu.memref_squeeze %dma_wait3A_2572 : memref<1x128x128xf32, #tpu.memory_space<vmem>> -> memref<128x128xf32, #tpu.memory_space<vmem>>
    %dma_wait3A_2574 = arith.constant 0 : i32
    %dma_wait3A_2575 = tpu.memref_slice %arg4[%min3A_2452, %dma_wait3A_2574] : memref<100000x128xf32, #tpu.memory_space<hbm>> -> memref<128x128xf32, #tpu.memory_space<hbm>>
    %dma_wait3A_2576 = tpu.memref_slice %arg10[%dma_wait3A_2569] : memref<3x!tpu.dma_semaphore, #tpu.memory_space<semaphore_mem>> -> memref<1x!tpu.dma_semaphore, #tpu.memory_space<semaphore_mem>>
    %dma_wait3A_2577 = tpu.memref_squeeze %dma_wait3A_2576 : memref<1x!tpu.dma_semaphore, #tpu.memory_space<semaphore_mem>> -> memref<!tpu.dma_semaphore, #tpu.memory_space<semaphore_mem>>
    %dma_wait3A_2578 = arith.constant 0 : i32
    %dma_wait3A_2579 = tpu.memref_slice %arg4[%min3A_2452, %dma_wait3A_2578] : memref<100000x128xf32, #tpu.memory_space<hbm>> -> memref<128x128xf32, #tpu.memory_space<hbm>>
    %dma_wait3A_2580 = arith.constant 0 : i32
    %dma_wait3A_2581 = arith.constant 0 : i32
    %dma_wait3A_2582 = tpu.memref_slice %arg6[%dma_wait3A_2568, %dma_wait3A_2580, %dma_wait3A_2581] : memref<3x128x128xf32, #tpu.memory_space<vmem>> -> memref<1x128x128xf32, #tpu.memory_space<vmem>>
    %dma_wait3A_2583 = tpu.memref_squeeze %dma_wait3A_2582 : memref<1x128x128xf32, #tpu.memory_space<vmem>> -> memref<128x128xf32, #tpu.memory_space<vmem>>
    tpu.wait_dma2 semaphore(%dma_wait3A_2577 : memref<!tpu.dma_semaphore, #tpu.memory_space<semaphore_mem>>) src(%dma_wait3A_2583 : memref<128x128xf32, #tpu.memory_space<vmem>>) dst(%dma_wait3A_2579 : memref<128x128xf32, #tpu.memory_space<hbm>>)
    %dma_wait3A_2584 = arith.constant 0 : i32
    %dma_wait3A_2585 = arith.constant 0 : i32
    %dma_wait3A_2586 = arith.constant 0 : i32
    %dma_wait3A_2587 = arith.constant 0 : i32
    %dma_wait3A_2588 = tpu.memref_slice %arg6[%dma_wait3A_2584, %dma_wait3A_2586, %dma_wait3A_2587] : memref<3x128x128xf32, #tpu.memory_space<vmem>> -> memref<1x128x128xf32, #tpu.memory_space<vmem>>
    %dma_wait3A_2589 = tpu.memref_squeeze %dma_wait3A_2588 : memref<1x128x128xf32, #tpu.memory_space<vmem>> -> memref<128x128xf32, #tpu.memory_space<vmem>>
    %dma_wait3A_2590 = arith.constant 0 : i32
    %dma_wait3A_2591 = tpu.memref_slice %arg4[%min3A_2535, %dma_wait3A_2590] : memref<100000x128xf32, #tpu.memory_space<hbm>> -> memref<128x128xf32, #tpu.memory_space<hbm>>
    %dma_wait3A_2592 = tpu.memref_slice %arg10[%dma_wait3A_2585] : memref<3x!tpu.dma_semaphore, #tpu.memory_space<semaphore_mem>> -> memref<1x!tpu.dma_semaphore, #tpu.memory_space<semaphore_mem>>
    %dma_wait3A_2593 = tpu.memref_squeeze %dma_wait3A_2592 : memref<1x!tpu.dma_semaphore, #tpu.memory_space<semaphore_mem>> -> memref<!tpu.dma_semaphore, #tpu.memory_space<semaphore_mem>>
    %dma_wait3A_2594 = arith.constant 0 : i32
    %dma_wait3A_2595 = tpu.memref_slice %arg4[%min3A_2535, %dma_wait3A_2594] : memref<100000x128xf32, #tpu.memory_space<hbm>> -> memref<128x128xf32, #tpu.memory_space<hbm>>
    %dma_wait3A_2596 = arith.constant 0 : i32
    %dma_wait3A_2597 = arith.constant 0 : i32
    %dma_wait3A_2598 = tpu.memref_slice %arg6[%dma_wait3A_2584, %dma_wait3A_2596, %dma_wait3A_2597] : memref<3x128x128xf32, #tpu.memory_space<vmem>> -> memref<1x128x128xf32, #tpu.memory_space<vmem>>
    %dma_wait3A_2599 = tpu.memref_squeeze %dma_wait3A_2598 : memref<1x128x128xf32, #tpu.memory_space<vmem>> -> memref<128x128xf32, #tpu.memory_space<vmem>>
    tpu.wait_dma2 semaphore(%dma_wait3A_2593 : memref<!tpu.dma_semaphore, #tpu.memory_space<semaphore_mem>>) src(%dma_wait3A_2599 : memref<128x128xf32, #tpu.memory_space<vmem>>) dst(%dma_wait3A_2595 : memref<128x128xf32, #tpu.memory_space<hbm>>)
    return
  }
}

</mosaic_0001>

<sc_bundles>
// kernel: _embed.3.cloned.1.call-start
scs
__scs_entry_jumppad:
0x0: {  	(pc) =	sbr.rel $0x88, $3  }
0x1: {  	(tag) =	ssettag $0x0;
	lr =	simm.s32 $0x1  }
0x2: {  	[smem:$0x3F9F] =	sst lr;
	_ =	strace $0xD0000000  }
0x3: {  	_ = 	snop  }
0x4: {  	_ = 	snop  }
0x5: {  	_ = 	snop  }
0x6: {  	_ = 	snop  }
0x7: {  	_ = 	snop  }
__scs_overlays_trampoline_lowered:
0x8: {  	[smem:$0x3FAE] =	sst s0  }
0x9: {  	[smem:$0x3FAF] =	sst s1  }
0xa: {  	[smem:$0x3FB0] =	sst s2  }
0xb: {  	[smem:$0x3FB1] =	sst s3  }
0xc: {  	[smem:$0x3FB2] =	sst s4  }
0xd: {  	[smem:$0x3FB3] =	sst s5  }
0xe: {  	[smem:$0x3FB4] =	sst s6  }
0xf: {  	[smem:$0x3FB5] =	sst s7  }
0x10: {  	[smem:$0x3FB6] =	sst s8  }
0x11: {  	[smem:$0x3FB7] =	sst s9;
	s0 =	simm.s32 @!p0 $0x0  }
0x12: {  	s1 =	sld [smem:$0x3F9D];
	s0 =	simm.s32 @p0 $0x1  }
0x13: {  	[smem:$0x3FB8] =	sst s0;
	s0 =	simm.s32 @!p1 $0x0  }
0x14: {  	s2 =	sld [smem:$0x3F9C];
	s0 =	simm.s32 @p1 $0x1  }
0x15: {  	[smem:$0x3FB9] =	sst s0;
	s0 =	simm.s32 @!p2 $0x0  }
0x16: {  	s3 =	sld [smem:$0x3FDB];
	s0 =	simm.s32 @p2 $0x1  }
0x17: {  	s4 =	simm.s32 $0x1BF5;
	[smem:$0x3FBB] =	sst s0  }
0x18: {  	s0 =	sld [smem:$0x3F9E];
	_ =	swait.ge [sflag:s4], $0x0  }
0x19: {  	s7 =	sld [smem:$0x3F9F]  }
0x1a: {  	s8 =	sadd.s32 $0xFFFFE003, lr  }
0x1b: {  	s9 =	sadd.s32 $0xFFFFFEF7, lr;
	s5 =	simm.s32 $0xFFFFFFFF;
	p2 =	slt.u32 s8, $0xFFFFF086  }
0x1c: {  	p1 =	slt.u32 s9, $0xF7A;
	s5 =	simm.s32 @!p2 $0x0  }
0x1d: {  	s5 =	simm.s32 @p1 $0x1;
	p0 =	seq.s32 s7, s2  }
0x1e: {  	s7 =	smul.u32 @!p0 $0xF7A, s2;
	p2 =	seq.s32 @!p0 s5, $0x0  }
0x1f: {  	s9 =	smul.u32 $0xF7A, s1;
	s8 =	simm.s32 @!p0 $0x1BF5;
	p2 =	por !p2, p0  }
0x20: {  	[sflag:s8] =	ssyncset.s32 @!p0 $0xFFFFF086;
	s6 =	sadd.s32 @!p0 s3, s7;
	s7 =	simm.s32 @!p0 $0x108  }
0x21: {  	s3 =	sadd.s32 s3, s9;
	s6 =	sadd.s32 @!p0 $0x88, s6;
	s7 =	simm.s32 @p2 $0x1082  }
0x22: {  	[simem:s7], [sflag:s8] =	dma.local @!p0 [hbm:s6], $0xF7A  }
0x23: {  	s9 =	sor.u32 $0xD0000000, s2;
	s6 =	simm.s32 $0x108;
	_ =	swait.ge @!p0 [sflag:s8], $0x0  }
0x24: {  	s3 =	sadd.s32 $0x88, s3;
	s6 =	simm.s32 @!p1 $0x1082;
	[sflag:s4] =	ssyncset.s32 $0xFFFFF086  }
0x25: {  	[simem:s6], [sflag:s4] =	dma.local [hbm:s3], $0xF7A  }
0x26: {  	[smem:$0x3F9F] =	sst s1;
	(tag) =	ssettag s2;
	_ =	strace s9  }
0x27: {  	s1 =	sld [smem:$0x3FAF]  }
0x28: {  	s2 =	sld [smem:$0x3FB0]  }
0x29: {  	s4 =	sld [smem:$0x3FB2]  }
0x2a: {  	p0 =	seq.s32 s5, $0x0;
	s5 =	sld [smem:$0x3FB3]  }
0x2b: {  	s6 =	sld [smem:$0x3FB4]  }
0x2c: {  	s7 =	sld [smem:$0x3FB5]  }
0x2d: {  	s3 =	simm.s32 $0x108;
	s8 =	sld [smem:$0x3FB6]  }
0x2e: {  	s3 =	simm.s32 @!p0 $0x1082;
	s9 =	sld [smem:$0x3FB7]  }
0x2f: {  	lr =	sadd.s32 s0, s3;
	s0 =	sld [smem:$0x3FAE]  }
0x30: {  	s3 =	sld [smem:$0x3FB1]  }
0x31: {  	[smem:$0x3FBA] =	sst s10  }
0x32: {  	s10 =	sld [smem:$0x3FB8];
	_ =	sdelay $0x3  }
0x33: {  	p0 =	seq.s32 s10, $0x1;
	s10 =	sld [smem:$0x3FBA];
	_ =	sdelay $0x3  }
0x34: {  	[smem:$0x3FBA] =	sst s10  }
0x35: {  	s10 =	sld [smem:$0x3FB9];
	_ =	sdelay $0x3  }
0x36: {  	p1 =	seq.s32 s10, $0x1;
	s10 =	sld [smem:$0x3FBA];
	_ =	sdelay $0x3  }
0x37: {  	[smem:$0x3FBA] =	sst s10  }
0x38: {  	s10 =	sld [smem:$0x3FBB]  }
0x39: {  	_ = 	snop;
	(pc) =	sbr.ind lr, $3  }
0x3a: {  	_ = 	snop  }
0x3b: {  	_ = 	snop  }
0x3c: {  	p2 =	seq.s32 s10, $0x1;
	s10 =	sld [smem:$0x3FBA]  }
0x3d: {  	_ =	shalt  }
0x3e: {  	_ =	shalt  }
0x3f: {  	_ =	shalt  }
0x40: {  	_ =	shalt  }
0x41: {  	_ =	shalt  }
0x42: {  	_ =	shalt  }
0x43: {  	_ =	shalt  }
0x44: {  	_ =	shalt  }
0x45: {  	_ =	shalt  }
0x46: {  	_ =	shalt  }
0x47: {  	_ =	shalt  }
0x48: {  	_ =	shalt  }
0x49: {  	_ =	shalt  }
0x4a: {  	_ =	shalt  }
0x4b: {  	_ =	shalt  }
0x4c: {  	_ =	shalt  }
0x4d: {  	_ =	shalt  }
0x4e: {  	_ =	shalt  }
0x4f: {  	_ =	shalt  }
0x50: {  	_ =	shalt  }
0x51: {  	_ =	shalt  }
0x52: {  	_ =	shalt  }
0x53: {  	_ =	shalt  }
0x54: {  	_ =	shalt  }
0x55: {  	_ =	shalt  }
0x56: {  	_ =	shalt  }
0x57: {  	_ =	shalt  }
0x58: {  	_ =	shalt  }
0x59: {  	_ =	shalt  }
0x5a: {  	_ =	shalt  }
0x5b: {  	_ =	shalt  }
0x5c: {  	_ =	shalt  }
0x5d: {  	_ =	shalt  }
0x5e: {  	_ =	shalt  }
0x5f: {  	_ =	shalt  }
0x60: {  	_ =	shalt  }
0x61: {  	_ =	shalt  }
0x62: {  	_ =	shalt  }
0x63: {  	_ =	shalt  }
0x64: {  	_ =	shalt  }
0x65: {  	_ =	shalt  }
0x66: {  	_ =	shalt  }
0x67: {  	_ =	shalt  }
0x68: {  	_ =	shalt  }
0x69: {  	_ =	shalt  }
0x6a: {  	_ =	shalt  }
0x6b: {  	_ =	shalt  }
0x6c: {  	_ =	shalt  }
0x6d: {  	_ =	shalt  }
0x6e: {  	_ =	shalt  }
0x6f: {  	_ =	shalt  }
0x70: {  	_ =	shalt  }
0x71: {  	_ =	shalt  }
0x72: {  	_ =	shalt  }
0x73: {  	_ =	shalt  }
0x74: {  	_ =	shalt  }
0x75: {  	_ =	shalt  }
0x76: {  	_ =	shalt  }
0x77: {  	_ =	shalt  }
0x78: {  	_ =	shalt  }
0x79: {  	_ =	shalt  }
0x7a: {  	_ =	shalt  }
0x7b: {  	_ =	shalt  }
0x7c: {  	_ =	shalt  }
0x7d: {  	_ =	shalt  }
0x7e: {  	_ =	shalt  }
0x7f: {  	_ =	shalt  }
0x80: {  	_ =	shalt  }
0x81: {  	_ =	shalt  }
0x82: {  	_ =	shalt  }
0x83: {  	_ =	shalt  }
0x84: {  	_ =	shalt  }
0x85: {  	_ =	shalt  }
0x86: {  	_ =	shalt  }
0x87: {  	_ =	shalt  }
.Lfunc_end0:
.L_simem_size_0:
called_computation_lowered:
.L_overlay_start_0:
0x88: {  	s2 =	sld [smem:$0x3FD9]  }
0x89: {  	s3 =	sld [smem:$0x3FFE];
	_ =	sdelay $0x1  }
0x8a: {  	s1 =	srdreg.scid  }
0x8b: {  	s0 =	sand.u32 $0x1, s1  }
0x8c: {  	s18 =	sshll.u32 s0, $0xA;
	s2 =	sadd.s32 s3, s2  }
0x8d: {  	s2 =	sadd.s32 s2, s18  }
0x8e: {  	[smem:$0x3FC6] =	sst s2  }
0x8f: {  	_ = 	snop  }
0x90: {  	s2 =	sld [smem:$0x3FC9]  }
0x91: {  	s19 =	sld [smem:$0x3FC8]  }
0x92: {  	s4 =	sld [smem:$0x3FD0];
	(tm) =	ssettm $0x1  }
0x93: {  	s5 =	sld [smem:$0x3FFB];
	_ =	sdelay $0x3  }
0x94: {  	_ =	strace s5  }
0x95: {  	s5 =	sld [smem:$0x3FFC];
	_ =	sdelay $0x3  }
0x96: {  	_ =	strace s5  }
0x97: {  	s5 =	sld [smem:$0x3FFD];
	_ =	sdelay $0x3  }
0x98: {  	_ =	strace s5  }
0x99: {  	_ =	strace $0x8FFFFFFF  }
0x9a: {  	s20 =	sld [smem:$0x3FDB];
	_ =	sdelay $0x1  }
0x9b: {  	s6 =	simm.s32 $_scs_section_size  }
0x9c: {  	s7 =	simm.s32 $_size__tile_overlayer_lowered;
	s8 =	simm.s32 $_tile_overlayer_lowered  }
0x9d: {  	s23 =	simm.s32 $0x1BFF;
	s22 =	sshll.u32 s8, $0x1;
	s5 =	sadd.s32 s6, s20  }
0x9e: {  	s9 =	simm.s32 $0x0;
	s21 =	sshll.u32 s7, $0x1;
	s7 =	sadd.s32 s22, s5  }
0x9f: {  	[timem:s9], [sflag:s23] =	dma.local [hbm:s7], s21  }
0xa0: {  	_ =	swait.ge [sflag:s23], s21  }
0xa1: {  	s6 =	ssub.s32 $0x0, s21;
	[sflag:s23] =	ssyncset.done $0x0  }
0xa2: {  	[sflag:s23] =	ssyncadd.s32 s6;
	_ =	sdelay $0x1  }
0xa3: {  	s24 =	simm.s32 $0x1B8B  }
0xa4: {  	_ =	swait.ge [sflag:s24], $0x1  }
0xa5: {  	[sflag:s24] =	ssyncset.done $0x0  }
0xa6: {  	s25 =	simm.s32 $0x1B8E;
	[sflag:s24] =	ssyncadd.s32 $0xFFFFFFFF  }
0xa7: {  	s26 =	simm.s32 $execute0_lowered;
	[smem:$0x3FD2] =	sst s25  }
0xa8: {  	s6 =	sshll.u32 s26, $0x1;
	_ =	strace $0x80000046;
	[dreg:$0x1] =	wrdreg $0xFFFFFFFF  }
0xa9: {  	s28 =	simm.s32 $_size_execute0_lowered;
	s5 =	sadd.s32 s5, s6;
	[dreg:$0x0] =	wrdreg $0x0  }
0xaa: {  	s6 =	sshll.u32 s28, $0x1;
	[dreg:$0x2] =	wrdreg s5  }
0xab: {  	[dreg:$0x3] =	wrdreg s6  }
0xac: {  	[dreg:$0x4] =	wrdreg $0xC0  }
0xad: {  	_ =	task [dreg:s9], $0x5FFFF  }
0xae: {  	[dreg:$0x1] =	wrdreg $0xFFFFFFFF  }
0xaf: {  	[dreg:$0x0] =	wrdreg $0x60  }
0xb0: {  	[dreg:$0x2] =	wrdreg s2  }
0xb1: {  	[dreg:$0x3] =	wrdreg s19  }
0xb2: {  	[dreg:$0x4] =	wrdreg s4  }
0xb3: {  	[dreg:$0x5] =	wrdreg $0xC1800  }
0xb4: {  	[dreg:$0x6] =	wrdreg $0x9  }
0xb5: {  	_ =	task.clear_ibuf [dreg:s9], $0x7FFFF;
	_ =	strace $0x90000046  }
0xb6: {  	s29 =	simm.s32 $0x9;
	_ =	strace $0x80000048  }
0xb7: {  	_ =	swait.ge [sflag:s29], $0x1  }
0xb8: {  	[sflag:s29] =	ssyncadd.s32 $0xFFFFFFFF  }
0xb9: {  	_ =	strace $0x90000048  }
0xba: {  	_ =	sfence  }
0xbb: {  	s30 =	sld [smem:$0x0];
	_ =	sdelay $0x2  }
0xbc: {  	s31 =	sshll.u32 s1, $0xD;
	s1 =	sshrl.u32 s1, $0x2  }
0xbd: {  	s3 =	sand.u32 $0x4000, s31;
	s1 =	sadd.s32 s1, s30  }
0xbe: {  	s0 =	sor.u32 s3, s0;
	s1 =	sshll.u32 s1, $0x11  }
0xbf: {  	s0 =	sor.u32 s1, s0  }
0xc0: {  	s0 =	sadd.s32 $0x8F2B, s0  }
0xc1: {  	[sflag:s0] =	ssyncadd.remote.s32 $0x1  }
0xc2: {  	_ =	sfence.sel $0xFFFF  }
0xc3: {  	[dreg:$0x0] =	wrdreg $0xFFFFFFFF;
	(pc) =	sbr.abs _section_cstart, $3  }
0xc4: {  	[dreg:$0x1] =	wrdreg $0xFFFFFFFF  }
0xc5: {  	_ =	task.clear_ibuf [dreg:s9], $0x2FFFF;
	_ =	strace $0x9FFFFFFF  }
0xc6: {  	(tm) =	ssettm $0x7FFFFFFF  }
0xc7: {  	_ =	shalt  }
tec
execute0_lowered:
.L_overlay_start_1:
0x0: {  	(tag) =	ssettag $0x1  }
0x1: {  	s5 =	rddreg [dreg:$0x0]  }
0x2: {  	s0 =	rddreg [dreg:$0x1]  }
0x3: {  	s3 =	rddreg [dreg:$0x2]  }
0x4: {  	s12 =	srdreg.scid;
	s1 =	rddreg [dreg:$0x3]  }
0x5: {  	s4 =	stileid.u32;
	s30 =	rddreg [dreg:$0x4]  }
0x6: {  	s2 =	simm.s32 $0x0;
	p1 =	por $0x0, $0x0;
	[dreg:$0x5] =	wrdreg s0  }
0x7: {  	s7 =	sand.u32 $0x1, s12;
	s13 =	sshll.u32 s4, $0x8;
	[smem:$0x7FF] =	sst s2  }
0x8: {  	p0 =	sne.s32 s4, $0x0;
	s4 =	simm.s32 $0x7;
	s6 =	sshll.u32 s7, $0x7  }
0x9: {  	_ =	strace $0x80000047;
	s7 =	ssub.s32 $0x2, s7;
	s6 =	sor.u32 s6, s13  }
0xa: {  	s28 =	sshrl.u32 @!p0 s1, $0x3;
	s0 =	sshrl.u32 s6, $0x3;
	s8 =	sor.u32 $0x1000, s6  }
0xb: {  	s9 =	sor.u32 $0x2000, s6;
	s11 =	sor.u32 $0x3000, s6;
	s18 =	sshll.u32 s6, $0x4  }
0xc: {  	s20 =	sor.u32 $0x4000, s6;
	s12 =	sor.u32 $0x5000, s6;
	s31 =	sor.u32 $0x6000, s6  }
0xd: {  	s0 =	sadd.s32 s5, s0;
	s14 =	sshrl.u32 s8, $0x3;
	s10 =	sshrl.u32 s9, $0x3  }
0xe: {  	s16 =	sshrl.u32 s11, $0x3;
	s19 =	sadd.s32 s3, s18;
	s21 =	sshrl.u32 s20, $0x3  }
0xf: {  	s8 =	sshll.u32 s8, $0x4;
	s23 =	sshrl.u32 s12, $0x3;
	s25 =	sshll.u32 s9, $0x4  }
0x10: {  	s9 =	sshrl.u32 s31, $0x3;
	s13 =	sshll.u32 s11, $0x4;
	[dreg:$0x6] =	wrdreg s0  }
0x11: {  	s20 =	sshll.u32 s20, $0x4;
	s0 =	sadd.s32 s5, s14;
	[dreg:$0xa] =	wrdreg s19  }
0x12: {  	s15 =	sadd.s32 s5, s10;
	s17 =	sadd.s32 s5, s16;
	[dreg:$0x7] =	wrdreg s0  }
0x13: {  	s22 =	sadd.s32 s3, s8;
	s24 =	sadd.s32 s5, s23;
	[dreg:$0x8] =	wrdreg s15  }
0x14: {  	s26 =	sadd.s32 s3, s25;
	s14 =	sor.u32 $0x7000, s6;
	[dreg:$0x9] =	wrdreg s17  }
0x15: {  	s16 =	sshll.u32 s12, $0x4;
	s8 =	sshll.u32 s31, $0x4;
	[dreg:$0xc] =	wrdreg s22  }
0x16: {  	s31 =	sor.u32 $0xA000, s6;
	s10 =	simm.s32 $0x9;
	[dreg:$0xd] =	wrdreg s24  }
0x17: {  	s0 =	sadd.s32 s5, s21;
	[dreg:$0xe] =	wrdreg s26;
	s17 =	sadd.s32 s3, s13  }
0x18: {  	s18 =	sshrl.u32 s14, $0x3;
	s21 =	sadd.s32 s3, s20;
	s22 =	sor.u32 $0x8000, s6  }
0x19: {  	s23 =	sadd.s32 s3, s16;
	s26 =	sadd.s32 s3, s8;
	[dreg:$0xb] =	wrdreg s0  }
0x1a: {  	s13 =	sshrl.u32 s31, $0x3;
	s14 =	sshll.u32 s14, $0x4;
	[dreg:$0x10] =	wrdreg s17  }
0x1b: {  	s8 =	sshll.u32 s31, $0x4;
	s31 =	sor.u32 $0xE000, s6;
	[dreg:$0x12] =	wrdreg s21  }
0x1c: {  	s0 =	sadd.s32 s5, s9;
	s19 =	sadd.s32 s5, s18;
	[dreg:$0x14] =	wrdreg s23  }
0x1d: {  	s15 =	sshrl.u32 s22, $0x3;
	s17 =	sor.u32 $0x9000, s6;
	[dreg:$0x16] =	wrdreg s26  }
0x1e: {  	s18 =	sadd.s32 s3, s14;
	s9 =	sshll.u32 s22, $0x4;
	s22 =	sor.u32 $0xC000, s6  }
0x1f: {  	s26 =	sadd.s32 s3, s8;
	s8 =	sshll.u32 s31, $0x4;
	[dreg:$0xf] =	wrdreg s0  }
0x20: {  	[dreg:$0x11] =	wrdreg s19;
	s0 =	sadd.s32 s5, s15;
	s24 =	sshrl.u32 s17, $0x3  }
0x21: {  	s15 =	sor.u32 $0xB000, s6;
	[dreg:$0x18] =	wrdreg s18;
	s21 =	sadd.s32 s3, s9  }
0x22: {  	s16 =	sshrl.u32 s22, $0x3;
	s17 =	sshll.u32 s17, $0x4;
	s18 =	sor.u32 $0xD000, s6  }
0x23: {  	[dreg:$0x1e] =	wrdreg s26;
	s9 =	sshll.u32 s22, $0x4;
	s26 =	sor.u32 $0x11000, s6  }
0x24: {  	[dreg:$0x13] =	wrdreg s0;
	s25 =	sadd.s32 s5, s24;
	s0 =	sadd.s32 s5, s13  }
0x25: {  	s19 =	sshrl.u32 s15, $0x3;
	[dreg:$0x1a] =	wrdreg s21;
	s23 =	sadd.s32 s3, s17  }
0x26: {  	s24 =	sshrl.u32 s18, $0x3;
	s13 =	sshrl.u32 s31, $0x3;
	s14 =	sshll.u32 s15, $0x4  }
0x27: {  	s15 =	sor.u32 $0xF000, s6;
	s22 =	sadd.s32 s3, s9;
	[dreg:$0x15] =	wrdreg s25  }
0x28: {  	s17 =	sshrl.u32 s26, $0x3;
	s31 =	sshrl.u32 s7, $0x1;
	[dreg:$0x17] =	wrdreg s0  }
0x29: {  	s20 =	sadd.s32 s5, s19;
	s0 =	sadd.s32 s5, s16;
	[dreg:$0x1c] =	wrdreg s23  }
0x2a: {  	s25 =	sadd.s32 s5, s24;
	s19 =	sadd.s32 s3, s14;
	[smem:$0x7F2] =	sst s22  }
0x2b: {  	s23 =	sor.u32 $0x10000, s6;
	s11 =	sshll.u32 s15, $0x4;
	[dreg:$0x19] =	wrdreg s20  }
0x2c: {  	s7 =	ssub.s32 s7, s31;
	s22 =	sshll.u32 s26, $0x4;
	[dreg:$0x1b] =	wrdreg s0  }
0x2d: {  	s31 =	sor.u32 $0x16000, s6;
	[dreg:$0x1d] =	wrdreg s25;
	s0 =	sadd.s32 s5, s13  }
0x2e: {  	s20 =	sshrl.u32 s15, $0x3;
	[smem:$0x7F0] =	sst s19;
	s24 =	sshrl.u32 s23, $0x3  }
0x2f: {  	s25 =	sshll.u32 s18, $0x4;
	s18 =	sadd.s32 s5, s17;
	s19 =	sadd.s32 s3, s8  }
0x30: {  	s13 =	sor.u32 $0x13000, s6;
	s15 =	sadd.s32 s3, s11;
	[dreg:$0x1f] =	wrdreg s0  }
0x31: {  	s9 =	sshll.u32 s23, $0x4;
	s23 =	sor.u32 $0x15000, s6;
	[smem:$0x7F5] =	sst s18  }
0x32: {  	s21 =	sadd.s32 s5, s20;
	s0 =	sadd.s32 s5, s24;
	[smem:$0x7F6] =	sst s19  }
0x33: {  	s16 =	sadd.s32 s3, s25;
	s20 =	sor.u32 $0x12000, s6;
	[smem:$0x7F8] =	sst s15  }
0x34: {  	s18 =	sadd.s32 s3, s9;
	s19 =	sor.u32 $0x14000, s6;
	s24 =	sadd.s32 s3, s22  }
0x35: {  	s25 =	sshrl.u32 s23, $0x3;
	s15 =	sor.u32 $0x17000, s6;
	[smem:$0x7F1] =	sst s21  }
0x36: {  	s6 =	smin.u32 s6, $0x620;
	s11 =	sshll.u32 s23, $0x4;
	[smem:$0x7F3] =	sst s0  }
0x37: {  	s23 =	sshll.u32 s31, $0x4;
	s9 =	simm.s32 $0x1;
	[smem:$0x7F4] =	sst s16  }
0x38: {  	s14 =	sshrl.u32 s20, $0x3;
	s16 =	sshrl.u32 s13, $0x3;
	[smem:$0x7FA] =	sst s18  }
0x39: {  	s21 =	sshrl.u32 s19, $0x3;
	[smem:$0x7FC] =	sst s24;
	s26 =	sadd.s32 s5, s25  }
0x3a: {  	s12 =	sshll.u32 s20, $0x4;
	s18 =	sshrl.u32 s15, $0x3;
	s6 =	sor.u32 $0x18000, s6  }
0x3b: {  	s19 =	sshll.u32 s19, $0x4;
	s0 =	sadd.s32 s5, s14;
	s17 =	sadd.s32 s5, s16  }
0x3c: {  	[smem:$0x7FD] =	sst s26;
	s14 =	sshrl.u32 s31, $0x3;
	s26 =	sadd.s32 s3, s12  }
0x3d: {  	s20 =	sadd.s32 s5, s18;
	s22 =	sadd.s32 s3, s19;
	s31 =	smax.u32 s7, $0x1  }
0x3e: {  	s12 =	simm.s32 $0x100;
	s7 =	simm.s32 $0x4;
	[smem:$0x7F7] =	sst s0  }
0x3f: {  	s19 =	simm.s32 $0x4180;
	s18 =	simm.s32 $0x3;
	[smem:$0x7F9] =	sst s17  }
0x40: {  	s0 =	sadd.s32 s5, s21;
	s24 =	sadd.s32 s5, s14;
	s17 =	sshll.u32 s13, $0x4  }
0x41: {  	s21 =	sshrl.u32 s6, $0x3;
	s6 =	sshll.u32 s6, $0x4;
	s29 =	sadd.s32 $0xFFFFFFFF, s31  }
0x42: {  	s13 =	sadd.s32 s3, s23;
	s23 =	simm.s32 $0x2;
	p2 =	sne.s32 s29, $0x0  }
.Ltmp0:
0x43: {  	s14 =	simm.s32 $0x8180;
	[smem:$0x7FB] =	sst s0;
	(pc) =	sbr.rel @!p2 .LBB2_5-.Ltmp0, $4  }
0x44: {  	s25 =	sadd.s32 s3, s17;
	s16 =	sadd.s32 s5, s21;
	s17 =	sadd.s32 s3, s11  }
0x45: {  	s0 =	sshll.u32 s15, $0x4;
	s5 =	simm.s32 $0x180;
	s21 =	simm.s32 $0x5  }
0x46: {  	s15 =	simm.s32 $0x6;
	s11 =	simm.s32 $0x8;
	s8 =	sadd.s32 s3, s0  }
0x47: {  	s3 =	sadd.s32 s3, s6;
	s6 =	simm.s32 $0x80;
	s0 =	rddreg [dreg:$0x5]  }
0x48: {  	[smem:$0x7EF] =	sst s29;
	s29 =	simm.s32 @!p0 $0x1C0A;
	s30 =	simm.s32 @!p0 $0xA  }
0x49: {  	[spmem:s28], [sflag:s29] =	dma.local @!p0 [hbm:s0], $0x800  }
0x4a: {  	_ =	swait.ge @!p0 [sflag:s30], $0x800  }
0x4b: {  	[sflag:s30] =	ssyncset.done @!p0 $0x0  }
0x4c: {  	[sflag:s30] =	ssyncadd.s32 @!p0 $0xFFFFF800  }
0x4d: {  	[bflag:$0x0] =	sbarrier.arrive $0xFFFF  }
0x4e: {  	s29 =	rddreg [dreg:$0x6]  }
0x4f: {  	[tilespmem:s2], [sflag:$0x1] =	stream.linear.gather [hbm4b:s29+s2], $0x80, $0x38;
	[tilespmem:$0xC580] =	vst v63  }
0x50: {  	s31 =	rddreg [dreg:$0x7]  }
0x51: {  	[tilespmem:s6], [sflag:$0x2] =	stream.linear.gather [hbm4b:s31+s2], $0x80, $0x38;
	[tilespmem:$0xC580] =	vst v63  }
0x52: {  	s29 =	rddreg [dreg:$0x8]  }
0x53: {  	[tilespmem:s12], [sflag:$0x3] =	stream.linear.gather [hbm4b:s29+s2], $0x80, $0x38;
	[tilespmem:$0xC580] =	vst v63  }
0x54: {  	_ =	swait.ge [sflag:s9], $0x80  }
0x55: {  	[sflag:s9] =	ssyncset.done $0x0  }
0x56: {  	[sflag:s9] =	ssyncadd.s32 $0xFFFFFF80  }
0x57: {  	[tilespmem:s5], [sflag:$0x4] =	stream.indirect.gather [spmem:s1], $0x80, s2, s6, $0xb8;
	[tilespmem:$0xC580] =	vst v63  }
0x58: {  	_ =	swait.ge [sflag:s7], $0x4000  }
0x59: {  	[sflag:s7] =	ssyncset.done $0x0  }
0x5a: {  	s29 =	rddreg [dreg:$0x9];
	[sflag:s7] =	ssyncadd.s32 $0xFFFFC000  }
0x5b: {  	[tilespmem:s2], [sflag:$0x1] =	stream.linear.gather [hbm4b:s29+s2], $0x80, $0x38;
	[tilespmem:$0xC580] =	vst v63  }
0x5c: {  	s31 =	rddreg [dreg:$0xa]  }
0x5d: {  	[hbm4b:s31+s2] =	stream.linear.scatter [tilespmem:s5], [sflag:$0x7], $0x4000, $0x38;
	[tilespmem:$0xC580] =	vst v63  }
0x5e: {  	_ =	swait.ge [sflag:s23], $0x80  }
0x5f: {  	[sflag:s23] =	ssyncset.done $0x0  }
0x60: {  	[sflag:s23] =	ssyncadd.s32 $0xFFFFFF80  }
0x61: {  	[tilespmem:s19], [sflag:$0x5] =	stream.indirect.gather [spmem:s1], $0x80, s6, s6, $0xb8;
	[tilespmem:$0xC580] =	vst v63  }
0x62: {  	_ =	swait.ge [sflag:s21], $0x4000  }
0x63: {  	[sflag:s21] =	ssyncset.done $0x0  }
0x64: {  	s29 =	rddreg [dreg:$0xb];
	[sflag:s21] =	ssyncadd.s32 $0xFFFFC000  }
0x65: {  	[tilespmem:s6], [sflag:$0x2] =	stream.linear.gather [hbm4b:s29+s2], $0x80, $0x38;
	[tilespmem:$0xC580] =	vst v63  }
0x66: {  	s31 =	rddreg [dreg:$0xc]  }
0x67: {  	[hbm4b:s31+s2] =	stream.linear.scatter [tilespmem:s19], [sflag:$0x8], $0x4000, $0x38;
	[tilespmem:$0xC580] =	vst v63  }
0x68: {  	_ =	swait.ge [sflag:s18], $0x80  }
0x69: {  	[sflag:s18] =	ssyncset.done $0x0  }
0x6a: {  	[sflag:s18] =	ssyncadd.s32 $0xFFFFFF80  }
0x6b: {  	[tilespmem:s14], [sflag:$0x6] =	stream.indirect.gather [spmem:s1], $0x80, s12, s6, $0xb8;
	[tilespmem:$0xC580] =	vst v63  }
0x6c: {  	_ =	swait.ge [sflag:s15], $0x4000  }
0x6d: {  	[sflag:s15] =	ssyncset.done $0x0  }
0x6e: {  	s29 =	rddreg [dreg:$0xd];
	[sflag:s15] =	ssyncadd.s32 $0xFFFFC000  }
0x6f: {  	[tilespmem:s12], [sflag:$0x3] =	stream.linear.gather [hbm4b:s29+s2], $0x80, $0x38;
	[tilespmem:$0xC580] =	vst v63  }
0x70: {  	s31 =	rddreg [dreg:$0xe]  }
0x71: {  	[hbm4b:s31+s2] =	stream.linear.scatter [tilespmem:s14], [sflag:$0x9], $0x4000, $0x38;
	[tilespmem:$0xC580] =	vst v63  }
0x72: {  	_ =	swait.ge [sflag:s9], $0x80  }
0x73: {  	[sflag:s9] =	ssyncset.done $0x0  }
0x74: {  	[sflag:s9] =	ssyncadd.s32 $0xFFFFFF80  }
0x75: {  	_ =	swait.ge [sflag:s4], $0x4000  }
0x76: {  	[sflag:s4] =	ssyncset.done $0x0  }
0x77: {  	[sflag:s4] =	ssyncadd.s32 $0xFFFFC000  }
0x78: {  	[tilespmem:s5], [sflag:$0x4] =	stream.indirect.gather [spmem:s1], $0x80, s2, s6, $0xb8;
	[tilespmem:$0xC580] =	vst v63  }
0x79: {  	_ =	swait.ge [sflag:s7], $0x4000  }
0x7a: {  	[sflag:s7] =	ssyncset.done $0x0  }
0x7b: {  	s29 =	rddreg [dreg:$0xf];
	[sflag:s7] =	ssyncadd.s32 $0xFFFFC000  }
0x7c: {  	[tilespmem:s2], [sflag:$0x1] =	stream.linear.gather [hbm4b:s29+s2], $0x80, $0x38;
	[tilespmem:$0xC580] =	vst v63  }
0x7d: {  	s31 =	rddreg [dreg:$0x10]  }
0x7e: {  	[hbm4b:s31+s2] =	stream.linear.scatter [tilespmem:s5], [sflag:$0x7], $0x4000, $0x38;
	[tilespmem:$0xC580] =	vst v63  }
0x7f: {  	_ =	swait.ge [sflag:s23], $0x80  }
0x80: {  	[sflag:s23] =	ssyncset.done $0x0  }
0x81: {  	[sflag:s23] =	ssyncadd.s32 $0xFFFFFF80  }
0x82: {  	_ =	swait.ge [sflag:s11], $0x4000  }
0x83: {  	[sflag:s11] =	ssyncset.done $0x0  }
0x84: {  	[sflag:s11] =	ssyncadd.s32 $0xFFFFC000  }
0x85: {  	[tilespmem:s19], [sflag:$0x5] =	stream.indirect.gather [spmem:s1], $0x80, s6, s6, $0xb8;
	[tilespmem:$0xC580] =	vst v63  }
0x86: {  	_ =	swait.ge [sflag:s21], $0x4000  }
0x87: {  	[sflag:s21] =	ssyncset.done $0x0  }
0x88: {  	s29 =	rddreg [dreg:$0x11];
	[sflag:s21] =	ssyncadd.s32 $0xFFFFC000  }
0x89: {  	[tilespmem:s6], [sflag:$0x2] =	stream.linear.gather [hbm4b:s29+s2], $0x80, $0x38;
	[tilespmem:$0xC580] =	vst v63  }
0x8a: {  	s31 =	rddreg [dreg:$0x12]  }
0x8b: {  	[hbm4b:s31+s2] =	stream.linear.scatter [tilespmem:s19], [sflag:$0x8], $0x4000, $0x38;
	[tilespmem:$0xC580] =	vst v63  }
0x8c: {  	_ =	swait.ge [sflag:s18], $0x80  }
0x8d: {  	[sflag:s18] =	ssyncset.done $0x0  }
0x8e: {  	[sflag:s18] =	ssyncadd.s32 $0xFFFFFF80  }
0x8f: {  	_ =	swait.ge [sflag:s10], $0x4000  }
0x90: {  	[sflag:s10] =	ssyncset.done $0x0  }
0x91: {  	[sflag:s10] =	ssyncadd.s32 $0xFFFFC000  }
0x92: {  	[tilespmem:s14], [sflag:$0x6] =	stream.indirect.gather [spmem:s1], $0x80, s12, s6, $0xb8;
	[tilespmem:$0xC580] =	vst v63  }
0x93: {  	_ =	swait.ge [sflag:s15], $0x4000  }
0x94: {  	[sflag:s15] =	ssyncset.done $0x0  }
0x95: {  	s29 =	rddreg [dreg:$0x13];
	[sflag:s15] =	ssyncadd.s32 $0xFFFFC000  }
0x96: {  	[tilespmem:s12], [sflag:$0x3] =	stream.linear.gather [hbm4b:s29+s2], $0x80, $0x38;
	[tilespmem:$0xC580] =	vst v63  }
0x97: {  	s31 =	rddreg [dreg:$0x14]  }
0x98: {  	[hbm4b:s31+s2] =	stream.linear.scatter [tilespmem:s14], [sflag:$0x9], $0x4000, $0x38;
	[tilespmem:$0xC580] =	vst v63  }
0x99: {  	_ =	swait.ge [sflag:s9], $0x80  }
0x9a: {  	[sflag:s9] =	ssyncset.done $0x0  }
0x9b: {  	[sflag:s9] =	ssyncadd.s32 $0xFFFFFF80  }
0x9c: {  	_ =	swait.ge [sflag:s4], $0x4000  }
0x9d: {  	[sflag:s4] =	ssyncset.done $0x0  }
0x9e: {  	[sflag:s4] =	ssyncadd.s32 $0xFFFFC000  }
0x9f: {  	[tilespmem:s5], [sflag:$0x4] =	stream.indirect.gather [spmem:s1], $0x80, s2, s6, $0xb8;
	[tilespmem:$0xC580] =	vst v63  }
0xa0: {  	_ =	swait.ge [sflag:s7], $0x4000  }
0xa1: {  	[sflag:s7] =	ssyncset.done $0x0  }
0xa2: {  	s29 =	rddreg [dreg:$0x15];
	[sflag:s7] =	ssyncadd.s32 $0xFFFFC000  }
0xa3: {  	[tilespmem:s2], [sflag:$0x1] =	stream.linear.gather [hbm4b:s29+s2], $0x80, $0x38;
	[tilespmem:$0xC580] =	vst v63  }
0xa4: {  	s31 =	rddreg [dreg:$0x16]  }
0xa5: {  	[hbm4b:s31+s2] =	stream.linear.scatter [tilespmem:s5], [sflag:$0x7], $0x4000, $0x38;
	[tilespmem:$0xC580] =	vst v63  }
0xa6: {  	_ =	swait.ge [sflag:s23], $0x80  }
0xa7: {  	[sflag:s23] =	ssyncset.done $0x0  }
0xa8: {  	[sflag:s23] =	ssyncadd.s32 $0xFFFFFF80  }
0xa9: {  	_ =	swait.ge [sflag:s11], $0x4000  }
0xaa: {  	[sflag:s11] =	ssyncset.done $0x0  }
0xab: {  	[sflag:s11] =	ssyncadd.s32 $0xFFFFC000  }
0xac: {  	[tilespmem:s19], [sflag:$0x5] =	stream.indirect.gather [spmem:s1], $0x80, s6, s6, $0xb8;
	[tilespmem:$0xC580] =	vst v63  }
0xad: {  	_ =	swait.ge [sflag:s21], $0x4000  }
0xae: {  	[sflag:s21] =	ssyncset.done $0x0  }
0xaf: {  	s29 =	rddreg [dreg:$0x17];
	[sflag:s21] =	ssyncadd.s32 $0xFFFFC000  }
0xb0: {  	[tilespmem:s6], [sflag:$0x2] =	stream.linear.gather [hbm4b:s29+s2], $0x80, $0x38;
	[tilespmem:$0xC580] =	vst v63  }
0xb1: {  	s31 =	rddreg [dreg:$0x18]  }
0xb2: {  	[hbm4b:s31+s2] =	stream.linear.scatter [tilespmem:s19], [sflag:$0x8], $0x4000, $0x38;
	[tilespmem:$0xC580] =	vst v63  }
0xb3: {  	_ =	swait.ge [sflag:s18], $0x80  }
0xb4: {  	[sflag:s18] =	ssyncset.done $0x0  }
0xb5: {  	[sflag:s18] =	ssyncadd.s32 $0xFFFFFF80  }
0xb6: {  	_ =	swait.ge [sflag:s10], $0x4000  }
0xb7: {  	[sflag:s10] =	ssyncset.done $0x0  }
0xb8: {  	[sflag:s10] =	ssyncadd.s32 $0xFFFFC000  }
0xb9: {  	[tilespmem:s14], [sflag:$0x6] =	stream.indirect.gather [spmem:s1], $0x80, s12, s6, $0xb8;
	[tilespmem:$0xC580] =	vst v63  }
0xba: {  	_ =	swait.ge [sflag:s15], $0x4000  }
0xbb: {  	[sflag:s15] =	ssyncset.done $0x0  }
0xbc: {  	s29 =	rddreg [dreg:$0x19];
	[sflag:s15] =	ssyncadd.s32 $0xFFFFC000  }
0xbd: {  	[tilespmem:s12], [sflag:$0x3] =	stream.linear.gather [hbm4b:s29+s2], $0x80, $0x38;
	[tilespmem:$0xC580] =	vst v63  }
0xbe: {  	s31 =	rddreg [dreg:$0x1a]  }
0xbf: {  	[hbm4b:s31+s2] =	stream.linear.scatter [tilespmem:s14], [sflag:$0x9], $0x4000, $0x38;
	[tilespmem:$0xC580] =	vst v63  }
0xc0: {  	_ =	swait.ge [sflag:s9], $0x80  }
0xc1: {  	[sflag:s9] =	ssyncset.done $0x0  }
0xc2: {  	[sflag:s9] =	ssyncadd.s32 $0xFFFFFF80  }
0xc3: {  	_ =	swait.ge [sflag:s4], $0x4000  }
0xc4: {  	[sflag:s4] =	ssyncset.done $0x0  }
0xc5: {  	[sflag:s4] =	ssyncadd.s32 $0xFFFFC000  }
0xc6: {  	[tilespmem:s5], [sflag:$0x4] =	stream.indirect.gather [spmem:s1], $0x80, s2, s6, $0xb8;
	[tilespmem:$0xC580] =	vst v63  }
0xc7: {  	_ =	swait.ge [sflag:s7], $0x4000  }
0xc8: {  	[sflag:s7] =	ssyncset.done $0x0  }
0xc9: {  	s29 =	rddreg [dreg:$0x1b];
	[sflag:s7] =	ssyncadd.s32 $0xFFFFC000  }
0xca: {  	[tilespmem:s2], [sflag:$0x1] =	stream.linear.gather [hbm4b:s29+s2], $0x80, $0x38;
	[tilespmem:$0xC580] =	vst v63  }
0xcb: {  	s31 =	rddreg [dreg:$0x1c]  }
0xcc: {  	[hbm4b:s31+s2] =	stream.linear.scatter [tilespmem:s5], [sflag:$0x7], $0x4000, $0x38;
	[tilespmem:$0xC580] =	vst v63  }
0xcd: {  	_ =	swait.ge [sflag:s23], $0x80  }
0xce: {  	[sflag:s23] =	ssyncset.done $0x0  }
0xcf: {  	[sflag:s23] =	ssyncadd.s32 $0xFFFFFF80  }
0xd0: {  	_ =	swait.ge [sflag:s11], $0x4000  }
0xd1: {  	[sflag:s11] =	ssyncset.done $0x0  }
0xd2: {  	[sflag:s11] =	ssyncadd.s32 $0xFFFFC000  }
0xd3: {  	[tilespmem:s19], [sflag:$0x5] =	stream.indirect.gather [spmem:s1], $0x80, s6, s6, $0xb8;
	[tilespmem:$0xC580] =	vst v63  }
0xd4: {  	_ =	swait.ge [sflag:s21], $0x4000  }
0xd5: {  	[sflag:s21] =	ssyncset.done $0x0  }
0xd6: {  	s29 =	rddreg [dreg:$0x1d];
	[sflag:s21] =	ssyncadd.s32 $0xFFFFC000  }
0xd7: {  	[tilespmem:s6], [sflag:$0x2] =	stream.linear.gather [hbm4b:s29+s2], $0x80, $0x38;
	[tilespmem:$0xC580] =	vst v63  }
0xd8: {  	s31 =	rddreg [dreg:$0x1e]  }
0xd9: {  	[hbm4b:s31+s2] =	stream.linear.scatter [tilespmem:s19], [sflag:$0x8], $0x4000, $0x38;
	[tilespmem:$0xC580] =	vst v63  }
0xda: {  	_ =	swait.ge [sflag:s18], $0x80  }
0xdb: {  	[sflag:s18] =	ssyncset.done $0x0  }
0xdc: {  	[sflag:s18] =	ssyncadd.s32 $0xFFFFFF80  }
0xdd: {  	_ =	swait.ge [sflag:s10], $0x4000  }
0xde: {  	[sflag:s10] =	ssyncset.done $0x0  }
0xdf: {  	[sflag:s10] =	ssyncadd.s32 $0xFFFFC000  }
0xe0: {  	[tilespmem:s14], [sflag:$0x6] =	stream.indirect.gather [spmem:s1], $0x80, s12, s6, $0xb8;
	[tilespmem:$0xC580] =	vst v63  }
0xe1: {  	_ =	swait.ge [sflag:s15], $0x4000  }
0xe2: {  	s29 =	rddreg [dreg:$0x1f];
	[sflag:s15] =	ssyncset.done $0x0  }
0xe3: {  	s31 =	sld [smem:$0x7F0];
	[sflag:s15] =	ssyncadd.s32 $0xFFFFC000  }
0xe4: {  	[tilespmem:s12], [sflag:$0x3] =	stream.linear.gather [hbm4b:s29+s2], $0x80, $0x38;
	[tilespmem:$0xC580] =	vst v63  }
0xe5: {  	_ = 	snop  }
0xe6: {  	[hbm4b:s31+s2] =	stream.linear.scatter [tilespmem:s14], [sflag:$0x9], $0x4000, $0x38;
	[tilespmem:$0xC580] =	vst v63  }
0xe7: {  	_ =	swait.ge [sflag:s9], $0x80  }
0xe8: {  	[sflag:s9] =	ssyncset.done $0x0  }
0xe9: {  	[sflag:s9] =	ssyncadd.s32 $0xFFFFFF80  }
0xea: {  	_ =	swait.ge [sflag:s4], $0x4000  }
0xeb: {  	[sflag:s4] =	ssyncset.done $0x0  }
0xec: {  	[sflag:s4] =	ssyncadd.s32 $0xFFFFC000  }
0xed: {  	[tilespmem:s5], [sflag:$0x4] =	stream.indirect.gather [spmem:s1], $0x80, s2, s6, $0xb8;
	[tilespmem:$0xC580] =	vst v63  }
0xee: {  	_ =	swait.ge [sflag:s7], $0x4000  }
0xef: {  	s29 =	sld [smem:$0x7F1]  }
0xf0: {  	[sflag:s7] =	ssyncset.done $0x0  }
0xf1: {  	s31 =	sld [smem:$0x7F2];
	[sflag:s7] =	ssyncadd.s32 $0xFFFFC000  }
0xf2: {  	[tilespmem:s2], [sflag:$0x1] =	stream.linear.gather [hbm4b:s29+s2], $0x80, $0x38;
	[tilespmem:$0xC580] =	vst v63  }
0xf3: {  	_ = 	snop  }
0xf4: {  	[hbm4b:s31+s2] =	stream.linear.scatter [tilespmem:s5], [sflag:$0x7], $0x4000, $0x38;
	[tilespmem:$0xC580] =	vst v63  }
0xf5: {  	_ =	swait.ge [sflag:s23], $0x80  }
0xf6: {  	[sflag:s23] =	ssyncset.done $0x0  }
0xf7: {  	[sflag:s23] =	ssyncadd.s32 $0xFFFFFF80  }
0xf8: {  	_ =	swait.ge [sflag:s11], $0x4000  }
0xf9: {  	[sflag:s11] =	ssyncset.done $0x0  }
0xfa: {  	[sflag:s11] =	ssyncadd.s32 $0xFFFFC000  }
0xfb: {  	[tilespmem:s19], [sflag:$0x5] =	stream.indirect.gather [spmem:s1], $0x80, s6, s6, $0xb8;
	[tilespmem:$0xC580] =	vst v63  }
0xfc: {  	_ =	swait.ge [sflag:s21], $0x4000  }
0xfd: {  	s29 =	sld [smem:$0x7F3]  }
0xfe: {  	[sflag:s21] =	ssyncset.done $0x0  }
0xff: {  	s31 =	sld [smem:$0x7F4];
	[sflag:s21] =	ssyncadd.s32 $0xFFFFC000  }
0x100: {  	[tilespmem:s6], [sflag:$0x2] =	stream.linear.gather [hbm4b:s29+s2], $0x80, $0x38;
	[tilespmem:$0xC580] =	vst v63  }
0x101: {  	_ = 	snop  }
0x102: {  	[hbm4b:s31+s2] =	stream.linear.scatter [tilespmem:s19], [sflag:$0x8], $0x4000, $0x38;
	[tilespmem:$0xC580] =	vst v63  }
0x103: {  	_ =	swait.ge [sflag:s18], $0x80  }
0x104: {  	[sflag:s18] =	ssyncset.done $0x0  }
0x105: {  	[sflag:s18] =	ssyncadd.s32 $0xFFFFFF80  }
0x106: {  	_ =	swait.ge [sflag:s10], $0x4000  }
0x107: {  	[sflag:s10] =	ssyncset.done $0x0  }
0x108: {  	[sflag:s10] =	ssyncadd.s32 $0xFFFFC000  }
0x109: {  	[tilespmem:s14], [sflag:$0x6] =	stream.indirect.gather [spmem:s1], $0x80, s12, s6, $0xb8;
	[tilespmem:$0xC580] =	vst v63  }
0x10a: {  	_ =	swait.ge [sflag:s15], $0x4000  }
0x10b: {  	s29 =	sld [smem:$0x7F5]  }
0x10c: {  	[sflag:s15] =	ssyncset.done $0x0  }
0x10d: {  	s31 =	sld [smem:$0x7F6];
	[sflag:s15] =	ssyncadd.s32 $0xFFFFC000  }
0x10e: {  	[tilespmem:s12], [sflag:$0x3] =	stream.linear.gather [hbm4b:s29+s2], $0x80, $0x38;
	[tilespmem:$0xC580] =	vst v63  }
0x10f: {  	_ = 	snop  }
0x110: {  	[hbm4b:s31+s2] =	stream.linear.scatter [tilespmem:s14], [sflag:$0x9], $0x4000, $0x38;
	[tilespmem:$0xC580] =	vst v63  }
0x111: {  	_ =	swait.ge [sflag:s9], $0x80  }
0x112: {  	[sflag:s9] =	ssyncset.done $0x0  }
0x113: {  	[sflag:s9] =	ssyncadd.s32 $0xFFFFFF80  }
0x114: {  	_ =	swait.ge [sflag:s4], $0x4000  }
0x115: {  	[sflag:s4] =	ssyncset.done $0x0  }
0x116: {  	[sflag:s4] =	ssyncadd.s32 $0xFFFFC000  }
0x117: {  	[tilespmem:s5], [sflag:$0x4] =	stream.indirect.gather [spmem:s1], $0x80, s2, s6, $0xb8;
	[tilespmem:$0xC580] =	vst v63  }
0x118: {  	_ =	swait.ge [sflag:s7], $0x4000  }
0x119: {  	s29 =	sld [smem:$0x7F7]  }
0x11a: {  	[sflag:s7] =	ssyncset.done $0x0  }
0x11b: {  	s31 =	sld [smem:$0x7F8];
	[sflag:s7] =	ssyncadd.s32 $0xFFFFC000  }
0x11c: {  	[tilespmem:s2], [sflag:$0x1] =	stream.linear.gather [hbm4b:s29+s2], $0x80, $0x38;
	[tilespmem:$0xC580] =	vst v63  }
0x11d: {  	_ = 	snop  }
0x11e: {  	[hbm4b:s31+s2] =	stream.linear.scatter [tilespmem:s5], [sflag:$0x7], $0x4000, $0x38;
	[tilespmem:$0xC580] =	vst v63  }
0x11f: {  	_ =	swait.ge [sflag:s23], $0x80  }
0x120: {  	[sflag:s23] =	ssyncset.done $0x0  }
0x121: {  	[sflag:s23] =	ssyncadd.s32 $0xFFFFFF80  }
0x122: {  	_ =	swait.ge [sflag:s11], $0x4000  }
0x123: {  	[sflag:s11] =	ssyncset.done $0x0  }
0x124: {  	[sflag:s11] =	ssyncadd.s32 $0xFFFFC000  }
0x125: {  	[tilespmem:s19], [sflag:$0x5] =	stream.indirect.gather [spmem:s1], $0x80, s6, s6, $0xb8;
	[tilespmem:$0xC580] =	vst v63  }
0x126: {  	_ =	swait.ge [sflag:s21], $0x4000  }
0x127: {  	s29 =	sld [smem:$0x7F9]  }
0x128: {  	[sflag:s21] =	ssyncset.done $0x0  }
0x129: {  	s31 =	sld [smem:$0x7FA];
	[sflag:s21] =	ssyncadd.s32 $0xFFFFC000  }
0x12a: {  	[tilespmem:s6], [sflag:$0x2] =	stream.linear.gather [hbm4b:s29+s2], $0x80, $0x38;
	[tilespmem:$0xC580] =	vst v63  }
0x12b: {  	_ = 	snop  }
0x12c: {  	[hbm4b:s31+s2] =	stream.linear.scatter [tilespmem:s19], [sflag:$0x8], $0x4000, $0x38;
	[tilespmem:$0xC580] =	vst v63  }
0x12d: {  	_ =	swait.ge [sflag:s18], $0x80  }
0x12e: {  	[sflag:s18] =	ssyncset.done $0x0  }
0x12f: {  	[sflag:s18] =	ssyncadd.s32 $0xFFFFFF80  }
0x130: {  	_ =	swait.ge [sflag:s10], $0x4000  }
0x131: {  	[sflag:s10] =	ssyncset.done $0x0  }
0x132: {  	[sflag:s10] =	ssyncadd.s32 $0xFFFFC000  }
0x133: {  	[tilespmem:s14], [sflag:$0x6] =	stream.indirect.gather [spmem:s1], $0x80, s12, s6, $0xb8;
	[tilespmem:$0xC580] =	vst v63  }
0x134: {  	_ =	swait.ge [sflag:s15], $0x4000  }
0x135: {  	s29 =	sld [smem:$0x7FB]  }
0x136: {  	[sflag:s15] =	ssyncset.done $0x0  }
0x137: {  	s31 =	sld [smem:$0x7FC];
	[sflag:s15] =	ssyncadd.s32 $0xFFFFC000  }
0x138: {  	[tilespmem:s12], [sflag:$0x3] =	stream.linear.gather [hbm4b:s29+s2], $0x80, $0x38;
	[tilespmem:$0xC580] =	vst v63  }
0x139: {  	_ = 	snop  }
0x13a: {  	[hbm4b:s31+s2] =	stream.linear.scatter [tilespmem:s14], [sflag:$0x9], $0x4000, $0x38;
	[tilespmem:$0xC580] =	vst v63  }
0x13b: {  	_ =	swait.ge [sflag:s9], $0x80  }
0x13c: {  	[sflag:s9] =	ssyncset.done $0x0  }
0x13d: {  	[sflag:s9] =	ssyncadd.s32 $0xFFFFFF80  }
0x13e: {  	_ =	swait.ge [sflag:s4], $0x4000  }
0x13f: {  	[sflag:s4] =	ssyncset.done $0x0  }
0x140: {  	[sflag:s4] =	ssyncadd.s32 $0xFFFFC000  }
0x141: {  	[tilespmem:s5], [sflag:$0x4] =	stream.indirect.gather [spmem:s1], $0x80, s2, s6, $0xb8;
	[tilespmem:$0xC580] =	vst v63  }
0x142: {  	_ =	swait.ge [sflag:s7], $0x4000  }
0x143: {  	s29 =	sld [smem:$0x7FD]  }
0x144: {  	[sflag:s7] =	ssyncset.done $0x0  }
0x145: {  	[sflag:s7] =	ssyncadd.s32 $0xFFFFC000  }
0x146: {  	[tilespmem:s2], [sflag:$0x1] =	stream.linear.gather [hbm4b:s29+s2], $0x80, $0x38;
	[tilespmem:$0xC580] =	vst v63  }
0x147: {  	_ = 	snop  }
0x148: {  	[hbm4b:s26+s2] =	stream.linear.scatter [tilespmem:s5], [sflag:$0x7], $0x4000, $0x38;
	[tilespmem:$0xC580] =	vst v63  }
0x149: {  	_ =	swait.ge [sflag:s23], $0x80  }
0x14a: {  	[sflag:s23] =	ssyncset.done $0x0  }
0x14b: {  	[sflag:s23] =	ssyncadd.s32 $0xFFFFFF80  }
0x14c: {  	_ =	swait.ge [sflag:s11], $0x4000  }
0x14d: {  	[sflag:s11] =	ssyncset.done $0x0  }
0x14e: {  	[sflag:s11] =	ssyncadd.s32 $0xFFFFC000  }
0x14f: {  	[tilespmem:s19], [sflag:$0x5] =	stream.indirect.gather [spmem:s1], $0x80, s6, s6, $0xb8;
	[tilespmem:$0xC580] =	vst v63  }
0x150: {  	_ =	swait.ge [sflag:s21], $0x4000  }
0x151: {  	[sflag:s21] =	ssyncset.done $0x0  }
0x152: {  	[sflag:s21] =	ssyncadd.s32 $0xFFFFC000  }
0x153: {  	[tilespmem:s6], [sflag:$0x2] =	stream.linear.gather [hbm4b:s24+s2], $0x80, $0x38;
	[tilespmem:$0xC580] =	vst v63  }
0x154: {  	_ = 	snop  }
0x155: {  	[hbm4b:s25+s2] =	stream.linear.scatter [tilespmem:s19], [sflag:$0x8], $0x4000, $0x38;
	[tilespmem:$0xC580] =	vst v63  }
0x156: {  	_ =	swait.ge [sflag:s18], $0x80  }
0x157: {  	[sflag:s18] =	ssyncset.done $0x0  }
0x158: {  	[sflag:s18] =	ssyncadd.s32 $0xFFFFFF80  }
0x159: {  	_ =	swait.ge [sflag:s10], $0x4000  }
0x15a: {  	[sflag:s10] =	ssyncset.done $0x0  }
0x15b: {  	[sflag:s10] =	ssyncadd.s32 $0xFFFFC000  }
0x15c: {  	[tilespmem:s14], [sflag:$0x6] =	stream.indirect.gather [spmem:s1], $0x80, s12, s6, $0xb8;
	[tilespmem:$0xC580] =	vst v63  }
0x15d: {  	_ =	swait.ge [sflag:s15], $0x4000  }
0x15e: {  	[sflag:s15] =	ssyncset.done $0x0  }
0x15f: {  	[sflag:s15] =	ssyncadd.s32 $0xFFFFC000  }
0x160: {  	[tilespmem:s12], [sflag:$0x3] =	stream.linear.gather [hbm4b:s20+s2], $0x80, $0x38;
	[tilespmem:$0xC580] =	vst v63  }
0x161: {  	_ = 	snop  }
0x162: {  	[hbm4b:s22+s2] =	stream.linear.scatter [tilespmem:s14], [sflag:$0x9], $0x4000, $0x38;
	[tilespmem:$0xC580] =	vst v63  }
0x163: {  	_ =	swait.ge [sflag:s9], $0x80  }
0x164: {  	[sflag:s9] =	ssyncset.done $0x0  }
0x165: {  	[sflag:s9] =	ssyncadd.s32 $0xFFFFFF80  }
0x166: {  	_ =	swait.ge [sflag:s4], $0x4000  }
0x167: {  	[sflag:s4] =	ssyncset.done $0x0  }
0x168: {  	[sflag:s4] =	ssyncadd.s32 $0xFFFFC000  }
0x169: {  	[tilespmem:s5], [sflag:$0x4] =	stream.indirect.gather [spmem:s1], $0x80, s2, s6, $0xb8;
	[tilespmem:$0xC580] =	vst v63  }
0x16a: {  	_ =	swait.ge [sflag:s7], $0x4000  }
0x16b: {  	[sflag:s7] =	ssyncset.done $0x0  }
0x16c: {  	[sflag:s7] =	ssyncadd.s32 $0xFFFFC000  }
0x16d: {  	[tilespmem:s2], [sflag:$0x1] =	stream.linear.gather [hbm4b:s16+s2], $0x80, $0x38;
	[tilespmem:$0xC580] =	vst v63  }
0x16e: {  	_ = 	snop  }
0x16f: {  	[hbm4b:s17+s2] =	stream.linear.scatter [tilespmem:s5], [sflag:$0x7], $0x4000, $0x38;
	[tilespmem:$0xC580] =	vst v63  }
0x170: {  	_ =	swait.ge [sflag:s23], $0x80  }
0x171: {  	[sflag:s23] =	ssyncset.done $0x0  }
0x172: {  	[sflag:s23] =	ssyncadd.s32 $0xFFFFFF80  }
0x173: {  	_ =	swait.ge [sflag:s11], $0x4000  }
0x174: {  	[sflag:s11] =	ssyncset.done $0x0  }
0x175: {  	[sflag:s11] =	ssyncadd.s32 $0xFFFFC000  }
0x176: {  	[tilespmem:s19], [sflag:$0x5] =	stream.indirect.gather [spmem:s1], $0x80, s6, s6, $0xb8;
	[tilespmem:$0xC580] =	vst v63  }
0x177: {  	_ =	swait.ge [sflag:s21], $0x4000  }
0x178: {  	[sflag:s21] =	ssyncset.done $0x0  }
0x179: {  	[sflag:s21] =	ssyncadd.s32 $0xFFFFC000  }
0x17a: {  	[hbm4b:s13+s2] =	stream.linear.scatter [tilespmem:s19], [sflag:$0x8], $0x4000, $0x38;
	[tilespmem:$0xC580] =	vst v63  }
0x17b: {  	_ =	swait.ge [sflag:s18], $0x80  }
0x17c: {  	[sflag:s18] =	ssyncset.done $0x0  }
0x17d: {  	[sflag:s18] =	ssyncadd.s32 $0xFFFFFF80  }
0x17e: {  	_ =	swait.ge [sflag:s10], $0x4000  }
0x17f: {  	[sflag:s10] =	ssyncset.done $0x0  }
0x180: {  	[sflag:s10] =	ssyncadd.s32 $0xFFFFC000  }
0x181: {  	[tilespmem:s14], [sflag:$0x6] =	stream.indirect.gather [spmem:s1], $0x80, s12, s6, $0xb8;
	[tilespmem:$0xC580] =	vst v63  }
0x182: {  	_ =	swait.ge [sflag:s15], $0x4000  }
0x183: {  	[sflag:s15] =	ssyncset.done $0x0  }
0x184: {  	[sflag:s15] =	ssyncadd.s32 $0xFFFFC000  }
0x185: {  	[hbm4b:s8+s2] =	stream.linear.scatter [tilespmem:s14], [sflag:$0x9], $0x4000, $0x38;
	[tilespmem:$0xC580] =	vst v63  }
0x186: {  	_ =	swait.ge [sflag:s9], $0x80  }
0x187: {  	[sflag:s9] =	ssyncset.done $0x0  }
0x188: {  	[sflag:s9] =	ssyncadd.s32 $0xFFFFFF80  }
0x189: {  	_ =	swait.ge [sflag:s4], $0x4000  }
0x18a: {  	[sflag:s4] =	ssyncset.done $0x0  }
0x18b: {  	[sflag:s4] =	ssyncadd.s32 $0xFFFFC000  }
0x18c: {  	[tilespmem:s5], [sflag:$0x4] =	stream.indirect.gather [spmem:s1], $0x80, s2, s6, $0xb8;
	[tilespmem:$0xC580] =	vst v63  }
0x18d: {  	_ =	swait.ge [sflag:s7], $0x4000  }
0x18e: {  	[sflag:s7] =	ssyncset.done $0x0  }
0x18f: {  	[sflag:s7] =	ssyncadd.s32 $0xFFFFC000  }
0x190: {  	[hbm4b:s3+s2] =	stream.linear.scatter [tilespmem:s5], [sflag:$0x7], $0x4000, $0x38;
	[tilespmem:$0xC580] =	vst v63  }
0x191: {  	_ =	swait.ge [sflag:s11], $0x4000  }
0x192: {  	[sflag:s11] =	ssyncset.done $0x0  }
0x193: {  	[sflag:s11] =	ssyncadd.s32 $0xFFFFC000  }
0x194: {  	_ =	swait.ge [sflag:s10], $0x4000  }
0x195: {  	s29 =	sld [smem:$0x7EF];
	_ =	sdelay $0x2  }
0x196: {  	s31 =	sadd.s32 $0xFFFFFFFF, s29  }
0x197: {  	p2 =	sne.s32 s31, $0x0  }
.Ltmp1:
0x198: {  	_ = 	snop;
	(pc) =	sbr.rel @!p2 .LBB2_2-.Ltmp1, $4  }
0x199: {  	[sflag:s10] =	ssyncset.done $0x0  }
0x19a: {  	[sflag:s10] =	ssyncadd.s32 $0xFFFFC000  }
0x19b: {  	_ =	swait.ge [sflag:s4], $0x4000  }
0x19c: {  	p1 =	por $0x1, $0x1;
	s0 =	rddreg [dreg:$0x5];
	[sflag:s4] =	ssyncset.done $0x0  }
.LBB2_3:
0x19d: {  	[sflag:s4] =	ssyncadd.s32 $0xFFFFC000;
	s29 =	simm.s32 @!p0 $0x1C0A  }
0x19e: {  	[spmem:s28], [sflag:s29] =	dma.local @!p0 [hbm:s0], $0x800  }
0x19f: {  	_ =	swait.ge @!p0 [sflag:s30], $0x800  }
0x1a0: {  	[sflag:s30] =	ssyncset.done @!p0 $0x0  }
0x1a1: {  	[sflag:s30] =	ssyncadd.s32 @!p0 $0xFFFFF800  }
0x1a2: {  	[bflag:$0x0] =	sbarrier.arrive $0xFFFF  }
0x1a3: {  	s0 =	rddreg [dreg:$0x6]  }
0x1a4: {  	[tilespmem:s2], [sflag:$0x1] =	stream.linear.gather [hbm4b:s0+s2], $0x80, $0x38;
	[tilespmem:$0xC580] =	vst v63  }
0x1a5: {  	s29 =	rddreg [dreg:$0x7]  }
0x1a6: {  	[tilespmem:s6], [sflag:$0x2] =	stream.linear.gather [hbm4b:s29+s2], $0x80, $0x38;
	[tilespmem:$0xC580] =	vst v63  }
0x1a7: {  	s0 =	rddreg [dreg:$0x8]  }
0x1a8: {  	[tilespmem:s12], [sflag:$0x3] =	stream.linear.gather [hbm4b:s0+s2], $0x80, $0x38;
	[tilespmem:$0xC580] =	vst v63  }
0x1a9: {  	_ =	swait.ge [sflag:s9], $0x80  }
0x1aa: {  	[sflag:s9] =	ssyncset.done $0x0  }
0x1ab: {  	[sflag:s9] =	ssyncadd.s32 $0xFFFFFF80  }
0x1ac: {  	[tilespmem:s5], [sflag:$0x4] =	stream.indirect.gather [spmem:s1], $0x80, s2, s6, $0xb8;
	[tilespmem:$0xC580] =	vst v63  }
0x1ad: {  	_ =	swait.ge [sflag:s7], $0x4000  }
0x1ae: {  	[sflag:s7] =	ssyncset.done $0x0  }
0x1af: {  	s0 =	rddreg [dreg:$0x9];
	[sflag:s7] =	ssyncadd.s32 $0xFFFFC000  }
0x1b0: {  	[tilespmem:s2], [sflag:$0x1] =	stream.linear.gather [hbm4b:s0+s2], $0x80, $0x38;
	[tilespmem:$0xC580] =	vst v63  }
0x1b1: {  	s29 =	rddreg [dreg:$0xa]  }
0x1b2: {  	[hbm4b:s29+s2] =	stream.linear.scatter [tilespmem:s5], [sflag:$0x7], $0x4000, $0x38;
	[tilespmem:$0xC580] =	vst v63  }
0x1b3: {  	_ =	swait.ge [sflag:s23], $0x80  }
0x1b4: {  	[sflag:s23] =	ssyncset.done $0x0  }
0x1b5: {  	[sflag:s23] =	ssyncadd.s32 $0xFFFFFF80  }
0x1b6: {  	[tilespmem:s19], [sflag:$0x5] =	stream.indirect.gather [spmem:s1], $0x80, s6, s6, $0xb8;
	[tilespmem:$0xC580] =	vst v63  }
0x1b7: {  	_ =	swait.ge [sflag:s21], $0x4000  }
0x1b8: {  	[sflag:s21] =	ssyncset.done $0x0  }
0x1b9: {  	s0 =	rddreg [dreg:$0xb];
	[sflag:s21] =	ssyncadd.s32 $0xFFFFC000  }
0x1ba: {  	[tilespmem:s6], [sflag:$0x2] =	stream.linear.gather [hbm4b:s0+s2], $0x80, $0x38;
	[tilespmem:$0xC580] =	vst v63  }
0x1bb: {  	s29 =	rddreg [dreg:$0xc]  }
0x1bc: {  	[hbm4b:s29+s2] =	stream.linear.scatter [tilespmem:s19], [sflag:$0x8], $0x4000, $0x38;
	[tilespmem:$0xC580] =	vst v63  }
0x1bd: {  	_ =	swait.ge [sflag:s18], $0x80  }
0x1be: {  	[sflag:s18] =	ssyncset.done $0x0  }
0x1bf: {  	[sflag:s18] =	ssyncadd.s32 $0xFFFFFF80  }
0x1c0: {  	[tilespmem:s14], [sflag:$0x6] =	stream.indirect.gather [spmem:s1], $0x80, s12, s6, $0xb8;
	[tilespmem:$0xC580] =	vst v63  }
0x1c1: {  	_ =	swait.ge [sflag:s15], $0x4000  }
0x1c2: {  	[sflag:s15] =	ssyncset.done $0x0  }
0x1c3: {  	s0 =	rddreg [dreg:$0xd];
	[sflag:s15] =	ssyncadd.s32 $0xFFFFC000  }
0x1c4: {  	[tilespmem:s12], [sflag:$0x3] =	stream.linear.gather [hbm4b:s0+s2], $0x80, $0x38;
	[tilespmem:$0xC580] =	vst v63  }
0x1c5: {  	s29 =	rddreg [dreg:$0xe]  }
0x1c6: {  	[hbm4b:s29+s2] =	stream.linear.scatter [tilespmem:s14], [sflag:$0x9], $0x4000, $0x38;
	[tilespmem:$0xC580] =	vst v63  }
0x1c7: {  	_ =	swait.ge [sflag:s9], $0x80  }
0x1c8: {  	[sflag:s9] =	ssyncset.done $0x0  }
0x1c9: {  	[sflag:s9] =	ssyncadd.s32 $0xFFFFFF80  }
0x1ca: {  	_ =	swait.ge [sflag:s4], $0x4000  }
0x1cb: {  	[sflag:s4] =	ssyncset.done $0x0  }
0x1cc: {  	[sflag:s4] =	ssyncadd.s32 $0xFFFFC000  }
0x1cd: {  	[tilespmem:s5], [sflag:$0x4] =	stream.indirect.gather [spmem:s1], $0x80, s2, s6, $0xb8;
	[tilespmem:$0xC580] =	vst v63  }
0x1ce: {  	_ =	swait.ge [sflag:s7], $0x4000  }
0x1cf: {  	[sflag:s7] =	ssyncset.done $0x0  }
0x1d0: {  	s0 =	rddreg [dreg:$0xf];
	[sflag:s7] =	ssyncadd.s32 $0xFFFFC000  }
0x1d1: {  	[tilespmem:s2], [sflag:$0x1] =	stream.linear.gather [hbm4b:s0+s2], $0x80, $0x38;
	[tilespmem:$0xC580] =	vst v63  }
0x1d2: {  	s29 =	rddreg [dreg:$0x10]  }
0x1d3: {  	[hbm4b:s29+s2] =	stream.linear.scatter [tilespmem:s5], [sflag:$0x7], $0x4000, $0x38;
	[tilespmem:$0xC580] =	vst v63  }
0x1d4: {  	_ =	swait.ge [sflag:s23], $0x80  }
0x1d5: {  	[sflag:s23] =	ssyncset.done $0x0  }
0x1d6: {  	[sflag:s23] =	ssyncadd.s32 $0xFFFFFF80  }
0x1d7: {  	_ =	swait.ge [sflag:s11], $0x4000  }
0x1d8: {  	[sflag:s11] =	ssyncset.done $0x0  }
0x1d9: {  	[sflag:s11] =	ssyncadd.s32 $0xFFFFC000  }
0x1da: {  	[tilespmem:s19], [sflag:$0x5] =	stream.indirect.gather [spmem:s1], $0x80, s6, s6, $0xb8;
	[tilespmem:$0xC580] =	vst v63  }
0x1db: {  	_ =	swait.ge [sflag:s21], $0x4000  }
0x1dc: {  	[sflag:s21] =	ssyncset.done $0x0  }
0x1dd: {  	s0 =	rddreg [dreg:$0x11];
	[sflag:s21] =	ssyncadd.s32 $0xFFFFC000  }
0x1de: {  	[tilespmem:s6], [sflag:$0x2] =	stream.linear.gather [hbm4b:s0+s2], $0x80, $0x38;
	[tilespmem:$0xC580] =	vst v63  }
0x1df: {  	s29 =	rddreg [dreg:$0x12]  }
0x1e0: {  	[hbm4b:s29+s2] =	stream.linear.scatter [tilespmem:s19], [sflag:$0x8], $0x4000, $0x38;
	[tilespmem:$0xC580] =	vst v63  }
0x1e1: {  	_ =	swait.ge [sflag:s18], $0x80  }
0x1e2: {  	[sflag:s18] =	ssyncset.done $0x0  }
0x1e3: {  	[sflag:s18] =	ssyncadd.s32 $0xFFFFFF80  }
0x1e4: {  	_ =	swait.ge [sflag:s10], $0x4000  }
0x1e5: {  	[sflag:s10] =	ssyncset.done $0x0  }
0x1e6: {  	[sflag:s10] =	ssyncadd.s32 $0xFFFFC000  }
0x1e7: {  	[tilespmem:s14], [sflag:$0x6] =	stream.indirect.gather [spmem:s1], $0x80, s12, s6, $0xb8;
	[tilespmem:$0xC580] =	vst v63  }
0x1e8: {  	_ =	swait.ge [sflag:s15], $0x4000  }
0x1e9: {  	[sflag:s15] =	ssyncset.done $0x0  }
0x1ea: {  	s0 =	rddreg [dreg:$0x13];
	[sflag:s15] =	ssyncadd.s32 $0xFFFFC000  }
0x1eb: {  	[tilespmem:s12], [sflag:$0x3] =	stream.linear.gather [hbm4b:s0+s2], $0x80, $0x38;
	[tilespmem:$0xC580] =	vst v63  }
0x1ec: {  	s29 =	rddreg [dreg:$0x14]  }
0x1ed: {  	[hbm4b:s29+s2] =	stream.linear.scatter [tilespmem:s14], [sflag:$0x9], $0x4000, $0x38;
	[tilespmem:$0xC580] =	vst v63  }
0x1ee: {  	_ =	swait.ge [sflag:s9], $0x80  }
0x1ef: {  	[sflag:s9] =	ssyncset.done $0x0  }
0x1f0: {  	[sflag:s9] =	ssyncadd.s32 $0xFFFFFF80  }
0x1f1: {  	_ =	swait.ge [sflag:s4], $0x4000  }
0x1f2: {  	[sflag:s4] =	ssyncset.done $0x0  }
0x1f3: {  	[sflag:s4] =	ssyncadd.s32 $0xFFFFC000  }
0x1f4: {  	[tilespmem:s5], [sflag:$0x4] =	stream.indirect.gather [spmem:s1], $0x80, s2, s6, $0xb8;
	[tilespmem:$0xC580] =	vst v63  }
0x1f5: {  	_ =	swait.ge [sflag:s7], $0x4000  }
0x1f6: {  	[sflag:s7] =	ssyncset.done $0x0  }
0x1f7: {  	s0 =	rddreg [dreg:$0x15];
	[sflag:s7] =	ssyncadd.s32 $0xFFFFC000  }
0x1f8: {  	[tilespmem:s2], [sflag:$0x1] =	stream.linear.gather [hbm4b:s0+s2], $0x80, $0x38;
	[tilespmem:$0xC580] =	vst v63  }
0x1f9: {  	s29 =	rddreg [dreg:$0x16]  }
0x1fa: {  	[hbm4b:s29+s2] =	stream.linear.scatter [tilespmem:s5], [sflag:$0x7], $0x4000, $0x38;
	[tilespmem:$0xC580] =	vst v63  }
0x1fb: {  	_ =	swait.ge [sflag:s23], $0x80  }
0x1fc: {  	[sflag:s23] =	ssyncset.done $0x0  }
0x1fd: {  	[sflag:s23] =	ssyncadd.s32 $0xFFFFFF80  }
0x1fe: {  	_ =	swait.ge [sflag:s11], $0x4000  }
0x1ff: {  	[sflag:s11] =	ssyncset.done $0x0  }
0x200: {  	[sflag:s11] =	ssyncadd.s32 $0xFFFFC000  }
0x201: {  	[tilespmem:s19], [sflag:$0x5] =	stream.indirect.gather [spmem:s1], $0x80, s6, s6, $0xb8;
	[tilespmem:$0xC580] =	vst v63  }
0x202: {  	_ =	swait.ge [sflag:s21], $0x4000  }
0x203: {  	[sflag:s21] =	ssyncset.done $0x0  }
0x204: {  	s0 =	rddreg [dreg:$0x17];
	[sflag:s21] =	ssyncadd.s32 $0xFFFFC000  }
0x205: {  	[tilespmem:s6], [sflag:$0x2] =	stream.linear.gather [hbm4b:s0+s2], $0x80, $0x38;
	[tilespmem:$0xC580] =	vst v63  }
0x206: {  	s29 =	rddreg [dreg:$0x18]  }
0x207: {  	[hbm4b:s29+s2] =	stream.linear.scatter [tilespmem:s19], [sflag:$0x8], $0x4000, $0x38;
	[tilespmem:$0xC580] =	vst v63  }
0x208: {  	_ =	swait.ge [sflag:s18], $0x80  }
0x209: {  	[sflag:s18] =	ssyncset.done $0x0  }
0x20a: {  	[sflag:s18] =	ssyncadd.s32 $0xFFFFFF80  }
0x20b: {  	_ =	swait.ge [sflag:s10], $0x4000  }
0x20c: {  	[sflag:s10] =	ssyncset.done $0x0  }
0x20d: {  	[sflag:s10] =	ssyncadd.s32 $0xFFFFC000  }
0x20e: {  	[tilespmem:s14], [sflag:$0x6] =	stream.indirect.gather [spmem:s1], $0x80, s12, s6, $0xb8;
	[tilespmem:$0xC580] =	vst v63  }
0x20f: {  	_ =	swait.ge [sflag:s15], $0x4000  }
0x210: {  	[sflag:s15] =	ssyncset.done $0x0  }
0x211: {  	s0 =	rddreg [dreg:$0x19];
	[sflag:s15] =	ssyncadd.s32 $0xFFFFC000  }
0x212: {  	[tilespmem:s12], [sflag:$0x3] =	stream.linear.gather [hbm4b:s0+s2], $0x80, $0x38;
	[tilespmem:$0xC580] =	vst v63  }
0x213: {  	s29 =	rddreg [dreg:$0x1a]  }
0x214: {  	[hbm4b:s29+s2] =	stream.linear.scatter [tilespmem:s14], [sflag:$0x9], $0x4000, $0x38;
	[tilespmem:$0xC580] =	vst v63  }
0x215: {  	_ =	swait.ge [sflag:s9], $0x80  }
0x216: {  	[sflag:s9] =	ssyncset.done $0x0  }
0x217: {  	[sflag:s9] =	ssyncadd.s32 $0xFFFFFF80  }
0x218: {  	_ =	swait.ge [sflag:s4], $0x4000  }
0x219: {  	[sflag:s4] =	ssyncset.done $0x0  }
0x21a: {  	[sflag:s4] =	ssyncadd.s32 $0xFFFFC000  }
0x21b: {  	[tilespmem:s5], [sflag:$0x4] =	stream.indirect.gather [spmem:s1], $0x80, s2, s6, $0xb8;
	[tilespmem:$0xC580] =	vst v63  }
0x21c: {  	_ =	swait.ge [sflag:s7], $0x4000  }
0x21d: {  	[sflag:s7] =	ssyncset.done $0x0  }
0x21e: {  	s0 =	rddreg [dreg:$0x1b];
	[sflag:s7] =	ssyncadd.s32 $0xFFFFC000  }
0x21f: {  	[tilespmem:s2], [sflag:$0x1] =	stream.linear.gather [hbm4b:s0+s2], $0x80, $0x38;
	[tilespmem:$0xC580] =	vst v63  }
0x220: {  	s29 =	rddreg [dreg:$0x1c]  }
0x221: {  	[hbm4b:s29+s2] =	stream.linear.scatter [tilespmem:s5], [sflag:$0x7], $0x4000, $0x38;
	[tilespmem:$0xC580] =	vst v63  }
0x222: {  	_ =	swait.ge [sflag:s23], $0x80  }
0x223: {  	[sflag:s23] =	ssyncset.done $0x0  }
0x224: {  	[sflag:s23] =	ssyncadd.s32 $0xFFFFFF80  }
0x225: {  	_ =	swait.ge [sflag:s11], $0x4000  }
0x226: {  	[sflag:s11] =	ssyncset.done $0x0  }
0x227: {  	[sflag:s11] =	ssyncadd.s32 $0xFFFFC000  }
0x228: {  	[tilespmem:s19], [sflag:$0x5] =	stream.indirect.gather [spmem:s1], $0x80, s6, s6, $0xb8;
	[tilespmem:$0xC580] =	vst v63  }
0x229: {  	_ =	swait.ge [sflag:s21], $0x4000  }
0x22a: {  	[sflag:s21] =	ssyncset.done $0x0  }
0x22b: {  	s0 =	rddreg [dreg:$0x1d];
	[sflag:s21] =	ssyncadd.s32 $0xFFFFC000  }
0x22c: {  	[tilespmem:s6], [sflag:$0x2] =	stream.linear.gather [hbm4b:s0+s2], $0x80, $0x38;
	[tilespmem:$0xC580] =	vst v63  }
0x22d: {  	s29 =	rddreg [dreg:$0x1e]  }
0x22e: {  	[hbm4b:s29+s2] =	stream.linear.scatter [tilespmem:s19], [sflag:$0x8], $0x4000, $0x38;
	[tilespmem:$0xC580] =	vst v63  }
0x22f: {  	_ =	swait.ge [sflag:s18], $0x80  }
0x230: {  	[sflag:s18] =	ssyncset.done $0x0  }
0x231: {  	[sflag:s18] =	ssyncadd.s32 $0xFFFFFF80  }
0x232: {  	_ =	swait.ge [sflag:s10], $0x4000  }
0x233: {  	[sflag:s10] =	ssyncset.done $0x0  }
0x234: {  	[sflag:s10] =	ssyncadd.s32 $0xFFFFC000  }
0x235: {  	[tilespmem:s14], [sflag:$0x6] =	stream.indirect.gather [spmem:s1], $0x80, s12, s6, $0xb8;
	[tilespmem:$0xC580] =	vst v63  }
0x236: {  	_ =	swait.ge [sflag:s15], $0x4000  }
0x237: {  	s0 =	rddreg [dreg:$0x1f];
	[sflag:s15] =	ssyncset.done $0x0  }
0x238: {  	s29 =	sld [smem:$0x7F0];
	[sflag:s15] =	ssyncadd.s32 $0xFFFFC000  }
0x239: {  	[tilespmem:s12], [sflag:$0x3] =	stream.linear.gather [hbm4b:s0+s2], $0x80, $0x38;
	[tilespmem:$0xC580] =	vst v63  }
0x23a: {  	_ = 	snop  }
0x23b: {  	[hbm4b:s29+s2] =	stream.linear.scatter [tilespmem:s14], [sflag:$0x9], $0x4000, $0x38;
	[tilespmem:$0xC580] =	vst v63  }
0x23c: {  	_ =	swait.ge [sflag:s9], $0x80  }
0x23d: {  	[sflag:s9] =	ssyncset.done $0x0  }
0x23e: {  	[sflag:s9] =	ssyncadd.s32 $0xFFFFFF80  }
0x23f: {  	_ =	swait.ge [sflag:s4], $0x4000  }
0x240: {  	[sflag:s4] =	ssyncset.done $0x0  }
0x241: {  	[sflag:s4] =	ssyncadd.s32 $0xFFFFC000  }
0x242: {  	[tilespmem:s5], [sflag:$0x4] =	stream.indirect.gather [spmem:s1], $0x80, s2, s6, $0xb8;
	[tilespmem:$0xC580] =	vst v63  }
0x243: {  	_ =	swait.ge [sflag:s7], $0x4000  }
0x244: {  	s0 =	sld [smem:$0x7F1]  }
0x245: {  	[sflag:s7] =	ssyncset.done $0x0  }
0x246: {  	s29 =	sld [smem:$0x7F2];
	[sflag:s7] =	ssyncadd.s32 $0xFFFFC000  }
0x247: {  	[tilespmem:s2], [sflag:$0x1] =	stream.linear.gather [hbm4b:s0+s2], $0x80, $0x38;
	[tilespmem:$0xC580] =	vst v63  }
0x248: {  	_ = 	snop  }
0x249: {  	[hbm4b:s29+s2] =	stream.linear.scatter [tilespmem:s5], [sflag:$0x7], $0x4000, $0x38;
	[tilespmem:$0xC580] =	vst v63  }
0x24a: {  	_ =	swait.ge [sflag:s23], $0x80  }
0x24b: {  	[sflag:s23] =	ssyncset.done $0x0  }
0x24c: {  	[sflag:s23] =	ssyncadd.s32 $0xFFFFFF80  }
0x24d: {  	_ =	swait.ge [sflag:s11], $0x4000  }
0x24e: {  	[sflag:s11] =	ssyncset.done $0x0  }
0x24f: {  	[sflag:s11] =	ssyncadd.s32 $0xFFFFC000  }
0x250: {  	[tilespmem:s19], [sflag:$0x5] =	stream.indirect.gather [spmem:s1], $0x80, s6, s6, $0xb8;
	[tilespmem:$0xC580] =	vst v63  }
0x251: {  	_ =	swait.ge [sflag:s21], $0x4000  }
0x252: {  	s0 =	sld [smem:$0x7F3]  }
0x253: {  	[sflag:s21] =	ssyncset.done $0x0  }
0x254: {  	s29 =	sld [smem:$0x7F4];
	[sflag:s21] =	ssyncadd.s32 $0xFFFFC000  }
0x255: {  	[tilespmem:s6], [sflag:$0x2] =	stream.linear.gather [hbm4b:s0+s2], $0x80, $0x38;
	[tilespmem:$0xC580] =	vst v63  }
0x256: {  	_ = 	snop  }
0x257: {  	[hbm4b:s29+s2] =	stream.linear.scatter [tilespmem:s19], [sflag:$0x8], $0x4000, $0x38;
	[tilespmem:$0xC580] =	vst v63  }
0x258: {  	_ =	swait.ge [sflag:s18], $0x80  }
0x259: {  	[sflag:s18] =	ssyncset.done $0x0  }
0x25a: {  	[sflag:s18] =	ssyncadd.s32 $0xFFFFFF80  }
0x25b: {  	_ =	swait.ge [sflag:s10], $0x4000  }
0x25c: {  	[sflag:s10] =	ssyncset.done $0x0  }
0x25d: {  	[sflag:s10] =	ssyncadd.s32 $0xFFFFC000  }
0x25e: {  	[tilespmem:s14], [sflag:$0x6] =	stream.indirect.gather [spmem:s1], $0x80, s12, s6, $0xb8;
	[tilespmem:$0xC580] =	vst v63  }
0x25f: {  	_ =	swait.ge [sflag:s15], $0x4000  }
0x260: {  	s0 =	sld [smem:$0x7F5]  }
0x261: {  	[sflag:s15] =	ssyncset.done $0x0  }
0x262: {  	s29 =	sld [smem:$0x7F6];
	[sflag:s15] =	ssyncadd.s32 $0xFFFFC000  }
0x263: {  	[tilespmem:s12], [sflag:$0x3] =	stream.linear.gather [hbm4b:s0+s2], $0x80, $0x38;
	[tilespmem:$0xC580] =	vst v63  }
0x264: {  	_ = 	snop  }
0x265: {  	[hbm4b:s29+s2] =	stream.linear.scatter [tilespmem:s14], [sflag:$0x9], $0x4000, $0x38;
	[tilespmem:$0xC580] =	vst v63  }
0x266: {  	_ =	swait.ge [sflag:s9], $0x80  }
0x267: {  	[sflag:s9] =	ssyncset.done $0x0  }
0x268: {  	[sflag:s9] =	ssyncadd.s32 $0xFFFFFF80  }
0x269: {  	_ =	swait.ge [sflag:s4], $0x4000  }
0x26a: {  	[sflag:s4] =	ssyncset.done $0x0  }
0x26b: {  	[sflag:s4] =	ssyncadd.s32 $0xFFFFC000  }
0x26c: {  	[tilespmem:s5], [sflag:$0x4] =	stream.indirect.gather [spmem:s1], $0x80, s2, s6, $0xb8;
	[tilespmem:$0xC580] =	vst v63  }
0x26d: {  	_ =	swait.ge [sflag:s7], $0x4000  }
0x26e: {  	s0 =	sld [smem:$0x7F7]  }
0x26f: {  	[sflag:s7] =	ssyncset.done $0x0  }
0x270: {  	s29 =	sld [smem:$0x7F8];
	[sflag:s7] =	ssyncadd.s32 $0xFFFFC000  }
0x271: {  	[tilespmem:s2], [sflag:$0x1] =	stream.linear.gather [hbm4b:s0+s2], $0x80, $0x38;
	[tilespmem:$0xC580] =	vst v63  }
0x272: {  	_ = 	snop  }
0x273: {  	[hbm4b:s29+s2] =	stream.linear.scatter [tilespmem:s5], [sflag:$0x7], $0x4000, $0x38;
	[tilespmem:$0xC580] =	vst v63  }
0x274: {  	_ =	swait.ge [sflag:s23], $0x80  }
0x275: {  	[sflag:s23] =	ssyncset.done $0x0  }
0x276: {  	[sflag:s23] =	ssyncadd.s32 $0xFFFFFF80  }
0x277: {  	_ =	swait.ge [sflag:s11], $0x4000  }
0x278: {  	[sflag:s11] =	ssyncset.done $0x0  }
0x279: {  	[sflag:s11] =	ssyncadd.s32 $0xFFFFC000  }
0x27a: {  	[tilespmem:s19], [sflag:$0x5] =	stream.indirect.gather [spmem:s1], $0x80, s6, s6, $0xb8;
	[tilespmem:$0xC580] =	vst v63  }
0x27b: {  	_ =	swait.ge [sflag:s21], $0x4000  }
0x27c: {  	s0 =	sld [smem:$0x7F9]  }
0x27d: {  	[sflag:s21] =	ssyncset.done $0x0  }
0x27e: {  	s29 =	sld [smem:$0x7FA];
	[sflag:s21] =	ssyncadd.s32 $0xFFFFC000  }
0x27f: {  	[tilespmem:s6], [sflag:$0x2] =	stream.linear.gather [hbm4b:s0+s2], $0x80, $0x38;
	[tilespmem:$0xC580] =	vst v63  }
0x280: {  	_ = 	snop  }
0x281: {  	[hbm4b:s29+s2] =	stream.linear.scatter [tilespmem:s19], [sflag:$0x8], $0x4000, $0x38;
	[tilespmem:$0xC580] =	vst v63  }
0x282: {  	_ =	swait.ge [sflag:s18], $0x80  }
0x283: {  	[sflag:s18] =	ssyncset.done $0x0  }
0x284: {  	[sflag:s18] =	ssyncadd.s32 $0xFFFFFF80  }
0x285: {  	_ =	swait.ge [sflag:s10], $0x4000  }
0x286: {  	[sflag:s10] =	ssyncset.done $0x0  }
0x287: {  	[sflag:s10] =	ssyncadd.s32 $0xFFFFC000  }
0x288: {  	[tilespmem:s14], [sflag:$0x6] =	stream.indirect.gather [spmem:s1], $0x80, s12, s6, $0xb8;
	[tilespmem:$0xC580] =	vst v63  }
0x289: {  	_ =	swait.ge [sflag:s15], $0x4000  }
0x28a: {  	s0 =	sld [smem:$0x7FB]  }
0x28b: {  	[sflag:s15] =	ssyncset.done $0x0  }
0x28c: {  	s29 =	sld [smem:$0x7FC];
	[sflag:s15] =	ssyncadd.s32 $0xFFFFC000  }
0x28d: {  	[tilespmem:s12], [sflag:$0x3] =	stream.linear.gather [hbm4b:s0+s2], $0x80, $0x38;
	[tilespmem:$0xC580] =	vst v63  }
0x28e: {  	_ = 	snop  }
0x28f: {  	[hbm4b:s29+s2] =	stream.linear.scatter [tilespmem:s14], [sflag:$0x9], $0x4000, $0x38;
	[tilespmem:$0xC580] =	vst v63  }
0x290: {  	_ =	swait.ge [sflag:s9], $0x80  }
0x291: {  	[sflag:s9] =	ssyncset.done $0x0  }
0x292: {  	[sflag:s9] =	ssyncadd.s32 $0xFFFFFF80  }
0x293: {  	_ =	swait.ge [sflag:s4], $0x4000  }
0x294: {  	[sflag:s4] =	ssyncset.done $0x0  }
0x295: {  	[sflag:s4] =	ssyncadd.s32 $0xFFFFC000  }
0x296: {  	[tilespmem:s5], [sflag:$0x4] =	stream.indirect.gather [spmem:s1], $0x80, s2, s6, $0xb8;
	[tilespmem:$0xC580] =	vst v63  }
0x297: {  	_ =	swait.ge [sflag:s7], $0x4000  }
0x298: {  	s29 =	sld [smem:$0x7FD]  }
0x299: {  	[sflag:s7] =	ssyncset.done $0x0  }
0x29a: {  	[sflag:s7] =	ssyncadd.s32 $0xFFFFC000  }
0x29b: {  	[tilespmem:s2], [sflag:$0x1] =	stream.linear.gather [hbm4b:s29+s2], $0x80, $0x38;
	[tilespmem:$0xC580] =	vst v63  }
0x29c: {  	_ = 	snop  }
0x29d: {  	[hbm4b:s26+s2] =	stream.linear.scatter [tilespmem:s5], [sflag:$0x7], $0x4000, $0x38;
	[tilespmem:$0xC580] =	vst v63  }
0x29e: {  	_ =	swait.ge [sflag:s23], $0x80  }
0x29f: {  	[sflag:s23] =	ssyncset.done $0x0  }
0x2a0: {  	[sflag:s23] =	ssyncadd.s32 $0xFFFFFF80  }
0x2a1: {  	_ =	swait.ge [sflag:s11], $0x4000  }
0x2a2: {  	[sflag:s11] =	ssyncset.done $0x0  }
0x2a3: {  	[sflag:s11] =	ssyncadd.s32 $0xFFFFC000  }
0x2a4: {  	[tilespmem:s19], [sflag:$0x5] =	stream.indirect.gather [spmem:s1], $0x80, s6, s6, $0xb8;
	[tilespmem:$0xC580] =	vst v63  }
0x2a5: {  	_ =	swait.ge [sflag:s21], $0x4000  }
0x2a6: {  	[sflag:s21] =	ssyncset.done $0x0  }
0x2a7: {  	[sflag:s21] =	ssyncadd.s32 $0xFFFFC000  }
0x2a8: {  	[tilespmem:s6], [sflag:$0x2] =	stream.linear.gather [hbm4b:s24+s2], $0x80, $0x38;
	[tilespmem:$0xC580] =	vst v63  }
0x2a9: {  	_ = 	snop  }
0x2aa: {  	[hbm4b:s25+s2] =	stream.linear.scatter [tilespmem:s19], [sflag:$0x8], $0x4000, $0x38;
	[tilespmem:$0xC580] =	vst v63  }
0x2ab: {  	_ =	swait.ge [sflag:s18], $0x80  }
0x2ac: {  	[sflag:s18] =	ssyncset.done $0x0  }
0x2ad: {  	[sflag:s18] =	ssyncadd.s32 $0xFFFFFF80  }
0x2ae: {  	_ =	swait.ge [sflag:s10], $0x4000  }
0x2af: {  	[sflag:s10] =	ssyncset.done $0x0  }
0x2b0: {  	[sflag:s10] =	ssyncadd.s32 $0xFFFFC000  }
0x2b1: {  	[tilespmem:s14], [sflag:$0x6] =	stream.indirect.gather [spmem:s1], $0x80, s12, s6, $0xb8;
	[tilespmem:$0xC580] =	vst v63  }
0x2b2: {  	_ =	swait.ge [sflag:s15], $0x4000  }
0x2b3: {  	[sflag:s15] =	ssyncset.done $0x0  }
0x2b4: {  	[sflag:s15] =	ssyncadd.s32 $0xFFFFC000  }
0x2b5: {  	[tilespmem:s12], [sflag:$0x3] =	stream.linear.gather [hbm4b:s20+s2], $0x80, $0x38;
	[tilespmem:$0xC580] =	vst v63  }
0x2b6: {  	_ = 	snop  }
0x2b7: {  	[hbm4b:s22+s2] =	stream.linear.scatter [tilespmem:s14], [sflag:$0x9], $0x4000, $0x38;
	[tilespmem:$0xC580] =	vst v63  }
0x2b8: {  	_ =	swait.ge [sflag:s9], $0x80  }
0x2b9: {  	[sflag:s9] =	ssyncset.done $0x0  }
0x2ba: {  	[sflag:s9] =	ssyncadd.s32 $0xFFFFFF80  }
0x2bb: {  	_ =	swait.ge [sflag:s4], $0x4000  }
0x2bc: {  	[sflag:s4] =	ssyncset.done $0x0  }
0x2bd: {  	[sflag:s4] =	ssyncadd.s32 $0xFFFFC000  }
0x2be: {  	[tilespmem:s5], [sflag:$0x4] =	stream.indirect.gather [spmem:s1], $0x80, s2, s6, $0xb8;
	[tilespmem:$0xC580] =	vst v63  }
0x2bf: {  	_ =	swait.ge [sflag:s7], $0x4000  }
0x2c0: {  	[sflag:s7] =	ssyncset.done $0x0  }
0x2c1: {  	[sflag:s7] =	ssyncadd.s32 $0xFFFFC000  }
0x2c2: {  	[tilespmem:s2], [sflag:$0x1] =	stream.linear.gather [hbm4b:s16+s2], $0x80, $0x38;
	[tilespmem:$0xC580] =	vst v63  }
0x2c3: {  	_ = 	snop  }
0x2c4: {  	[hbm4b:s17+s2] =	stream.linear.scatter [tilespmem:s5], [sflag:$0x7], $0x4000, $0x38;
	[tilespmem:$0xC580] =	vst v63  }
0x2c5: {  	_ =	swait.ge [sflag:s23], $0x80  }
0x2c6: {  	[sflag:s23] =	ssyncset.done $0x0  }
0x2c7: {  	[sflag:s23] =	ssyncadd.s32 $0xFFFFFF80  }
0x2c8: {  	_ =	swait.ge [sflag:s11], $0x4000  }
0x2c9: {  	[sflag:s11] =	ssyncset.done $0x0  }
0x2ca: {  	[sflag:s11] =	ssyncadd.s32 $0xFFFFC000  }
0x2cb: {  	[tilespmem:s19], [sflag:$0x5] =	stream.indirect.gather [spmem:s1], $0x80, s6, s6, $0xb8;
	[tilespmem:$0xC580] =	vst v63  }
0x2cc: {  	_ =	swait.ge [sflag:s21], $0x4000  }
0x2cd: {  	[sflag:s21] =	ssyncset.done $0x0  }
0x2ce: {  	[sflag:s21] =	ssyncadd.s32 $0xFFFFC000  }
0x2cf: {  	[hbm4b:s13+s2] =	stream.linear.scatter [tilespmem:s19], [sflag:$0x8], $0x4000, $0x38;
	[tilespmem:$0xC580] =	vst v63  }
0x2d0: {  	_ =	swait.ge [sflag:s18], $0x80  }
0x2d1: {  	[sflag:s18] =	ssyncset.done $0x0  }
0x2d2: {  	[sflag:s18] =	ssyncadd.s32 $0xFFFFFF80  }
0x2d3: {  	_ =	swait.ge [sflag:s10], $0x4000  }
0x2d4: {  	[sflag:s10] =	ssyncset.done $0x0  }
0x2d5: {  	[sflag:s10] =	ssyncadd.s32 $0xFFFFC000  }
0x2d6: {  	[tilespmem:s14], [sflag:$0x6] =	stream.indirect.gather [spmem:s1], $0x80, s12, s6, $0xb8;
	[tilespmem:$0xC580] =	vst v63  }
0x2d7: {  	_ =	swait.ge [sflag:s15], $0x4000  }
0x2d8: {  	[sflag:s15] =	ssyncset.done $0x0  }
0x2d9: {  	[sflag:s15] =	ssyncadd.s32 $0xFFFFC000  }
0x2da: {  	[hbm4b:s8+s2] =	stream.linear.scatter [tilespmem:s14], [sflag:$0x9], $0x4000, $0x38;
	[tilespmem:$0xC580] =	vst v63  }
0x2db: {  	_ =	swait.ge [sflag:s9], $0x80  }
0x2dc: {  	[sflag:s9] =	ssyncset.done $0x0  }
0x2dd: {  	[sflag:s9] =	ssyncadd.s32 $0xFFFFFF80  }
0x2de: {  	_ =	swait.ge [sflag:s4], $0x4000  }
0x2df: {  	[sflag:s4] =	ssyncset.done $0x0  }
0x2e0: {  	[sflag:s4] =	ssyncadd.s32 $0xFFFFC000  }
0x2e1: {  	[tilespmem:s5], [sflag:$0x4] =	stream.indirect.gather [spmem:s1], $0x80, s2, s6, $0xb8;
	[tilespmem:$0xC580] =	vst v63  }
0x2e2: {  	_ =	swait.ge [sflag:s7], $0x4000  }
0x2e3: {  	[sflag:s7] =	ssyncset.done $0x0  }
0x2e4: {  	[sflag:s7] =	ssyncadd.s32 $0xFFFFC000  }
0x2e5: {  	[hbm4b:s3+s2] =	stream.linear.scatter [tilespmem:s5], [sflag:$0x7], $0x4000, $0x38;
	[tilespmem:$0xC580] =	vst v63  }
0x2e6: {  	_ =	swait.ge [sflag:s11], $0x4000  }
0x2e7: {  	s31 =	sadd.s32 $0xFFFFFFFF, s31;
	[sflag:s11] =	ssyncset.done $0x0  }
0x2e8: {  	p2 =	sne.s32 s31, $0x0;
	[sflag:s11] =	ssyncadd.s32 $0xFFFFC000  }
.Ltmp2:
0x2e9: {  	_ =	swait.ge [sflag:s10], $0x4000;
	(pc) =	sbr.rel @p2 .LBB2_3-.Ltmp2, $4  }
0x2ea: {  	[sflag:s10] =	ssyncset.done $0x0  }
0x2eb: {  	[sflag:s10] =	ssyncadd.s32 $0xFFFFC000  }
0x2ec: {  	_ =	swait.ge [sflag:s4], $0x4000  }
0x2ed: {  	s0 =	rddreg [dreg:$0x5];
	[sflag:s4] =	ssyncset.done $0x0  }
0x2ee: {  	s30 =	rddreg [dreg:$0x4]  }
.LBB2_5:
0x2ef: {  	[sflag:s4] =	ssyncadd.s32 @p1 $0xFFFFC000;
	s29 =	simm.s32 @!p0 $0x1C0A  }
0x2f0: {  	[spmem:s28], [sflag:s29] =	dma.local @!p0 [hbm:s0], $0x800  }
0x2f1: {  	s0 =	simm.s32 @!p0 $0xA  }
0x2f2: {  	_ =	swait.ge @!p0 [sflag:s0], $0x800  }
0x2f3: {  	[sflag:s0] =	ssyncset.done @!p0 $0x0  }
0x2f4: {  	[sflag:s0] =	ssyncadd.s32 @!p0 $0xFFFFF800  }
0x2f5: {  	[bflag:$0x0] =	sbarrier.arrive $0xFFFF  }
0x2f6: {  	s29 =	rddreg [dreg:$0x6]  }
0x2f7: {  	[tilespmem:s2], [sflag:$0x1] =	stream.linear.gather [hbm4b:s29+s2], $0x80, $0x38;
	[tilespmem:$0xC580] =	vst v63  }
0x2f8: {  	s31 =	rddreg [dreg:$0x7]  }
0x2f9: {  	[tilespmem:s6], [sflag:$0x2] =	stream.linear.gather [hbm4b:s31+s2], $0x80, $0x38;
	[tilespmem:$0xC580] =	vst v63  }
0x2fa: {  	s29 =	rddreg [dreg:$0x8]  }
0x2fb: {  	[tilespmem:s12], [sflag:$0x3] =	stream.linear.gather [hbm4b:s29+s2], $0x80, $0x38;
	[tilespmem:$0xC580] =	vst v63  }
0x2fc: {  	_ =	swait.ge [sflag:s9], $0x80  }
0x2fd: {  	[sflag:s9] =	ssyncset.done $0x0  }
0x2fe: {  	[sflag:s9] =	ssyncadd.s32 $0xFFFFFF80  }
0x2ff: {  	[tilespmem:s5], [sflag:$0x4] =	stream.indirect.gather [spmem:s1], $0x80, s2, s6, $0xb8;
	[tilespmem:$0xC580] =	vst v63  }
0x300: {  	_ =	swait.ge [sflag:s7], $0x4000  }
0x301: {  	[sflag:s7] =	ssyncset.done $0x0  }
0x302: {  	s31 =	rddreg [dreg:$0x9];
	[sflag:s7] =	ssyncadd.s32 $0xFFFFC000  }
0x303: {  	[tilespmem:s2], [sflag:$0x1] =	stream.linear.gather [hbm4b:s31+s2], $0x80, $0x38;
	[tilespmem:$0xC580] =	vst v63  }
0x304: {  	s29 =	rddreg [dreg:$0xa]  }
0x305: {  	[hbm4b:s29+s2] =	stream.linear.scatter [tilespmem:s5], [sflag:$0x7], $0x4000, $0x38;
	[tilespmem:$0xC580] =	vst v63  }
0x306: {  	_ =	swait.ge [sflag:s23], $0x80  }
0x307: {  	[sflag:s23] =	ssyncset.done $0x0  }
0x308: {  	[sflag:s23] =	ssyncadd.s32 $0xFFFFFF80  }
0x309: {  	[tilespmem:s19], [sflag:$0x5] =	stream.indirect.gather [spmem:s1], $0x80, s6, s6, $0xb8;
	[tilespmem:$0xC580] =	vst v63  }
0x30a: {  	_ =	swait.ge [sflag:s21], $0x4000  }
0x30b: {  	[sflag:s21] =	ssyncset.done $0x0  }
0x30c: {  	s31 =	rddreg [dreg:$0xb];
	[sflag:s21] =	ssyncadd.s32 $0xFFFFC000  }
0x30d: {  	[tilespmem:s6], [sflag:$0x2] =	stream.linear.gather [hbm4b:s31+s2], $0x80, $0x38;
	[tilespmem:$0xC580] =	vst v63  }
0x30e: {  	s29 =	rddreg [dreg:$0xc]  }
0x30f: {  	[hbm4b:s29+s2] =	stream.linear.scatter [tilespmem:s19], [sflag:$0x8], $0x4000, $0x38;
	[tilespmem:$0xC580] =	vst v63  }
0x310: {  	_ =	swait.ge [sflag:s18], $0x80  }
0x311: {  	[sflag:s18] =	ssyncset.done $0x0  }
0x312: {  	[sflag:s18] =	ssyncadd.s32 $0xFFFFFF80  }
0x313: {  	[tilespmem:s14], [sflag:$0x6] =	stream.indirect.gather [spmem:s1], $0x80, s12, s6, $0xb8;
	[tilespmem:$0xC580] =	vst v63  }
0x314: {  	_ =	swait.ge [sflag:s15], $0x4000  }
0x315: {  	[sflag:s15] =	ssyncset.done $0x0  }
0x316: {  	s31 =	rddreg [dreg:$0xd];
	[sflag:s15] =	ssyncadd.s32 $0xFFFFC000  }
0x317: {  	[tilespmem:s12], [sflag:$0x3] =	stream.linear.gather [hbm4b:s31+s2], $0x80, $0x38;
	[tilespmem:$0xC580] =	vst v63  }
0x318: {  	s29 =	rddreg [dreg:$0xe]  }
0x319: {  	[hbm4b:s29+s2] =	stream.linear.scatter [tilespmem:s14], [sflag:$0x9], $0x4000, $0x38;
	[tilespmem:$0xC580] =	vst v63  }
0x31a: {  	_ =	swait.ge [sflag:s9], $0x80  }
0x31b: {  	[sflag:s9] =	ssyncset.done $0x0  }
0x31c: {  	[sflag:s9] =	ssyncadd.s32 $0xFFFFFF80  }
0x31d: {  	_ =	swait.ge [sflag:s4], $0x4000  }
0x31e: {  	[sflag:s4] =	ssyncset.done $0x0  }
0x31f: {  	[sflag:s4] =	ssyncadd.s32 $0xFFFFC000  }
0x320: {  	[tilespmem:s5], [sflag:$0x4] =	stream.indirect.gather [spmem:s1], $0x80, s2, s6, $0xb8;
	[tilespmem:$0xC580] =	vst v63  }
0x321: {  	_ =	swait.ge [sflag:s7], $0x4000  }
0x322: {  	[sflag:s7] =	ssyncset.done $0x0  }
0x323: {  	s31 =	rddreg [dreg:$0xf];
	[sflag:s7] =	ssyncadd.s32 $0xFFFFC000  }
0x324: {  	[tilespmem:s2], [sflag:$0x1] =	stream.linear.gather [hbm4b:s31+s2], $0x80, $0x38;
	[tilespmem:$0xC580] =	vst v63  }
0x325: {  	s29 =	rddreg [dreg:$0x10]  }
0x326: {  	[hbm4b:s29+s2] =	stream.linear.scatter [tilespmem:s5], [sflag:$0x7], $0x4000, $0x38;
	[tilespmem:$0xC580] =	vst v63  }
0x327: {  	_ =	swait.ge [sflag:s23], $0x80  }
0x328: {  	[sflag:s23] =	ssyncset.done $0x0  }
0x329: {  	[sflag:s23] =	ssyncadd.s32 $0xFFFFFF80  }
0x32a: {  	_ =	swait.ge [sflag:s11], $0x4000  }
0x32b: {  	[sflag:s11] =	ssyncset.done $0x0  }
0x32c: {  	[sflag:s11] =	ssyncadd.s32 $0xFFFFC000  }
0x32d: {  	[tilespmem:s19], [sflag:$0x5] =	stream.indirect.gather [spmem:s1], $0x80, s6, s6, $0xb8;
	[tilespmem:$0xC580] =	vst v63  }
0x32e: {  	_ =	swait.ge [sflag:s21], $0x4000  }
0x32f: {  	[sflag:s21] =	ssyncset.done $0x0  }
0x330: {  	s31 =	rddreg [dreg:$0x11];
	[sflag:s21] =	ssyncadd.s32 $0xFFFFC000  }
0x331: {  	[tilespmem:s6], [sflag:$0x2] =	stream.linear.gather [hbm4b:s31+s2], $0x80, $0x38;
	[tilespmem:$0xC580] =	vst v63  }
0x332: {  	s29 =	rddreg [dreg:$0x12]  }
0x333: {  	[hbm4b:s29+s2] =	stream.linear.scatter [tilespmem:s19], [sflag:$0x8], $0x4000, $0x38;
	[tilespmem:$0xC580] =	vst v63  }
0x334: {  	_ =	swait.ge [sflag:s18], $0x80  }
0x335: {  	[sflag:s18] =	ssyncset.done $0x0  }
0x336: {  	[sflag:s18] =	ssyncadd.s32 $0xFFFFFF80  }
0x337: {  	_ =	swait.ge [sflag:s10], $0x4000  }
0x338: {  	[sflag:s10] =	ssyncset.done $0x0  }
0x339: {  	[sflag:s10] =	ssyncadd.s32 $0xFFFFC000  }
0x33a: {  	[tilespmem:s14], [sflag:$0x6] =	stream.indirect.gather [spmem:s1], $0x80, s12, s6, $0xb8;
	[tilespmem:$0xC580] =	vst v63  }
0x33b: {  	_ =	swait.ge [sflag:s15], $0x4000  }
0x33c: {  	[sflag:s15] =	ssyncset.done $0x0  }
0x33d: {  	s31 =	rddreg [dreg:$0x13];
	[sflag:s15] =	ssyncadd.s32 $0xFFFFC000  }
0x33e: {  	[tilespmem:s12], [sflag:$0x3] =	stream.linear.gather [hbm4b:s31+s2], $0x80, $0x38;
	[tilespmem:$0xC580] =	vst v63  }
0x33f: {  	s29 =	rddreg [dreg:$0x14]  }
0x340: {  	[hbm4b:s29+s2] =	stream.linear.scatter [tilespmem:s14], [sflag:$0x9], $0x4000, $0x38;
	[tilespmem:$0xC580] =	vst v63  }
0x341: {  	_ =	swait.ge [sflag:s9], $0x80  }
0x342: {  	[sflag:s9] =	ssyncset.done $0x0  }
0x343: {  	[sflag:s9] =	ssyncadd.s32 $0xFFFFFF80  }
0x344: {  	_ =	swait.ge [sflag:s4], $0x4000  }
0x345: {  	[sflag:s4] =	ssyncset.done $0x0  }
0x346: {  	[sflag:s4] =	ssyncadd.s32 $0xFFFFC000  }
0x347: {  	[tilespmem:s5], [sflag:$0x4] =	stream.indirect.gather [spmem:s1], $0x80, s2, s6, $0xb8;
	[tilespmem:$0xC580] =	vst v63  }
0x348: {  	_ =	swait.ge [sflag:s7], $0x4000  }
0x349: {  	[sflag:s7] =	ssyncset.done $0x0  }
0x34a: {  	s31 =	rddreg [dreg:$0x15];
	[sflag:s7] =	ssyncadd.s32 $0xFFFFC000  }
0x34b: {  	[tilespmem:s2], [sflag:$0x1] =	stream.linear.gather [hbm4b:s31+s2], $0x80, $0x38;
	[tilespmem:$0xC580] =	vst v63  }
0x34c: {  	s29 =	rddreg [dreg:$0x16]  }
0x34d: {  	[hbm4b:s29+s2] =	stream.linear.scatter [tilespmem:s5], [sflag:$0x7], $0x4000, $0x38;
	[tilespmem:$0xC580] =	vst v63  }
0x34e: {  	_ =	swait.ge [sflag:s23], $0x80  }
0x34f: {  	[sflag:s23] =	ssyncset.done $0x0  }
0x350: {  	[sflag:s23] =	ssyncadd.s32 $0xFFFFFF80  }
0x351: {  	_ =	swait.ge [sflag:s11], $0x4000  }
0x352: {  	[sflag:s11] =	ssyncset.done $0x0  }
0x353: {  	[sflag:s11] =	ssyncadd.s32 $0xFFFFC000  }
0x354: {  	[tilespmem:s19], [sflag:$0x5] =	stream.indirect.gather [spmem:s1], $0x80, s6, s6, $0xb8;
	[tilespmem:$0xC580] =	vst v63  }
0x355: {  	_ =	swait.ge [sflag:s21], $0x4000  }
0x356: {  	[sflag:s21] =	ssyncset.done $0x0  }
0x357: {  	s31 =	rddreg [dreg:$0x17];
	[sflag:s21] =	ssyncadd.s32 $0xFFFFC000  }
0x358: {  	[tilespmem:s6], [sflag:$0x2] =	stream.linear.gather [hbm4b:s31+s2], $0x80, $0x38;
	[tilespmem:$0xC580] =	vst v63  }
0x359: {  	s29 =	rddreg [dreg:$0x18]  }
0x35a: {  	[hbm4b:s29+s2] =	stream.linear.scatter [tilespmem:s19], [sflag:$0x8], $0x4000, $0x38;
	[tilespmem:$0xC580] =	vst v63  }
0x35b: {  	_ =	swait.ge [sflag:s18], $0x80  }
0x35c: {  	[sflag:s18] =	ssyncset.done $0x0  }
0x35d: {  	[sflag:s18] =	ssyncadd.s32 $0xFFFFFF80  }
0x35e: {  	_ =	swait.ge [sflag:s10], $0x4000  }
0x35f: {  	[sflag:s10] =	ssyncset.done $0x0  }
0x360: {  	[sflag:s10] =	ssyncadd.s32 $0xFFFFC000  }
0x361: {  	[tilespmem:s14], [sflag:$0x6] =	stream.indirect.gather [spmem:s1], $0x80, s12, s6, $0xb8;
	[tilespmem:$0xC580] =	vst v63  }
0x362: {  	_ =	swait.ge [sflag:s15], $0x4000  }
0x363: {  	[sflag:s15] =	ssyncset.done $0x0  }
0x364: {  	s31 =	rddreg [dreg:$0x19];
	[sflag:s15] =	ssyncadd.s32 $0xFFFFC000  }
0x365: {  	[tilespmem:s12], [sflag:$0x3] =	stream.linear.gather [hbm4b:s31+s2], $0x80, $0x38;
	[tilespmem:$0xC580] =	vst v63  }
0x366: {  	s29 =	rddreg [dreg:$0x1a]  }
0x367: {  	[hbm4b:s29+s2] =	stream.linear.scatter [tilespmem:s14], [sflag:$0x9], $0x4000, $0x38;
	[tilespmem:$0xC580] =	vst v63  }
0x368: {  	_ =	swait.ge [sflag:s9], $0x80  }
0x369: {  	[sflag:s9] =	ssyncset.done $0x0  }
0x36a: {  	[sflag:s9] =	ssyncadd.s32 $0xFFFFFF80  }
0x36b: {  	_ =	swait.ge [sflag:s4], $0x4000  }
0x36c: {  	[sflag:s4] =	ssyncset.done $0x0  }
0x36d: {  	[sflag:s4] =	ssyncadd.s32 $0xFFFFC000  }
0x36e: {  	[tilespmem:s5], [sflag:$0x4] =	stream.indirect.gather [spmem:s1], $0x80, s2, s6, $0xb8;
	[tilespmem:$0xC580] =	vst v63  }
0x36f: {  	_ =	swait.ge [sflag:s7], $0x4000  }
0x370: {  	[sflag:s7] =	ssyncset.done $0x0  }
0x371: {  	s31 =	rddreg [dreg:$0x1b];
	[sflag:s7] =	ssyncadd.s32 $0xFFFFC000  }
0x372: {  	[tilespmem:s2], [sflag:$0x1] =	stream.linear.gather [hbm4b:s31+s2], $0x80, $0x38;
	[tilespmem:$0xC580] =	vst v63  }
0x373: {  	s29 =	rddreg [dreg:$0x1c]  }
0x374: {  	[hbm4b:s29+s2] =	stream.linear.scatter [tilespmem:s5], [sflag:$0x7], $0x4000, $0x38;
	[tilespmem:$0xC580] =	vst v63  }
0x375: {  	_ =	swait.ge [sflag:s23], $0x80  }
0x376: {  	[sflag:s23] =	ssyncset.done $0x0  }
0x377: {  	[sflag:s23] =	ssyncadd.s32 $0xFFFFFF80  }
0x378: {  	_ =	swait.ge [sflag:s11], $0x4000  }
0x379: {  	[sflag:s11] =	ssyncset.done $0x0  }
0x37a: {  	[sflag:s11] =	ssyncadd.s32 $0xFFFFC000  }
0x37b: {  	[tilespmem:s19], [sflag:$0x5] =	stream.indirect.gather [spmem:s1], $0x80, s6, s6, $0xb8;
	[tilespmem:$0xC580] =	vst v63  }
0x37c: {  	_ =	swait.ge [sflag:s21], $0x4000  }
0x37d: {  	[sflag:s21] =	ssyncset.done $0x0  }
0x37e: {  	s31 =	rddreg [dreg:$0x1d];
	[sflag:s21] =	ssyncadd.s32 $0xFFFFC000  }
0x37f: {  	[tilespmem:s6], [sflag:$0x2] =	stream.linear.gather [hbm4b:s31+s2], $0x80, $0x38;
	[tilespmem:$0xC580] =	vst v63  }
0x380: {  	s29 =	rddreg [dreg:$0x1e]  }
0x381: {  	[hbm4b:s29+s2] =	stream.linear.scatter [tilespmem:s19], [sflag:$0x8], $0x4000, $0x38;
	[tilespmem:$0xC580] =	vst v63  }
0x382: {  	_ =	swait.ge [sflag:s18], $0x80  }
0x383: {  	[sflag:s18] =	ssyncset.done $0x0  }
0x384: {  	[sflag:s18] =	ssyncadd.s32 $0xFFFFFF80  }
0x385: {  	_ =	swait.ge [sflag:s10], $0x4000  }
0x386: {  	[sflag:s10] =	ssyncset.done $0x0  }
0x387: {  	[sflag:s10] =	ssyncadd.s32 $0xFFFFC000  }
0x388: {  	[tilespmem:s14], [sflag:$0x6] =	stream.indirect.gather [spmem:s1], $0x80, s12, s6, $0xb8;
	[tilespmem:$0xC580] =	vst v63  }
0x389: {  	_ =	swait.ge [sflag:s15], $0x4000  }
0x38a: {  	s31 =	rddreg [dreg:$0x1f];
	[sflag:s15] =	ssyncset.done $0x0  }
0x38b: {  	s29 =	sld [smem:$0x7F0];
	[sflag:s15] =	ssyncadd.s32 $0xFFFFC000  }
0x38c: {  	[tilespmem:s12], [sflag:$0x3] =	stream.linear.gather [hbm4b:s31+s2], $0x80, $0x38;
	[tilespmem:$0xC580] =	vst v63  }
0x38d: {  	_ = 	snop  }
0x38e: {  	[hbm4b:s29+s2] =	stream.linear.scatter [tilespmem:s14], [sflag:$0x9], $0x4000, $0x38;
	[tilespmem:$0xC580] =	vst v63  }
0x38f: {  	_ =	swait.ge [sflag:s9], $0x80  }
0x390: {  	[sflag:s9] =	ssyncset.done $0x0  }
0x391: {  	[sflag:s9] =	ssyncadd.s32 $0xFFFFFF80  }
0x392: {  	_ =	swait.ge [sflag:s4], $0x4000  }
0x393: {  	[sflag:s4] =	ssyncset.done $0x0  }
0x394: {  	[sflag:s4] =	ssyncadd.s32 $0xFFFFC000  }
0x395: {  	[tilespmem:s5], [sflag:$0x4] =	stream.indirect.gather [spmem:s1], $0x80, s2, s6, $0xb8;
	[tilespmem:$0xC580] =	vst v63  }
0x396: {  	_ =	swait.ge [sflag:s7], $0x4000  }
0x397: {  	s31 =	sld [smem:$0x7F1]  }
0x398: {  	[sflag:s7] =	ssyncset.done $0x0  }
0x399: {  	s29 =	sld [smem:$0x7F2];
	[sflag:s7] =	ssyncadd.s32 $0xFFFFC000  }
0x39a: {  	[tilespmem:s2], [sflag:$0x1] =	stream.linear.gather [hbm4b:s31+s2], $0x80, $0x38;
	[tilespmem:$0xC580] =	vst v63  }
0x39b: {  	_ = 	snop  }
0x39c: {  	[hbm4b:s29+s2] =	stream.linear.scatter [tilespmem:s5], [sflag:$0x7], $0x4000, $0x38;
	[tilespmem:$0xC580] =	vst v63  }
0x39d: {  	_ =	swait.ge [sflag:s23], $0x80  }
0x39e: {  	[sflag:s23] =	ssyncset.done $0x0  }
0x39f: {  	[sflag:s23] =	ssyncadd.s32 $0xFFFFFF80  }
0x3a0: {  	_ =	swait.ge [sflag:s11], $0x4000  }
0x3a1: {  	[sflag:s11] =	ssyncset.done $0x0  }
0x3a2: {  	[sflag:s11] =	ssyncadd.s32 $0xFFFFC000  }
0x3a3: {  	[tilespmem:s19], [sflag:$0x5] =	stream.indirect.gather [spmem:s1], $0x80, s6, s6, $0xb8;
	[tilespmem:$0xC580] =	vst v63  }
0x3a4: {  	_ =	swait.ge [sflag:s21], $0x4000  }
0x3a5: {  	s31 =	sld [smem:$0x7F3]  }
0x3a6: {  	[sflag:s21] =	ssyncset.done $0x0  }
0x3a7: {  	s29 =	sld [smem:$0x7F4];
	[sflag:s21] =	ssyncadd.s32 $0xFFFFC000  }
0x3a8: {  	[tilespmem:s6], [sflag:$0x2] =	stream.linear.gather [hbm4b:s31+s2], $0x80, $0x38;
	[tilespmem:$0xC580] =	vst v63  }
0x3a9: {  	_ = 	snop  }
0x3aa: {  	[hbm4b:s29+s2] =	stream.linear.scatter [tilespmem:s19], [sflag:$0x8], $0x4000, $0x38;
	[tilespmem:$0xC580] =	vst v63  }
0x3ab: {  	_ =	swait.ge [sflag:s18], $0x80  }
0x3ac: {  	[sflag:s18] =	ssyncset.done $0x0  }
0x3ad: {  	[sflag:s18] =	ssyncadd.s32 $0xFFFFFF80  }
0x3ae: {  	_ =	swait.ge [sflag:s10], $0x4000  }
0x3af: {  	[sflag:s10] =	ssyncset.done $0x0  }
0x3b0: {  	[sflag:s10] =	ssyncadd.s32 $0xFFFFC000  }
0x3b1: {  	[tilespmem:s14], [sflag:$0x6] =	stream.indirect.gather [spmem:s1], $0x80, s12, s6, $0xb8;
	[tilespmem:$0xC580] =	vst v63  }
0x3b2: {  	_ =	swait.ge [sflag:s15], $0x4000  }
0x3b3: {  	s31 =	sld [smem:$0x7F5]  }
0x3b4: {  	[sflag:s15] =	ssyncset.done $0x0  }
0x3b5: {  	s29 =	sld [smem:$0x7F6];
	[sflag:s15] =	ssyncadd.s32 $0xFFFFC000  }
0x3b6: {  	[tilespmem:s12], [sflag:$0x3] =	stream.linear.gather [hbm4b:s31+s2], $0x80, $0x38;
	[tilespmem:$0xC580] =	vst v63  }
0x3b7: {  	_ = 	snop  }
0x3b8: {  	[hbm4b:s29+s2] =	stream.linear.scatter [tilespmem:s14], [sflag:$0x9], $0x4000, $0x38;
	[tilespmem:$0xC580] =	vst v63  }
0x3b9: {  	_ =	swait.ge [sflag:s9], $0x80  }
0x3ba: {  	[sflag:s9] =	ssyncset.done $0x0  }
0x3bb: {  	[sflag:s9] =	ssyncadd.s32 $0xFFFFFF80  }
0x3bc: {  	_ =	swait.ge [sflag:s4], $0x4000  }
0x3bd: {  	[sflag:s4] =	ssyncset.done $0x0  }
0x3be: {  	[sflag:s4] =	ssyncadd.s32 $0xFFFFC000  }
0x3bf: {  	[tilespmem:s5], [sflag:$0x4] =	stream.indirect.gather [spmem:s1], $0x80, s2, s6, $0xb8;
	[tilespmem:$0xC580] =	vst v63  }
0x3c0: {  	_ =	swait.ge [sflag:s7], $0x4000  }
0x3c1: {  	s31 =	sld [smem:$0x7F7]  }
0x3c2: {  	[sflag:s7] =	ssyncset.done $0x0  }
0x3c3: {  	s29 =	sld [smem:$0x7F8];
	[sflag:s7] =	ssyncadd.s32 $0xFFFFC000  }
0x3c4: {  	[tilespmem:s2], [sflag:$0x1] =	stream.linear.gather [hbm4b:s31+s2], $0x80, $0x38;
	[tilespmem:$0xC580] =	vst v63  }
0x3c5: {  	_ = 	snop  }
0x3c6: {  	[hbm4b:s29+s2] =	stream.linear.scatter [tilespmem:s5], [sflag:$0x7], $0x4000, $0x38;
	[tilespmem:$0xC580] =	vst v63  }
0x3c7: {  	_ =	swait.ge [sflag:s23], $0x80  }
0x3c8: {  	[sflag:s23] =	ssyncset.done $0x0  }
0x3c9: {  	[sflag:s23] =	ssyncadd.s32 $0xFFFFFF80  }
0x3ca: {  	_ =	swait.ge [sflag:s11], $0x4000  }
0x3cb: {  	[sflag:s11] =	ssyncset.done $0x0  }
0x3cc: {  	[sflag:s11] =	ssyncadd.s32 $0xFFFFC000  }
0x3cd: {  	[tilespmem:s19], [sflag:$0x5] =	stream.indirect.gather [spmem:s1], $0x80, s6, s6, $0xb8;
	[tilespmem:$0xC580] =	vst v63  }
0x3ce: {  	_ =	swait.ge [sflag:s21], $0x4000  }
0x3cf: {  	s31 =	sld [smem:$0x7F9]  }
0x3d0: {  	[sflag:s21] =	ssyncset.done $0x0  }
0x3d1: {  	s29 =	sld [smem:$0x7FA];
	[sflag:s21] =	ssyncadd.s32 $0xFFFFC000  }
0x3d2: {  	[tilespmem:s6], [sflag:$0x2] =	stream.linear.gather [hbm4b:s31+s2], $0x80, $0x38;
	[tilespmem:$0xC580] =	vst v63  }
0x3d3: {  	_ = 	snop  }
0x3d4: {  	[hbm4b:s29+s2] =	stream.linear.scatter [tilespmem:s19], [sflag:$0x8], $0x4000, $0x38;
	[tilespmem:$0xC580] =	vst v63  }
0x3d5: {  	_ =	swait.ge [sflag:s18], $0x80  }
0x3d6: {  	[sflag:s18] =	ssyncset.done $0x0  }
0x3d7: {  	[sflag:s18] =	ssyncadd.s32 $0xFFFFFF80  }
0x3d8: {  	_ =	swait.ge [sflag:s10], $0x4000  }
0x3d9: {  	[sflag:s10] =	ssyncset.done $0x0  }
0x3da: {  	[sflag:s10] =	ssyncadd.s32 $0xFFFFC000  }
0x3db: {  	[tilespmem:s14], [sflag:$0x6] =	stream.indirect.gather [spmem:s1], $0x80, s12, s6, $0xb8;
	[tilespmem:$0xC580] =	vst v63  }
0x3dc: {  	_ =	swait.ge [sflag:s15], $0x4000  }
0x3dd: {  	s31 =	sld [smem:$0x7FB]  }
0x3de: {  	[sflag:s15] =	ssyncset.done $0x0  }
0x3df: {  	s29 =	sld [smem:$0x7FC];
	[sflag:s15] =	ssyncadd.s32 $0xFFFFC000  }
0x3e0: {  	[tilespmem:s12], [sflag:$0x3] =	stream.linear.gather [hbm4b:s31+s2], $0x80, $0x38;
	[tilespmem:$0xC580] =	vst v63  }
0x3e1: {  	_ = 	snop  }
0x3e2: {  	[hbm4b:s29+s2] =	stream.linear.scatter [tilespmem:s14], [sflag:$0x9], $0x4000, $0x38;
	[tilespmem:$0xC580] =	vst v63  }
0x3e3: {  	_ =	swait.ge [sflag:s9], $0x80  }
0x3e4: {  	[sflag:s9] =	ssyncset.done $0x0  }
0x3e5: {  	[sflag:s9] =	ssyncadd.s32 $0xFFFFFF80  }
0x3e6: {  	_ =	swait.ge [sflag:s4], $0x4000  }
0x3e7: {  	[sflag:s4] =	ssyncset.done $0x0  }
0x3e8: {  	[sflag:s4] =	ssyncadd.s32 $0xFFFFC000  }
0x3e9: {  	[tilespmem:s5], [sflag:$0x4] =	stream.indirect.gather [spmem:s1], $0x80, s2, s6, $0xb8;
	[tilespmem:$0xC580] =	vst v63  }
0x3ea: {  	_ =	swait.ge [sflag:s7], $0x4000  }
0x3eb: {  	s31 =	sld [smem:$0x7FD]  }
0x3ec: {  	[sflag:s7] =	ssyncset.done $0x0  }
0x3ed: {  	[sflag:s7] =	ssyncadd.s32 $0xFFFFC000  }
0x3ee: {  	[tilespmem:s2], [sflag:$0x1] =	stream.linear.gather [hbm4b:s31+s2], $0x80, $0x38;
	[tilespmem:$0xC580] =	vst v63  }
0x3ef: {  	_ = 	snop  }
0x3f0: {  	[hbm4b:s26+s2] =	stream.linear.scatter [tilespmem:s5], [sflag:$0x7], $0x4000, $0x38;
	[tilespmem:$0xC580] =	vst v63  }
0x3f1: {  	_ =	swait.ge [sflag:s23], $0x80  }
0x3f2: {  	[sflag:s23] =	ssyncset.done $0x0  }
0x3f3: {  	[sflag:s23] =	ssyncadd.s32 $0xFFFFFF80  }
0x3f4: {  	_ =	swait.ge [sflag:s11], $0x4000  }
0x3f5: {  	[sflag:s11] =	ssyncset.done $0x0  }
0x3f6: {  	[sflag:s11] =	ssyncadd.s32 $0xFFFFC000  }
0x3f7: {  	[tilespmem:s19], [sflag:$0x5] =	stream.indirect.gather [spmem:s1], $0x80, s6, s6, $0xb8;
	[tilespmem:$0xC580] =	vst v63  }
0x3f8: {  	_ =	swait.ge [sflag:s21], $0x4000  }
0x3f9: {  	[sflag:s21] =	ssyncset.done $0x0  }
0x3fa: {  	[sflag:s21] =	ssyncadd.s32 $0xFFFFC000  }
0x3fb: {  	[tilespmem:s6], [sflag:$0x2] =	stream.linear.gather [hbm4b:s24+s2], $0x80, $0x38;
	[tilespmem:$0xC580] =	vst v63  }
0x3fc: {  	_ = 	snop  }
0x3fd: {  	[hbm4b:s25+s2] =	stream.linear.scatter [tilespmem:s19], [sflag:$0x8], $0x4000, $0x38;
	[tilespmem:$0xC580] =	vst v63  }
0x3fe: {  	_ =	swait.ge [sflag:s18], $0x80  }
0x3ff: {  	[sflag:s18] =	ssyncset.done $0x0  }
0x400: {  	[sflag:s18] =	ssyncadd.s32 $0xFFFFFF80  }
0x401: {  	_ =	swait.ge [sflag:s10], $0x4000  }
0x402: {  	[sflag:s10] =	ssyncset.done $0x0  }
0x403: {  	[sflag:s10] =	ssyncadd.s32 $0xFFFFC000  }
0x404: {  	[tilespmem:s14], [sflag:$0x6] =	stream.indirect.gather [spmem:s1], $0x80, s12, s6, $0xb8;
	[tilespmem:$0xC580] =	vst v63  }
0x405: {  	_ =	swait.ge [sflag:s15], $0x4000  }
0x406: {  	[sflag:s15] =	ssyncset.done $0x0  }
0x407: {  	[sflag:s15] =	ssyncadd.s32 $0xFFFFC000  }
0x408: {  	[tilespmem:s12], [sflag:$0x3] =	stream.linear.gather [hbm4b:s20+s2], $0x80, $0x38;
	[tilespmem:$0xC580] =	vst v63  }
0x409: {  	_ = 	snop  }
0x40a: {  	[hbm4b:s22+s2] =	stream.linear.scatter [tilespmem:s14], [sflag:$0x9], $0x4000, $0x38;
	[tilespmem:$0xC580] =	vst v63  }
0x40b: {  	_ =	swait.ge [sflag:s9], $0x80  }
0x40c: {  	[sflag:s9] =	ssyncset.done $0x0  }
0x40d: {  	[sflag:s9] =	ssyncadd.s32 $0xFFFFFF80  }
0x40e: {  	_ =	swait.ge [sflag:s4], $0x4000  }
0x40f: {  	[sflag:s4] =	ssyncset.done $0x0  }
0x410: {  	[sflag:s4] =	ssyncadd.s32 $0xFFFFC000  }
0x411: {  	[tilespmem:s5], [sflag:$0x4] =	stream.indirect.gather [spmem:s1], $0x80, s2, s6, $0xb8;
	[tilespmem:$0xC580] =	vst v63  }
0x412: {  	_ =	swait.ge [sflag:s7], $0x4000  }
0x413: {  	[sflag:s7] =	ssyncset.done $0x0  }
0x414: {  	[sflag:s7] =	ssyncadd.s32 $0xFFFFC000  }
0x415: {  	[tilespmem:s2], [sflag:$0x1] =	stream.linear.gather [hbm4b:s16+s2], $0x80, $0x38;
	[tilespmem:$0xC580] =	vst v63  }
0x416: {  	_ = 	snop  }
0x417: {  	[hbm4b:s17+s2] =	stream.linear.scatter [tilespmem:s5], [sflag:$0x7], $0x4000, $0x38;
	[tilespmem:$0xC580] =	vst v63  }
0x418: {  	_ =	swait.ge [sflag:s23], $0x80  }
0x419: {  	[sflag:s23] =	ssyncset.done $0x0  }
0x41a: {  	[sflag:s23] =	ssyncadd.s32 $0xFFFFFF80  }
0x41b: {  	_ =	swait.ge [sflag:s11], $0x4000  }
0x41c: {  	[sflag:s11] =	ssyncset.done $0x0  }
0x41d: {  	[sflag:s11] =	ssyncadd.s32 $0xFFFFC000  }
0x41e: {  	[tilespmem:s19], [sflag:$0x5] =	stream.indirect.gather [spmem:s1], $0x80, s6, s6, $0xb8;
	[tilespmem:$0xC580] =	vst v63  }
0x41f: {  	_ =	swait.ge [sflag:s21], $0x4000  }
0x420: {  	[sflag:s21] =	ssyncset.done $0x0  }
0x421: {  	[sflag:s21] =	ssyncadd.s32 $0xFFFFC000  }
0x422: {  	[hbm4b:s13+s2] =	stream.linear.scatter [tilespmem:s19], [sflag:$0x8], $0x4000, $0x38;
	[tilespmem:$0xC580] =	vst v63  }
0x423: {  	_ =	swait.ge [sflag:s18], $0x80  }
0x424: {  	[sflag:s18] =	ssyncset.done $0x0  }
0x425: {  	[sflag:s18] =	ssyncadd.s32 $0xFFFFFF80  }
0x426: {  	_ =	swait.ge [sflag:s10], $0x4000  }
0x427: {  	[sflag:s10] =	ssyncset.done $0x0  }
0x428: {  	[sflag:s10] =	ssyncadd.s32 $0xFFFFC000  }
0x429: {  	[tilespmem:s14], [sflag:$0x6] =	stream.indirect.gather [spmem:s1], $0x80, s12, s6, $0xb8;
	[tilespmem:$0xC580] =	vst v63  }
0x42a: {  	_ =	swait.ge [sflag:s15], $0x4000  }
0x42b: {  	[sflag:s15] =	ssyncset.done $0x0  }
0x42c: {  	[sflag:s15] =	ssyncadd.s32 $0xFFFFC000  }
0x42d: {  	[hbm4b:s8+s2] =	stream.linear.scatter [tilespmem:s14], [sflag:$0x9], $0x4000, $0x38;
	[tilespmem:$0xC580] =	vst v63  }
0x42e: {  	_ =	swait.ge [sflag:s9], $0x80  }
0x42f: {  	[sflag:s9] =	ssyncset.done $0x0  }
0x430: {  	[sflag:s9] =	ssyncadd.s32 $0xFFFFFF80  }
0x431: {  	_ =	swait.ge [sflag:s4], $0x4000  }
0x432: {  	[sflag:s4] =	ssyncset.done $0x0  }
0x433: {  	[sflag:s4] =	ssyncadd.s32 $0xFFFFC000  }
0x434: {  	[tilespmem:s5], [sflag:$0x4] =	stream.indirect.gather [spmem:s1], $0x80, s2, s6, $0xb8;
	[tilespmem:$0xC580] =	vst v63  }
0x435: {  	_ =	swait.ge [sflag:s7], $0x4000  }
0x436: {  	[sflag:s7] =	ssyncset.done $0x0  }
0x437: {  	[sflag:s7] =	ssyncadd.s32 $0xFFFFC000  }
0x438: {  	[hbm4b:s3+s2] =	stream.linear.scatter [tilespmem:s5], [sflag:$0x7], $0x4000, $0x38;
	[tilespmem:$0xC580] =	vst v63  }
0x439: {  	_ =	swait.ge [sflag:s11], $0x4000  }
0x43a: {  	[sflag:s11] =	ssyncset.done $0x0  }
0x43b: {  	[sflag:s11] =	ssyncadd.s32 $0xFFFFC000  }
0x43c: {  	_ =	swait.ge [sflag:s10], $0x4000  }
0x43d: {  	[sflag:s10] =	ssyncset.done $0x0  }
0x43e: {  	[sflag:s10] =	ssyncadd.s32 $0xFFFFC000  }
0x43f: {  	_ =	swait.ge [sflag:s4], $0x4000  }
0x440: {  	[sflag:s4] =	ssyncset.done $0x0  }
0x441: {  	[sflag:s4] =	ssyncadd.s32 $0xFFFFC000  }
0x442: {  	_ =	sfence.sel $0x180000  }
0x443: {  	[bflag:$0x0] =	sbarrier.arrive $0xFFFF  }
0x444: {  	_ =	strace $0x90000047  }
0x445: {  	s0 =	sadd.s32 @!p0 $0x100000, s30;
	[bflag:$0x2] =	sbarrier.arrive $0xFFFF  }
0x446: {  	[sflag:s0] =	ssyncadd.tile.s32 @!p0 $0x1;
	_ =	shalt  }
.LBB2_2:
.Ltmp3:
0x447: {  	(pc) =	sbr.rel .LBB2_5-.Ltmp3, $2  }
0x448: {  	_ =	sdelay $0x2  }
0x449: {  	s30 =	rddreg [dreg:$0x4]  }
.Lfunc_end2:
_tile_overlayer_lowered:
.L_overlay_start_2:
0x44a: {  	(tag) =	ssettag $0x2  }
0x44b: {  	s0 =	rddreg [dreg:$0x0];
	s2 =	stileid.u32  }
0x44c: {  	s1 =	rddreg [dreg:$0x1];
	p0 =	sne.s32 s2, $0x0  }
0x44d: {  	s3 =	rddreg [dreg:$0x2];
	[bflag:$0x3] =	sbarrier.arrive $0xFFFF;
	s2 =	simm.s32 @!p0 $0x1C0A  }
0x44e: {  	[timem:s3], [sflag:s2] =	dma.local @!p0 [hbm:s0], s1  }
0x44f: {  	s0 =	simm.s32 @!p0 $0xA  }
0x450: {  	_ =	swait.ge @!p0 [sflag:s0], s1  }
0x451: {  	s1 =	ssub.s32 @!p0 $0x0, s1;
	[sflag:s0] =	ssyncset.done @!p0 $0x0  }
0x452: {  	[sflag:s0] =	ssyncadd.s32 @!p0 s1  }
0x453: {  	[bflag:$0x3] =	sbarrier.arrive $0xFFFF  }
0x454: {  	_ =	shalt  }

</sc_bundles>
